<compile_context>
chip_gen: v7x
topology: tpu7x:2x2x1
jax: 0.10.2.dev20260603
libtpu: 0.0.44.dev20260713+nightly
codegen_flags: <defaults>
</compile_context>

<pallas_src>
import functools

import jax
import jax.numpy as jnp
from jax import lax
from jax.experimental import pallas as pl
from jax.experimental.pallas import tpu as pltpu
from jax.experimental.pallas import tpu_sc as plsc

_K = 32
_CHUNK = 1024
_NEG_INF = float("-inf")


def _topk_body(q_ref, k_ref, tv_ref, ti_ref, *, n_keys, chunk, k):
    c = pl.program_id(0)

    @pl.when(c == 0)
    def _init():
        tv_ref[...] = jnp.full(tv_ref.shape, _NEG_INF, tv_ref.dtype)
        ti_ref[...] = jnp.zeros(ti_ref.shape, ti_ref.dtype)

    q = q_ref[...]
    kc = k_ref[...]
    logits = lax.dot_general(
        q, kc, (((1,), (1,)), ((), ())),
        preferred_element_type=jnp.float32)
    col = c * chunk + lax.broadcasted_iota(jnp.int32, logits.shape, 1)
    logits = jnp.where(col < n_keys, logits, _NEG_INF)

    pos = lax.broadcasted_iota(jnp.int32, logits.shape, 1)
    jpos = lax.broadcasted_iota(jnp.int32, (logits.shape[0], k), 1)

    def cond(carry):
        vals, m, tv, ti = carry
        return jnp.any(m > tv[:, k - 1:k])

    def body(carry):
        vals, m, tv, ti = carry
        first = jnp.min(jnp.where(vals == m, pos, jnp.int32(2**30)),
                        axis=1, keepdims=True)
        sel = pos == first
        mi = jnp.max(jnp.where(sel, col, -1), axis=1, keepdims=True)
        ins = jnp.where(m > tv[:, k - 1:k],
                        jnp.sum((tv > m).astype(jnp.int32), axis=1,
                                keepdims=True),
                        jnp.int32(k))
        sh_tv = jnp.concatenate([tv[:, :1], tv[:, :k - 1]], axis=1)
        sh_ti = jnp.concatenate([ti[:, :1], ti[:, :k - 1]], axis=1)
        tv = jnp.where(jpos < ins, tv, jnp.where(jpos == ins, m, sh_tv))
        ti = jnp.where(jpos < ins, ti, jnp.where(jpos == ins, mi, sh_ti))
        vals = jnp.where(sel, _NEG_INF, vals)
        m = jnp.max(vals, axis=1, keepdims=True)
        return vals, m, tv, ti

    m0 = jnp.max(logits, axis=1, keepdims=True)
    carry = (logits, m0, tv_ref[...], ti_ref[...])
    _, _, tv, ti = lax.while_loop(cond, body, carry)
    tv_ref[...] = tv
    ti_ref[...] = ti


def _run_topk(q2, keys):
    t, d = q2.shape
    n_keys = keys.shape[0]
    grid = (n_keys + _CHUNK - 1) // _CHUNK
    tv, ti = pl.pallas_call(
        functools.partial(_topk_body, n_keys=n_keys, chunk=_CHUNK, k=_K),
        grid=(grid,),
        in_specs=[
            pl.BlockSpec((t, d), lambda c: (0, 0)),
            pl.BlockSpec((_CHUNK, d), lambda c: (c, 0)),
        ],
        out_specs=[
            pl.BlockSpec((t, _K), lambda c: (0, 0)),
            pl.BlockSpec((t, _K), lambda c: (0, 0)),
        ],
        out_shape=[
            jax.ShapeDtypeStruct((t, _K), jnp.float32),
            jax.ShapeDtypeStruct((t, _K), jnp.int32),
        ],
    )(q2, keys)
    del tv
    return ti


def _readout_body(idx_hbm, keys_hbm, vals_hbm, outk_hbm, outv_hbm,
                  idx_v, rowsk_v, rowsv_v, stagek_v, stagev_v, sem,
                  *, q_per_w, k, d, nc):
    wid = lax.axis_index("s") * nc + lax.axis_index("c")
    n_idx = q_per_w * k
    r0 = wid * (n_idx // 128)
    pltpu.sync_copy(idx_hbm.at[pl.ds(r0, n_idx // 128)], idx_v)
    copies = []
    for g in range(n_idx // 128):
        copies.append(pltpu.async_copy(
            keys_hbm.at[idx_v.at[g]], rowsk_v.at[pl.ds(g * 128, 128)], sem))
        copies.append(pltpu.async_copy(
            vals_hbm.at[idx_v.at[g]], rowsv_v.at[pl.ds(g * 128, 128)], sem))
    for cp in copies:
        cp.wait()
    scale = jnp.float32(1.0 / k)
    for q in range(q_per_w):
        for g in range(d // 16):
            def body(j, acc, _q=q, _g=g):
                return (acc[0] + rowsk_v[_q * k + j, pl.ds(_g * 16, 16)],
                        acc[1] + rowsv_v[_q * k + j, pl.ds(_g * 16, 16)])
            zero = jnp.zeros((16,), jnp.float32)
            acck, accv = lax.fori_loop(0, k, body, (zero, zero))
            stagek_v[q, pl.ds(g * 16, 16)] = acck * scale
            stagev_v[q, pl.ds(g * 16, 16)] = accv * scale
    pltpu.sync_copy(stagek_v, outk_hbm.at[pl.ds(wid * q_per_w, q_per_w)])
    pltpu.sync_copy(stagev_v, outv_hbm.at[pl.ds(wid * q_per_w, q_per_w)])


def _run_readout(ti, keys, values):
    t, k = ti.shape
    d = keys.shape[1]
    info = plsc.get_sparse_core_info()
    nc, ns = info.num_cores, info.num_subcores
    nw = nc * ns
    q_per_w = t // nw
    n_idx = q_per_w * k
    idx2 = ti.reshape(t * k // 128, 128)
    mesh = plsc.VectorSubcoreMesh(core_axis_name="c", subcore_axis_name="s")
    kern = pl.kernel(
        functools.partial(_readout_body, q_per_w=q_per_w, k=k, d=d, nc=nc),
        mesh=mesh,
        out_type=[
            jax.ShapeDtypeStruct((t, d), jnp.float32),
            jax.ShapeDtypeStruct((t, d), jnp.float32),
        ],
        scratch_types=[
            pltpu.VMEM((n_idx // 128, 128), jnp.int32),
            pltpu.VMEM((n_idx, d), jnp.float32),
            pltpu.VMEM((n_idx, d), jnp.float32),
            pltpu.VMEM((q_per_w, d), jnp.float32),
            pltpu.VMEM((q_per_w, d), jnp.float32),
            pltpu.SemaphoreType.DMA,
        ],
    )
    return kern(idx2, keys, values)


def kernel(query, keys, values):
    b, l, d = query.shape
    q2 = query.reshape(b * l, d)
    ti = _run_topk(q2, keys)
    outk, outv = _run_readout(ti, keys, values)
    return outk.reshape(b, l, d), outv.reshape(b, l, d)

# --- scband reference (transcript-rebuilt; emitter-appended) ---
"""Pipeline reference for scband-lamini-index-4647154614513 (READ-ONLY COPY).

The authoritative reference and input builder live on the scoring server;
editing this copy changes nothing except your own understanding.
"""

import jax, jax.numpy as jnp
import numpy as np

INDEX_K = 32
TAU = 2.0

def setup_inputs(seed: int = 0) -> dict:
    key = jax.random.key(seed)
    k1, k2, k3 = jax.random.split(key, 3)
    query = jax.random.normal(k1, (8, 32, 128), dtype=jnp.float32)
    keys = jax.random.normal(k2, (100000, 128), dtype=jnp.float32) * 0.05
    values = jax.random.normal(k3, (100000, 128), dtype=jnp.float32) * 0.05
    return {"query": query, "keys": keys, "values": values}

def reference(query, keys, values):
    B, L, D = query.shape
    T = B * L
    q = query.reshape(T, D)
    logits = jnp.matmul(q, keys.T)
    probs = jax.nn.softmax(logits / TAU, axis=-1)
    topk_vals, topk_idx = jax.lax.top_k(probs, INDEX_K)
    hard_mask = jnp.zeros_like(probs).at[jnp.arange(T)[:, None], topk_idx].set(1.0)
    hard_mask = hard_mask / jnp.sum(hard_mask, axis=-1, keepdims=True)
    attn = jax.lax.stop_gradient(hard_mask - probs) + probs
    key_vec = jnp.matmul(attn, keys).reshape(B, L, D)
    value_vec = jnp.matmul(attn, values).reshape(B, L, D)
    return (key_vec, value_vec)

if __name__ == "__main__":
    import jax
    _d = setup_inputs()
    print(jax.jit(kernel)(*tuple(_d.values())))

</pallas_src>

<mosaic_0001>
#map = affine_map<(d0, d1) -> (0, 0)>
module attributes {stable_mosaic.version = 14 : i64} {
  func.func @_readout_body(%arg0: i32, %arg1: i32, %arg2: memref<64x128xi32, #tpu.memory_space<hbm>>, %arg3: memref<100000x128xf32, #tpu.memory_space<hbm>>, %arg4: memref<100000x128xf32, #tpu.memory_space<hbm>>, %arg5: memref<256x128xf32, #tpu.memory_space<hbm>>, %arg6: memref<256x128xf32, #tpu.memory_space<hbm>>, %arg7: memref<2x128xi32, #tpu.memory_space<vmem>>, %arg8: memref<256x128xf32, #tpu.memory_space<vmem>>, %arg9: memref<256x128xf32, #tpu.memory_space<vmem>>, %arg10: memref<8x128xf32, #tpu.memory_space<vmem>>, %arg11: memref<8x128xf32, #tpu.memory_space<vmem>>, %arg12: memref<!tpu.dma_semaphore, #tpu.memory_space<semaphore_mem>>) attributes {dimension_semantics = [#tpu.dimension_semantics<core_parallel>, #tpu.dimension_semantics<subcore_parallel>], iteration_bounds = array<i64: 2, 16>, scalar_prefetch = 0 : i64, scratch_operands = 6 : i64, tpu.core_type = #tpu.core_type<sc_vector_subcore>, window_params = [{transform_indices = #map}, {transform_indices = #map}, {transform_indices = #map}, {transform_indices = #map}, {transform_indices = #map}]} {
    %mul3A = arith.constant 2 : i32
    %mul3A_0 = arith.muli %arg1, %mul3A : i32
    %add3A = arith.addi %mul3A_0, %arg0 : i32
    %mul3A_1 = arith.constant 2 : i32
    %mul3A_2 = arith.muli %add3A, %mul3A_1 : i32
    "tpu.region"() ({
      %run_scoped3A = tpu.sem_alloc : memref<!tpu.dma_semaphore, #tpu.memory_space<semaphore_mem>>
      %dma_start3A_1746 = arith.constant 0 : i32
      %dma_start3A_1747 = tpu.memref_slice %arg2[%mul3A_2, %dma_start3A_1746] : memref<64x128xi32, #tpu.memory_space<hbm>> -> memref<2x128xi32, #tpu.memory_space<hbm>>
      %dma_start3A_1748 = arith.constant 0 : i32
      %dma_start3A_1749 = tpu.memref_slice %arg2[%mul3A_2, %dma_start3A_1748] : memref<64x128xi32, #tpu.memory_space<hbm>> -> memref<2x128xi32, #tpu.memory_space<hbm>>
      tpu.enqueue_dma source(%dma_start3A_1749 : memref<2x128xi32, #tpu.memory_space<hbm>>) target(%arg7 : memref<2x128xi32, #tpu.memory_space<vmem>>) target_semaphore(%run_scoped3A : memref<!tpu.dma_semaphore, #tpu.memory_space<semaphore_mem>>)
      %dma_wait3A_1750 = arith.constant 0 : i32
      %dma_wait3A_1751 = tpu.memref_slice %arg2[%mul3A_2, %dma_wait3A_1750] : memref<64x128xi32, #tpu.memory_space<hbm>> -> memref<2x128xi32, #tpu.memory_space<hbm>>
      %dma_wait3A_1752 = arith.constant 0 : i32
      %dma_wait3A_1753 = tpu.memref_slice %arg2[%mul3A_2, %dma_wait3A_1752] : memref<64x128xi32, #tpu.memory_space<hbm>> -> memref<2x128xi32, #tpu.memory_space<hbm>>
      tpu.wait_dma2 semaphore(%run_scoped3A : memref<!tpu.dma_semaphore, #tpu.memory_space<semaphore_mem>>) src(%dma_wait3A_1753 : memref<2x128xi32, #tpu.memory_space<hbm>>) dst(%arg7 : memref<2x128xi32, #tpu.memory_space<vmem>>)
      tpu.yield
    }) : () -> ()
    %dma_start3A = arith.constant 0 : i32
    %dma_start3A_3 = arith.constant 0 : i32
    %dma_start3A_4 = arith.constant 0 : i32
    %dma_start3A_5 = tpu.memref_slice %arg8[%dma_start3A_3, %dma_start3A_4] : memref<256x128xf32, #tpu.memory_space<vmem>> -> memref<128x128xf32, #tpu.memory_space<vmem>>
    %dma_start3A_6 = arith.constant 0 : i32
    %dma_start3A_7 = tpu.memref_slice %arg7[%dma_start3A, %dma_start3A_6] : memref<2x128xi32, #tpu.memory_space<vmem>> -> memref<1x128xi32, #tpu.memory_space<vmem>>
    %dma_start3A_8 = tpu.memref_squeeze %dma_start3A_7 : memref<1x128xi32, #tpu.memory_space<vmem>> -> memref<128xi32, #tpu.memory_space<vmem>>
    %dma_start3A_9 = arith.constant 0 : i32
    %dma_start3A_10 = arith.constant 0 : i32
    %dma_start3A_11 = tpu.memref_slice %arg3[%dma_start3A_9, %dma_start3A_10] : memref<100000x128xf32, #tpu.memory_space<hbm>> -> memref<100000x128xf32, #tpu.memory_space<hbm>>
    tpu.enqueue_indirect_dma source(%dma_start3A_11 : memref<100000x128xf32, #tpu.memory_space<hbm>>) target(%dma_start3A_5 : memref<128x128xf32, #tpu.memory_space<vmem>>) offsets(%dma_start3A_8 : memref<128xi32, #tpu.memory_space<vmem>>) semaphore(%arg12 : memref<!tpu.dma_semaphore, #tpu.memory_space<semaphore_mem>>)
    %dma_start3A_12 = arith.constant 0 : i32
    %dma_start3A_13 = arith.constant 0 : i32
    %dma_start3A_14 = arith.constant 0 : i32
    %dma_start3A_15 = tpu.memref_slice %arg9[%dma_start3A_13, %dma_start3A_14] : memref<256x128xf32, #tpu.memory_space<vmem>> -> memref<128x128xf32, #tpu.memory_space<vmem>>
    %dma_start3A_16 = arith.constant 0 : i32
    %dma_start3A_17 = tpu.memref_slice %arg7[%dma_start3A_12, %dma_start3A_16] : memref<2x128xi32, #tpu.memory_space<vmem>> -> memref<1x128xi32, #tpu.memory_space<vmem>>
    %dma_start3A_18 = tpu.memref_squeeze %dma_start3A_17 : memref<1x128xi32, #tpu.memory_space<vmem>> -> memref<128xi32, #tpu.memory_space<vmem>>
    %dma_start3A_19 = arith.constant 0 : i32
    %dma_start3A_20 = arith.constant 0 : i32
    %dma_start3A_21 = tpu.memref_slice %arg4[%dma_start3A_19, %dma_start3A_20] : memref<100000x128xf32, #tpu.memory_space<hbm>> -> memref<100000x128xf32, #tpu.memory_space<hbm>>
    tpu.enqueue_indirect_dma source(%dma_start3A_21 : memref<100000x128xf32, #tpu.memory_space<hbm>>) target(%dma_start3A_15 : memref<128x128xf32, #tpu.memory_space<vmem>>) offsets(%dma_start3A_18 : memref<128xi32, #tpu.memory_space<vmem>>) semaphore(%arg12 : memref<!tpu.dma_semaphore, #tpu.memory_space<semaphore_mem>>)
    %dma_start3A_22 = arith.constant 1 : i32
    %dma_start3A_23 = arith.constant 128 : i32
    %dma_start3A_24 = arith.constant 0 : i32
    %dma_start3A_25 = tpu.memref_slice %arg8[%dma_start3A_23, %dma_start3A_24] : memref<256x128xf32, #tpu.memory_space<vmem>> -> memref<128x128xf32, #tpu.memory_space<vmem>>
    %dma_start3A_26 = arith.constant 0 : i32
    %dma_start3A_27 = tpu.memref_slice %arg7[%dma_start3A_22, %dma_start3A_26] : memref<2x128xi32, #tpu.memory_space<vmem>> -> memref<1x128xi32, #tpu.memory_space<vmem>>
    %dma_start3A_28 = tpu.memref_squeeze %dma_start3A_27 : memref<1x128xi32, #tpu.memory_space<vmem>> -> memref<128xi32, #tpu.memory_space<vmem>>
    %dma_start3A_29 = arith.constant 0 : i32
    %dma_start3A_30 = arith.constant 0 : i32
    %dma_start3A_31 = tpu.memref_slice %arg3[%dma_start3A_29, %dma_start3A_30] : memref<100000x128xf32, #tpu.memory_space<hbm>> -> memref<100000x128xf32, #tpu.memory_space<hbm>>
    tpu.enqueue_indirect_dma source(%dma_start3A_31 : memref<100000x128xf32, #tpu.memory_space<hbm>>) target(%dma_start3A_25 : memref<128x128xf32, #tpu.memory_space<vmem>>) offsets(%dma_start3A_28 : memref<128xi32, #tpu.memory_space<vmem>>) semaphore(%arg12 : memref<!tpu.dma_semaphore, #tpu.memory_space<semaphore_mem>>)
    %dma_start3A_32 = arith.constant 1 : i32
    %dma_start3A_33 = arith.constant 128 : i32
    %dma_start3A_34 = arith.constant 0 : i32
    %dma_start3A_35 = tpu.memref_slice %arg9[%dma_start3A_33, %dma_start3A_34] : memref<256x128xf32, #tpu.memory_space<vmem>> -> memref<128x128xf32, #tpu.memory_space<vmem>>
    %dma_start3A_36 = arith.constant 0 : i32
    %dma_start3A_37 = tpu.memref_slice %arg7[%dma_start3A_32, %dma_start3A_36] : memref<2x128xi32, #tpu.memory_space<vmem>> -> memref<1x128xi32, #tpu.memory_space<vmem>>
    %dma_start3A_38 = tpu.memref_squeeze %dma_start3A_37 : memref<1x128xi32, #tpu.memory_space<vmem>> -> memref<128xi32, #tpu.memory_space<vmem>>
    %dma_start3A_39 = arith.constant 0 : i32
    %dma_start3A_40 = arith.constant 0 : i32
    %dma_start3A_41 = tpu.memref_slice %arg4[%dma_start3A_39, %dma_start3A_40] : memref<100000x128xf32, #tpu.memory_space<hbm>> -> memref<100000x128xf32, #tpu.memory_space<hbm>>
    tpu.enqueue_indirect_dma source(%dma_start3A_41 : memref<100000x128xf32, #tpu.memory_space<hbm>>) target(%dma_start3A_35 : memref<128x128xf32, #tpu.memory_space<vmem>>) offsets(%dma_start3A_38 : memref<128xi32, #tpu.memory_space<vmem>>) semaphore(%arg12 : memref<!tpu.dma_semaphore, #tpu.memory_space<semaphore_mem>>)
    %dma_wait3A = arith.constant 0 : i32
    %dma_wait3A_42 = arith.constant 0 : i32
    %dma_wait3A_43 = arith.constant 0 : i32
    %dma_wait3A_44 = tpu.memref_slice %arg8[%dma_wait3A_42, %dma_wait3A_43] : memref<256x128xf32, #tpu.memory_space<vmem>> -> memref<128x128xf32, #tpu.memory_space<vmem>>
    %dma_wait3A_45 = arith.constant 0 : i32
    %dma_wait3A_46 = tpu.memref_slice %arg7[%dma_wait3A, %dma_wait3A_45] : memref<2x128xi32, #tpu.memory_space<vmem>> -> memref<1x128xi32, #tpu.memory_space<vmem>>
    %dma_wait3A_47 = tpu.memref_squeeze %dma_wait3A_46 : memref<1x128xi32, #tpu.memory_space<vmem>> -> memref<128xi32, #tpu.memory_space<vmem>>
    %dma_wait3A_48 = arith.constant 0 : i32
    %dma_wait3A_49 = arith.constant 0 : i32
    %dma_wait3A_50 = tpu.memref_slice %arg3[%dma_wait3A_48, %dma_wait3A_49] : memref<100000x128xf32, #tpu.memory_space<hbm>> -> memref<100000x128xf32, #tpu.memory_space<hbm>>
    tpu.wait_indirect_dma semaphore(%arg12 : memref<!tpu.dma_semaphore, #tpu.memory_space<semaphore_mem>>) src(%dma_wait3A_50 : memref<100000x128xf32, #tpu.memory_space<hbm>>) dst(%dma_wait3A_44 : memref<128x128xf32, #tpu.memory_space<vmem>>)
    %dma_wait3A_51 = arith.constant 0 : i32
    %dma_wait3A_52 = arith.constant 0 : i32
    %dma_wait3A_53 = arith.constant 0 : i32
    %dma_wait3A_54 = tpu.memref_slice %arg9[%dma_wait3A_52, %dma_wait3A_53] : memref<256x128xf32, #tpu.memory_space<vmem>> -> memref<128x128xf32, #tpu.memory_space<vmem>>
    %dma_wait3A_55 = arith.constant 0 : i32
    %dma_wait3A_56 = tpu.memref_slice %arg7[%dma_wait3A_51, %dma_wait3A_55] : memref<2x128xi32, #tpu.memory_space<vmem>> -> memref<1x128xi32, #tpu.memory_space<vmem>>
    %dma_wait3A_57 = tpu.memref_squeeze %dma_wait3A_56 : memref<1x128xi32, #tpu.memory_space<vmem>> -> memref<128xi32, #tpu.memory_space<vmem>>
    %dma_wait3A_58 = arith.constant 0 : i32
    %dma_wait3A_59 = arith.constant 0 : i32
    %dma_wait3A_60 = tpu.memref_slice %arg4[%dma_wait3A_58, %dma_wait3A_59] : memref<100000x128xf32, #tpu.memory_space<hbm>> -> memref<100000x128xf32, #tpu.memory_space<hbm>>
    tpu.wait_indirect_dma semaphore(%arg12 : memref<!tpu.dma_semaphore, #tpu.memory_space<semaphore_mem>>) src(%dma_wait3A_60 : memref<100000x128xf32, #tpu.memory_space<hbm>>) dst(%dma_wait3A_54 : memref<128x128xf32, #tpu.memory_space<vmem>>)
    %dma_wait3A_61 = arith.constant 1 : i32
    %dma_wait3A_62 = arith.constant 128 : i32
    %dma_wait3A_63 = arith.constant 0 : i32
    %dma_wait3A_64 = tpu.memref_slice %arg8[%dma_wait3A_62, %dma_wait3A_63] : memref<256x128xf32, #tpu.memory_space<vmem>> -> memref<128x128xf32, #tpu.memory_space<vmem>>
    %dma_wait3A_65 = arith.constant 0 : i32
    %dma_wait3A_66 = tpu.memref_slice %arg7[%dma_wait3A_61, %dma_wait3A_65] : memref<2x128xi32, #tpu.memory_space<vmem>> -> memref<1x128xi32, #tpu.memory_space<vmem>>
    %dma_wait3A_67 = tpu.memref_squeeze %dma_wait3A_66 : memref<1x128xi32, #tpu.memory_space<vmem>> -> memref<128xi32, #tpu.memory_space<vmem>>
    %dma_wait3A_68 = arith.constant 0 : i32
    %dma_wait3A_69 = arith.constant 0 : i32
    %dma_wait3A_70 = tpu.memref_slice %arg3[%dma_wait3A_68, %dma_wait3A_69] : memref<100000x128xf32, #tpu.memory_space<hbm>> -> memref<100000x128xf32, #tpu.memory_space<hbm>>
    tpu.wait_indirect_dma semaphore(%arg12 : memref<!tpu.dma_semaphore, #tpu.memory_space<semaphore_mem>>) src(%dma_wait3A_70 : memref<100000x128xf32, #tpu.memory_space<hbm>>) dst(%dma_wait3A_64 : memref<128x128xf32, #tpu.memory_space<vmem>>)
    %dma_wait3A_71 = arith.constant 1 : i32
    %dma_wait3A_72 = arith.constant 128 : i32
    %dma_wait3A_73 = arith.constant 0 : i32
    %dma_wait3A_74 = tpu.memref_slice %arg9[%dma_wait3A_72, %dma_wait3A_73] : memref<256x128xf32, #tpu.memory_space<vmem>> -> memref<128x128xf32, #tpu.memory_space<vmem>>
    %dma_wait3A_75 = arith.constant 0 : i32
    %dma_wait3A_76 = tpu.memref_slice %arg7[%dma_wait3A_71, %dma_wait3A_75] : memref<2x128xi32, #tpu.memory_space<vmem>> -> memref<1x128xi32, #tpu.memory_space<vmem>>
    %dma_wait3A_77 = tpu.memref_squeeze %dma_wait3A_76 : memref<1x128xi32, #tpu.memory_space<vmem>> -> memref<128xi32, #tpu.memory_space<vmem>>
    %dma_wait3A_78 = arith.constant 0 : i32
    %dma_wait3A_79 = arith.constant 0 : i32
    %dma_wait3A_80 = tpu.memref_slice %arg4[%dma_wait3A_78, %dma_wait3A_79] : memref<100000x128xf32, #tpu.memory_space<hbm>> -> memref<100000x128xf32, #tpu.memory_space<hbm>>
    tpu.wait_indirect_dma semaphore(%arg12 : memref<!tpu.dma_semaphore, #tpu.memory_space<semaphore_mem>>) src(%dma_wait3A_80 : memref<100000x128xf32, #tpu.memory_space<hbm>>) dst(%dma_wait3A_74 : memref<128x128xf32, #tpu.memory_space<vmem>>)
    %broadcast_in_dim3A = arith.constant 0.000000e+00 : f32
    %broadcast_in_dim3A_81 = vector.broadcast %broadcast_in_dim3A : f32 to vector<16xf32>
    %scan3A = arith.constant 0 : i32
    %scan3A_82 = arith.constant 32 : i32
    %scan3A_83 = arith.addi %scan3A, %scan3A_82 : i32
    %scan3A_84 = arith.constant 1 : i32
    %scan3A_85:2 = scf.for %scan3A_1746 = %scan3A to %scan3A_83 step %scan3A_84 iter_args(%scan3A_1747 = %broadcast_in_dim3A_81, %scan3A_1748 = %broadcast_in_dim3A_81) -> (vector<16xf32>, vector<16xf32>)  : i32 {
      %add3A_1749 = arith.constant 0 : i32
      %add3A_1750 = arith.addi %add3A_1749, %scan3A_1746 : i32
      %get3A = arith.index_cast %add3A_1750 : i32 to index
      %get3A_1751 = arith.constant 0 : index
      %get3A_1752 = tpu.vector_load %arg8[%get3A, %get3A_1751] {strides = array<i32>} : memref<256x128xf32, #tpu.memory_space<vmem>>, vector<1x16xf32>,
      %get3A_1753 = vector.shape_cast %get3A_1752 : vector<1x16xf32> to vector<16xf32>
      %add3A_1754 = arith.addf %scan3A_1747, %get3A_1753 : vector<16xf32>
      %add3A_1755 = arith.constant 0 : i32
      %add3A_1756 = arith.addi %add3A_1755, %scan3A_1746 : i32
      %get3A_1757 = arith.index_cast %add3A_1756 : i32 to index
      %get3A_1758 = arith.constant 0 : index
      %get3A_1759 = tpu.vector_load %arg9[%get3A_1757, %get3A_1758] {strides = array<i32>} : memref<256x128xf32, #tpu.memory_space<vmem>>, vector<1x16xf32>,
      %get3A_1760 = vector.shape_cast %get3A_1759 : vector<1x16xf32> to vector<16xf32>
      %add3A_1761 = arith.addf %scan3A_1748, %get3A_1760 : vector<16xf32>
      scf.yield %add3A_1754, %add3A_1761 : vector<16xf32>, vector<16xf32>
    }
    %scan3A_86 = arith.constant 32 : i32
    %mul3A_87 = arith.constant 3.125000e-02 : f32
    %mul3A_88 = vector.broadcast %mul3A_87 : f32 to vector<16xf32>
    %mul3A_89 = arith.mulf %scan3A_85#0, %mul3A_88 : vector<16xf32>
    %swap3A = arith.constant 0 : i32
    %swap3A_90 = arith.index_cast %swap3A : i32 to index
    %swap3A_91 = arith.constant 0 : index
    %swap3A_92 = tpu.vector_load %arg10[%swap3A_90, %swap3A_91] {strides = array<i32>} : memref<8x128xf32, #tpu.memory_space<vmem>>, vector<1x16xf32>,
    %swap3A_93 = vector.shape_cast %swap3A_92 : vector<1x16xf32> to vector<16xf32>
    %swap3A_94 = vector.shape_cast %mul3A_89 : vector<16xf32> to vector<1x16xf32>
    tpu.vector_store %arg10[%swap3A_90, %swap3A_91], %swap3A_94 {strides = array<i32>} : memref<8x128xf32, #tpu.memory_space<vmem>>, vector<1x16xf32>,
    %mul3A_95 = arith.constant 3.125000e-02 : f32
    %mul3A_96 = vector.broadcast %mul3A_95 : f32 to vector<16xf32>
    %mul3A_97 = arith.mulf %scan3A_85#1, %mul3A_96 : vector<16xf32>
    %swap3A_98 = arith.constant 0 : i32
    %swap3A_99 = arith.index_cast %swap3A_98 : i32 to index
    %swap3A_100 = arith.constant 0 : index
    %swap3A_101 = tpu.vector_load %arg11[%swap3A_99, %swap3A_100] {strides = array<i32>} : memref<8x128xf32, #tpu.memory_space<vmem>>, vector<1x16xf32>,
    %swap3A_102 = vector.shape_cast %swap3A_101 : vector<1x16xf32> to vector<16xf32>
    %swap3A_103 = vector.shape_cast %mul3A_97 : vector<16xf32> to vector<1x16xf32>
    tpu.vector_store %arg11[%swap3A_99, %swap3A_100], %swap3A_103 {strides = array<i32>} : memref<8x128xf32, #tpu.memory_space<vmem>>, vector<1x16xf32>,
    %broadcast_in_dim3A_104 = arith.constant 0.000000e+00 : f32
    %broadcast_in_dim3A_105 = vector.broadcast %broadcast_in_dim3A_104 : f32 to vector<16xf32>
    %scan3A_106 = arith.constant 0 : i32
    %scan3A_107 = arith.constant 32 : i32
    %scan3A_108 = arith.addi %scan3A_106, %scan3A_107 : i32
    %scan3A_109 = arith.constant 1 : i32
    %scan3A_110:2 = scf.for %scan3A_1746 = %scan3A_106 to %scan3A_108 step %scan3A_109 iter_args(%scan3A_1747 = %broadcast_in_dim3A_105, %scan3A_1748 = %broadcast_in_dim3A_105) -> (vector<16xf32>, vector<16xf32>)  : i32 {
      %add3A_1749 = arith.constant 0 : i32
      %add3A_1750 = arith.addi %add3A_1749, %scan3A_1746 : i32
      %get3A = arith.index_cast %add3A_1750 : i32 to index
      %get3A_1751 = arith.constant 16 : index
      %get3A_1752 = tpu.vector_load %arg8[%get3A, %get3A_1751] {strides = array<i32>} : memref<256x128xf32, #tpu.memory_space<vmem>>, vector<1x16xf32>,
      %get3A_1753 = vector.shape_cast %get3A_1752 : vector<1x16xf32> to vector<16xf32>
      %add3A_1754 = arith.addf %scan3A_1747, %get3A_1753 : vector<16xf32>
      %add3A_1755 = arith.constant 0 : i32
      %add3A_1756 = arith.addi %add3A_1755, %scan3A_1746 : i32
      %get3A_1757 = arith.index_cast %add3A_1756 : i32 to index
      %get3A_1758 = arith.constant 16 : index
      %get3A_1759 = tpu.vector_load %arg9[%get3A_1757, %get3A_1758] {strides = array<i32>} : memref<256x128xf32, #tpu.memory_space<vmem>>, vector<1x16xf32>,
      %get3A_1760 = vector.shape_cast %get3A_1759 : vector<1x16xf32> to vector<16xf32>
      %add3A_1761 = arith.addf %scan3A_1748, %get3A_1760 : vector<16xf32>
      scf.yield %add3A_1754, %add3A_1761 : vector<16xf32>, vector<16xf32>
    }
    %scan3A_111 = arith.constant 32 : i32
    %mul3A_112 = arith.constant 3.125000e-02 : f32
    %mul3A_113 = vector.broadcast %mul3A_112 : f32 to vector<16xf32>
    %mul3A_114 = arith.mulf %scan3A_110#0, %mul3A_113 : vector<16xf32>
    %swap3A_115 = arith.constant 0 : i32
    %swap3A_116 = arith.index_cast %swap3A_115 : i32 to index
    %swap3A_117 = arith.constant 16 : index
    %swap3A_118 = tpu.vector_load %arg10[%swap3A_116, %swap3A_117] {strides = array<i32>} : memref<8x128xf32, #tpu.memory_space<vmem>>, vector<1x16xf32>,
    %swap3A_119 = vector.shape_cast %swap3A_118 : vector<1x16xf32> to vector<16xf32>
    %swap3A_120 = vector.shape_cast %mul3A_114 : vector<16xf32> to vector<1x16xf32>
    tpu.vector_store %arg10[%swap3A_116, %swap3A_117], %swap3A_120 {strides = array<i32>} : memref<8x128xf32, #tpu.memory_space<vmem>>, vector<1x16xf32>,
    %mul3A_121 = arith.constant 3.125000e-02 : f32
    %mul3A_122 = vector.broadcast %mul3A_121 : f32 to vector<16xf32>
    %mul3A_123 = arith.mulf %scan3A_110#1, %mul3A_122 : vector<16xf32>
    %swap3A_124 = arith.constant 0 : i32
    %swap3A_125 = arith.index_cast %swap3A_124 : i32 to index
    %swap3A_126 = arith.constant 16 : index
    %swap3A_127 = tpu.vector_load %arg11[%swap3A_125, %swap3A_126] {strides = array<i32>} : memref<8x128xf32, #tpu.memory_space<vmem>>, vector<1x16xf32>,
    %swap3A_128 = vector.shape_cast %swap3A_127 : vector<1x16xf32> to vector<16xf32>
    %swap3A_129 = vector.shape_cast %mul3A_123 : vector<16xf32> to vector<1x16xf32>
    tpu.vector_store %arg11[%swap3A_125, %swap3A_126], %swap3A_129 {strides = array<i32>} : memref<8x128xf32, #tpu.memory_space<vmem>>, vector<1x16xf32>,
    %broadcast_in_dim3A_130 = arith.constant 0.000000e+00 : f32
    %broadcast_in_dim3A_131 = vector.broadcast %broadcast_in_dim3A_130 : f32 to vector<16xf32>
    %scan3A_132 = arith.constant 0 : i32
    %scan3A_133 = arith.constant 32 : i32
    %scan3A_134 = arith.addi %scan3A_132, %scan3A_133 : i32
    %scan3A_135 = arith.constant 1 : i32
    %scan3A_136:2 = scf.for %scan3A_1746 = %scan3A_132 to %scan3A_134 step %scan3A_135 iter_args(%scan3A_1747 = %broadcast_in_dim3A_131, %scan3A_1748 = %broadcast_in_dim3A_131) -> (vector<16xf32>, vector<16xf32>)  : i32 {
      %add3A_1749 = arith.constant 0 : i32
      %add3A_1750 = arith.addi %add3A_1749, %scan3A_1746 : i32
      %get3A = arith.index_cast %add3A_1750 : i32 to index
      %get3A_1751 = arith.constant 32 : index
      %get3A_1752 = tpu.vector_load %arg8[%get3A, %get3A_1751] {strides = array<i32>} : memref<256x128xf32, #tpu.memory_space<vmem>>, vector<1x16xf32>,
      %get3A_1753 = vector.shape_cast %get3A_1752 : vector<1x16xf32> to vector<16xf32>
      %add3A_1754 = arith.addf %scan3A_1747, %get3A_1753 : vector<16xf32>
      %add3A_1755 = arith.constant 0 : i32
      %add3A_1756 = arith.addi %add3A_1755, %scan3A_1746 : i32
      %get3A_1757 = arith.index_cast %add3A_1756 : i32 to index
      %get3A_1758 = arith.constant 32 : index
      %get3A_1759 = tpu.vector_load %arg9[%get3A_1757, %get3A_1758] {strides = array<i32>} : memref<256x128xf32, #tpu.memory_space<vmem>>, vector<1x16xf32>,
      %get3A_1760 = vector.shape_cast %get3A_1759 : vector<1x16xf32> to vector<16xf32>
      %add3A_1761 = arith.addf %scan3A_1748, %get3A_1760 : vector<16xf32>
      scf.yield %add3A_1754, %add3A_1761 : vector<16xf32>, vector<16xf32>
    }
    %scan3A_137 = arith.constant 32 : i32
    %mul3A_138 = arith.constant 3.125000e-02 : f32
    %mul3A_139 = vector.broadcast %mul3A_138 : f32 to vector<16xf32>
    %mul3A_140 = arith.mulf %scan3A_136#0, %mul3A_139 : vector<16xf32>
    %swap3A_141 = arith.constant 0 : i32
    %swap3A_142 = arith.index_cast %swap3A_141 : i32 to index
    %swap3A_143 = arith.constant 32 : index
    %swap3A_144 = tpu.vector_load %arg10[%swap3A_142, %swap3A_143] {strides = array<i32>} : memref<8x128xf32, #tpu.memory_space<vmem>>, vector<1x16xf32>,
    %swap3A_145 = vector.shape_cast %swap3A_144 : vector<1x16xf32> to vector<16xf32>
    %swap3A_146 = vector.shape_cast %mul3A_140 : vector<16xf32> to vector<1x16xf32>
    tpu.vector_store %arg10[%swap3A_142, %swap3A_143], %swap3A_146 {strides = array<i32>} : memref<8x128xf32, #tpu.memory_space<vmem>>, vector<1x16xf32>,
    %mul3A_147 = arith.constant 3.125000e-02 : f32
    %mul3A_148 = vector.broadcast %mul3A_147 : f32 to vector<16xf32>
    %mul3A_149 = arith.mulf %scan3A_136#1, %mul3A_148 : vector<16xf32>
    %swap3A_150 = arith.constant 0 : i32
    %swap3A_151 = arith.index_cast %swap3A_150 : i32 to index
    %swap3A_152 = arith.constant 32 : index
    %swap3A_153 = tpu.vector_load %arg11[%swap3A_151, %swap3A_152] {strides = array<i32>} : memref<8x128xf32, #tpu.memory_space<vmem>>, vector<1x16xf32>,
    %swap3A_154 = vector.shape_cast %swap3A_153 : vector<1x16xf32> to vector<16xf32>
    %swap3A_155 = vector.shape_cast %mul3A_149 : vector<16xf32> to vector<1x16xf32>
    tpu.vector_store %arg11[%swap3A_151, %swap3A_152], %swap3A_155 {strides = array<i32>} : memref<8x128xf32, #tpu.memory_space<vmem>>, vector<1x16xf32>,
    %broadcast_in_dim3A_156 = arith.constant 0.000000e+00 : f32
    %broadcast_in_dim3A_157 = vector.broadcast %broadcast_in_dim3A_156 : f32 to vector<16xf32>
    %scan3A_158 = arith.constant 0 : i32
    %scan3A_159 = arith.constant 32 : i32
    %scan3A_160 = arith.addi %scan3A_158, %scan3A_159 : i32
    %scan3A_161 = arith.constant 1 : i32
    %scan3A_162:2 = scf.for %scan3A_1746 = %scan3A_158 to %scan3A_160 step %scan3A_161 iter_args(%scan3A_1747 = %broadcast_in_dim3A_157, %scan3A_1748 = %broadcast_in_dim3A_157) -> (vector<16xf32>, vector<16xf32>)  : i32 {
      %add3A_1749 = arith.constant 0 : i32
      %add3A_1750 = arith.addi %add3A_1749, %scan3A_1746 : i32
      %get3A = arith.index_cast %add3A_1750 : i32 to index
      %get3A_1751 = arith.constant 48 : index
      %get3A_1752 = tpu.vector_load %arg8[%get3A, %get3A_1751] {strides = array<i32>} : memref<256x128xf32, #tpu.memory_space<vmem>>, vector<1x16xf32>,
      %get3A_1753 = vector.shape_cast %get3A_1752 : vector<1x16xf32> to vector<16xf32>
      %add3A_1754 = arith.addf %scan3A_1747, %get3A_1753 : vector<16xf32>
      %add3A_1755 = arith.constant 0 : i32
      %add3A_1756 = arith.addi %add3A_1755, %scan3A_1746 : i32
      %get3A_1757 = arith.index_cast %add3A_1756 : i32 to index
      %get3A_1758 = arith.constant 48 : index
      %get3A_1759 = tpu.vector_load %arg9[%get3A_1757, %get3A_1758] {strides = array<i32>} : memref<256x128xf32, #tpu.memory_space<vmem>>, vector<1x16xf32>,
      %get3A_1760 = vector.shape_cast %get3A_1759 : vector<1x16xf32> to vector<16xf32>
      %add3A_1761 = arith.addf %scan3A_1748, %get3A_1760 : vector<16xf32>
      scf.yield %add3A_1754, %add3A_1761 : vector<16xf32>, vector<16xf32>
    }
    %scan3A_163 = arith.constant 32 : i32
    %mul3A_164 = arith.constant 3.125000e-02 : f32
    %mul3A_165 = vector.broadcast %mul3A_164 : f32 to vector<16xf32>
    %mul3A_166 = arith.mulf %scan3A_162#0, %mul3A_165 : vector<16xf32>
    %swap3A_167 = arith.constant 0 : i32
    %swap3A_168 = arith.index_cast %swap3A_167 : i32 to index
    %swap3A_169 = arith.constant 48 : index
    %swap3A_170 = tpu.vector_load %arg10[%swap3A_168, %swap3A_169] {strides = array<i32>} : memref<8x128xf32, #tpu.memory_space<vmem>>, vector<1x16xf32>,
    %swap3A_171 = vector.shape_cast %swap3A_170 : vector<1x16xf32> to vector<16xf32>
    %swap3A_172 = vector.shape_cast %mul3A_166 : vector<16xf32> to vector<1x16xf32>
    tpu.vector_store %arg10[%swap3A_168, %swap3A_169], %swap3A_172 {strides = array<i32>} : memref<8x128xf32, #tpu.memory_space<vmem>>, vector<1x16xf32>,
    %mul3A_173 = arith.constant 3.125000e-02 : f32
    %mul3A_174 = vector.broadcast %mul3A_173 : f32 to vector<16xf32>
    %mul3A_175 = arith.mulf %scan3A_162#1, %mul3A_174 : vector<16xf32>
    %swap3A_176 = arith.constant 0 : i32
    %swap3A_177 = arith.index_cast %swap3A_176 : i32 to index
    %swap3A_178 = arith.constant 48 : index
    %swap3A_179 = tpu.vector_load %arg11[%swap3A_177, %swap3A_178] {strides = array<i32>} : memref<8x128xf32, #tpu.memory_space<vmem>>, vector<1x16xf32>,
    %swap3A_180 = vector.shape_cast %swap3A_179 : vector<1x16xf32> to vector<16xf32>
    %swap3A_181 = vector.shape_cast %mul3A_175 : vector<16xf32> to vector<1x16xf32>
    tpu.vector_store %arg11[%swap3A_177, %swap3A_178], %swap3A_181 {strides = array<i32>} : memref<8x128xf32, #tpu.memory_space<vmem>>, vector<1x16xf32>,
    %broadcast_in_dim3A_182 = arith.constant 0.000000e+00 : f32
    %broadcast_in_dim3A_183 = vector.broadcast %broadcast_in_dim3A_182 : f32 to vector<16xf32>
    %scan3A_184 = arith.constant 0 : i32
    %scan3A_185 = arith.constant 32 : i32
    %scan3A_186 = arith.addi %scan3A_184, %scan3A_185 : i32
    %scan3A_187 = arith.constant 1 : i32
    %scan3A_188:2 = scf.for %scan3A_1746 = %scan3A_184 to %scan3A_186 step %scan3A_187 iter_args(%scan3A_1747 = %broadcast_in_dim3A_183, %scan3A_1748 = %broadcast_in_dim3A_183) -> (vector<16xf32>, vector<16xf32>)  : i32 {
      %add3A_1749 = arith.constant 0 : i32
      %add3A_1750 = arith.addi %add3A_1749, %scan3A_1746 : i32
      %get3A = arith.index_cast %add3A_1750 : i32 to index
      %get3A_1751 = arith.constant 64 : index
      %get3A_1752 = tpu.vector_load %arg8[%get3A, %get3A_1751] {strides = array<i32>} : memref<256x128xf32, #tpu.memory_space<vmem>>, vector<1x16xf32>,
      %get3A_1753 = vector.shape_cast %get3A_1752 : vector<1x16xf32> to vector<16xf32>
      %add3A_1754 = arith.addf %scan3A_1747, %get3A_1753 : vector<16xf32>
      %add3A_1755 = arith.constant 0 : i32
      %add3A_1756 = arith.addi %add3A_1755, %scan3A_1746 : i32
      %get3A_1757 = arith.index_cast %add3A_1756 : i32 to index
      %get3A_1758 = arith.constant 64 : index
      %get3A_1759 = tpu.vector_load %arg9[%get3A_1757, %get3A_1758] {strides = array<i32>} : memref<256x128xf32, #tpu.memory_space<vmem>>, vector<1x16xf32>,
      %get3A_1760 = vector.shape_cast %get3A_1759 : vector<1x16xf32> to vector<16xf32>
      %add3A_1761 = arith.addf %scan3A_1748, %get3A_1760 : vector<16xf32>
      scf.yield %add3A_1754, %add3A_1761 : vector<16xf32>, vector<16xf32>
    }
    %scan3A_189 = arith.constant 32 : i32
    %mul3A_190 = arith.constant 3.125000e-02 : f32
    %mul3A_191 = vector.broadcast %mul3A_190 : f32 to vector<16xf32>
    %mul3A_192 = arith.mulf %scan3A_188#0, %mul3A_191 : vector<16xf32>
    %swap3A_193 = arith.constant 0 : i32
    %swap3A_194 = arith.index_cast %swap3A_193 : i32 to index
    %swap3A_195 = arith.constant 64 : index
    %swap3A_196 = tpu.vector_load %arg10[%swap3A_194, %swap3A_195] {strides = array<i32>} : memref<8x128xf32, #tpu.memory_space<vmem>>, vector<1x16xf32>,
    %swap3A_197 = vector.shape_cast %swap3A_196 : vector<1x16xf32> to vector<16xf32>
    %swap3A_198 = vector.shape_cast %mul3A_192 : vector<16xf32> to vector<1x16xf32>
    tpu.vector_store %arg10[%swap3A_194, %swap3A_195], %swap3A_198 {strides = array<i32>} : memref<8x128xf32, #tpu.memory_space<vmem>>, vector<1x16xf32>,
    %mul3A_199 = arith.constant 3.125000e-02 : f32
    %mul3A_200 = vector.broadcast %mul3A_199 : f32 to vector<16xf32>
    %mul3A_201 = arith.mulf %scan3A_188#1, %mul3A_200 : vector<16xf32>
    %swap3A_202 = arith.constant 0 : i32
    %swap3A_203 = arith.index_cast %swap3A_202 : i32 to index
    %swap3A_204 = arith.constant 64 : index
    %swap3A_205 = tpu.vector_load %arg11[%swap3A_203, %swap3A_204] {strides = array<i32>} : memref<8x128xf32, #tpu.memory_space<vmem>>, vector<1x16xf32>,
    %swap3A_206 = vector.shape_cast %swap3A_205 : vector<1x16xf32> to vector<16xf32>
    %swap3A_207 = vector.shape_cast %mul3A_201 : vector<16xf32> to vector<1x16xf32>
    tpu.vector_store %arg11[%swap3A_203, %swap3A_204], %swap3A_207 {strides = array<i32>} : memref<8x128xf32, #tpu.memory_space<vmem>>, vector<1x16xf32>,
    %broadcast_in_dim3A_208 = arith.constant 0.000000e+00 : f32
    %broadcast_in_dim3A_209 = vector.broadcast %broadcast_in_dim3A_208 : f32 to vector<16xf32>
    %scan3A_210 = arith.constant 0 : i32
    %scan3A_211 = arith.constant 32 : i32
    %scan3A_212 = arith.addi %scan3A_210, %scan3A_211 : i32
    %scan3A_213 = arith.constant 1 : i32
    %scan3A_214:2 = scf.for %scan3A_1746 = %scan3A_210 to %scan3A_212 step %scan3A_213 iter_args(%scan3A_1747 = %broadcast_in_dim3A_209, %scan3A_1748 = %broadcast_in_dim3A_209) -> (vector<16xf32>, vector<16xf32>)  : i32 {
      %add3A_1749 = arith.constant 0 : i32
      %add3A_1750 = arith.addi %add3A_1749, %scan3A_1746 : i32
      %get3A = arith.index_cast %add3A_1750 : i32 to index
      %get3A_1751 = arith.constant 80 : index
      %get3A_1752 = tpu.vector_load %arg8[%get3A, %get3A_1751] {strides = array<i32>} : memref<256x128xf32, #tpu.memory_space<vmem>>, vector<1x16xf32>,
      %get3A_1753 = vector.shape_cast %get3A_1752 : vector<1x16xf32> to vector<16xf32>
      %add3A_1754 = arith.addf %scan3A_1747, %get3A_1753 : vector<16xf32>
      %add3A_1755 = arith.constant 0 : i32
      %add3A_1756 = arith.addi %add3A_1755, %scan3A_1746 : i32
      %get3A_1757 = arith.index_cast %add3A_1756 : i32 to index
      %get3A_1758 = arith.constant 80 : index
      %get3A_1759 = tpu.vector_load %arg9[%get3A_1757, %get3A_1758] {strides = array<i32>} : memref<256x128xf32, #tpu.memory_space<vmem>>, vector<1x16xf32>,
      %get3A_1760 = vector.shape_cast %get3A_1759 : vector<1x16xf32> to vector<16xf32>
      %add3A_1761 = arith.addf %scan3A_1748, %get3A_1760 : vector<16xf32>
      scf.yield %add3A_1754, %add3A_1761 : vector<16xf32>, vector<16xf32>
    }
    %scan3A_215 = arith.constant 32 : i32
    %mul3A_216 = arith.constant 3.125000e-02 : f32
    %mul3A_217 = vector.broadcast %mul3A_216 : f32 to vector<16xf32>
    %mul3A_218 = arith.mulf %scan3A_214#0, %mul3A_217 : vector<16xf32>
    %swap3A_219 = arith.constant 0 : i32
    %swap3A_220 = arith.index_cast %swap3A_219 : i32 to index
    %swap3A_221 = arith.constant 80 : index
    %swap3A_222 = tpu.vector_load %arg10[%swap3A_220, %swap3A_221] {strides = array<i32>} : memref<8x128xf32, #tpu.memory_space<vmem>>, vector<1x16xf32>,
    %swap3A_223 = vector.shape_cast %swap3A_222 : vector<1x16xf32> to vector<16xf32>
    %swap3A_224 = vector.shape_cast %mul3A_218 : vector<16xf32> to vector<1x16xf32>
    tpu.vector_store %arg10[%swap3A_220, %swap3A_221], %swap3A_224 {strides = array<i32>} : memref<8x128xf32, #tpu.memory_space<vmem>>, vector<1x16xf32>,
    %mul3A_225 = arith.constant 3.125000e-02 : f32
    %mul3A_226 = vector.broadcast %mul3A_225 : f32 to vector<16xf32>
    %mul3A_227 = arith.mulf %scan3A_214#1, %mul3A_226 : vector<16xf32>
    %swap3A_228 = arith.constant 0 : i32
    %swap3A_229 = arith.index_cast %swap3A_228 : i32 to index
    %swap3A_230 = arith.constant 80 : index
    %swap3A_231 = tpu.vector_load %arg11[%swap3A_229, %swap3A_230] {strides = array<i32>} : memref<8x128xf32, #tpu.memory_space<vmem>>, vector<1x16xf32>,
    %swap3A_232 = vector.shape_cast %swap3A_231 : vector<1x16xf32> to vector<16xf32>
    %swap3A_233 = vector.shape_cast %mul3A_227 : vector<16xf32> to vector<1x16xf32>
    tpu.vector_store %arg11[%swap3A_229, %swap3A_230], %swap3A_233 {strides = array<i32>} : memref<8x128xf32, #tpu.memory_space<vmem>>, vector<1x16xf32>,
    %broadcast_in_dim3A_234 = arith.constant 0.000000e+00 : f32
    %broadcast_in_dim3A_235 = vector.broadcast %broadcast_in_dim3A_234 : f32 to vector<16xf32>
    %scan3A_236 = arith.constant 0 : i32
    %scan3A_237 = arith.constant 32 : i32
    %scan3A_238 = arith.addi %scan3A_236, %scan3A_237 : i32
    %scan3A_239 = arith.constant 1 : i32
    %scan3A_240:2 = scf.for %scan3A_1746 = %scan3A_236 to %scan3A_238 step %scan3A_239 iter_args(%scan3A_1747 = %broadcast_in_dim3A_235, %scan3A_1748 = %broadcast_in_dim3A_235) -> (vector<16xf32>, vector<16xf32>)  : i32 {
      %add3A_1749 = arith.constant 0 : i32
      %add3A_1750 = arith.addi %add3A_1749, %scan3A_1746 : i32
      %get3A = arith.index_cast %add3A_1750 : i32 to index
      %get3A_1751 = arith.constant 96 : index
      %get3A_1752 = tpu.vector_load %arg8[%get3A, %get3A_1751] {strides = array<i32>} : memref<256x128xf32, #tpu.memory_space<vmem>>, vector<1x16xf32>,
      %get3A_1753 = vector.shape_cast %get3A_1752 : vector<1x16xf32> to vector<16xf32>
      %add3A_1754 = arith.addf %scan3A_1747, %get3A_1753 : vector<16xf32>
      %add3A_1755 = arith.constant 0 : i32
      %add3A_1756 = arith.addi %add3A_1755, %scan3A_1746 : i32
      %get3A_1757 = arith.index_cast %add3A_1756 : i32 to index
      %get3A_1758 = arith.constant 96 : index
      %get3A_1759 = tpu.vector_load %arg9[%get3A_1757, %get3A_1758] {strides = array<i32>} : memref<256x128xf32, #tpu.memory_space<vmem>>, vector<1x16xf32>,
      %get3A_1760 = vector.shape_cast %get3A_1759 : vector<1x16xf32> to vector<16xf32>
      %add3A_1761 = arith.addf %scan3A_1748, %get3A_1760 : vector<16xf32>
      scf.yield %add3A_1754, %add3A_1761 : vector<16xf32>, vector<16xf32>
    }
    %scan3A_241 = arith.constant 32 : i32
    %mul3A_242 = arith.constant 3.125000e-02 : f32
    %mul3A_243 = vector.broadcast %mul3A_242 : f32 to vector<16xf32>
    %mul3A_244 = arith.mulf %scan3A_240#0, %mul3A_243 : vector<16xf32>
    %swap3A_245 = arith.constant 0 : i32
    %swap3A_246 = arith.index_cast %swap3A_245 : i32 to index
    %swap3A_247 = arith.constant 96 : index
    %swap3A_248 = tpu.vector_load %arg10[%swap3A_246, %swap3A_247] {strides = array<i32>} : memref<8x128xf32, #tpu.memory_space<vmem>>, vector<1x16xf32>,
    %swap3A_249 = vector.shape_cast %swap3A_248 : vector<1x16xf32> to vector<16xf32>
    %swap3A_250 = vector.shape_cast %mul3A_244 : vector<16xf32> to vector<1x16xf32>
    tpu.vector_store %arg10[%swap3A_246, %swap3A_247], %swap3A_250 {strides = array<i32>} : memref<8x128xf32, #tpu.memory_space<vmem>>, vector<1x16xf32>,
    %mul3A_251 = arith.constant 3.125000e-02 : f32
    %mul3A_252 = vector.broadcast %mul3A_251 : f32 to vector<16xf32>
    %mul3A_253 = arith.mulf %scan3A_240#1, %mul3A_252 : vector<16xf32>
    %swap3A_254 = arith.constant 0 : i32
    %swap3A_255 = arith.index_cast %swap3A_254 : i32 to index
    %swap3A_256 = arith.constant 96 : index
    %swap3A_257 = tpu.vector_load %arg11[%swap3A_255, %swap3A_256] {strides = array<i32>} : memref<8x128xf32, #tpu.memory_space<vmem>>, vector<1x16xf32>,
    %swap3A_258 = vector.shape_cast %swap3A_257 : vector<1x16xf32> to vector<16xf32>
    %swap3A_259 = vector.shape_cast %mul3A_253 : vector<16xf32> to vector<1x16xf32>
    tpu.vector_store %arg11[%swap3A_255, %swap3A_256], %swap3A_259 {strides = array<i32>} : memref<8x128xf32, #tpu.memory_space<vmem>>, vector<1x16xf32>,
    %broadcast_in_dim3A_260 = arith.constant 0.000000e+00 : f32
    %broadcast_in_dim3A_261 = vector.broadcast %broadcast_in_dim3A_260 : f32 to vector<16xf32>
    %scan3A_262 = arith.constant 0 : i32
    %scan3A_263 = arith.constant 32 : i32
    %scan3A_264 = arith.addi %scan3A_262, %scan3A_263 : i32
    %scan3A_265 = arith.constant 1 : i32
    %scan3A_266:2 = scf.for %scan3A_1746 = %scan3A_262 to %scan3A_264 step %scan3A_265 iter_args(%scan3A_1747 = %broadcast_in_dim3A_261, %scan3A_1748 = %broadcast_in_dim3A_261) -> (vector<16xf32>, vector<16xf32>)  : i32 {
      %add3A_1749 = arith.constant 0 : i32
      %add3A_1750 = arith.addi %add3A_1749, %scan3A_1746 : i32
      %get3A = arith.index_cast %add3A_1750 : i32 to index
      %get3A_1751 = arith.constant 112 : index
      %get3A_1752 = tpu.vector_load %arg8[%get3A, %get3A_1751] {strides = array<i32>} : memref<256x128xf32, #tpu.memory_space<vmem>>, vector<1x16xf32>,
      %get3A_1753 = vector.shape_cast %get3A_1752 : vector<1x16xf32> to vector<16xf32>
      %add3A_1754 = arith.addf %scan3A_1747, %get3A_1753 : vector<16xf32>
      %add3A_1755 = arith.constant 0 : i32
      %add3A_1756 = arith.addi %add3A_1755, %scan3A_1746 : i32
      %get3A_1757 = arith.index_cast %add3A_1756 : i32 to index
      %get3A_1758 = arith.constant 112 : index
      %get3A_1759 = tpu.vector_load %arg9[%get3A_1757, %get3A_1758] {strides = array<i32>} : memref<256x128xf32, #tpu.memory_space<vmem>>, vector<1x16xf32>,
      %get3A_1760 = vector.shape_cast %get3A_1759 : vector<1x16xf32> to vector<16xf32>
      %add3A_1761 = arith.addf %scan3A_1748, %get3A_1760 : vector<16xf32>
      scf.yield %add3A_1754, %add3A_1761 : vector<16xf32>, vector<16xf32>
    }
    %scan3A_267 = arith.constant 32 : i32
    %mul3A_268 = arith.constant 3.125000e-02 : f32
    %mul3A_269 = vector.broadcast %mul3A_268 : f32 to vector<16xf32>
    %mul3A_270 = arith.mulf %scan3A_266#0, %mul3A_269 : vector<16xf32>
    %swap3A_271 = arith.constant 0 : i32
    %swap3A_272 = arith.index_cast %swap3A_271 : i32 to index
    %swap3A_273 = arith.constant 112 : index
    %swap3A_274 = tpu.vector_load %arg10[%swap3A_272, %swap3A_273] {strides = array<i32>} : memref<8x128xf32, #tpu.memory_space<vmem>>, vector<1x16xf32>,
    %swap3A_275 = vector.shape_cast %swap3A_274 : vector<1x16xf32> to vector<16xf32>
    %swap3A_276 = vector.shape_cast %mul3A_270 : vector<16xf32> to vector<1x16xf32>
    tpu.vector_store %arg10[%swap3A_272, %swap3A_273], %swap3A_276 {strides = array<i32>} : memref<8x128xf32, #tpu.memory_space<vmem>>, vector<1x16xf32>,
    %mul3A_277 = arith.constant 3.125000e-02 : f32
    %mul3A_278 = vector.broadcast %mul3A_277 : f32 to vector<16xf32>
    %mul3A_279 = arith.mulf %scan3A_266#1, %mul3A_278 : vector<16xf32>
    %swap3A_280 = arith.constant 0 : i32
    %swap3A_281 = arith.index_cast %swap3A_280 : i32 to index
    %swap3A_282 = arith.constant 112 : index
    %swap3A_283 = tpu.vector_load %arg11[%swap3A_281, %swap3A_282] {strides = array<i32>} : memref<8x128xf32, #tpu.memory_space<vmem>>, vector<1x16xf32>,
    %swap3A_284 = vector.shape_cast %swap3A_283 : vector<1x16xf32> to vector<16xf32>
    %swap3A_285 = vector.shape_cast %mul3A_279 : vector<16xf32> to vector<1x16xf32>
    tpu.vector_store %arg11[%swap3A_281, %swap3A_282], %swap3A_285 {strides = array<i32>} : memref<8x128xf32, #tpu.memory_space<vmem>>, vector<1x16xf32>,
    %broadcast_in_dim3A_286 = arith.constant 0.000000e+00 : f32
    %broadcast_in_dim3A_287 = vector.broadcast %broadcast_in_dim3A_286 : f32 to vector<16xf32>
    %scan3A_288 = arith.constant 0 : i32
    %scan3A_289 = arith.constant 32 : i32
    %scan3A_290 = arith.addi %scan3A_288, %scan3A_289 : i32
    %scan3A_291 = arith.constant 1 : i32
    %scan3A_292:2 = scf.for %scan3A_1746 = %scan3A_288 to %scan3A_290 step %scan3A_291 iter_args(%scan3A_1747 = %broadcast_in_dim3A_287, %scan3A_1748 = %broadcast_in_dim3A_287) -> (vector<16xf32>, vector<16xf32>)  : i32 {
      %add3A_1749 = arith.constant 32 : i32
      %add3A_1750 = arith.addi %add3A_1749, %scan3A_1746 : i32
      %get3A = arith.index_cast %add3A_1750 : i32 to index
      %get3A_1751 = arith.constant 0 : index
      %get3A_1752 = tpu.vector_load %arg8[%get3A, %get3A_1751] {strides = array<i32>} : memref<256x128xf32, #tpu.memory_space<vmem>>, vector<1x16xf32>,
      %get3A_1753 = vector.shape_cast %get3A_1752 : vector<1x16xf32> to vector<16xf32>
      %add3A_1754 = arith.addf %scan3A_1747, %get3A_1753 : vector<16xf32>
      %add3A_1755 = arith.constant 32 : i32
      %add3A_1756 = arith.addi %add3A_1755, %scan3A_1746 : i32
      %get3A_1757 = arith.index_cast %add3A_1756 : i32 to index
      %get3A_1758 = arith.constant 0 : index
      %get3A_1759 = tpu.vector_load %arg9[%get3A_1757, %get3A_1758] {strides = array<i32>} : memref<256x128xf32, #tpu.memory_space<vmem>>, vector<1x16xf32>,
      %get3A_1760 = vector.shape_cast %get3A_1759 : vector<1x16xf32> to vector<16xf32>
      %add3A_1761 = arith.addf %scan3A_1748, %get3A_1760 : vector<16xf32>
      scf.yield %add3A_1754, %add3A_1761 : vector<16xf32>, vector<16xf32>
    }
    %scan3A_293 = arith.constant 32 : i32
    %mul3A_294 = arith.constant 3.125000e-02 : f32
    %mul3A_295 = vector.broadcast %mul3A_294 : f32 to vector<16xf32>
    %mul3A_296 = arith.mulf %scan3A_292#0, %mul3A_295 : vector<16xf32>
    %swap3A_297 = arith.constant 1 : i32
    %swap3A_298 = arith.index_cast %swap3A_297 : i32 to index
    %swap3A_299 = arith.constant 0 : index
    %swap3A_300 = tpu.vector_load %arg10[%swap3A_298, %swap3A_299] {strides = array<i32>} : memref<8x128xf32, #tpu.memory_space<vmem>>, vector<1x16xf32>,
    %swap3A_301 = vector.shape_cast %swap3A_300 : vector<1x16xf32> to vector<16xf32>
    %swap3A_302 = vector.shape_cast %mul3A_296 : vector<16xf32> to vector<1x16xf32>
    tpu.vector_store %arg10[%swap3A_298, %swap3A_299], %swap3A_302 {strides = array<i32>} : memref<8x128xf32, #tpu.memory_space<vmem>>, vector<1x16xf32>,
    %mul3A_303 = arith.constant 3.125000e-02 : f32
    %mul3A_304 = vector.broadcast %mul3A_303 : f32 to vector<16xf32>
    %mul3A_305 = arith.mulf %scan3A_292#1, %mul3A_304 : vector<16xf32>
    %swap3A_306 = arith.constant 1 : i32
    %swap3A_307 = arith.index_cast %swap3A_306 : i32 to index
    %swap3A_308 = arith.constant 0 : index
    %swap3A_309 = tpu.vector_load %arg11[%swap3A_307, %swap3A_308] {strides = array<i32>} : memref<8x128xf32, #tpu.memory_space<vmem>>, vector<1x16xf32>,
    %swap3A_310 = vector.shape_cast %swap3A_309 : vector<1x16xf32> to vector<16xf32>
    %swap3A_311 = vector.shape_cast %mul3A_305 : vector<16xf32> to vector<1x16xf32>
    tpu.vector_store %arg11[%swap3A_307, %swap3A_308], %swap3A_311 {strides = array<i32>} : memref<8x128xf32, #tpu.memory_space<vmem>>, vector<1x16xf32>,
    %broadcast_in_dim3A_312 = arith.constant 0.000000e+00 : f32
    %broadcast_in_dim3A_313 = vector.broadcast %broadcast_in_dim3A_312 : f32 to vector<16xf32>
    %scan3A_314 = arith.constant 0 : i32
    %scan3A_315 = arith.constant 32 : i32
    %scan3A_316 = arith.addi %scan3A_314, %scan3A_315 : i32
    %scan3A_317 = arith.constant 1 : i32
    %scan3A_318:2 = scf.for %scan3A_1746 = %scan3A_314 to %scan3A_316 step %scan3A_317 iter_args(%scan3A_1747 = %broadcast_in_dim3A_313, %scan3A_1748 = %broadcast_in_dim3A_313) -> (vector<16xf32>, vector<16xf32>)  : i32 {
      %add3A_1749 = arith.constant 32 : i32
      %add3A_1750 = arith.addi %add3A_1749, %scan3A_1746 : i32
      %get3A = arith.index_cast %add3A_1750 : i32 to index
      %get3A_1751 = arith.constant 16 : index
      %get3A_1752 = tpu.vector_load %arg8[%get3A, %get3A_1751] {strides = array<i32>} : memref<256x128xf32, #tpu.memory_space<vmem>>, vector<1x16xf32>,
      %get3A_1753 = vector.shape_cast %get3A_1752 : vector<1x16xf32> to vector<16xf32>
      %add3A_1754 = arith.addf %scan3A_1747, %get3A_1753 : vector<16xf32>
      %add3A_1755 = arith.constant 32 : i32
      %add3A_1756 = arith.addi %add3A_1755, %scan3A_1746 : i32
      %get3A_1757 = arith.index_cast %add3A_1756 : i32 to index
      %get3A_1758 = arith.constant 16 : index
      %get3A_1759 = tpu.vector_load %arg9[%get3A_1757, %get3A_1758] {strides = array<i32>} : memref<256x128xf32, #tpu.memory_space<vmem>>, vector<1x16xf32>,
      %get3A_1760 = vector.shape_cast %get3A_1759 : vector<1x16xf32> to vector<16xf32>
      %add3A_1761 = arith.addf %scan3A_1748, %get3A_1760 : vector<16xf32>
      scf.yield %add3A_1754, %add3A_1761 : vector<16xf32>, vector<16xf32>
    }
    %scan3A_319 = arith.constant 32 : i32
    %mul3A_320 = arith.constant 3.125000e-02 : f32
    %mul3A_321 = vector.broadcast %mul3A_320 : f32 to vector<16xf32>
    %mul3A_322 = arith.mulf %scan3A_318#0, %mul3A_321 : vector<16xf32>
    %swap3A_323 = arith.constant 1 : i32
    %swap3A_324 = arith.index_cast %swap3A_323 : i32 to index
    %swap3A_325 = arith.constant 16 : index
    %swap3A_326 = tpu.vector_load %arg10[%swap3A_324, %swap3A_325] {strides = array<i32>} : memref<8x128xf32, #tpu.memory_space<vmem>>, vector<1x16xf32>,
    %swap3A_327 = vector.shape_cast %swap3A_326 : vector<1x16xf32> to vector<16xf32>
    %swap3A_328 = vector.shape_cast %mul3A_322 : vector<16xf32> to vector<1x16xf32>
    tpu.vector_store %arg10[%swap3A_324, %swap3A_325], %swap3A_328 {strides = array<i32>} : memref<8x128xf32, #tpu.memory_space<vmem>>, vector<1x16xf32>,
    %mul3A_329 = arith.constant 3.125000e-02 : f32
    %mul3A_330 = vector.broadcast %mul3A_329 : f32 to vector<16xf32>
    %mul3A_331 = arith.mulf %scan3A_318#1, %mul3A_330 : vector<16xf32>
    %swap3A_332 = arith.constant 1 : i32
    %swap3A_333 = arith.index_cast %swap3A_332 : i32 to index
    %swap3A_334 = arith.constant 16 : index
    %swap3A_335 = tpu.vector_load %arg11[%swap3A_333, %swap3A_334] {strides = array<i32>} : memref<8x128xf32, #tpu.memory_space<vmem>>, vector<1x16xf32>,
    %swap3A_336 = vector.shape_cast %swap3A_335 : vector<1x16xf32> to vector<16xf32>
    %swap3A_337 = vector.shape_cast %mul3A_331 : vector<16xf32> to vector<1x16xf32>
    tpu.vector_store %arg11[%swap3A_333, %swap3A_334], %swap3A_337 {strides = array<i32>} : memref<8x128xf32, #tpu.memory_space<vmem>>, vector<1x16xf32>,
    %broadcast_in_dim3A_338 = arith.constant 0.000000e+00 : f32
    %broadcast_in_dim3A_339 = vector.broadcast %broadcast_in_dim3A_338 : f32 to vector<16xf32>
    %scan3A_340 = arith.constant 0 : i32
    %scan3A_341 = arith.constant 32 : i32
    %scan3A_342 = arith.addi %scan3A_340, %scan3A_341 : i32
    %scan3A_343 = arith.constant 1 : i32
    %scan3A_344:2 = scf.for %scan3A_1746 = %scan3A_340 to %scan3A_342 step %scan3A_343 iter_args(%scan3A_1747 = %broadcast_in_dim3A_339, %scan3A_1748 = %broadcast_in_dim3A_339) -> (vector<16xf32>, vector<16xf32>)  : i32 {
      %add3A_1749 = arith.constant 32 : i32
      %add3A_1750 = arith.addi %add3A_1749, %scan3A_1746 : i32
      %get3A = arith.index_cast %add3A_1750 : i32 to index
      %get3A_1751 = arith.constant 32 : index
      %get3A_1752 = tpu.vector_load %arg8[%get3A, %get3A_1751] {strides = array<i32>} : memref<256x128xf32, #tpu.memory_space<vmem>>, vector<1x16xf32>,
      %get3A_1753 = vector.shape_cast %get3A_1752 : vector<1x16xf32> to vector<16xf32>
      %add3A_1754 = arith.addf %scan3A_1747, %get3A_1753 : vector<16xf32>
      %add3A_1755 = arith.constant 32 : i32
      %add3A_1756 = arith.addi %add3A_1755, %scan3A_1746 : i32
      %get3A_1757 = arith.index_cast %add3A_1756 : i32 to index
      %get3A_1758 = arith.constant 32 : index
      %get3A_1759 = tpu.vector_load %arg9[%get3A_1757, %get3A_1758] {strides = array<i32>} : memref<256x128xf32, #tpu.memory_space<vmem>>, vector<1x16xf32>,
      %get3A_1760 = vector.shape_cast %get3A_1759 : vector<1x16xf32> to vector<16xf32>
      %add3A_1761 = arith.addf %scan3A_1748, %get3A_1760 : vector<16xf32>
      scf.yield %add3A_1754, %add3A_1761 : vector<16xf32>, vector<16xf32>
    }
    %scan3A_345 = arith.constant 32 : i32
    %mul3A_346 = arith.constant 3.125000e-02 : f32
    %mul3A_347 = vector.broadcast %mul3A_346 : f32 to vector<16xf32>
    %mul3A_348 = arith.mulf %scan3A_344#0, %mul3A_347 : vector<16xf32>
    %swap3A_349 = arith.constant 1 : i32
    %swap3A_350 = arith.index_cast %swap3A_349 : i32 to index
    %swap3A_351 = arith.constant 32 : index
    %swap3A_352 = tpu.vector_load %arg10[%swap3A_350, %swap3A_351] {strides = array<i32>} : memref<8x128xf32, #tpu.memory_space<vmem>>, vector<1x16xf32>,
    %swap3A_353 = vector.shape_cast %swap3A_352 : vector<1x16xf32> to vector<16xf32>
    %swap3A_354 = vector.shape_cast %mul3A_348 : vector<16xf32> to vector<1x16xf32>
    tpu.vector_store %arg10[%swap3A_350, %swap3A_351], %swap3A_354 {strides = array<i32>} : memref<8x128xf32, #tpu.memory_space<vmem>>, vector<1x16xf32>,
    %mul3A_355 = arith.constant 3.125000e-02 : f32
    %mul3A_356 = vector.broadcast %mul3A_355 : f32 to vector<16xf32>
    %mul3A_357 = arith.mulf %scan3A_344#1, %mul3A_356 : vector<16xf32>
    %swap3A_358 = arith.constant 1 : i32
    %swap3A_359 = arith.index_cast %swap3A_358 : i32 to index
    %swap3A_360 = arith.constant 32 : index
    %swap3A_361 = tpu.vector_load %arg11[%swap3A_359, %swap3A_360] {strides = array<i32>} : memref<8x128xf32, #tpu.memory_space<vmem>>, vector<1x16xf32>,
    %swap3A_362 = vector.shape_cast %swap3A_361 : vector<1x16xf32> to vector<16xf32>
    %swap3A_363 = vector.shape_cast %mul3A_357 : vector<16xf32> to vector<1x16xf32>
    tpu.vector_store %arg11[%swap3A_359, %swap3A_360], %swap3A_363 {strides = array<i32>} : memref<8x128xf32, #tpu.memory_space<vmem>>, vector<1x16xf32>,
    %broadcast_in_dim3A_364 = arith.constant 0.000000e+00 : f32
    %broadcast_in_dim3A_365 = vector.broadcast %broadcast_in_dim3A_364 : f32 to vector<16xf32>
    %scan3A_366 = arith.constant 0 : i32
    %scan3A_367 = arith.constant 32 : i32
    %scan3A_368 = arith.addi %scan3A_366, %scan3A_367 : i32
    %scan3A_369 = arith.constant 1 : i32
    %scan3A_370:2 = scf.for %scan3A_1746 = %scan3A_366 to %scan3A_368 step %scan3A_369 iter_args(%scan3A_1747 = %broadcast_in_dim3A_365, %scan3A_1748 = %broadcast_in_dim3A_365) -> (vector<16xf32>, vector<16xf32>)  : i32 {
      %add3A_1749 = arith.constant 32 : i32
      %add3A_1750 = arith.addi %add3A_1749, %scan3A_1746 : i32
      %get3A = arith.index_cast %add3A_1750 : i32 to index
      %get3A_1751 = arith.constant 48 : index
      %get3A_1752 = tpu.vector_load %arg8[%get3A, %get3A_1751] {strides = array<i32>} : memref<256x128xf32, #tpu.memory_space<vmem>>, vector<1x16xf32>,
      %get3A_1753 = vector.shape_cast %get3A_1752 : vector<1x16xf32> to vector<16xf32>
      %add3A_1754 = arith.addf %scan3A_1747, %get3A_1753 : vector<16xf32>
      %add3A_1755 = arith.constant 32 : i32
      %add3A_1756 = arith.addi %add3A_1755, %scan3A_1746 : i32
      %get3A_1757 = arith.index_cast %add3A_1756 : i32 to index
      %get3A_1758 = arith.constant 48 : index
      %get3A_1759 = tpu.vector_load %arg9[%get3A_1757, %get3A_1758] {strides = array<i32>} : memref<256x128xf32, #tpu.memory_space<vmem>>, vector<1x16xf32>,
      %get3A_1760 = vector.shape_cast %get3A_1759 : vector<1x16xf32> to vector<16xf32>
      %add3A_1761 = arith.addf %scan3A_1748, %get3A_1760 : vector<16xf32>
      scf.yield %add3A_1754, %add3A_1761 : vector<16xf32>, vector<16xf32>
    }
    %scan3A_371 = arith.constant 32 : i32
    %mul3A_372 = arith.constant 3.125000e-02 : f32
    %mul3A_373 = vector.broadcast %mul3A_372 : f32 to vector<16xf32>
    %mul3A_374 = arith.mulf %scan3A_370#0, %mul3A_373 : vector<16xf32>
    %swap3A_375 = arith.constant 1 : i32
    %swap3A_376 = arith.index_cast %swap3A_375 : i32 to index
    %swap3A_377 = arith.constant 48 : index
    %swap3A_378 = tpu.vector_load %arg10[%swap3A_376, %swap3A_377] {strides = array<i32>} : memref<8x128xf32, #tpu.memory_space<vmem>>, vector<1x16xf32>,
    %swap3A_379 = vector.shape_cast %swap3A_378 : vector<1x16xf32> to vector<16xf32>
    %swap3A_380 = vector.shape_cast %mul3A_374 : vector<16xf32> to vector<1x16xf32>
    tpu.vector_store %arg10[%swap3A_376, %swap3A_377], %swap3A_380 {strides = array<i32>} : memref<8x128xf32, #tpu.memory_space<vmem>>, vector<1x16xf32>,
    %mul3A_381 = arith.constant 3.125000e-02 : f32
    %mul3A_382 = vector.broadcast %mul3A_381 : f32 to vector<16xf32>
    %mul3A_383 = arith.mulf %scan3A_370#1, %mul3A_382 : vector<16xf32>
    %swap3A_384 = arith.constant 1 : i32
    %swap3A_385 = arith.index_cast %swap3A_384 : i32 to index
    %swap3A_386 = arith.constant 48 : index
    %swap3A_387 = tpu.vector_load %arg11[%swap3A_385, %swap3A_386] {strides = array<i32>} : memref<8x128xf32, #tpu.memory_space<vmem>>, vector<1x16xf32>,
    %swap3A_388 = vector.shape_cast %swap3A_387 : vector<1x16xf32> to vector<16xf32>
    %swap3A_389 = vector.shape_cast %mul3A_383 : vector<16xf32> to vector<1x16xf32>
    tpu.vector_store %arg11[%swap3A_385, %swap3A_386], %swap3A_389 {strides = array<i32>} : memref<8x128xf32, #tpu.memory_space<vmem>>, vector<1x16xf32>,
    %broadcast_in_dim3A_390 = arith.constant 0.000000e+00 : f32
    %broadcast_in_dim3A_391 = vector.broadcast %broadcast_in_dim3A_390 : f32 to vector<16xf32>
    %scan3A_392 = arith.constant 0 : i32
    %scan3A_393 = arith.constant 32 : i32
    %scan3A_394 = arith.addi %scan3A_392, %scan3A_393 : i32
    %scan3A_395 = arith.constant 1 : i32
    %scan3A_396:2 = scf.for %scan3A_1746 = %scan3A_392 to %scan3A_394 step %scan3A_395 iter_args(%scan3A_1747 = %broadcast_in_dim3A_391, %scan3A_1748 = %broadcast_in_dim3A_391) -> (vector<16xf32>, vector<16xf32>)  : i32 {
      %add3A_1749 = arith.constant 32 : i32
      %add3A_1750 = arith.addi %add3A_1749, %scan3A_1746 : i32
      %get3A = arith.index_cast %add3A_1750 : i32 to index
      %get3A_1751 = arith.constant 64 : index
      %get3A_1752 = tpu.vector_load %arg8[%get3A, %get3A_1751] {strides = array<i32>} : memref<256x128xf32, #tpu.memory_space<vmem>>, vector<1x16xf32>,
      %get3A_1753 = vector.shape_cast %get3A_1752 : vector<1x16xf32> to vector<16xf32>
      %add3A_1754 = arith.addf %scan3A_1747, %get3A_1753 : vector<16xf32>
      %add3A_1755 = arith.constant 32 : i32
      %add3A_1756 = arith.addi %add3A_1755, %scan3A_1746 : i32
      %get3A_1757 = arith.index_cast %add3A_1756 : i32 to index
      %get3A_1758 = arith.constant 64 : index
      %get3A_1759 = tpu.vector_load %arg9[%get3A_1757, %get3A_1758] {strides = array<i32>} : memref<256x128xf32, #tpu.memory_space<vmem>>, vector<1x16xf32>,
      %get3A_1760 = vector.shape_cast %get3A_1759 : vector<1x16xf32> to vector<16xf32>
      %add3A_1761 = arith.addf %scan3A_1748, %get3A_1760 : vector<16xf32>
      scf.yield %add3A_1754, %add3A_1761 : vector<16xf32>, vector<16xf32>
    }
    %scan3A_397 = arith.constant 32 : i32
    %mul3A_398 = arith.constant 3.125000e-02 : f32
    %mul3A_399 = vector.broadcast %mul3A_398 : f32 to vector<16xf32>
    %mul3A_400 = arith.mulf %scan3A_396#0, %mul3A_399 : vector<16xf32>
    %swap3A_401 = arith.constant 1 : i32
    %swap3A_402 = arith.index_cast %swap3A_401 : i32 to index
    %swap3A_403 = arith.constant 64 : index
    %swap3A_404 = tpu.vector_load %arg10[%swap3A_402, %swap3A_403] {strides = array<i32>} : memref<8x128xf32, #tpu.memory_space<vmem>>, vector<1x16xf32>,
    %swap3A_405 = vector.shape_cast %swap3A_404 : vector<1x16xf32> to vector<16xf32>
    %swap3A_406 = vector.shape_cast %mul3A_400 : vector<16xf32> to vector<1x16xf32>
    tpu.vector_store %arg10[%swap3A_402, %swap3A_403], %swap3A_406 {strides = array<i32>} : memref<8x128xf32, #tpu.memory_space<vmem>>, vector<1x16xf32>,
    %mul3A_407 = arith.constant 3.125000e-02 : f32
    %mul3A_408 = vector.broadcast %mul3A_407 : f32 to vector<16xf32>
    %mul3A_409 = arith.mulf %scan3A_396#1, %mul3A_408 : vector<16xf32>
    %swap3A_410 = arith.constant 1 : i32
    %swap3A_411 = arith.index_cast %swap3A_410 : i32 to index
    %swap3A_412 = arith.constant 64 : index
    %swap3A_413 = tpu.vector_load %arg11[%swap3A_411, %swap3A_412] {strides = array<i32>} : memref<8x128xf32, #tpu.memory_space<vmem>>, vector<1x16xf32>,
    %swap3A_414 = vector.shape_cast %swap3A_413 : vector<1x16xf32> to vector<16xf32>
    %swap3A_415 = vector.shape_cast %mul3A_409 : vector<16xf32> to vector<1x16xf32>
    tpu.vector_store %arg11[%swap3A_411, %swap3A_412], %swap3A_415 {strides = array<i32>} : memref<8x128xf32, #tpu.memory_space<vmem>>, vector<1x16xf32>,
    %broadcast_in_dim3A_416 = arith.constant 0.000000e+00 : f32
    %broadcast_in_dim3A_417 = vector.broadcast %broadcast_in_dim3A_416 : f32 to vector<16xf32>
    %scan3A_418 = arith.constant 0 : i32
    %scan3A_419 = arith.constant 32 : i32
    %scan3A_420 = arith.addi %scan3A_418, %scan3A_419 : i32
    %scan3A_421 = arith.constant 1 : i32
    %scan3A_422:2 = scf.for %scan3A_1746 = %scan3A_418 to %scan3A_420 step %scan3A_421 iter_args(%scan3A_1747 = %broadcast_in_dim3A_417, %scan3A_1748 = %broadcast_in_dim3A_417) -> (vector<16xf32>, vector<16xf32>)  : i32 {
      %add3A_1749 = arith.constant 32 : i32
      %add3A_1750 = arith.addi %add3A_1749, %scan3A_1746 : i32
      %get3A = arith.index_cast %add3A_1750 : i32 to index
      %get3A_1751 = arith.constant 80 : index
      %get3A_1752 = tpu.vector_load %arg8[%get3A, %get3A_1751] {strides = array<i32>} : memref<256x128xf32, #tpu.memory_space<vmem>>, vector<1x16xf32>,
      %get3A_1753 = vector.shape_cast %get3A_1752 : vector<1x16xf32> to vector<16xf32>
      %add3A_1754 = arith.addf %scan3A_1747, %get3A_1753 : vector<16xf32>
      %add3A_1755 = arith.constant 32 : i32
      %add3A_1756 = arith.addi %add3A_1755, %scan3A_1746 : i32
      %get3A_1757 = arith.index_cast %add3A_1756 : i32 to index
      %get3A_1758 = arith.constant 80 : index
      %get3A_1759 = tpu.vector_load %arg9[%get3A_1757, %get3A_1758] {strides = array<i32>} : memref<256x128xf32, #tpu.memory_space<vmem>>, vector<1x16xf32>,
      %get3A_1760 = vector.shape_cast %get3A_1759 : vector<1x16xf32> to vector<16xf32>
      %add3A_1761 = arith.addf %scan3A_1748, %get3A_1760 : vector<16xf32>
      scf.yield %add3A_1754, %add3A_1761 : vector<16xf32>, vector<16xf32>
    }
    %scan3A_423 = arith.constant 32 : i32
    %mul3A_424 = arith.constant 3.125000e-02 : f32
    %mul3A_425 = vector.broadcast %mul3A_424 : f32 to vector<16xf32>
    %mul3A_426 = arith.mulf %scan3A_422#0, %mul3A_425 : vector<16xf32>
    %swap3A_427 = arith.constant 1 : i32
    %swap3A_428 = arith.index_cast %swap3A_427 : i32 to index
    %swap3A_429 = arith.constant 80 : index
    %swap3A_430 = tpu.vector_load %arg10[%swap3A_428, %swap3A_429] {strides = array<i32>} : memref<8x128xf32, #tpu.memory_space<vmem>>, vector<1x16xf32>,
    %swap3A_431 = vector.shape_cast %swap3A_430 : vector<1x16xf32> to vector<16xf32>
    %swap3A_432 = vector.shape_cast %mul3A_426 : vector<16xf32> to vector<1x16xf32>
    tpu.vector_store %arg10[%swap3A_428, %swap3A_429], %swap3A_432 {strides = array<i32>} : memref<8x128xf32, #tpu.memory_space<vmem>>, vector<1x16xf32>,
    %mul3A_433 = arith.constant 3.125000e-02 : f32
    %mul3A_434 = vector.broadcast %mul3A_433 : f32 to vector<16xf32>
    %mul3A_435 = arith.mulf %scan3A_422#1, %mul3A_434 : vector<16xf32>
    %swap3A_436 = arith.constant 1 : i32
    %swap3A_437 = arith.index_cast %swap3A_436 : i32 to index
    %swap3A_438 = arith.constant 80 : index
    %swap3A_439 = tpu.vector_load %arg11[%swap3A_437, %swap3A_438] {strides = array<i32>} : memref<8x128xf32, #tpu.memory_space<vmem>>, vector<1x16xf32>,
    %swap3A_440 = vector.shape_cast %swap3A_439 : vector<1x16xf32> to vector<16xf32>
    %swap3A_441 = vector.shape_cast %mul3A_435 : vector<16xf32> to vector<1x16xf32>
    tpu.vector_store %arg11[%swap3A_437, %swap3A_438], %swap3A_441 {strides = array<i32>} : memref<8x128xf32, #tpu.memory_space<vmem>>, vector<1x16xf32>,
    %broadcast_in_dim3A_442 = arith.constant 0.000000e+00 : f32
    %broadcast_in_dim3A_443 = vector.broadcast %broadcast_in_dim3A_442 : f32 to vector<16xf32>
    %scan3A_444 = arith.constant 0 : i32
    %scan3A_445 = arith.constant 32 : i32
    %scan3A_446 = arith.addi %scan3A_444, %scan3A_445 : i32
    %scan3A_447 = arith.constant 1 : i32
    %scan3A_448:2 = scf.for %scan3A_1746 = %scan3A_444 to %scan3A_446 step %scan3A_447 iter_args(%scan3A_1747 = %broadcast_in_dim3A_443, %scan3A_1748 = %broadcast_in_dim3A_443) -> (vector<16xf32>, vector<16xf32>)  : i32 {
      %add3A_1749 = arith.constant 32 : i32
      %add3A_1750 = arith.addi %add3A_1749, %scan3A_1746 : i32
      %get3A = arith.index_cast %add3A_1750 : i32 to index
      %get3A_1751 = arith.constant 96 : index
      %get3A_1752 = tpu.vector_load %arg8[%get3A, %get3A_1751] {strides = array<i32>} : memref<256x128xf32, #tpu.memory_space<vmem>>, vector<1x16xf32>,
      %get3A_1753 = vector.shape_cast %get3A_1752 : vector<1x16xf32> to vector<16xf32>
      %add3A_1754 = arith.addf %scan3A_1747, %get3A_1753 : vector<16xf32>
      %add3A_1755 = arith.constant 32 : i32
      %add3A_1756 = arith.addi %add3A_1755, %scan3A_1746 : i32
      %get3A_1757 = arith.index_cast %add3A_1756 : i32 to index
      %get3A_1758 = arith.constant 96 : index
      %get3A_1759 = tpu.vector_load %arg9[%get3A_1757, %get3A_1758] {strides = array<i32>} : memref<256x128xf32, #tpu.memory_space<vmem>>, vector<1x16xf32>,
      %get3A_1760 = vector.shape_cast %get3A_1759 : vector<1x16xf32> to vector<16xf32>
      %add3A_1761 = arith.addf %scan3A_1748, %get3A_1760 : vector<16xf32>
      scf.yield %add3A_1754, %add3A_1761 : vector<16xf32>, vector<16xf32>
    }
    %scan3A_449 = arith.constant 32 : i32
    %mul3A_450 = arith.constant 3.125000e-02 : f32
    %mul3A_451 = vector.broadcast %mul3A_450 : f32 to vector<16xf32>
    %mul3A_452 = arith.mulf %scan3A_448#0, %mul3A_451 : vector<16xf32>
    %swap3A_453 = arith.constant 1 : i32
    %swap3A_454 = arith.index_cast %swap3A_453 : i32 to index
    %swap3A_455 = arith.constant 96 : index
    %swap3A_456 = tpu.vector_load %arg10[%swap3A_454, %swap3A_455] {strides = array<i32>} : memref<8x128xf32, #tpu.memory_space<vmem>>, vector<1x16xf32>,
    %swap3A_457 = vector.shape_cast %swap3A_456 : vector<1x16xf32> to vector<16xf32>
    %swap3A_458 = vector.shape_cast %mul3A_452 : vector<16xf32> to vector<1x16xf32>
    tpu.vector_store %arg10[%swap3A_454, %swap3A_455], %swap3A_458 {strides = array<i32>} : memref<8x128xf32, #tpu.memory_space<vmem>>, vector<1x16xf32>,
    %mul3A_459 = arith.constant 3.125000e-02 : f32
    %mul3A_460 = vector.broadcast %mul3A_459 : f32 to vector<16xf32>
    %mul3A_461 = arith.mulf %scan3A_448#1, %mul3A_460 : vector<16xf32>
    %swap3A_462 = arith.constant 1 : i32
    %swap3A_463 = arith.index_cast %swap3A_462 : i32 to index
    %swap3A_464 = arith.constant 96 : index
    %swap3A_465 = tpu.vector_load %arg11[%swap3A_463, %swap3A_464] {strides = array<i32>} : memref<8x128xf32, #tpu.memory_space<vmem>>, vector<1x16xf32>,
    %swap3A_466 = vector.shape_cast %swap3A_465 : vector<1x16xf32> to vector<16xf32>
    %swap3A_467 = vector.shape_cast %mul3A_461 : vector<16xf32> to vector<1x16xf32>
    tpu.vector_store %arg11[%swap3A_463, %swap3A_464], %swap3A_467 {strides = array<i32>} : memref<8x128xf32, #tpu.memory_space<vmem>>, vector<1x16xf32>,
    %broadcast_in_dim3A_468 = arith.constant 0.000000e+00 : f32
    %broadcast_in_dim3A_469 = vector.broadcast %broadcast_in_dim3A_468 : f32 to vector<16xf32>
    %scan3A_470 = arith.constant 0 : i32
    %scan3A_471 = arith.constant 32 : i32
    %scan3A_472 = arith.addi %scan3A_470, %scan3A_471 : i32
    %scan3A_473 = arith.constant 1 : i32
    %scan3A_474:2 = scf.for %scan3A_1746 = %scan3A_470 to %scan3A_472 step %scan3A_473 iter_args(%scan3A_1747 = %broadcast_in_dim3A_469, %scan3A_1748 = %broadcast_in_dim3A_469) -> (vector<16xf32>, vector<16xf32>)  : i32 {
      %add3A_1749 = arith.constant 32 : i32
      %add3A_1750 = arith.addi %add3A_1749, %scan3A_1746 : i32
      %get3A = arith.index_cast %add3A_1750 : i32 to index
      %get3A_1751 = arith.constant 112 : index
      %get3A_1752 = tpu.vector_load %arg8[%get3A, %get3A_1751] {strides = array<i32>} : memref<256x128xf32, #tpu.memory_space<vmem>>, vector<1x16xf32>,
      %get3A_1753 = vector.shape_cast %get3A_1752 : vector<1x16xf32> to vector<16xf32>
      %add3A_1754 = arith.addf %scan3A_1747, %get3A_1753 : vector<16xf32>
      %add3A_1755 = arith.constant 32 : i32
      %add3A_1756 = arith.addi %add3A_1755, %scan3A_1746 : i32
      %get3A_1757 = arith.index_cast %add3A_1756 : i32 to index
      %get3A_1758 = arith.constant 112 : index
      %get3A_1759 = tpu.vector_load %arg9[%get3A_1757, %get3A_1758] {strides = array<i32>} : memref<256x128xf32, #tpu.memory_space<vmem>>, vector<1x16xf32>,
      %get3A_1760 = vector.shape_cast %get3A_1759 : vector<1x16xf32> to vector<16xf32>
      %add3A_1761 = arith.addf %scan3A_1748, %get3A_1760 : vector<16xf32>
      scf.yield %add3A_1754, %add3A_1761 : vector<16xf32>, vector<16xf32>
    }
    %scan3A_475 = arith.constant 32 : i32
    %mul3A_476 = arith.constant 3.125000e-02 : f32
    %mul3A_477 = vector.broadcast %mul3A_476 : f32 to vector<16xf32>
    %mul3A_478 = arith.mulf %scan3A_474#0, %mul3A_477 : vector<16xf32>
    %swap3A_479 = arith.constant 1 : i32
    %swap3A_480 = arith.index_cast %swap3A_479 : i32 to index
    %swap3A_481 = arith.constant 112 : index
    %swap3A_482 = tpu.vector_load %arg10[%swap3A_480, %swap3A_481] {strides = array<i32>} : memref<8x128xf32, #tpu.memory_space<vmem>>, vector<1x16xf32>,
    %swap3A_483 = vector.shape_cast %swap3A_482 : vector<1x16xf32> to vector<16xf32>
    %swap3A_484 = vector.shape_cast %mul3A_478 : vector<16xf32> to vector<1x16xf32>
    tpu.vector_store %arg10[%swap3A_480, %swap3A_481], %swap3A_484 {strides = array<i32>} : memref<8x128xf32, #tpu.memory_space<vmem>>, vector<1x16xf32>,
    %mul3A_485 = arith.constant 3.125000e-02 : f32
    %mul3A_486 = vector.broadcast %mul3A_485 : f32 to vector<16xf32>
    %mul3A_487 = arith.mulf %scan3A_474#1, %mul3A_486 : vector<16xf32>
    %swap3A_488 = arith.constant 1 : i32
    %swap3A_489 = arith.index_cast %swap3A_488 : i32 to index
    %swap3A_490 = arith.constant 112 : index
    %swap3A_491 = tpu.vector_load %arg11[%swap3A_489, %swap3A_490] {strides = array<i32>} : memref<8x128xf32, #tpu.memory_space<vmem>>, vector<1x16xf32>,
    %swap3A_492 = vector.shape_cast %swap3A_491 : vector<1x16xf32> to vector<16xf32>
    %swap3A_493 = vector.shape_cast %mul3A_487 : vector<16xf32> to vector<1x16xf32>
    tpu.vector_store %arg11[%swap3A_489, %swap3A_490], %swap3A_493 {strides = array<i32>} : memref<8x128xf32, #tpu.memory_space<vmem>>, vector<1x16xf32>,
    %broadcast_in_dim3A_494 = arith.constant 0.000000e+00 : f32
    %broadcast_in_dim3A_495 = vector.broadcast %broadcast_in_dim3A_494 : f32 to vector<16xf32>
    %scan3A_496 = arith.constant 0 : i32
    %scan3A_497 = arith.constant 32 : i32
    %scan3A_498 = arith.addi %scan3A_496, %scan3A_497 : i32
    %scan3A_499 = arith.constant 1 : i32
    %scan3A_500:2 = scf.for %scan3A_1746 = %scan3A_496 to %scan3A_498 step %scan3A_499 iter_args(%scan3A_1747 = %broadcast_in_dim3A_495, %scan3A_1748 = %broadcast_in_dim3A_495) -> (vector<16xf32>, vector<16xf32>)  : i32 {
      %add3A_1749 = arith.constant 64 : i32
      %add3A_1750 = arith.addi %add3A_1749, %scan3A_1746 : i32
      %get3A = arith.index_cast %add3A_1750 : i32 to index
      %get3A_1751 = arith.constant 0 : index
      %get3A_1752 = tpu.vector_load %arg8[%get3A, %get3A_1751] {strides = array<i32>} : memref<256x128xf32, #tpu.memory_space<vmem>>, vector<1x16xf32>,
      %get3A_1753 = vector.shape_cast %get3A_1752 : vector<1x16xf32> to vector<16xf32>
      %add3A_1754 = arith.addf %scan3A_1747, %get3A_1753 : vector<16xf32>
      %add3A_1755 = arith.constant 64 : i32
      %add3A_1756 = arith.addi %add3A_1755, %scan3A_1746 : i32
      %get3A_1757 = arith.index_cast %add3A_1756 : i32 to index
      %get3A_1758 = arith.constant 0 : index
      %get3A_1759 = tpu.vector_load %arg9[%get3A_1757, %get3A_1758] {strides = array<i32>} : memref<256x128xf32, #tpu.memory_space<vmem>>, vector<1x16xf32>,
      %get3A_1760 = vector.shape_cast %get3A_1759 : vector<1x16xf32> to vector<16xf32>
      %add3A_1761 = arith.addf %scan3A_1748, %get3A_1760 : vector<16xf32>
      scf.yield %add3A_1754, %add3A_1761 : vector<16xf32>, vector<16xf32>
    }
    %scan3A_501 = arith.constant 32 : i32
    %mul3A_502 = arith.constant 3.125000e-02 : f32
    %mul3A_503 = vector.broadcast %mul3A_502 : f32 to vector<16xf32>
    %mul3A_504 = arith.mulf %scan3A_500#0, %mul3A_503 : vector<16xf32>
    %swap3A_505 = arith.constant 2 : i32
    %swap3A_506 = arith.index_cast %swap3A_505 : i32 to index
    %swap3A_507 = arith.constant 0 : index
    %swap3A_508 = tpu.vector_load %arg10[%swap3A_506, %swap3A_507] {strides = array<i32>} : memref<8x128xf32, #tpu.memory_space<vmem>>, vector<1x16xf32>,
    %swap3A_509 = vector.shape_cast %swap3A_508 : vector<1x16xf32> to vector<16xf32>
    %swap3A_510 = vector.shape_cast %mul3A_504 : vector<16xf32> to vector<1x16xf32>
    tpu.vector_store %arg10[%swap3A_506, %swap3A_507], %swap3A_510 {strides = array<i32>} : memref<8x128xf32, #tpu.memory_space<vmem>>, vector<1x16xf32>,
    %mul3A_511 = arith.constant 3.125000e-02 : f32
    %mul3A_512 = vector.broadcast %mul3A_511 : f32 to vector<16xf32>
    %mul3A_513 = arith.mulf %scan3A_500#1, %mul3A_512 : vector<16xf32>
    %swap3A_514 = arith.constant 2 : i32
    %swap3A_515 = arith.index_cast %swap3A_514 : i32 to index
    %swap3A_516 = arith.constant 0 : index
    %swap3A_517 = tpu.vector_load %arg11[%swap3A_515, %swap3A_516] {strides = array<i32>} : memref<8x128xf32, #tpu.memory_space<vmem>>, vector<1x16xf32>,
    %swap3A_518 = vector.shape_cast %swap3A_517 : vector<1x16xf32> to vector<16xf32>
    %swap3A_519 = vector.shape_cast %mul3A_513 : vector<16xf32> to vector<1x16xf32>
    tpu.vector_store %arg11[%swap3A_515, %swap3A_516], %swap3A_519 {strides = array<i32>} : memref<8x128xf32, #tpu.memory_space<vmem>>, vector<1x16xf32>,
    %broadcast_in_dim3A_520 = arith.constant 0.000000e+00 : f32
    %broadcast_in_dim3A_521 = vector.broadcast %broadcast_in_dim3A_520 : f32 to vector<16xf32>
    %scan3A_522 = arith.constant 0 : i32
    %scan3A_523 = arith.constant 32 : i32
    %scan3A_524 = arith.addi %scan3A_522, %scan3A_523 : i32
    %scan3A_525 = arith.constant 1 : i32
    %scan3A_526:2 = scf.for %scan3A_1746 = %scan3A_522 to %scan3A_524 step %scan3A_525 iter_args(%scan3A_1747 = %broadcast_in_dim3A_521, %scan3A_1748 = %broadcast_in_dim3A_521) -> (vector<16xf32>, vector<16xf32>)  : i32 {
      %add3A_1749 = arith.constant 64 : i32
      %add3A_1750 = arith.addi %add3A_1749, %scan3A_1746 : i32
      %get3A = arith.index_cast %add3A_1750 : i32 to index
      %get3A_1751 = arith.constant 16 : index
      %get3A_1752 = tpu.vector_load %arg8[%get3A, %get3A_1751] {strides = array<i32>} : memref<256x128xf32, #tpu.memory_space<vmem>>, vector<1x16xf32>,
      %get3A_1753 = vector.shape_cast %get3A_1752 : vector<1x16xf32> to vector<16xf32>
      %add3A_1754 = arith.addf %scan3A_1747, %get3A_1753 : vector<16xf32>
      %add3A_1755 = arith.constant 64 : i32
      %add3A_1756 = arith.addi %add3A_1755, %scan3A_1746 : i32
      %get3A_1757 = arith.index_cast %add3A_1756 : i32 to index
      %get3A_1758 = arith.constant 16 : index
      %get3A_1759 = tpu.vector_load %arg9[%get3A_1757, %get3A_1758] {strides = array<i32>} : memref<256x128xf32, #tpu.memory_space<vmem>>, vector<1x16xf32>,
      %get3A_1760 = vector.shape_cast %get3A_1759 : vector<1x16xf32> to vector<16xf32>
      %add3A_1761 = arith.addf %scan3A_1748, %get3A_1760 : vector<16xf32>
      scf.yield %add3A_1754, %add3A_1761 : vector<16xf32>, vector<16xf32>
    }
    %scan3A_527 = arith.constant 32 : i32
    %mul3A_528 = arith.constant 3.125000e-02 : f32
    %mul3A_529 = vector.broadcast %mul3A_528 : f32 to vector<16xf32>
    %mul3A_530 = arith.mulf %scan3A_526#0, %mul3A_529 : vector<16xf32>
    %swap3A_531 = arith.constant 2 : i32
    %swap3A_532 = arith.index_cast %swap3A_531 : i32 to index
    %swap3A_533 = arith.constant 16 : index
    %swap3A_534 = tpu.vector_load %arg10[%swap3A_532, %swap3A_533] {strides = array<i32>} : memref<8x128xf32, #tpu.memory_space<vmem>>, vector<1x16xf32>,
    %swap3A_535 = vector.shape_cast %swap3A_534 : vector<1x16xf32> to vector<16xf32>
    %swap3A_536 = vector.shape_cast %mul3A_530 : vector<16xf32> to vector<1x16xf32>
    tpu.vector_store %arg10[%swap3A_532, %swap3A_533], %swap3A_536 {strides = array<i32>} : memref<8x128xf32, #tpu.memory_space<vmem>>, vector<1x16xf32>,
    %mul3A_537 = arith.constant 3.125000e-02 : f32
    %mul3A_538 = vector.broadcast %mul3A_537 : f32 to vector<16xf32>
    %mul3A_539 = arith.mulf %scan3A_526#1, %mul3A_538 : vector<16xf32>
    %swap3A_540 = arith.constant 2 : i32
    %swap3A_541 = arith.index_cast %swap3A_540 : i32 to index
    %swap3A_542 = arith.constant 16 : index
    %swap3A_543 = tpu.vector_load %arg11[%swap3A_541, %swap3A_542] {strides = array<i32>} : memref<8x128xf32, #tpu.memory_space<vmem>>, vector<1x16xf32>,
    %swap3A_544 = vector.shape_cast %swap3A_543 : vector<1x16xf32> to vector<16xf32>
    %swap3A_545 = vector.shape_cast %mul3A_539 : vector<16xf32> to vector<1x16xf32>
    tpu.vector_store %arg11[%swap3A_541, %swap3A_542], %swap3A_545 {strides = array<i32>} : memref<8x128xf32, #tpu.memory_space<vmem>>, vector<1x16xf32>,
    %broadcast_in_dim3A_546 = arith.constant 0.000000e+00 : f32
    %broadcast_in_dim3A_547 = vector.broadcast %broadcast_in_dim3A_546 : f32 to vector<16xf32>
    %scan3A_548 = arith.constant 0 : i32
    %scan3A_549 = arith.constant 32 : i32
    %scan3A_550 = arith.addi %scan3A_548, %scan3A_549 : i32
    %scan3A_551 = arith.constant 1 : i32
    %scan3A_552:2 = scf.for %scan3A_1746 = %scan3A_548 to %scan3A_550 step %scan3A_551 iter_args(%scan3A_1747 = %broadcast_in_dim3A_547, %scan3A_1748 = %broadcast_in_dim3A_547) -> (vector<16xf32>, vector<16xf32>)  : i32 {
      %add3A_1749 = arith.constant 64 : i32
      %add3A_1750 = arith.addi %add3A_1749, %scan3A_1746 : i32
      %get3A = arith.index_cast %add3A_1750 : i32 to index
      %get3A_1751 = arith.constant 32 : index
      %get3A_1752 = tpu.vector_load %arg8[%get3A, %get3A_1751] {strides = array<i32>} : memref<256x128xf32, #tpu.memory_space<vmem>>, vector<1x16xf32>,
      %get3A_1753 = vector.shape_cast %get3A_1752 : vector<1x16xf32> to vector<16xf32>
      %add3A_1754 = arith.addf %scan3A_1747, %get3A_1753 : vector<16xf32>
      %add3A_1755 = arith.constant 64 : i32
      %add3A_1756 = arith.addi %add3A_1755, %scan3A_1746 : i32
      %get3A_1757 = arith.index_cast %add3A_1756 : i32 to index
      %get3A_1758 = arith.constant 32 : index
      %get3A_1759 = tpu.vector_load %arg9[%get3A_1757, %get3A_1758] {strides = array<i32>} : memref<256x128xf32, #tpu.memory_space<vmem>>, vector<1x16xf32>,
      %get3A_1760 = vector.shape_cast %get3A_1759 : vector<1x16xf32> to vector<16xf32>
      %add3A_1761 = arith.addf %scan3A_1748, %get3A_1760 : vector<16xf32>
      scf.yield %add3A_1754, %add3A_1761 : vector<16xf32>, vector<16xf32>
    }
    %scan3A_553 = arith.constant 32 : i32
    %mul3A_554 = arith.constant 3.125000e-02 : f32
    %mul3A_555 = vector.broadcast %mul3A_554 : f32 to vector<16xf32>
    %mul3A_556 = arith.mulf %scan3A_552#0, %mul3A_555 : vector<16xf32>
    %swap3A_557 = arith.constant 2 : i32
    %swap3A_558 = arith.index_cast %swap3A_557 : i32 to index
    %swap3A_559 = arith.constant 32 : index
    %swap3A_560 = tpu.vector_load %arg10[%swap3A_558, %swap3A_559] {strides = array<i32>} : memref<8x128xf32, #tpu.memory_space<vmem>>, vector<1x16xf32>,
    %swap3A_561 = vector.shape_cast %swap3A_560 : vector<1x16xf32> to vector<16xf32>
    %swap3A_562 = vector.shape_cast %mul3A_556 : vector<16xf32> to vector<1x16xf32>
    tpu.vector_store %arg10[%swap3A_558, %swap3A_559], %swap3A_562 {strides = array<i32>} : memref<8x128xf32, #tpu.memory_space<vmem>>, vector<1x16xf32>,
    %mul3A_563 = arith.constant 3.125000e-02 : f32
    %mul3A_564 = vector.broadcast %mul3A_563 : f32 to vector<16xf32>
    %mul3A_565 = arith.mulf %scan3A_552#1, %mul3A_564 : vector<16xf32>
    %swap3A_566 = arith.constant 2 : i32
    %swap3A_567 = arith.index_cast %swap3A_566 : i32 to index
    %swap3A_568 = arith.constant 32 : index
    %swap3A_569 = tpu.vector_load %arg11[%swap3A_567, %swap3A_568] {strides = array<i32>} : memref<8x128xf32, #tpu.memory_space<vmem>>, vector<1x16xf32>,
    %swap3A_570 = vector.shape_cast %swap3A_569 : vector<1x16xf32> to vector<16xf32>
    %swap3A_571 = vector.shape_cast %mul3A_565 : vector<16xf32> to vector<1x16xf32>
    tpu.vector_store %arg11[%swap3A_567, %swap3A_568], %swap3A_571 {strides = array<i32>} : memref<8x128xf32, #tpu.memory_space<vmem>>, vector<1x16xf32>,
    %broadcast_in_dim3A_572 = arith.constant 0.000000e+00 : f32
    %broadcast_in_dim3A_573 = vector.broadcast %broadcast_in_dim3A_572 : f32 to vector<16xf32>
    %scan3A_574 = arith.constant 0 : i32
    %scan3A_575 = arith.constant 32 : i32
    %scan3A_576 = arith.addi %scan3A_574, %scan3A_575 : i32
    %scan3A_577 = arith.constant 1 : i32
    %scan3A_578:2 = scf.for %scan3A_1746 = %scan3A_574 to %scan3A_576 step %scan3A_577 iter_args(%scan3A_1747 = %broadcast_in_dim3A_573, %scan3A_1748 = %broadcast_in_dim3A_573) -> (vector<16xf32>, vector<16xf32>)  : i32 {
      %add3A_1749 = arith.constant 64 : i32
      %add3A_1750 = arith.addi %add3A_1749, %scan3A_1746 : i32
      %get3A = arith.index_cast %add3A_1750 : i32 to index
      %get3A_1751 = arith.constant 48 : index
      %get3A_1752 = tpu.vector_load %arg8[%get3A, %get3A_1751] {strides = array<i32>} : memref<256x128xf32, #tpu.memory_space<vmem>>, vector<1x16xf32>,
      %get3A_1753 = vector.shape_cast %get3A_1752 : vector<1x16xf32> to vector<16xf32>
      %add3A_1754 = arith.addf %scan3A_1747, %get3A_1753 : vector<16xf32>
      %add3A_1755 = arith.constant 64 : i32
      %add3A_1756 = arith.addi %add3A_1755, %scan3A_1746 : i32
      %get3A_1757 = arith.index_cast %add3A_1756 : i32 to index
      %get3A_1758 = arith.constant 48 : index
      %get3A_1759 = tpu.vector_load %arg9[%get3A_1757, %get3A_1758] {strides = array<i32>} : memref<256x128xf32, #tpu.memory_space<vmem>>, vector<1x16xf32>,
      %get3A_1760 = vector.shape_cast %get3A_1759 : vector<1x16xf32> to vector<16xf32>
      %add3A_1761 = arith.addf %scan3A_1748, %get3A_1760 : vector<16xf32>
      scf.yield %add3A_1754, %add3A_1761 : vector<16xf32>, vector<16xf32>
    }
    %scan3A_579 = arith.constant 32 : i32
    %mul3A_580 = arith.constant 3.125000e-02 : f32
    %mul3A_581 = vector.broadcast %mul3A_580 : f32 to vector<16xf32>
    %mul3A_582 = arith.mulf %scan3A_578#0, %mul3A_581 : vector<16xf32>
    %swap3A_583 = arith.constant 2 : i32
    %swap3A_584 = arith.index_cast %swap3A_583 : i32 to index
    %swap3A_585 = arith.constant 48 : index
    %swap3A_586 = tpu.vector_load %arg10[%swap3A_584, %swap3A_585] {strides = array<i32>} : memref<8x128xf32, #tpu.memory_space<vmem>>, vector<1x16xf32>,
    %swap3A_587 = vector.shape_cast %swap3A_586 : vector<1x16xf32> to vector<16xf32>
    %swap3A_588 = vector.shape_cast %mul3A_582 : vector<16xf32> to vector<1x16xf32>
    tpu.vector_store %arg10[%swap3A_584, %swap3A_585], %swap3A_588 {strides = array<i32>} : memref<8x128xf32, #tpu.memory_space<vmem>>, vector<1x16xf32>,
    %mul3A_589 = arith.constant 3.125000e-02 : f32
    %mul3A_590 = vector.broadcast %mul3A_589 : f32 to vector<16xf32>
    %mul3A_591 = arith.mulf %scan3A_578#1, %mul3A_590 : vector<16xf32>
    %swap3A_592 = arith.constant 2 : i32
    %swap3A_593 = arith.index_cast %swap3A_592 : i32 to index
    %swap3A_594 = arith.constant 48 : index
    %swap3A_595 = tpu.vector_load %arg11[%swap3A_593, %swap3A_594] {strides = array<i32>} : memref<8x128xf32, #tpu.memory_space<vmem>>, vector<1x16xf32>,
    %swap3A_596 = vector.shape_cast %swap3A_595 : vector<1x16xf32> to vector<16xf32>
    %swap3A_597 = vector.shape_cast %mul3A_591 : vector<16xf32> to vector<1x16xf32>
    tpu.vector_store %arg11[%swap3A_593, %swap3A_594], %swap3A_597 {strides = array<i32>} : memref<8x128xf32, #tpu.memory_space<vmem>>, vector<1x16xf32>,
    %broadcast_in_dim3A_598 = arith.constant 0.000000e+00 : f32
    %broadcast_in_dim3A_599 = vector.broadcast %broadcast_in_dim3A_598 : f32 to vector<16xf32>
    %scan3A_600 = arith.constant 0 : i32
    %scan3A_601 = arith.constant 32 : i32
    %scan3A_602 = arith.addi %scan3A_600, %scan3A_601 : i32
    %scan3A_603 = arith.constant 1 : i32
    %scan3A_604:2 = scf.for %scan3A_1746 = %scan3A_600 to %scan3A_602 step %scan3A_603 iter_args(%scan3A_1747 = %broadcast_in_dim3A_599, %scan3A_1748 = %broadcast_in_dim3A_599) -> (vector<16xf32>, vector<16xf32>)  : i32 {
      %add3A_1749 = arith.constant 64 : i32
      %add3A_1750 = arith.addi %add3A_1749, %scan3A_1746 : i32
      %get3A = arith.index_cast %add3A_1750 : i32 to index
      %get3A_1751 = arith.constant 64 : index
      %get3A_1752 = tpu.vector_load %arg8[%get3A, %get3A_1751] {strides = array<i32>} : memref<256x128xf32, #tpu.memory_space<vmem>>, vector<1x16xf32>,
      %get3A_1753 = vector.shape_cast %get3A_1752 : vector<1x16xf32> to vector<16xf32>
      %add3A_1754 = arith.addf %scan3A_1747, %get3A_1753 : vector<16xf32>
      %add3A_1755 = arith.constant 64 : i32
      %add3A_1756 = arith.addi %add3A_1755, %scan3A_1746 : i32
      %get3A_1757 = arith.index_cast %add3A_1756 : i32 to index
      %get3A_1758 = arith.constant 64 : index
      %get3A_1759 = tpu.vector_load %arg9[%get3A_1757, %get3A_1758] {strides = array<i32>} : memref<256x128xf32, #tpu.memory_space<vmem>>, vector<1x16xf32>,
      %get3A_1760 = vector.shape_cast %get3A_1759 : vector<1x16xf32> to vector<16xf32>
      %add3A_1761 = arith.addf %scan3A_1748, %get3A_1760 : vector<16xf32>
      scf.yield %add3A_1754, %add3A_1761 : vector<16xf32>, vector<16xf32>
    }
    %scan3A_605 = arith.constant 32 : i32
    %mul3A_606 = arith.constant 3.125000e-02 : f32
    %mul3A_607 = vector.broadcast %mul3A_606 : f32 to vector<16xf32>
    %mul3A_608 = arith.mulf %scan3A_604#0, %mul3A_607 : vector<16xf32>
    %swap3A_609 = arith.constant 2 : i32
    %swap3A_610 = arith.index_cast %swap3A_609 : i32 to index
    %swap3A_611 = arith.constant 64 : index
    %swap3A_612 = tpu.vector_load %arg10[%swap3A_610, %swap3A_611] {strides = array<i32>} : memref<8x128xf32, #tpu.memory_space<vmem>>, vector<1x16xf32>,
    %swap3A_613 = vector.shape_cast %swap3A_612 : vector<1x16xf32> to vector<16xf32>
    %swap3A_614 = vector.shape_cast %mul3A_608 : vector<16xf32> to vector<1x16xf32>
    tpu.vector_store %arg10[%swap3A_610, %swap3A_611], %swap3A_614 {strides = array<i32>} : memref<8x128xf32, #tpu.memory_space<vmem>>, vector<1x16xf32>,
    %mul3A_615 = arith.constant 3.125000e-02 : f32
    %mul3A_616 = vector.broadcast %mul3A_615 : f32 to vector<16xf32>
    %mul3A_617 = arith.mulf %scan3A_604#1, %mul3A_616 : vector<16xf32>
    %swap3A_618 = arith.constant 2 : i32
    %swap3A_619 = arith.index_cast %swap3A_618 : i32 to index
    %swap3A_620 = arith.constant 64 : index
    %swap3A_621 = tpu.vector_load %arg11[%swap3A_619, %swap3A_620] {strides = array<i32>} : memref<8x128xf32, #tpu.memory_space<vmem>>, vector<1x16xf32>,
    %swap3A_622 = vector.shape_cast %swap3A_621 : vector<1x16xf32> to vector<16xf32>
    %swap3A_623 = vector.shape_cast %mul3A_617 : vector<16xf32> to vector<1x16xf32>
    tpu.vector_store %arg11[%swap3A_619, %swap3A_620], %swap3A_623 {strides = array<i32>} : memref<8x128xf32, #tpu.memory_space<vmem>>, vector<1x16xf32>,
    %broadcast_in_dim3A_624 = arith.constant 0.000000e+00 : f32
    %broadcast_in_dim3A_625 = vector.broadcast %broadcast_in_dim3A_624 : f32 to vector<16xf32>
    %scan3A_626 = arith.constant 0 : i32
    %scan3A_627 = arith.constant 32 : i32
    %scan3A_628 = arith.addi %scan3A_626, %scan3A_627 : i32
    %scan3A_629 = arith.constant 1 : i32
    %scan3A_630:2 = scf.for %scan3A_1746 = %scan3A_626 to %scan3A_628 step %scan3A_629 iter_args(%scan3A_1747 = %broadcast_in_dim3A_625, %scan3A_1748 = %broadcast_in_dim3A_625) -> (vector<16xf32>, vector<16xf32>)  : i32 {
      %add3A_1749 = arith.constant 64 : i32
      %add3A_1750 = arith.addi %add3A_1749, %scan3A_1746 : i32
      %get3A = arith.index_cast %add3A_1750 : i32 to index
      %get3A_1751 = arith.constant 80 : index
      %get3A_1752 = tpu.vector_load %arg8[%get3A, %get3A_1751] {strides = array<i32>} : memref<256x128xf32, #tpu.memory_space<vmem>>, vector<1x16xf32>,
      %get3A_1753 = vector.shape_cast %get3A_1752 : vector<1x16xf32> to vector<16xf32>
      %add3A_1754 = arith.addf %scan3A_1747, %get3A_1753 : vector<16xf32>
      %add3A_1755 = arith.constant 64 : i32
      %add3A_1756 = arith.addi %add3A_1755, %scan3A_1746 : i32
      %get3A_1757 = arith.index_cast %add3A_1756 : i32 to index
      %get3A_1758 = arith.constant 80 : index
      %get3A_1759 = tpu.vector_load %arg9[%get3A_1757, %get3A_1758] {strides = array<i32>} : memref<256x128xf32, #tpu.memory_space<vmem>>, vector<1x16xf32>,
      %get3A_1760 = vector.shape_cast %get3A_1759 : vector<1x16xf32> to vector<16xf32>
      %add3A_1761 = arith.addf %scan3A_1748, %get3A_1760 : vector<16xf32>
      scf.yield %add3A_1754, %add3A_1761 : vector<16xf32>, vector<16xf32>
    }
    %scan3A_631 = arith.constant 32 : i32
    %mul3A_632 = arith.constant 3.125000e-02 : f32
    %mul3A_633 = vector.broadcast %mul3A_632 : f32 to vector<16xf32>
    %mul3A_634 = arith.mulf %scan3A_630#0, %mul3A_633 : vector<16xf32>
    %swap3A_635 = arith.constant 2 : i32
    %swap3A_636 = arith.index_cast %swap3A_635 : i32 to index
    %swap3A_637 = arith.constant 80 : index
    %swap3A_638 = tpu.vector_load %arg10[%swap3A_636, %swap3A_637] {strides = array<i32>} : memref<8x128xf32, #tpu.memory_space<vmem>>, vector<1x16xf32>,
    %swap3A_639 = vector.shape_cast %swap3A_638 : vector<1x16xf32> to vector<16xf32>
    %swap3A_640 = vector.shape_cast %mul3A_634 : vector<16xf32> to vector<1x16xf32>
    tpu.vector_store %arg10[%swap3A_636, %swap3A_637], %swap3A_640 {strides = array<i32>} : memref<8x128xf32, #tpu.memory_space<vmem>>, vector<1x16xf32>,
    %mul3A_641 = arith.constant 3.125000e-02 : f32
    %mul3A_642 = vector.broadcast %mul3A_641 : f32 to vector<16xf32>
    %mul3A_643 = arith.mulf %scan3A_630#1, %mul3A_642 : vector<16xf32>
    %swap3A_644 = arith.constant 2 : i32
    %swap3A_645 = arith.index_cast %swap3A_644 : i32 to index
    %swap3A_646 = arith.constant 80 : index
    %swap3A_647 = tpu.vector_load %arg11[%swap3A_645, %swap3A_646] {strides = array<i32>} : memref<8x128xf32, #tpu.memory_space<vmem>>, vector<1x16xf32>,
    %swap3A_648 = vector.shape_cast %swap3A_647 : vector<1x16xf32> to vector<16xf32>
    %swap3A_649 = vector.shape_cast %mul3A_643 : vector<16xf32> to vector<1x16xf32>
    tpu.vector_store %arg11[%swap3A_645, %swap3A_646], %swap3A_649 {strides = array<i32>} : memref<8x128xf32, #tpu.memory_space<vmem>>, vector<1x16xf32>,
    %broadcast_in_dim3A_650 = arith.constant 0.000000e+00 : f32
    %broadcast_in_dim3A_651 = vector.broadcast %broadcast_in_dim3A_650 : f32 to vector<16xf32>
    %scan3A_652 = arith.constant 0 : i32
    %scan3A_653 = arith.constant 32 : i32
    %scan3A_654 = arith.addi %scan3A_652, %scan3A_653 : i32
    %scan3A_655 = arith.constant 1 : i32
    %scan3A_656:2 = scf.for %scan3A_1746 = %scan3A_652 to %scan3A_654 step %scan3A_655 iter_args(%scan3A_1747 = %broadcast_in_dim3A_651, %scan3A_1748 = %broadcast_in_dim3A_651) -> (vector<16xf32>, vector<16xf32>)  : i32 {
      %add3A_1749 = arith.constant 64 : i32
      %add3A_1750 = arith.addi %add3A_1749, %scan3A_1746 : i32
      %get3A = arith.index_cast %add3A_1750 : i32 to index
      %get3A_1751 = arith.constant 96 : index
      %get3A_1752 = tpu.vector_load %arg8[%get3A, %get3A_1751] {strides = array<i32>} : memref<256x128xf32, #tpu.memory_space<vmem>>, vector<1x16xf32>,
      %get3A_1753 = vector.shape_cast %get3A_1752 : vector<1x16xf32> to vector<16xf32>
      %add3A_1754 = arith.addf %scan3A_1747, %get3A_1753 : vector<16xf32>
      %add3A_1755 = arith.constant 64 : i32
      %add3A_1756 = arith.addi %add3A_1755, %scan3A_1746 : i32
      %get3A_1757 = arith.index_cast %add3A_1756 : i32 to index
      %get3A_1758 = arith.constant 96 : index
      %get3A_1759 = tpu.vector_load %arg9[%get3A_1757, %get3A_1758] {strides = array<i32>} : memref<256x128xf32, #tpu.memory_space<vmem>>, vector<1x16xf32>,
      %get3A_1760 = vector.shape_cast %get3A_1759 : vector<1x16xf32> to vector<16xf32>
      %add3A_1761 = arith.addf %scan3A_1748, %get3A_1760 : vector<16xf32>
      scf.yield %add3A_1754, %add3A_1761 : vector<16xf32>, vector<16xf32>
    }
    %scan3A_657 = arith.constant 32 : i32
    %mul3A_658 = arith.constant 3.125000e-02 : f32
    %mul3A_659 = vector.broadcast %mul3A_658 : f32 to vector<16xf32>
    %mul3A_660 = arith.mulf %scan3A_656#0, %mul3A_659 : vector<16xf32>
    %swap3A_661 = arith.constant 2 : i32
    %swap3A_662 = arith.index_cast %swap3A_661 : i32 to index
    %swap3A_663 = arith.constant 96 : index
    %swap3A_664 = tpu.vector_load %arg10[%swap3A_662, %swap3A_663] {strides = array<i32>} : memref<8x128xf32, #tpu.memory_space<vmem>>, vector<1x16xf32>,
    %swap3A_665 = vector.shape_cast %swap3A_664 : vector<1x16xf32> to vector<16xf32>
    %swap3A_666 = vector.shape_cast %mul3A_660 : vector<16xf32> to vector<1x16xf32>
    tpu.vector_store %arg10[%swap3A_662, %swap3A_663], %swap3A_666 {strides = array<i32>} : memref<8x128xf32, #tpu.memory_space<vmem>>, vector<1x16xf32>,
    %mul3A_667 = arith.constant 3.125000e-02 : f32
    %mul3A_668 = vector.broadcast %mul3A_667 : f32 to vector<16xf32>
    %mul3A_669 = arith.mulf %scan3A_656#1, %mul3A_668 : vector<16xf32>
    %swap3A_670 = arith.constant 2 : i32
    %swap3A_671 = arith.index_cast %swap3A_670 : i32 to index
    %swap3A_672 = arith.constant 96 : index
    %swap3A_673 = tpu.vector_load %arg11[%swap3A_671, %swap3A_672] {strides = array<i32>} : memref<8x128xf32, #tpu.memory_space<vmem>>, vector<1x16xf32>,
    %swap3A_674 = vector.shape_cast %swap3A_673 : vector<1x16xf32> to vector<16xf32>
    %swap3A_675 = vector.shape_cast %mul3A_669 : vector<16xf32> to vector<1x16xf32>
    tpu.vector_store %arg11[%swap3A_671, %swap3A_672], %swap3A_675 {strides = array<i32>} : memref<8x128xf32, #tpu.memory_space<vmem>>, vector<1x16xf32>,
    %broadcast_in_dim3A_676 = arith.constant 0.000000e+00 : f32
    %broadcast_in_dim3A_677 = vector.broadcast %broadcast_in_dim3A_676 : f32 to vector<16xf32>
    %scan3A_678 = arith.constant 0 : i32
    %scan3A_679 = arith.constant 32 : i32
    %scan3A_680 = arith.addi %scan3A_678, %scan3A_679 : i32
    %scan3A_681 = arith.constant 1 : i32
    %scan3A_682:2 = scf.for %scan3A_1746 = %scan3A_678 to %scan3A_680 step %scan3A_681 iter_args(%scan3A_1747 = %broadcast_in_dim3A_677, %scan3A_1748 = %broadcast_in_dim3A_677) -> (vector<16xf32>, vector<16xf32>)  : i32 {
      %add3A_1749 = arith.constant 64 : i32
      %add3A_1750 = arith.addi %add3A_1749, %scan3A_1746 : i32
      %get3A = arith.index_cast %add3A_1750 : i32 to index
      %get3A_1751 = arith.constant 112 : index
      %get3A_1752 = tpu.vector_load %arg8[%get3A, %get3A_1751] {strides = array<i32>} : memref<256x128xf32, #tpu.memory_space<vmem>>, vector<1x16xf32>,
      %get3A_1753 = vector.shape_cast %get3A_1752 : vector<1x16xf32> to vector<16xf32>
      %add3A_1754 = arith.addf %scan3A_1747, %get3A_1753 : vector<16xf32>
      %add3A_1755 = arith.constant 64 : i32
      %add3A_1756 = arith.addi %add3A_1755, %scan3A_1746 : i32
      %get3A_1757 = arith.index_cast %add3A_1756 : i32 to index
      %get3A_1758 = arith.constant 112 : index
      %get3A_1759 = tpu.vector_load %arg9[%get3A_1757, %get3A_1758] {strides = array<i32>} : memref<256x128xf32, #tpu.memory_space<vmem>>, vector<1x16xf32>,
      %get3A_1760 = vector.shape_cast %get3A_1759 : vector<1x16xf32> to vector<16xf32>
      %add3A_1761 = arith.addf %scan3A_1748, %get3A_1760 : vector<16xf32>
      scf.yield %add3A_1754, %add3A_1761 : vector<16xf32>, vector<16xf32>
    }
    %scan3A_683 = arith.constant 32 : i32
    %mul3A_684 = arith.constant 3.125000e-02 : f32
    %mul3A_685 = vector.broadcast %mul3A_684 : f32 to vector<16xf32>
    %mul3A_686 = arith.mulf %scan3A_682#0, %mul3A_685 : vector<16xf32>
    %swap3A_687 = arith.constant 2 : i32
    %swap3A_688 = arith.index_cast %swap3A_687 : i32 to index
    %swap3A_689 = arith.constant 112 : index
    %swap3A_690 = tpu.vector_load %arg10[%swap3A_688, %swap3A_689] {strides = array<i32>} : memref<8x128xf32, #tpu.memory_space<vmem>>, vector<1x16xf32>,
    %swap3A_691 = vector.shape_cast %swap3A_690 : vector<1x16xf32> to vector<16xf32>
    %swap3A_692 = vector.shape_cast %mul3A_686 : vector<16xf32> to vector<1x16xf32>
    tpu.vector_store %arg10[%swap3A_688, %swap3A_689], %swap3A_692 {strides = array<i32>} : memref<8x128xf32, #tpu.memory_space<vmem>>, vector<1x16xf32>,
    %mul3A_693 = arith.constant 3.125000e-02 : f32
    %mul3A_694 = vector.broadcast %mul3A_693 : f32 to vector<16xf32>
    %mul3A_695 = arith.mulf %scan3A_682#1, %mul3A_694 : vector<16xf32>
    %swap3A_696 = arith.constant 2 : i32
    %swap3A_697 = arith.index_cast %swap3A_696 : i32 to index
    %swap3A_698 = arith.constant 112 : index
    %swap3A_699 = tpu.vector_load %arg11[%swap3A_697, %swap3A_698] {strides = array<i32>} : memref<8x128xf32, #tpu.memory_space<vmem>>, vector<1x16xf32>,
    %swap3A_700 = vector.shape_cast %swap3A_699 : vector<1x16xf32> to vector<16xf32>
    %swap3A_701 = vector.shape_cast %mul3A_695 : vector<16xf32> to vector<1x16xf32>
    tpu.vector_store %arg11[%swap3A_697, %swap3A_698], %swap3A_701 {strides = array<i32>} : memref<8x128xf32, #tpu.memory_space<vmem>>, vector<1x16xf32>,
    %broadcast_in_dim3A_702 = arith.constant 0.000000e+00 : f32
    %broadcast_in_dim3A_703 = vector.broadcast %broadcast_in_dim3A_702 : f32 to vector<16xf32>
    %scan3A_704 = arith.constant 0 : i32
    %scan3A_705 = arith.constant 32 : i32
    %scan3A_706 = arith.addi %scan3A_704, %scan3A_705 : i32
    %scan3A_707 = arith.constant 1 : i32
    %scan3A_708:2 = scf.for %scan3A_1746 = %scan3A_704 to %scan3A_706 step %scan3A_707 iter_args(%scan3A_1747 = %broadcast_in_dim3A_703, %scan3A_1748 = %broadcast_in_dim3A_703) -> (vector<16xf32>, vector<16xf32>)  : i32 {
      %add3A_1749 = arith.constant 96 : i32
      %add3A_1750 = arith.addi %add3A_1749, %scan3A_1746 : i32
      %get3A = arith.index_cast %add3A_1750 : i32 to index
      %get3A_1751 = arith.constant 0 : index
      %get3A_1752 = tpu.vector_load %arg8[%get3A, %get3A_1751] {strides = array<i32>} : memref<256x128xf32, #tpu.memory_space<vmem>>, vector<1x16xf32>,
      %get3A_1753 = vector.shape_cast %get3A_1752 : vector<1x16xf32> to vector<16xf32>
      %add3A_1754 = arith.addf %scan3A_1747, %get3A_1753 : vector<16xf32>
      %add3A_1755 = arith.constant 96 : i32
      %add3A_1756 = arith.addi %add3A_1755, %scan3A_1746 : i32
      %get3A_1757 = arith.index_cast %add3A_1756 : i32 to index
      %get3A_1758 = arith.constant 0 : index
      %get3A_1759 = tpu.vector_load %arg9[%get3A_1757, %get3A_1758] {strides = array<i32>} : memref<256x128xf32, #tpu.memory_space<vmem>>, vector<1x16xf32>,
      %get3A_1760 = vector.shape_cast %get3A_1759 : vector<1x16xf32> to vector<16xf32>
      %add3A_1761 = arith.addf %scan3A_1748, %get3A_1760 : vector<16xf32>
      scf.yield %add3A_1754, %add3A_1761 : vector<16xf32>, vector<16xf32>
    }
    %scan3A_709 = arith.constant 32 : i32
    %mul3A_710 = arith.constant 3.125000e-02 : f32
    %mul3A_711 = vector.broadcast %mul3A_710 : f32 to vector<16xf32>
    %mul3A_712 = arith.mulf %scan3A_708#0, %mul3A_711 : vector<16xf32>
    %swap3A_713 = arith.constant 3 : i32
    %swap3A_714 = arith.index_cast %swap3A_713 : i32 to index
    %swap3A_715 = arith.constant 0 : index
    %swap3A_716 = tpu.vector_load %arg10[%swap3A_714, %swap3A_715] {strides = array<i32>} : memref<8x128xf32, #tpu.memory_space<vmem>>, vector<1x16xf32>,
    %swap3A_717 = vector.shape_cast %swap3A_716 : vector<1x16xf32> to vector<16xf32>
    %swap3A_718 = vector.shape_cast %mul3A_712 : vector<16xf32> to vector<1x16xf32>
    tpu.vector_store %arg10[%swap3A_714, %swap3A_715], %swap3A_718 {strides = array<i32>} : memref<8x128xf32, #tpu.memory_space<vmem>>, vector<1x16xf32>,
    %mul3A_719 = arith.constant 3.125000e-02 : f32
    %mul3A_720 = vector.broadcast %mul3A_719 : f32 to vector<16xf32>
    %mul3A_721 = arith.mulf %scan3A_708#1, %mul3A_720 : vector<16xf32>
    %swap3A_722 = arith.constant 3 : i32
    %swap3A_723 = arith.index_cast %swap3A_722 : i32 to index
    %swap3A_724 = arith.constant 0 : index
    %swap3A_725 = tpu.vector_load %arg11[%swap3A_723, %swap3A_724] {strides = array<i32>} : memref<8x128xf32, #tpu.memory_space<vmem>>, vector<1x16xf32>,
    %swap3A_726 = vector.shape_cast %swap3A_725 : vector<1x16xf32> to vector<16xf32>
    %swap3A_727 = vector.shape_cast %mul3A_721 : vector<16xf32> to vector<1x16xf32>
    tpu.vector_store %arg11[%swap3A_723, %swap3A_724], %swap3A_727 {strides = array<i32>} : memref<8x128xf32, #tpu.memory_space<vmem>>, vector<1x16xf32>,
    %broadcast_in_dim3A_728 = arith.constant 0.000000e+00 : f32
    %broadcast_in_dim3A_729 = vector.broadcast %broadcast_in_dim3A_728 : f32 to vector<16xf32>
    %scan3A_730 = arith.constant 0 : i32
    %scan3A_731 = arith.constant 32 : i32
    %scan3A_732 = arith.addi %scan3A_730, %scan3A_731 : i32
    %scan3A_733 = arith.constant 1 : i32
    %scan3A_734:2 = scf.for %scan3A_1746 = %scan3A_730 to %scan3A_732 step %scan3A_733 iter_args(%scan3A_1747 = %broadcast_in_dim3A_729, %scan3A_1748 = %broadcast_in_dim3A_729) -> (vector<16xf32>, vector<16xf32>)  : i32 {
      %add3A_1749 = arith.constant 96 : i32
      %add3A_1750 = arith.addi %add3A_1749, %scan3A_1746 : i32
      %get3A = arith.index_cast %add3A_1750 : i32 to index
      %get3A_1751 = arith.constant 16 : index
      %get3A_1752 = tpu.vector_load %arg8[%get3A, %get3A_1751] {strides = array<i32>} : memref<256x128xf32, #tpu.memory_space<vmem>>, vector<1x16xf32>,
      %get3A_1753 = vector.shape_cast %get3A_1752 : vector<1x16xf32> to vector<16xf32>
      %add3A_1754 = arith.addf %scan3A_1747, %get3A_1753 : vector<16xf32>
      %add3A_1755 = arith.constant 96 : i32
      %add3A_1756 = arith.addi %add3A_1755, %scan3A_1746 : i32
      %get3A_1757 = arith.index_cast %add3A_1756 : i32 to index
      %get3A_1758 = arith.constant 16 : index
      %get3A_1759 = tpu.vector_load %arg9[%get3A_1757, %get3A_1758] {strides = array<i32>} : memref<256x128xf32, #tpu.memory_space<vmem>>, vector<1x16xf32>,
      %get3A_1760 = vector.shape_cast %get3A_1759 : vector<1x16xf32> to vector<16xf32>
      %add3A_1761 = arith.addf %scan3A_1748, %get3A_1760 : vector<16xf32>
      scf.yield %add3A_1754, %add3A_1761 : vector<16xf32>, vector<16xf32>
    }
    %scan3A_735 = arith.constant 32 : i32
    %mul3A_736 = arith.constant 3.125000e-02 : f32
    %mul3A_737 = vector.broadcast %mul3A_736 : f32 to vector<16xf32>
    %mul3A_738 = arith.mulf %scan3A_734#0, %mul3A_737 : vector<16xf32>
    %swap3A_739 = arith.constant 3 : i32
    %swap3A_740 = arith.index_cast %swap3A_739 : i32 to index
    %swap3A_741 = arith.constant 16 : index
    %swap3A_742 = tpu.vector_load %arg10[%swap3A_740, %swap3A_741] {strides = array<i32>} : memref<8x128xf32, #tpu.memory_space<vmem>>, vector<1x16xf32>,
    %swap3A_743 = vector.shape_cast %swap3A_742 : vector<1x16xf32> to vector<16xf32>
    %swap3A_744 = vector.shape_cast %mul3A_738 : vector<16xf32> to vector<1x16xf32>
    tpu.vector_store %arg10[%swap3A_740, %swap3A_741], %swap3A_744 {strides = array<i32>} : memref<8x128xf32, #tpu.memory_space<vmem>>, vector<1x16xf32>,
    %mul3A_745 = arith.constant 3.125000e-02 : f32
    %mul3A_746 = vector.broadcast %mul3A_745 : f32 to vector<16xf32>
    %mul3A_747 = arith.mulf %scan3A_734#1, %mul3A_746 : vector<16xf32>
    %swap3A_748 = arith.constant 3 : i32
    %swap3A_749 = arith.index_cast %swap3A_748 : i32 to index
    %swap3A_750 = arith.constant 16 : index
    %swap3A_751 = tpu.vector_load %arg11[%swap3A_749, %swap3A_750] {strides = array<i32>} : memref<8x128xf32, #tpu.memory_space<vmem>>, vector<1x16xf32>,
    %swap3A_752 = vector.shape_cast %swap3A_751 : vector<1x16xf32> to vector<16xf32>
    %swap3A_753 = vector.shape_cast %mul3A_747 : vector<16xf32> to vector<1x16xf32>
    tpu.vector_store %arg11[%swap3A_749, %swap3A_750], %swap3A_753 {strides = array<i32>} : memref<8x128xf32, #tpu.memory_space<vmem>>, vector<1x16xf32>,
    %broadcast_in_dim3A_754 = arith.constant 0.000000e+00 : f32
    %broadcast_in_dim3A_755 = vector.broadcast %broadcast_in_dim3A_754 : f32 to vector<16xf32>
    %scan3A_756 = arith.constant 0 : i32
    %scan3A_757 = arith.constant 32 : i32
    %scan3A_758 = arith.addi %scan3A_756, %scan3A_757 : i32
    %scan3A_759 = arith.constant 1 : i32
    %scan3A_760:2 = scf.for %scan3A_1746 = %scan3A_756 to %scan3A_758 step %scan3A_759 iter_args(%scan3A_1747 = %broadcast_in_dim3A_755, %scan3A_1748 = %broadcast_in_dim3A_755) -> (vector<16xf32>, vector<16xf32>)  : i32 {
      %add3A_1749 = arith.constant 96 : i32
      %add3A_1750 = arith.addi %add3A_1749, %scan3A_1746 : i32
      %get3A = arith.index_cast %add3A_1750 : i32 to index
      %get3A_1751 = arith.constant 32 : index
      %get3A_1752 = tpu.vector_load %arg8[%get3A, %get3A_1751] {strides = array<i32>} : memref<256x128xf32, #tpu.memory_space<vmem>>, vector<1x16xf32>,
      %get3A_1753 = vector.shape_cast %get3A_1752 : vector<1x16xf32> to vector<16xf32>
      %add3A_1754 = arith.addf %scan3A_1747, %get3A_1753 : vector<16xf32>
      %add3A_1755 = arith.constant 96 : i32
      %add3A_1756 = arith.addi %add3A_1755, %scan3A_1746 : i32
      %get3A_1757 = arith.index_cast %add3A_1756 : i32 to index
      %get3A_1758 = arith.constant 32 : index
      %get3A_1759 = tpu.vector_load %arg9[%get3A_1757, %get3A_1758] {strides = array<i32>} : memref<256x128xf32, #tpu.memory_space<vmem>>, vector<1x16xf32>,
      %get3A_1760 = vector.shape_cast %get3A_1759 : vector<1x16xf32> to vector<16xf32>
      %add3A_1761 = arith.addf %scan3A_1748, %get3A_1760 : vector<16xf32>
      scf.yield %add3A_1754, %add3A_1761 : vector<16xf32>, vector<16xf32>
    }
    %scan3A_761 = arith.constant 32 : i32
    %mul3A_762 = arith.constant 3.125000e-02 : f32
    %mul3A_763 = vector.broadcast %mul3A_762 : f32 to vector<16xf32>
    %mul3A_764 = arith.mulf %scan3A_760#0, %mul3A_763 : vector<16xf32>
    %swap3A_765 = arith.constant 3 : i32
    %swap3A_766 = arith.index_cast %swap3A_765 : i32 to index
    %swap3A_767 = arith.constant 32 : index
    %swap3A_768 = tpu.vector_load %arg10[%swap3A_766, %swap3A_767] {strides = array<i32>} : memref<8x128xf32, #tpu.memory_space<vmem>>, vector<1x16xf32>,
    %swap3A_769 = vector.shape_cast %swap3A_768 : vector<1x16xf32> to vector<16xf32>
    %swap3A_770 = vector.shape_cast %mul3A_764 : vector<16xf32> to vector<1x16xf32>
    tpu.vector_store %arg10[%swap3A_766, %swap3A_767], %swap3A_770 {strides = array<i32>} : memref<8x128xf32, #tpu.memory_space<vmem>>, vector<1x16xf32>,
    %mul3A_771 = arith.constant 3.125000e-02 : f32
    %mul3A_772 = vector.broadcast %mul3A_771 : f32 to vector<16xf32>
    %mul3A_773 = arith.mulf %scan3A_760#1, %mul3A_772 : vector<16xf32>
    %swap3A_774 = arith.constant 3 : i32
    %swap3A_775 = arith.index_cast %swap3A_774 : i32 to index
    %swap3A_776 = arith.constant 32 : index
    %swap3A_777 = tpu.vector_load %arg11[%swap3A_775, %swap3A_776] {strides = array<i32>} : memref<8x128xf32, #tpu.memory_space<vmem>>, vector<1x16xf32>,
    %swap3A_778 = vector.shape_cast %swap3A_777 : vector<1x16xf32> to vector<16xf32>
    %swap3A_779 = vector.shape_cast %mul3A_773 : vector<16xf32> to vector<1x16xf32>
    tpu.vector_store %arg11[%swap3A_775, %swap3A_776], %swap3A_779 {strides = array<i32>} : memref<8x128xf32, #tpu.memory_space<vmem>>, vector<1x16xf32>,
    %broadcast_in_dim3A_780 = arith.constant 0.000000e+00 : f32
    %broadcast_in_dim3A_781 = vector.broadcast %broadcast_in_dim3A_780 : f32 to vector<16xf32>
    %scan3A_782 = arith.constant 0 : i32
    %scan3A_783 = arith.constant 32 : i32
    %scan3A_784 = arith.addi %scan3A_782, %scan3A_783 : i32
    %scan3A_785 = arith.constant 1 : i32
    %scan3A_786:2 = scf.for %scan3A_1746 = %scan3A_782 to %scan3A_784 step %scan3A_785 iter_args(%scan3A_1747 = %broadcast_in_dim3A_781, %scan3A_1748 = %broadcast_in_dim3A_781) -> (vector<16xf32>, vector<16xf32>)  : i32 {
      %add3A_1749 = arith.constant 96 : i32
      %add3A_1750 = arith.addi %add3A_1749, %scan3A_1746 : i32
      %get3A = arith.index_cast %add3A_1750 : i32 to index
      %get3A_1751 = arith.constant 48 : index
      %get3A_1752 = tpu.vector_load %arg8[%get3A, %get3A_1751] {strides = array<i32>} : memref<256x128xf32, #tpu.memory_space<vmem>>, vector<1x16xf32>,
      %get3A_1753 = vector.shape_cast %get3A_1752 : vector<1x16xf32> to vector<16xf32>
      %add3A_1754 = arith.addf %scan3A_1747, %get3A_1753 : vector<16xf32>
      %add3A_1755 = arith.constant 96 : i32
      %add3A_1756 = arith.addi %add3A_1755, %scan3A_1746 : i32
      %get3A_1757 = arith.index_cast %add3A_1756 : i32 to index
      %get3A_1758 = arith.constant 48 : index
      %get3A_1759 = tpu.vector_load %arg9[%get3A_1757, %get3A_1758] {strides = array<i32>} : memref<256x128xf32, #tpu.memory_space<vmem>>, vector<1x16xf32>,
      %get3A_1760 = vector.shape_cast %get3A_1759 : vector<1x16xf32> to vector<16xf32>
      %add3A_1761 = arith.addf %scan3A_1748, %get3A_1760 : vector<16xf32>
      scf.yield %add3A_1754, %add3A_1761 : vector<16xf32>, vector<16xf32>
    }
    %scan3A_787 = arith.constant 32 : i32
    %mul3A_788 = arith.constant 3.125000e-02 : f32
    %mul3A_789 = vector.broadcast %mul3A_788 : f32 to vector<16xf32>
    %mul3A_790 = arith.mulf %scan3A_786#0, %mul3A_789 : vector<16xf32>
    %swap3A_791 = arith.constant 3 : i32
    %swap3A_792 = arith.index_cast %swap3A_791 : i32 to index
    %swap3A_793 = arith.constant 48 : index
    %swap3A_794 = tpu.vector_load %arg10[%swap3A_792, %swap3A_793] {strides = array<i32>} : memref<8x128xf32, #tpu.memory_space<vmem>>, vector<1x16xf32>,
    %swap3A_795 = vector.shape_cast %swap3A_794 : vector<1x16xf32> to vector<16xf32>
    %swap3A_796 = vector.shape_cast %mul3A_790 : vector<16xf32> to vector<1x16xf32>
    tpu.vector_store %arg10[%swap3A_792, %swap3A_793], %swap3A_796 {strides = array<i32>} : memref<8x128xf32, #tpu.memory_space<vmem>>, vector<1x16xf32>,
    %mul3A_797 = arith.constant 3.125000e-02 : f32
    %mul3A_798 = vector.broadcast %mul3A_797 : f32 to vector<16xf32>
    %mul3A_799 = arith.mulf %scan3A_786#1, %mul3A_798 : vector<16xf32>
    %swap3A_800 = arith.constant 3 : i32
    %swap3A_801 = arith.index_cast %swap3A_800 : i32 to index
    %swap3A_802 = arith.constant 48 : index
    %swap3A_803 = tpu.vector_load %arg11[%swap3A_801, %swap3A_802] {strides = array<i32>} : memref<8x128xf32, #tpu.memory_space<vmem>>, vector<1x16xf32>,
    %swap3A_804 = vector.shape_cast %swap3A_803 : vector<1x16xf32> to vector<16xf32>
    %swap3A_805 = vector.shape_cast %mul3A_799 : vector<16xf32> to vector<1x16xf32>
    tpu.vector_store %arg11[%swap3A_801, %swap3A_802], %swap3A_805 {strides = array<i32>} : memref<8x128xf32, #tpu.memory_space<vmem>>, vector<1x16xf32>,
    %broadcast_in_dim3A_806 = arith.constant 0.000000e+00 : f32
    %broadcast_in_dim3A_807 = vector.broadcast %broadcast_in_dim3A_806 : f32 to vector<16xf32>
    %scan3A_808 = arith.constant 0 : i32
    %scan3A_809 = arith.constant 32 : i32
    %scan3A_810 = arith.addi %scan3A_808, %scan3A_809 : i32
    %scan3A_811 = arith.constant 1 : i32
    %scan3A_812:2 = scf.for %scan3A_1746 = %scan3A_808 to %scan3A_810 step %scan3A_811 iter_args(%scan3A_1747 = %broadcast_in_dim3A_807, %scan3A_1748 = %broadcast_in_dim3A_807) -> (vector<16xf32>, vector<16xf32>)  : i32 {
      %add3A_1749 = arith.constant 96 : i32
      %add3A_1750 = arith.addi %add3A_1749, %scan3A_1746 : i32
      %get3A = arith.index_cast %add3A_1750 : i32 to index
      %get3A_1751 = arith.constant 64 : index
      %get3A_1752 = tpu.vector_load %arg8[%get3A, %get3A_1751] {strides = array<i32>} : memref<256x128xf32, #tpu.memory_space<vmem>>, vector<1x16xf32>,
      %get3A_1753 = vector.shape_cast %get3A_1752 : vector<1x16xf32> to vector<16xf32>
      %add3A_1754 = arith.addf %scan3A_1747, %get3A_1753 : vector<16xf32>
      %add3A_1755 = arith.constant 96 : i32
      %add3A_1756 = arith.addi %add3A_1755, %scan3A_1746 : i32
      %get3A_1757 = arith.index_cast %add3A_1756 : i32 to index
      %get3A_1758 = arith.constant 64 : index
      %get3A_1759 = tpu.vector_load %arg9[%get3A_1757, %get3A_1758] {strides = array<i32>} : memref<256x128xf32, #tpu.memory_space<vmem>>, vector<1x16xf32>,
      %get3A_1760 = vector.shape_cast %get3A_1759 : vector<1x16xf32> to vector<16xf32>
      %add3A_1761 = arith.addf %scan3A_1748, %get3A_1760 : vector<16xf32>
      scf.yield %add3A_1754, %add3A_1761 : vector<16xf32>, vector<16xf32>
    }
    %scan3A_813 = arith.constant 32 : i32
    %mul3A_814 = arith.constant 3.125000e-02 : f32
    %mul3A_815 = vector.broadcast %mul3A_814 : f32 to vector<16xf32>
    %mul3A_816 = arith.mulf %scan3A_812#0, %mul3A_815 : vector<16xf32>
    %swap3A_817 = arith.constant 3 : i32
    %swap3A_818 = arith.index_cast %swap3A_817 : i32 to index
    %swap3A_819 = arith.constant 64 : index
    %swap3A_820 = tpu.vector_load %arg10[%swap3A_818, %swap3A_819] {strides = array<i32>} : memref<8x128xf32, #tpu.memory_space<vmem>>, vector<1x16xf32>,
    %swap3A_821 = vector.shape_cast %swap3A_820 : vector<1x16xf32> to vector<16xf32>
    %swap3A_822 = vector.shape_cast %mul3A_816 : vector<16xf32> to vector<1x16xf32>
    tpu.vector_store %arg10[%swap3A_818, %swap3A_819], %swap3A_822 {strides = array<i32>} : memref<8x128xf32, #tpu.memory_space<vmem>>, vector<1x16xf32>,
    %mul3A_823 = arith.constant 3.125000e-02 : f32
    %mul3A_824 = vector.broadcast %mul3A_823 : f32 to vector<16xf32>
    %mul3A_825 = arith.mulf %scan3A_812#1, %mul3A_824 : vector<16xf32>
    %swap3A_826 = arith.constant 3 : i32
    %swap3A_827 = arith.index_cast %swap3A_826 : i32 to index
    %swap3A_828 = arith.constant 64 : index
    %swap3A_829 = tpu.vector_load %arg11[%swap3A_827, %swap3A_828] {strides = array<i32>} : memref<8x128xf32, #tpu.memory_space<vmem>>, vector<1x16xf32>,
    %swap3A_830 = vector.shape_cast %swap3A_829 : vector<1x16xf32> to vector<16xf32>
    %swap3A_831 = vector.shape_cast %mul3A_825 : vector<16xf32> to vector<1x16xf32>
    tpu.vector_store %arg11[%swap3A_827, %swap3A_828], %swap3A_831 {strides = array<i32>} : memref<8x128xf32, #tpu.memory_space<vmem>>, vector<1x16xf32>,
    %broadcast_in_dim3A_832 = arith.constant 0.000000e+00 : f32
    %broadcast_in_dim3A_833 = vector.broadcast %broadcast_in_dim3A_832 : f32 to vector<16xf32>
    %scan3A_834 = arith.constant 0 : i32
    %scan3A_835 = arith.constant 32 : i32
    %scan3A_836 = arith.addi %scan3A_834, %scan3A_835 : i32
    %scan3A_837 = arith.constant 1 : i32
    %scan3A_838:2 = scf.for %scan3A_1746 = %scan3A_834 to %scan3A_836 step %scan3A_837 iter_args(%scan3A_1747 = %broadcast_in_dim3A_833, %scan3A_1748 = %broadcast_in_dim3A_833) -> (vector<16xf32>, vector<16xf32>)  : i32 {
      %add3A_1749 = arith.constant 96 : i32
      %add3A_1750 = arith.addi %add3A_1749, %scan3A_1746 : i32
      %get3A = arith.index_cast %add3A_1750 : i32 to index
      %get3A_1751 = arith.constant 80 : index
      %get3A_1752 = tpu.vector_load %arg8[%get3A, %get3A_1751] {strides = array<i32>} : memref<256x128xf32, #tpu.memory_space<vmem>>, vector<1x16xf32>,
      %get3A_1753 = vector.shape_cast %get3A_1752 : vector<1x16xf32> to vector<16xf32>
      %add3A_1754 = arith.addf %scan3A_1747, %get3A_1753 : vector<16xf32>
      %add3A_1755 = arith.constant 96 : i32
      %add3A_1756 = arith.addi %add3A_1755, %scan3A_1746 : i32
      %get3A_1757 = arith.index_cast %add3A_1756 : i32 to index
      %get3A_1758 = arith.constant 80 : index
      %get3A_1759 = tpu.vector_load %arg9[%get3A_1757, %get3A_1758] {strides = array<i32>} : memref<256x128xf32, #tpu.memory_space<vmem>>, vector<1x16xf32>,
      %get3A_1760 = vector.shape_cast %get3A_1759 : vector<1x16xf32> to vector<16xf32>
      %add3A_1761 = arith.addf %scan3A_1748, %get3A_1760 : vector<16xf32>
      scf.yield %add3A_1754, %add3A_1761 : vector<16xf32>, vector<16xf32>
    }
    %scan3A_839 = arith.constant 32 : i32
    %mul3A_840 = arith.constant 3.125000e-02 : f32
    %mul3A_841 = vector.broadcast %mul3A_840 : f32 to vector<16xf32>
    %mul3A_842 = arith.mulf %scan3A_838#0, %mul3A_841 : vector<16xf32>
    %swap3A_843 = arith.constant 3 : i32
    %swap3A_844 = arith.index_cast %swap3A_843 : i32 to index
    %swap3A_845 = arith.constant 80 : index
    %swap3A_846 = tpu.vector_load %arg10[%swap3A_844, %swap3A_845] {strides = array<i32>} : memref<8x128xf32, #tpu.memory_space<vmem>>, vector<1x16xf32>,
    %swap3A_847 = vector.shape_cast %swap3A_846 : vector<1x16xf32> to vector<16xf32>
    %swap3A_848 = vector.shape_cast %mul3A_842 : vector<16xf32> to vector<1x16xf32>
    tpu.vector_store %arg10[%swap3A_844, %swap3A_845], %swap3A_848 {strides = array<i32>} : memref<8x128xf32, #tpu.memory_space<vmem>>, vector<1x16xf32>,
    %mul3A_849 = arith.constant 3.125000e-02 : f32
    %mul3A_850 = vector.broadcast %mul3A_849 : f32 to vector<16xf32>
    %mul3A_851 = arith.mulf %scan3A_838#1, %mul3A_850 : vector<16xf32>
    %swap3A_852 = arith.constant 3 : i32
    %swap3A_853 = arith.index_cast %swap3A_852 : i32 to index
    %swap3A_854 = arith.constant 80 : index
    %swap3A_855 = tpu.vector_load %arg11[%swap3A_853, %swap3A_854] {strides = array<i32>} : memref<8x128xf32, #tpu.memory_space<vmem>>, vector<1x16xf32>,
    %swap3A_856 = vector.shape_cast %swap3A_855 : vector<1x16xf32> to vector<16xf32>
    %swap3A_857 = vector.shape_cast %mul3A_851 : vector<16xf32> to vector<1x16xf32>
    tpu.vector_store %arg11[%swap3A_853, %swap3A_854], %swap3A_857 {strides = array<i32>} : memref<8x128xf32, #tpu.memory_space<vmem>>, vector<1x16xf32>,
    %broadcast_in_dim3A_858 = arith.constant 0.000000e+00 : f32
    %broadcast_in_dim3A_859 = vector.broadcast %broadcast_in_dim3A_858 : f32 to vector<16xf32>
    %scan3A_860 = arith.constant 0 : i32
    %scan3A_861 = arith.constant 32 : i32
    %scan3A_862 = arith.addi %scan3A_860, %scan3A_861 : i32
    %scan3A_863 = arith.constant 1 : i32
    %scan3A_864:2 = scf.for %scan3A_1746 = %scan3A_860 to %scan3A_862 step %scan3A_863 iter_args(%scan3A_1747 = %broadcast_in_dim3A_859, %scan3A_1748 = %broadcast_in_dim3A_859) -> (vector<16xf32>, vector<16xf32>)  : i32 {
      %add3A_1749 = arith.constant 96 : i32
      %add3A_1750 = arith.addi %add3A_1749, %scan3A_1746 : i32
      %get3A = arith.index_cast %add3A_1750 : i32 to index
      %get3A_1751 = arith.constant 96 : index
      %get3A_1752 = tpu.vector_load %arg8[%get3A, %get3A_1751] {strides = array<i32>} : memref<256x128xf32, #tpu.memory_space<vmem>>, vector<1x16xf32>,
      %get3A_1753 = vector.shape_cast %get3A_1752 : vector<1x16xf32> to vector<16xf32>
      %add3A_1754 = arith.addf %scan3A_1747, %get3A_1753 : vector<16xf32>
      %add3A_1755 = arith.constant 96 : i32
      %add3A_1756 = arith.addi %add3A_1755, %scan3A_1746 : i32
      %get3A_1757 = arith.index_cast %add3A_1756 : i32 to index
      %get3A_1758 = arith.constant 96 : index
      %get3A_1759 = tpu.vector_load %arg9[%get3A_1757, %get3A_1758] {strides = array<i32>} : memref<256x128xf32, #tpu.memory_space<vmem>>, vector<1x16xf32>,
      %get3A_1760 = vector.shape_cast %get3A_1759 : vector<1x16xf32> to vector<16xf32>
      %add3A_1761 = arith.addf %scan3A_1748, %get3A_1760 : vector<16xf32>
      scf.yield %add3A_1754, %add3A_1761 : vector<16xf32>, vector<16xf32>
    }
    %scan3A_865 = arith.constant 32 : i32
    %mul3A_866 = arith.constant 3.125000e-02 : f32
    %mul3A_867 = vector.broadcast %mul3A_866 : f32 to vector<16xf32>
    %mul3A_868 = arith.mulf %scan3A_864#0, %mul3A_867 : vector<16xf32>
    %swap3A_869 = arith.constant 3 : i32
    %swap3A_870 = arith.index_cast %swap3A_869 : i32 to index
    %swap3A_871 = arith.constant 96 : index
    %swap3A_872 = tpu.vector_load %arg10[%swap3A_870, %swap3A_871] {strides = array<i32>} : memref<8x128xf32, #tpu.memory_space<vmem>>, vector<1x16xf32>,
    %swap3A_873 = vector.shape_cast %swap3A_872 : vector<1x16xf32> to vector<16xf32>
    %swap3A_874 = vector.shape_cast %mul3A_868 : vector<16xf32> to vector<1x16xf32>
    tpu.vector_store %arg10[%swap3A_870, %swap3A_871], %swap3A_874 {strides = array<i32>} : memref<8x128xf32, #tpu.memory_space<vmem>>, vector<1x16xf32>,
    %mul3A_875 = arith.constant 3.125000e-02 : f32
    %mul3A_876 = vector.broadcast %mul3A_875 : f32 to vector<16xf32>
    %mul3A_877 = arith.mulf %scan3A_864#1, %mul3A_876 : vector<16xf32>
    %swap3A_878 = arith.constant 3 : i32
    %swap3A_879 = arith.index_cast %swap3A_878 : i32 to index
    %swap3A_880 = arith.constant 96 : index
    %swap3A_881 = tpu.vector_load %arg11[%swap3A_879, %swap3A_880] {strides = array<i32>} : memref<8x128xf32, #tpu.memory_space<vmem>>, vector<1x16xf32>,
    %swap3A_882 = vector.shape_cast %swap3A_881 : vector<1x16xf32> to vector<16xf32>
    %swap3A_883 = vector.shape_cast %mul3A_877 : vector<16xf32> to vector<1x16xf32>
    tpu.vector_store %arg11[%swap3A_879, %swap3A_880], %swap3A_883 {strides = array<i32>} : memref<8x128xf32, #tpu.memory_space<vmem>>, vector<1x16xf32>,
    %broadcast_in_dim3A_884 = arith.constant 0.000000e+00 : f32
    %broadcast_in_dim3A_885 = vector.broadcast %broadcast_in_dim3A_884 : f32 to vector<16xf32>
    %scan3A_886 = arith.constant 0 : i32
    %scan3A_887 = arith.constant 32 : i32
    %scan3A_888 = arith.addi %scan3A_886, %scan3A_887 : i32
    %scan3A_889 = arith.constant 1 : i32
    %scan3A_890:2 = scf.for %scan3A_1746 = %scan3A_886 to %scan3A_888 step %scan3A_889 iter_args(%scan3A_1747 = %broadcast_in_dim3A_885, %scan3A_1748 = %broadcast_in_dim3A_885) -> (vector<16xf32>, vector<16xf32>)  : i32 {
      %add3A_1749 = arith.constant 96 : i32
      %add3A_1750 = arith.addi %add3A_1749, %scan3A_1746 : i32
      %get3A = arith.index_cast %add3A_1750 : i32 to index
      %get3A_1751 = arith.constant 112 : index
      %get3A_1752 = tpu.vector_load %arg8[%get3A, %get3A_1751] {strides = array<i32>} : memref<256x128xf32, #tpu.memory_space<vmem>>, vector<1x16xf32>,
      %get3A_1753 = vector.shape_cast %get3A_1752 : vector<1x16xf32> to vector<16xf32>
      %add3A_1754 = arith.addf %scan3A_1747, %get3A_1753 : vector<16xf32>
      %add3A_1755 = arith.constant 96 : i32
      %add3A_1756 = arith.addi %add3A_1755, %scan3A_1746 : i32
      %get3A_1757 = arith.index_cast %add3A_1756 : i32 to index
      %get3A_1758 = arith.constant 112 : index
      %get3A_1759 = tpu.vector_load %arg9[%get3A_1757, %get3A_1758] {strides = array<i32>} : memref<256x128xf32, #tpu.memory_space<vmem>>, vector<1x16xf32>,
      %get3A_1760 = vector.shape_cast %get3A_1759 : vector<1x16xf32> to vector<16xf32>
      %add3A_1761 = arith.addf %scan3A_1748, %get3A_1760 : vector<16xf32>
      scf.yield %add3A_1754, %add3A_1761 : vector<16xf32>, vector<16xf32>
    }
    %scan3A_891 = arith.constant 32 : i32
    %mul3A_892 = arith.constant 3.125000e-02 : f32
    %mul3A_893 = vector.broadcast %mul3A_892 : f32 to vector<16xf32>
    %mul3A_894 = arith.mulf %scan3A_890#0, %mul3A_893 : vector<16xf32>
    %swap3A_895 = arith.constant 3 : i32
    %swap3A_896 = arith.index_cast %swap3A_895 : i32 to index
    %swap3A_897 = arith.constant 112 : index
    %swap3A_898 = tpu.vector_load %arg10[%swap3A_896, %swap3A_897] {strides = array<i32>} : memref<8x128xf32, #tpu.memory_space<vmem>>, vector<1x16xf32>,
    %swap3A_899 = vector.shape_cast %swap3A_898 : vector<1x16xf32> to vector<16xf32>
    %swap3A_900 = vector.shape_cast %mul3A_894 : vector<16xf32> to vector<1x16xf32>
    tpu.vector_store %arg10[%swap3A_896, %swap3A_897], %swap3A_900 {strides = array<i32>} : memref<8x128xf32, #tpu.memory_space<vmem>>, vector<1x16xf32>,
    %mul3A_901 = arith.constant 3.125000e-02 : f32
    %mul3A_902 = vector.broadcast %mul3A_901 : f32 to vector<16xf32>
    %mul3A_903 = arith.mulf %scan3A_890#1, %mul3A_902 : vector<16xf32>
    %swap3A_904 = arith.constant 3 : i32
    %swap3A_905 = arith.index_cast %swap3A_904 : i32 to index
    %swap3A_906 = arith.constant 112 : index
    %swap3A_907 = tpu.vector_load %arg11[%swap3A_905, %swap3A_906] {strides = array<i32>} : memref<8x128xf32, #tpu.memory_space<vmem>>, vector<1x16xf32>,
    %swap3A_908 = vector.shape_cast %swap3A_907 : vector<1x16xf32> to vector<16xf32>
    %swap3A_909 = vector.shape_cast %mul3A_903 : vector<16xf32> to vector<1x16xf32>
    tpu.vector_store %arg11[%swap3A_905, %swap3A_906], %swap3A_909 {strides = array<i32>} : memref<8x128xf32, #tpu.memory_space<vmem>>, vector<1x16xf32>,
    %broadcast_in_dim3A_910 = arith.constant 0.000000e+00 : f32
    %broadcast_in_dim3A_911 = vector.broadcast %broadcast_in_dim3A_910 : f32 to vector<16xf32>
    %scan3A_912 = arith.constant 0 : i32
    %scan3A_913 = arith.constant 32 : i32
    %scan3A_914 = arith.addi %scan3A_912, %scan3A_913 : i32
    %scan3A_915 = arith.constant 1 : i32
    %scan3A_916:2 = scf.for %scan3A_1746 = %scan3A_912 to %scan3A_914 step %scan3A_915 iter_args(%scan3A_1747 = %broadcast_in_dim3A_911, %scan3A_1748 = %broadcast_in_dim3A_911) -> (vector<16xf32>, vector<16xf32>)  : i32 {
      %add3A_1749 = arith.constant 128 : i32
      %add3A_1750 = arith.addi %add3A_1749, %scan3A_1746 : i32
      %get3A = arith.index_cast %add3A_1750 : i32 to index
      %get3A_1751 = arith.constant 0 : index
      %get3A_1752 = tpu.vector_load %arg8[%get3A, %get3A_1751] {strides = array<i32>} : memref<256x128xf32, #tpu.memory_space<vmem>>, vector<1x16xf32>,
      %get3A_1753 = vector.shape_cast %get3A_1752 : vector<1x16xf32> to vector<16xf32>
      %add3A_1754 = arith.addf %scan3A_1747, %get3A_1753 : vector<16xf32>
      %add3A_1755 = arith.constant 128 : i32
      %add3A_1756 = arith.addi %add3A_1755, %scan3A_1746 : i32
      %get3A_1757 = arith.index_cast %add3A_1756 : i32 to index
      %get3A_1758 = arith.constant 0 : index
      %get3A_1759 = tpu.vector_load %arg9[%get3A_1757, %get3A_1758] {strides = array<i32>} : memref<256x128xf32, #tpu.memory_space<vmem>>, vector<1x16xf32>,
      %get3A_1760 = vector.shape_cast %get3A_1759 : vector<1x16xf32> to vector<16xf32>
      %add3A_1761 = arith.addf %scan3A_1748, %get3A_1760 : vector<16xf32>
      scf.yield %add3A_1754, %add3A_1761 : vector<16xf32>, vector<16xf32>
    }
    %scan3A_917 = arith.constant 32 : i32
    %mul3A_918 = arith.constant 3.125000e-02 : f32
    %mul3A_919 = vector.broadcast %mul3A_918 : f32 to vector<16xf32>
    %mul3A_920 = arith.mulf %scan3A_916#0, %mul3A_919 : vector<16xf32>
    %swap3A_921 = arith.constant 4 : i32
    %swap3A_922 = arith.index_cast %swap3A_921 : i32 to index
    %swap3A_923 = arith.constant 0 : index
    %swap3A_924 = tpu.vector_load %arg10[%swap3A_922, %swap3A_923] {strides = array<i32>} : memref<8x128xf32, #tpu.memory_space<vmem>>, vector<1x16xf32>,
    %swap3A_925 = vector.shape_cast %swap3A_924 : vector<1x16xf32> to vector<16xf32>
    %swap3A_926 = vector.shape_cast %mul3A_920 : vector<16xf32> to vector<1x16xf32>
    tpu.vector_store %arg10[%swap3A_922, %swap3A_923], %swap3A_926 {strides = array<i32>} : memref<8x128xf32, #tpu.memory_space<vmem>>, vector<1x16xf32>,
    %mul3A_927 = arith.constant 3.125000e-02 : f32
    %mul3A_928 = vector.broadcast %mul3A_927 : f32 to vector<16xf32>
    %mul3A_929 = arith.mulf %scan3A_916#1, %mul3A_928 : vector<16xf32>
    %swap3A_930 = arith.constant 4 : i32
    %swap3A_931 = arith.index_cast %swap3A_930 : i32 to index
    %swap3A_932 = arith.constant 0 : index
    %swap3A_933 = tpu.vector_load %arg11[%swap3A_931, %swap3A_932] {strides = array<i32>} : memref<8x128xf32, #tpu.memory_space<vmem>>, vector<1x16xf32>,
    %swap3A_934 = vector.shape_cast %swap3A_933 : vector<1x16xf32> to vector<16xf32>
    %swap3A_935 = vector.shape_cast %mul3A_929 : vector<16xf32> to vector<1x16xf32>
    tpu.vector_store %arg11[%swap3A_931, %swap3A_932], %swap3A_935 {strides = array<i32>} : memref<8x128xf32, #tpu.memory_space<vmem>>, vector<1x16xf32>,
    %broadcast_in_dim3A_936 = arith.constant 0.000000e+00 : f32
    %broadcast_in_dim3A_937 = vector.broadcast %broadcast_in_dim3A_936 : f32 to vector<16xf32>
    %scan3A_938 = arith.constant 0 : i32
    %scan3A_939 = arith.constant 32 : i32
    %scan3A_940 = arith.addi %scan3A_938, %scan3A_939 : i32
    %scan3A_941 = arith.constant 1 : i32
    %scan3A_942:2 = scf.for %scan3A_1746 = %scan3A_938 to %scan3A_940 step %scan3A_941 iter_args(%scan3A_1747 = %broadcast_in_dim3A_937, %scan3A_1748 = %broadcast_in_dim3A_937) -> (vector<16xf32>, vector<16xf32>)  : i32 {
      %add3A_1749 = arith.constant 128 : i32
      %add3A_1750 = arith.addi %add3A_1749, %scan3A_1746 : i32
      %get3A = arith.index_cast %add3A_1750 : i32 to index
      %get3A_1751 = arith.constant 16 : index
      %get3A_1752 = tpu.vector_load %arg8[%get3A, %get3A_1751] {strides = array<i32>} : memref<256x128xf32, #tpu.memory_space<vmem>>, vector<1x16xf32>,
      %get3A_1753 = vector.shape_cast %get3A_1752 : vector<1x16xf32> to vector<16xf32>
      %add3A_1754 = arith.addf %scan3A_1747, %get3A_1753 : vector<16xf32>
      %add3A_1755 = arith.constant 128 : i32
      %add3A_1756 = arith.addi %add3A_1755, %scan3A_1746 : i32
      %get3A_1757 = arith.index_cast %add3A_1756 : i32 to index
      %get3A_1758 = arith.constant 16 : index
      %get3A_1759 = tpu.vector_load %arg9[%get3A_1757, %get3A_1758] {strides = array<i32>} : memref<256x128xf32, #tpu.memory_space<vmem>>, vector<1x16xf32>,
      %get3A_1760 = vector.shape_cast %get3A_1759 : vector<1x16xf32> to vector<16xf32>
      %add3A_1761 = arith.addf %scan3A_1748, %get3A_1760 : vector<16xf32>
      scf.yield %add3A_1754, %add3A_1761 : vector<16xf32>, vector<16xf32>
    }
    %scan3A_943 = arith.constant 32 : i32
    %mul3A_944 = arith.constant 3.125000e-02 : f32
    %mul3A_945 = vector.broadcast %mul3A_944 : f32 to vector<16xf32>
    %mul3A_946 = arith.mulf %scan3A_942#0, %mul3A_945 : vector<16xf32>
    %swap3A_947 = arith.constant 4 : i32
    %swap3A_948 = arith.index_cast %swap3A_947 : i32 to index
    %swap3A_949 = arith.constant 16 : index
    %swap3A_950 = tpu.vector_load %arg10[%swap3A_948, %swap3A_949] {strides = array<i32>} : memref<8x128xf32, #tpu.memory_space<vmem>>, vector<1x16xf32>,
    %swap3A_951 = vector.shape_cast %swap3A_950 : vector<1x16xf32> to vector<16xf32>
    %swap3A_952 = vector.shape_cast %mul3A_946 : vector<16xf32> to vector<1x16xf32>
    tpu.vector_store %arg10[%swap3A_948, %swap3A_949], %swap3A_952 {strides = array<i32>} : memref<8x128xf32, #tpu.memory_space<vmem>>, vector<1x16xf32>,
    %mul3A_953 = arith.constant 3.125000e-02 : f32
    %mul3A_954 = vector.broadcast %mul3A_953 : f32 to vector<16xf32>
    %mul3A_955 = arith.mulf %scan3A_942#1, %mul3A_954 : vector<16xf32>
    %swap3A_956 = arith.constant 4 : i32
    %swap3A_957 = arith.index_cast %swap3A_956 : i32 to index
    %swap3A_958 = arith.constant 16 : index
    %swap3A_959 = tpu.vector_load %arg11[%swap3A_957, %swap3A_958] {strides = array<i32>} : memref<8x128xf32, #tpu.memory_space<vmem>>, vector<1x16xf32>,
    %swap3A_960 = vector.shape_cast %swap3A_959 : vector<1x16xf32> to vector<16xf32>
    %swap3A_961 = vector.shape_cast %mul3A_955 : vector<16xf32> to vector<1x16xf32>
    tpu.vector_store %arg11[%swap3A_957, %swap3A_958], %swap3A_961 {strides = array<i32>} : memref<8x128xf32, #tpu.memory_space<vmem>>, vector<1x16xf32>,
    %broadcast_in_dim3A_962 = arith.constant 0.000000e+00 : f32
    %broadcast_in_dim3A_963 = vector.broadcast %broadcast_in_dim3A_962 : f32 to vector<16xf32>
    %scan3A_964 = arith.constant 0 : i32
    %scan3A_965 = arith.constant 32 : i32
    %scan3A_966 = arith.addi %scan3A_964, %scan3A_965 : i32
    %scan3A_967 = arith.constant 1 : i32
    %scan3A_968:2 = scf.for %scan3A_1746 = %scan3A_964 to %scan3A_966 step %scan3A_967 iter_args(%scan3A_1747 = %broadcast_in_dim3A_963, %scan3A_1748 = %broadcast_in_dim3A_963) -> (vector<16xf32>, vector<16xf32>)  : i32 {
      %add3A_1749 = arith.constant 128 : i32
      %add3A_1750 = arith.addi %add3A_1749, %scan3A_1746 : i32
      %get3A = arith.index_cast %add3A_1750 : i32 to index
      %get3A_1751 = arith.constant 32 : index
      %get3A_1752 = tpu.vector_load %arg8[%get3A, %get3A_1751] {strides = array<i32>} : memref<256x128xf32, #tpu.memory_space<vmem>>, vector<1x16xf32>,
      %get3A_1753 = vector.shape_cast %get3A_1752 : vector<1x16xf32> to vector<16xf32>
      %add3A_1754 = arith.addf %scan3A_1747, %get3A_1753 : vector<16xf32>
      %add3A_1755 = arith.constant 128 : i32
      %add3A_1756 = arith.addi %add3A_1755, %scan3A_1746 : i32
      %get3A_1757 = arith.index_cast %add3A_1756 : i32 to index
      %get3A_1758 = arith.constant 32 : index
      %get3A_1759 = tpu.vector_load %arg9[%get3A_1757, %get3A_1758] {strides = array<i32>} : memref<256x128xf32, #tpu.memory_space<vmem>>, vector<1x16xf32>,
      %get3A_1760 = vector.shape_cast %get3A_1759 : vector<1x16xf32> to vector<16xf32>
      %add3A_1761 = arith.addf %scan3A_1748, %get3A_1760 : vector<16xf32>
      scf.yield %add3A_1754, %add3A_1761 : vector<16xf32>, vector<16xf32>
    }
    %scan3A_969 = arith.constant 32 : i32
    %mul3A_970 = arith.constant 3.125000e-02 : f32
    %mul3A_971 = vector.broadcast %mul3A_970 : f32 to vector<16xf32>
    %mul3A_972 = arith.mulf %scan3A_968#0, %mul3A_971 : vector<16xf32>
    %swap3A_973 = arith.constant 4 : i32
    %swap3A_974 = arith.index_cast %swap3A_973 : i32 to index
    %swap3A_975 = arith.constant 32 : index
    %swap3A_976 = tpu.vector_load %arg10[%swap3A_974, %swap3A_975] {strides = array<i32>} : memref<8x128xf32, #tpu.memory_space<vmem>>, vector<1x16xf32>,
    %swap3A_977 = vector.shape_cast %swap3A_976 : vector<1x16xf32> to vector<16xf32>
    %swap3A_978 = vector.shape_cast %mul3A_972 : vector<16xf32> to vector<1x16xf32>
    tpu.vector_store %arg10[%swap3A_974, %swap3A_975], %swap3A_978 {strides = array<i32>} : memref<8x128xf32, #tpu.memory_space<vmem>>, vector<1x16xf32>,
    %mul3A_979 = arith.constant 3.125000e-02 : f32
    %mul3A_980 = vector.broadcast %mul3A_979 : f32 to vector<16xf32>
    %mul3A_981 = arith.mulf %scan3A_968#1, %mul3A_980 : vector<16xf32>
    %swap3A_982 = arith.constant 4 : i32
    %swap3A_983 = arith.index_cast %swap3A_982 : i32 to index
    %swap3A_984 = arith.constant 32 : index
    %swap3A_985 = tpu.vector_load %arg11[%swap3A_983, %swap3A_984] {strides = array<i32>} : memref<8x128xf32, #tpu.memory_space<vmem>>, vector<1x16xf32>,
    %swap3A_986 = vector.shape_cast %swap3A_985 : vector<1x16xf32> to vector<16xf32>
    %swap3A_987 = vector.shape_cast %mul3A_981 : vector<16xf32> to vector<1x16xf32>
    tpu.vector_store %arg11[%swap3A_983, %swap3A_984], %swap3A_987 {strides = array<i32>} : memref<8x128xf32, #tpu.memory_space<vmem>>, vector<1x16xf32>,
    %broadcast_in_dim3A_988 = arith.constant 0.000000e+00 : f32
    %broadcast_in_dim3A_989 = vector.broadcast %broadcast_in_dim3A_988 : f32 to vector<16xf32>
    %scan3A_990 = arith.constant 0 : i32
    %scan3A_991 = arith.constant 32 : i32
    %scan3A_992 = arith.addi %scan3A_990, %scan3A_991 : i32
    %scan3A_993 = arith.constant 1 : i32
    %scan3A_994:2 = scf.for %scan3A_1746 = %scan3A_990 to %scan3A_992 step %scan3A_993 iter_args(%scan3A_1747 = %broadcast_in_dim3A_989, %scan3A_1748 = %broadcast_in_dim3A_989) -> (vector<16xf32>, vector<16xf32>)  : i32 {
      %add3A_1749 = arith.constant 128 : i32
      %add3A_1750 = arith.addi %add3A_1749, %scan3A_1746 : i32
      %get3A = arith.index_cast %add3A_1750 : i32 to index
      %get3A_1751 = arith.constant 48 : index
      %get3A_1752 = tpu.vector_load %arg8[%get3A, %get3A_1751] {strides = array<i32>} : memref<256x128xf32, #tpu.memory_space<vmem>>, vector<1x16xf32>,
      %get3A_1753 = vector.shape_cast %get3A_1752 : vector<1x16xf32> to vector<16xf32>
      %add3A_1754 = arith.addf %scan3A_1747, %get3A_1753 : vector<16xf32>
      %add3A_1755 = arith.constant 128 : i32
      %add3A_1756 = arith.addi %add3A_1755, %scan3A_1746 : i32
      %get3A_1757 = arith.index_cast %add3A_1756 : i32 to index
      %get3A_1758 = arith.constant 48 : index
      %get3A_1759 = tpu.vector_load %arg9[%get3A_1757, %get3A_1758] {strides = array<i32>} : memref<256x128xf32, #tpu.memory_space<vmem>>, vector<1x16xf32>,
      %get3A_1760 = vector.shape_cast %get3A_1759 : vector<1x16xf32> to vector<16xf32>
      %add3A_1761 = arith.addf %scan3A_1748, %get3A_1760 : vector<16xf32>
      scf.yield %add3A_1754, %add3A_1761 : vector<16xf32>, vector<16xf32>
    }
    %scan3A_995 = arith.constant 32 : i32
    %mul3A_996 = arith.constant 3.125000e-02 : f32
    %mul3A_997 = vector.broadcast %mul3A_996 : f32 to vector<16xf32>
    %mul3A_998 = arith.mulf %scan3A_994#0, %mul3A_997 : vector<16xf32>
    %swap3A_999 = arith.constant 4 : i32
    %swap3A_1000 = arith.index_cast %swap3A_999 : i32 to index
    %swap3A_1001 = arith.constant 48 : index
    %swap3A_1002 = tpu.vector_load %arg10[%swap3A_1000, %swap3A_1001] {strides = array<i32>} : memref<8x128xf32, #tpu.memory_space<vmem>>, vector<1x16xf32>,
    %swap3A_1003 = vector.shape_cast %swap3A_1002 : vector<1x16xf32> to vector<16xf32>
    %swap3A_1004 = vector.shape_cast %mul3A_998 : vector<16xf32> to vector<1x16xf32>
    tpu.vector_store %arg10[%swap3A_1000, %swap3A_1001], %swap3A_1004 {strides = array<i32>} : memref<8x128xf32, #tpu.memory_space<vmem>>, vector<1x16xf32>,
    %mul3A_1005 = arith.constant 3.125000e-02 : f32
    %mul3A_1006 = vector.broadcast %mul3A_1005 : f32 to vector<16xf32>
    %mul3A_1007 = arith.mulf %scan3A_994#1, %mul3A_1006 : vector<16xf32>
    %swap3A_1008 = arith.constant 4 : i32
    %swap3A_1009 = arith.index_cast %swap3A_1008 : i32 to index
    %swap3A_1010 = arith.constant 48 : index
    %swap3A_1011 = tpu.vector_load %arg11[%swap3A_1009, %swap3A_1010] {strides = array<i32>} : memref<8x128xf32, #tpu.memory_space<vmem>>, vector<1x16xf32>,
    %swap3A_1012 = vector.shape_cast %swap3A_1011 : vector<1x16xf32> to vector<16xf32>
    %swap3A_1013 = vector.shape_cast %mul3A_1007 : vector<16xf32> to vector<1x16xf32>
    tpu.vector_store %arg11[%swap3A_1009, %swap3A_1010], %swap3A_1013 {strides = array<i32>} : memref<8x128xf32, #tpu.memory_space<vmem>>, vector<1x16xf32>,
    %broadcast_in_dim3A_1014 = arith.constant 0.000000e+00 : f32
    %broadcast_in_dim3A_1015 = vector.broadcast %broadcast_in_dim3A_1014 : f32 to vector<16xf32>
    %scan3A_1016 = arith.constant 0 : i32
    %scan3A_1017 = arith.constant 32 : i32
    %scan3A_1018 = arith.addi %scan3A_1016, %scan3A_1017 : i32
    %scan3A_1019 = arith.constant 1 : i32
    %scan3A_1020:2 = scf.for %scan3A_1746 = %scan3A_1016 to %scan3A_1018 step %scan3A_1019 iter_args(%scan3A_1747 = %broadcast_in_dim3A_1015, %scan3A_1748 = %broadcast_in_dim3A_1015) -> (vector<16xf32>, vector<16xf32>)  : i32 {
      %add3A_1749 = arith.constant 128 : i32
      %add3A_1750 = arith.addi %add3A_1749, %scan3A_1746 : i32
      %get3A = arith.index_cast %add3A_1750 : i32 to index
      %get3A_1751 = arith.constant 64 : index
      %get3A_1752 = tpu.vector_load %arg8[%get3A, %get3A_1751] {strides = array<i32>} : memref<256x128xf32, #tpu.memory_space<vmem>>, vector<1x16xf32>,
      %get3A_1753 = vector.shape_cast %get3A_1752 : vector<1x16xf32> to vector<16xf32>
      %add3A_1754 = arith.addf %scan3A_1747, %get3A_1753 : vector<16xf32>
      %add3A_1755 = arith.constant 128 : i32
      %add3A_1756 = arith.addi %add3A_1755, %scan3A_1746 : i32
      %get3A_1757 = arith.index_cast %add3A_1756 : i32 to index
      %get3A_1758 = arith.constant 64 : index
      %get3A_1759 = tpu.vector_load %arg9[%get3A_1757, %get3A_1758] {strides = array<i32>} : memref<256x128xf32, #tpu.memory_space<vmem>>, vector<1x16xf32>,
      %get3A_1760 = vector.shape_cast %get3A_1759 : vector<1x16xf32> to vector<16xf32>
      %add3A_1761 = arith.addf %scan3A_1748, %get3A_1760 : vector<16xf32>
      scf.yield %add3A_1754, %add3A_1761 : vector<16xf32>, vector<16xf32>
    }
    %scan3A_1021 = arith.constant 32 : i32
    %mul3A_1022 = arith.constant 3.125000e-02 : f32
    %mul3A_1023 = vector.broadcast %mul3A_1022 : f32 to vector<16xf32>
    %mul3A_1024 = arith.mulf %scan3A_1020#0, %mul3A_1023 : vector<16xf32>
    %swap3A_1025 = arith.constant 4 : i32
    %swap3A_1026 = arith.index_cast %swap3A_1025 : i32 to index
    %swap3A_1027 = arith.constant 64 : index
    %swap3A_1028 = tpu.vector_load %arg10[%swap3A_1026, %swap3A_1027] {strides = array<i32>} : memref<8x128xf32, #tpu.memory_space<vmem>>, vector<1x16xf32>,
    %swap3A_1029 = vector.shape_cast %swap3A_1028 : vector<1x16xf32> to vector<16xf32>
    %swap3A_1030 = vector.shape_cast %mul3A_1024 : vector<16xf32> to vector<1x16xf32>
    tpu.vector_store %arg10[%swap3A_1026, %swap3A_1027], %swap3A_1030 {strides = array<i32>} : memref<8x128xf32, #tpu.memory_space<vmem>>, vector<1x16xf32>,
    %mul3A_1031 = arith.constant 3.125000e-02 : f32
    %mul3A_1032 = vector.broadcast %mul3A_1031 : f32 to vector<16xf32>
    %mul3A_1033 = arith.mulf %scan3A_1020#1, %mul3A_1032 : vector<16xf32>
    %swap3A_1034 = arith.constant 4 : i32
    %swap3A_1035 = arith.index_cast %swap3A_1034 : i32 to index
    %swap3A_1036 = arith.constant 64 : index
    %swap3A_1037 = tpu.vector_load %arg11[%swap3A_1035, %swap3A_1036] {strides = array<i32>} : memref<8x128xf32, #tpu.memory_space<vmem>>, vector<1x16xf32>,
    %swap3A_1038 = vector.shape_cast %swap3A_1037 : vector<1x16xf32> to vector<16xf32>
    %swap3A_1039 = vector.shape_cast %mul3A_1033 : vector<16xf32> to vector<1x16xf32>
    tpu.vector_store %arg11[%swap3A_1035, %swap3A_1036], %swap3A_1039 {strides = array<i32>} : memref<8x128xf32, #tpu.memory_space<vmem>>, vector<1x16xf32>,
    %broadcast_in_dim3A_1040 = arith.constant 0.000000e+00 : f32
    %broadcast_in_dim3A_1041 = vector.broadcast %broadcast_in_dim3A_1040 : f32 to vector<16xf32>
    %scan3A_1042 = arith.constant 0 : i32
    %scan3A_1043 = arith.constant 32 : i32
    %scan3A_1044 = arith.addi %scan3A_1042, %scan3A_1043 : i32
    %scan3A_1045 = arith.constant 1 : i32
    %scan3A_1046:2 = scf.for %scan3A_1746 = %scan3A_1042 to %scan3A_1044 step %scan3A_1045 iter_args(%scan3A_1747 = %broadcast_in_dim3A_1041, %scan3A_1748 = %broadcast_in_dim3A_1041) -> (vector<16xf32>, vector<16xf32>)  : i32 {
      %add3A_1749 = arith.constant 128 : i32
      %add3A_1750 = arith.addi %add3A_1749, %scan3A_1746 : i32
      %get3A = arith.index_cast %add3A_1750 : i32 to index
      %get3A_1751 = arith.constant 80 : index
      %get3A_1752 = tpu.vector_load %arg8[%get3A, %get3A_1751] {strides = array<i32>} : memref<256x128xf32, #tpu.memory_space<vmem>>, vector<1x16xf32>,
      %get3A_1753 = vector.shape_cast %get3A_1752 : vector<1x16xf32> to vector<16xf32>
      %add3A_1754 = arith.addf %scan3A_1747, %get3A_1753 : vector<16xf32>
      %add3A_1755 = arith.constant 128 : i32
      %add3A_1756 = arith.addi %add3A_1755, %scan3A_1746 : i32
      %get3A_1757 = arith.index_cast %add3A_1756 : i32 to index
      %get3A_1758 = arith.constant 80 : index
      %get3A_1759 = tpu.vector_load %arg9[%get3A_1757, %get3A_1758] {strides = array<i32>} : memref<256x128xf32, #tpu.memory_space<vmem>>, vector<1x16xf32>,
      %get3A_1760 = vector.shape_cast %get3A_1759 : vector<1x16xf32> to vector<16xf32>
      %add3A_1761 = arith.addf %scan3A_1748, %get3A_1760 : vector<16xf32>
      scf.yield %add3A_1754, %add3A_1761 : vector<16xf32>, vector<16xf32>
    }
    %scan3A_1047 = arith.constant 32 : i32
    %mul3A_1048 = arith.constant 3.125000e-02 : f32
    %mul3A_1049 = vector.broadcast %mul3A_1048 : f32 to vector<16xf32>
    %mul3A_1050 = arith.mulf %scan3A_1046#0, %mul3A_1049 : vector<16xf32>
    %swap3A_1051 = arith.constant 4 : i32
    %swap3A_1052 = arith.index_cast %swap3A_1051 : i32 to index
    %swap3A_1053 = arith.constant 80 : index
    %swap3A_1054 = tpu.vector_load %arg10[%swap3A_1052, %swap3A_1053] {strides = array<i32>} : memref<8x128xf32, #tpu.memory_space<vmem>>, vector<1x16xf32>,
    %swap3A_1055 = vector.shape_cast %swap3A_1054 : vector<1x16xf32> to vector<16xf32>
    %swap3A_1056 = vector.shape_cast %mul3A_1050 : vector<16xf32> to vector<1x16xf32>
    tpu.vector_store %arg10[%swap3A_1052, %swap3A_1053], %swap3A_1056 {strides = array<i32>} : memref<8x128xf32, #tpu.memory_space<vmem>>, vector<1x16xf32>,
    %mul3A_1057 = arith.constant 3.125000e-02 : f32
    %mul3A_1058 = vector.broadcast %mul3A_1057 : f32 to vector<16xf32>
    %mul3A_1059 = arith.mulf %scan3A_1046#1, %mul3A_1058 : vector<16xf32>
    %swap3A_1060 = arith.constant 4 : i32
    %swap3A_1061 = arith.index_cast %swap3A_1060 : i32 to index
    %swap3A_1062 = arith.constant 80 : index
    %swap3A_1063 = tpu.vector_load %arg11[%swap3A_1061, %swap3A_1062] {strides = array<i32>} : memref<8x128xf32, #tpu.memory_space<vmem>>, vector<1x16xf32>,
    %swap3A_1064 = vector.shape_cast %swap3A_1063 : vector<1x16xf32> to vector<16xf32>
    %swap3A_1065 = vector.shape_cast %mul3A_1059 : vector<16xf32> to vector<1x16xf32>
    tpu.vector_store %arg11[%swap3A_1061, %swap3A_1062], %swap3A_1065 {strides = array<i32>} : memref<8x128xf32, #tpu.memory_space<vmem>>, vector<1x16xf32>,
    %broadcast_in_dim3A_1066 = arith.constant 0.000000e+00 : f32
    %broadcast_in_dim3A_1067 = vector.broadcast %broadcast_in_dim3A_1066 : f32 to vector<16xf32>
    %scan3A_1068 = arith.constant 0 : i32
    %scan3A_1069 = arith.constant 32 : i32
    %scan3A_1070 = arith.addi %scan3A_1068, %scan3A_1069 : i32
    %scan3A_1071 = arith.constant 1 : i32
    %scan3A_1072:2 = scf.for %scan3A_1746 = %scan3A_1068 to %scan3A_1070 step %scan3A_1071 iter_args(%scan3A_1747 = %broadcast_in_dim3A_1067, %scan3A_1748 = %broadcast_in_dim3A_1067) -> (vector<16xf32>, vector<16xf32>)  : i32 {
      %add3A_1749 = arith.constant 128 : i32
      %add3A_1750 = arith.addi %add3A_1749, %scan3A_1746 : i32
      %get3A = arith.index_cast %add3A_1750 : i32 to index
      %get3A_1751 = arith.constant 96 : index
      %get3A_1752 = tpu.vector_load %arg8[%get3A, %get3A_1751] {strides = array<i32>} : memref<256x128xf32, #tpu.memory_space<vmem>>, vector<1x16xf32>,
      %get3A_1753 = vector.shape_cast %get3A_1752 : vector<1x16xf32> to vector<16xf32>
      %add3A_1754 = arith.addf %scan3A_1747, %get3A_1753 : vector<16xf32>
      %add3A_1755 = arith.constant 128 : i32
      %add3A_1756 = arith.addi %add3A_1755, %scan3A_1746 : i32
      %get3A_1757 = arith.index_cast %add3A_1756 : i32 to index
      %get3A_1758 = arith.constant 96 : index
      %get3A_1759 = tpu.vector_load %arg9[%get3A_1757, %get3A_1758] {strides = array<i32>} : memref<256x128xf32, #tpu.memory_space<vmem>>, vector<1x16xf32>,
      %get3A_1760 = vector.shape_cast %get3A_1759 : vector<1x16xf32> to vector<16xf32>
      %add3A_1761 = arith.addf %scan3A_1748, %get3A_1760 : vector<16xf32>
      scf.yield %add3A_1754, %add3A_1761 : vector<16xf32>, vector<16xf32>
    }
    %scan3A_1073 = arith.constant 32 : i32
    %mul3A_1074 = arith.constant 3.125000e-02 : f32
    %mul3A_1075 = vector.broadcast %mul3A_1074 : f32 to vector<16xf32>
    %mul3A_1076 = arith.mulf %scan3A_1072#0, %mul3A_1075 : vector<16xf32>
    %swap3A_1077 = arith.constant 4 : i32
    %swap3A_1078 = arith.index_cast %swap3A_1077 : i32 to index
    %swap3A_1079 = arith.constant 96 : index
    %swap3A_1080 = tpu.vector_load %arg10[%swap3A_1078, %swap3A_1079] {strides = array<i32>} : memref<8x128xf32, #tpu.memory_space<vmem>>, vector<1x16xf32>,
    %swap3A_1081 = vector.shape_cast %swap3A_1080 : vector<1x16xf32> to vector<16xf32>
    %swap3A_1082 = vector.shape_cast %mul3A_1076 : vector<16xf32> to vector<1x16xf32>
    tpu.vector_store %arg10[%swap3A_1078, %swap3A_1079], %swap3A_1082 {strides = array<i32>} : memref<8x128xf32, #tpu.memory_space<vmem>>, vector<1x16xf32>,
    %mul3A_1083 = arith.constant 3.125000e-02 : f32
    %mul3A_1084 = vector.broadcast %mul3A_1083 : f32 to vector<16xf32>
    %mul3A_1085 = arith.mulf %scan3A_1072#1, %mul3A_1084 : vector<16xf32>
    %swap3A_1086 = arith.constant 4 : i32
    %swap3A_1087 = arith.index_cast %swap3A_1086 : i32 to index
    %swap3A_1088 = arith.constant 96 : index
    %swap3A_1089 = tpu.vector_load %arg11[%swap3A_1087, %swap3A_1088] {strides = array<i32>} : memref<8x128xf32, #tpu.memory_space<vmem>>, vector<1x16xf32>,
    %swap3A_1090 = vector.shape_cast %swap3A_1089 : vector<1x16xf32> to vector<16xf32>
    %swap3A_1091 = vector.shape_cast %mul3A_1085 : vector<16xf32> to vector<1x16xf32>
    tpu.vector_store %arg11[%swap3A_1087, %swap3A_1088], %swap3A_1091 {strides = array<i32>} : memref<8x128xf32, #tpu.memory_space<vmem>>, vector<1x16xf32>,
    %broadcast_in_dim3A_1092 = arith.constant 0.000000e+00 : f32
    %broadcast_in_dim3A_1093 = vector.broadcast %broadcast_in_dim3A_1092 : f32 to vector<16xf32>
    %scan3A_1094 = arith.constant 0 : i32
    %scan3A_1095 = arith.constant 32 : i32
    %scan3A_1096 = arith.addi %scan3A_1094, %scan3A_1095 : i32
    %scan3A_1097 = arith.constant 1 : i32
    %scan3A_1098:2 = scf.for %scan3A_1746 = %scan3A_1094 to %scan3A_1096 step %scan3A_1097 iter_args(%scan3A_1747 = %broadcast_in_dim3A_1093, %scan3A_1748 = %broadcast_in_dim3A_1093) -> (vector<16xf32>, vector<16xf32>)  : i32 {
      %add3A_1749 = arith.constant 128 : i32
      %add3A_1750 = arith.addi %add3A_1749, %scan3A_1746 : i32
      %get3A = arith.index_cast %add3A_1750 : i32 to index
      %get3A_1751 = arith.constant 112 : index
      %get3A_1752 = tpu.vector_load %arg8[%get3A, %get3A_1751] {strides = array<i32>} : memref<256x128xf32, #tpu.memory_space<vmem>>, vector<1x16xf32>,
      %get3A_1753 = vector.shape_cast %get3A_1752 : vector<1x16xf32> to vector<16xf32>
      %add3A_1754 = arith.addf %scan3A_1747, %get3A_1753 : vector<16xf32>
      %add3A_1755 = arith.constant 128 : i32
      %add3A_1756 = arith.addi %add3A_1755, %scan3A_1746 : i32
      %get3A_1757 = arith.index_cast %add3A_1756 : i32 to index
      %get3A_1758 = arith.constant 112 : index
      %get3A_1759 = tpu.vector_load %arg9[%get3A_1757, %get3A_1758] {strides = array<i32>} : memref<256x128xf32, #tpu.memory_space<vmem>>, vector<1x16xf32>,
      %get3A_1760 = vector.shape_cast %get3A_1759 : vector<1x16xf32> to vector<16xf32>
      %add3A_1761 = arith.addf %scan3A_1748, %get3A_1760 : vector<16xf32>
      scf.yield %add3A_1754, %add3A_1761 : vector<16xf32>, vector<16xf32>
    }
    %scan3A_1099 = arith.constant 32 : i32
    %mul3A_1100 = arith.constant 3.125000e-02 : f32
    %mul3A_1101 = vector.broadcast %mul3A_1100 : f32 to vector<16xf32>
    %mul3A_1102 = arith.mulf %scan3A_1098#0, %mul3A_1101 : vector<16xf32>
    %swap3A_1103 = arith.constant 4 : i32
    %swap3A_1104 = arith.index_cast %swap3A_1103 : i32 to index
    %swap3A_1105 = arith.constant 112 : index
    %swap3A_1106 = tpu.vector_load %arg10[%swap3A_1104, %swap3A_1105] {strides = array<i32>} : memref<8x128xf32, #tpu.memory_space<vmem>>, vector<1x16xf32>,
    %swap3A_1107 = vector.shape_cast %swap3A_1106 : vector<1x16xf32> to vector<16xf32>
    %swap3A_1108 = vector.shape_cast %mul3A_1102 : vector<16xf32> to vector<1x16xf32>
    tpu.vector_store %arg10[%swap3A_1104, %swap3A_1105], %swap3A_1108 {strides = array<i32>} : memref<8x128xf32, #tpu.memory_space<vmem>>, vector<1x16xf32>,
    %mul3A_1109 = arith.constant 3.125000e-02 : f32
    %mul3A_1110 = vector.broadcast %mul3A_1109 : f32 to vector<16xf32>
    %mul3A_1111 = arith.mulf %scan3A_1098#1, %mul3A_1110 : vector<16xf32>
    %swap3A_1112 = arith.constant 4 : i32
    %swap3A_1113 = arith.index_cast %swap3A_1112 : i32 to index
    %swap3A_1114 = arith.constant 112 : index
    %swap3A_1115 = tpu.vector_load %arg11[%swap3A_1113, %swap3A_1114] {strides = array<i32>} : memref<8x128xf32, #tpu.memory_space<vmem>>, vector<1x16xf32>,
    %swap3A_1116 = vector.shape_cast %swap3A_1115 : vector<1x16xf32> to vector<16xf32>
    %swap3A_1117 = vector.shape_cast %mul3A_1111 : vector<16xf32> to vector<1x16xf32>
    tpu.vector_store %arg11[%swap3A_1113, %swap3A_1114], %swap3A_1117 {strides = array<i32>} : memref<8x128xf32, #tpu.memory_space<vmem>>, vector<1x16xf32>,
    %broadcast_in_dim3A_1118 = arith.constant 0.000000e+00 : f32
    %broadcast_in_dim3A_1119 = vector.broadcast %broadcast_in_dim3A_1118 : f32 to vector<16xf32>
    %scan3A_1120 = arith.constant 0 : i32
    %scan3A_1121 = arith.constant 32 : i32
    %scan3A_1122 = arith.addi %scan3A_1120, %scan3A_1121 : i32
    %scan3A_1123 = arith.constant 1 : i32
    %scan3A_1124:2 = scf.for %scan3A_1746 = %scan3A_1120 to %scan3A_1122 step %scan3A_1123 iter_args(%scan3A_1747 = %broadcast_in_dim3A_1119, %scan3A_1748 = %broadcast_in_dim3A_1119) -> (vector<16xf32>, vector<16xf32>)  : i32 {
      %add3A_1749 = arith.constant 160 : i32
      %add3A_1750 = arith.addi %add3A_1749, %scan3A_1746 : i32
      %get3A = arith.index_cast %add3A_1750 : i32 to index
      %get3A_1751 = arith.constant 0 : index
      %get3A_1752 = tpu.vector_load %arg8[%get3A, %get3A_1751] {strides = array<i32>} : memref<256x128xf32, #tpu.memory_space<vmem>>, vector<1x16xf32>,
      %get3A_1753 = vector.shape_cast %get3A_1752 : vector<1x16xf32> to vector<16xf32>
      %add3A_1754 = arith.addf %scan3A_1747, %get3A_1753 : vector<16xf32>
      %add3A_1755 = arith.constant 160 : i32
      %add3A_1756 = arith.addi %add3A_1755, %scan3A_1746 : i32
      %get3A_1757 = arith.index_cast %add3A_1756 : i32 to index
      %get3A_1758 = arith.constant 0 : index
      %get3A_1759 = tpu.vector_load %arg9[%get3A_1757, %get3A_1758] {strides = array<i32>} : memref<256x128xf32, #tpu.memory_space<vmem>>, vector<1x16xf32>,
      %get3A_1760 = vector.shape_cast %get3A_1759 : vector<1x16xf32> to vector<16xf32>
      %add3A_1761 = arith.addf %scan3A_1748, %get3A_1760 : vector<16xf32>
      scf.yield %add3A_1754, %add3A_1761 : vector<16xf32>, vector<16xf32>
    }
    %scan3A_1125 = arith.constant 32 : i32
    %mul3A_1126 = arith.constant 3.125000e-02 : f32
    %mul3A_1127 = vector.broadcast %mul3A_1126 : f32 to vector<16xf32>
    %mul3A_1128 = arith.mulf %scan3A_1124#0, %mul3A_1127 : vector<16xf32>
    %swap3A_1129 = arith.constant 5 : i32
    %swap3A_1130 = arith.index_cast %swap3A_1129 : i32 to index
    %swap3A_1131 = arith.constant 0 : index
    %swap3A_1132 = tpu.vector_load %arg10[%swap3A_1130, %swap3A_1131] {strides = array<i32>} : memref<8x128xf32, #tpu.memory_space<vmem>>, vector<1x16xf32>,
    %swap3A_1133 = vector.shape_cast %swap3A_1132 : vector<1x16xf32> to vector<16xf32>
    %swap3A_1134 = vector.shape_cast %mul3A_1128 : vector<16xf32> to vector<1x16xf32>
    tpu.vector_store %arg10[%swap3A_1130, %swap3A_1131], %swap3A_1134 {strides = array<i32>} : memref<8x128xf32, #tpu.memory_space<vmem>>, vector<1x16xf32>,
    %mul3A_1135 = arith.constant 3.125000e-02 : f32
    %mul3A_1136 = vector.broadcast %mul3A_1135 : f32 to vector<16xf32>
    %mul3A_1137 = arith.mulf %scan3A_1124#1, %mul3A_1136 : vector<16xf32>
    %swap3A_1138 = arith.constant 5 : i32
    %swap3A_1139 = arith.index_cast %swap3A_1138 : i32 to index
    %swap3A_1140 = arith.constant 0 : index
    %swap3A_1141 = tpu.vector_load %arg11[%swap3A_1139, %swap3A_1140] {strides = array<i32>} : memref<8x128xf32, #tpu.memory_space<vmem>>, vector<1x16xf32>,
    %swap3A_1142 = vector.shape_cast %swap3A_1141 : vector<1x16xf32> to vector<16xf32>
    %swap3A_1143 = vector.shape_cast %mul3A_1137 : vector<16xf32> to vector<1x16xf32>
    tpu.vector_store %arg11[%swap3A_1139, %swap3A_1140], %swap3A_1143 {strides = array<i32>} : memref<8x128xf32, #tpu.memory_space<vmem>>, vector<1x16xf32>,
    %broadcast_in_dim3A_1144 = arith.constant 0.000000e+00 : f32
    %broadcast_in_dim3A_1145 = vector.broadcast %broadcast_in_dim3A_1144 : f32 to vector<16xf32>
    %scan3A_1146 = arith.constant 0 : i32
    %scan3A_1147 = arith.constant 32 : i32
    %scan3A_1148 = arith.addi %scan3A_1146, %scan3A_1147 : i32
    %scan3A_1149 = arith.constant 1 : i32
    %scan3A_1150:2 = scf.for %scan3A_1746 = %scan3A_1146 to %scan3A_1148 step %scan3A_1149 iter_args(%scan3A_1747 = %broadcast_in_dim3A_1145, %scan3A_1748 = %broadcast_in_dim3A_1145) -> (vector<16xf32>, vector<16xf32>)  : i32 {
      %add3A_1749 = arith.constant 160 : i32
      %add3A_1750 = arith.addi %add3A_1749, %scan3A_1746 : i32
      %get3A = arith.index_cast %add3A_1750 : i32 to index
      %get3A_1751 = arith.constant 16 : index
      %get3A_1752 = tpu.vector_load %arg8[%get3A, %get3A_1751] {strides = array<i32>} : memref<256x128xf32, #tpu.memory_space<vmem>>, vector<1x16xf32>,
      %get3A_1753 = vector.shape_cast %get3A_1752 : vector<1x16xf32> to vector<16xf32>
      %add3A_1754 = arith.addf %scan3A_1747, %get3A_1753 : vector<16xf32>
      %add3A_1755 = arith.constant 160 : i32
      %add3A_1756 = arith.addi %add3A_1755, %scan3A_1746 : i32
      %get3A_1757 = arith.index_cast %add3A_1756 : i32 to index
      %get3A_1758 = arith.constant 16 : index
      %get3A_1759 = tpu.vector_load %arg9[%get3A_1757, %get3A_1758] {strides = array<i32>} : memref<256x128xf32, #tpu.memory_space<vmem>>, vector<1x16xf32>,
      %get3A_1760 = vector.shape_cast %get3A_1759 : vector<1x16xf32> to vector<16xf32>
      %add3A_1761 = arith.addf %scan3A_1748, %get3A_1760 : vector<16xf32>
      scf.yield %add3A_1754, %add3A_1761 : vector<16xf32>, vector<16xf32>
    }
    %scan3A_1151 = arith.constant 32 : i32
    %mul3A_1152 = arith.constant 3.125000e-02 : f32
    %mul3A_1153 = vector.broadcast %mul3A_1152 : f32 to vector<16xf32>
    %mul3A_1154 = arith.mulf %scan3A_1150#0, %mul3A_1153 : vector<16xf32>
    %swap3A_1155 = arith.constant 5 : i32
    %swap3A_1156 = arith.index_cast %swap3A_1155 : i32 to index
    %swap3A_1157 = arith.constant 16 : index
    %swap3A_1158 = tpu.vector_load %arg10[%swap3A_1156, %swap3A_1157] {strides = array<i32>} : memref<8x128xf32, #tpu.memory_space<vmem>>, vector<1x16xf32>,
    %swap3A_1159 = vector.shape_cast %swap3A_1158 : vector<1x16xf32> to vector<16xf32>
    %swap3A_1160 = vector.shape_cast %mul3A_1154 : vector<16xf32> to vector<1x16xf32>
    tpu.vector_store %arg10[%swap3A_1156, %swap3A_1157], %swap3A_1160 {strides = array<i32>} : memref<8x128xf32, #tpu.memory_space<vmem>>, vector<1x16xf32>,
    %mul3A_1161 = arith.constant 3.125000e-02 : f32
    %mul3A_1162 = vector.broadcast %mul3A_1161 : f32 to vector<16xf32>
    %mul3A_1163 = arith.mulf %scan3A_1150#1, %mul3A_1162 : vector<16xf32>
    %swap3A_1164 = arith.constant 5 : i32
    %swap3A_1165 = arith.index_cast %swap3A_1164 : i32 to index
    %swap3A_1166 = arith.constant 16 : index
    %swap3A_1167 = tpu.vector_load %arg11[%swap3A_1165, %swap3A_1166] {strides = array<i32>} : memref<8x128xf32, #tpu.memory_space<vmem>>, vector<1x16xf32>,
    %swap3A_1168 = vector.shape_cast %swap3A_1167 : vector<1x16xf32> to vector<16xf32>
    %swap3A_1169 = vector.shape_cast %mul3A_1163 : vector<16xf32> to vector<1x16xf32>
    tpu.vector_store %arg11[%swap3A_1165, %swap3A_1166], %swap3A_1169 {strides = array<i32>} : memref<8x128xf32, #tpu.memory_space<vmem>>, vector<1x16xf32>,
    %broadcast_in_dim3A_1170 = arith.constant 0.000000e+00 : f32
    %broadcast_in_dim3A_1171 = vector.broadcast %broadcast_in_dim3A_1170 : f32 to vector<16xf32>
    %scan3A_1172 = arith.constant 0 : i32
    %scan3A_1173 = arith.constant 32 : i32
    %scan3A_1174 = arith.addi %scan3A_1172, %scan3A_1173 : i32
    %scan3A_1175 = arith.constant 1 : i32
    %scan3A_1176:2 = scf.for %scan3A_1746 = %scan3A_1172 to %scan3A_1174 step %scan3A_1175 iter_args(%scan3A_1747 = %broadcast_in_dim3A_1171, %scan3A_1748 = %broadcast_in_dim3A_1171) -> (vector<16xf32>, vector<16xf32>)  : i32 {
      %add3A_1749 = arith.constant 160 : i32
      %add3A_1750 = arith.addi %add3A_1749, %scan3A_1746 : i32
      %get3A = arith.index_cast %add3A_1750 : i32 to index
      %get3A_1751 = arith.constant 32 : index
      %get3A_1752 = tpu.vector_load %arg8[%get3A, %get3A_1751] {strides = array<i32>} : memref<256x128xf32, #tpu.memory_space<vmem>>, vector<1x16xf32>,
      %get3A_1753 = vector.shape_cast %get3A_1752 : vector<1x16xf32> to vector<16xf32>
      %add3A_1754 = arith.addf %scan3A_1747, %get3A_1753 : vector<16xf32>
      %add3A_1755 = arith.constant 160 : i32
      %add3A_1756 = arith.addi %add3A_1755, %scan3A_1746 : i32
      %get3A_1757 = arith.index_cast %add3A_1756 : i32 to index
      %get3A_1758 = arith.constant 32 : index
      %get3A_1759 = tpu.vector_load %arg9[%get3A_1757, %get3A_1758] {strides = array<i32>} : memref<256x128xf32, #tpu.memory_space<vmem>>, vector<1x16xf32>,
      %get3A_1760 = vector.shape_cast %get3A_1759 : vector<1x16xf32> to vector<16xf32>
      %add3A_1761 = arith.addf %scan3A_1748, %get3A_1760 : vector<16xf32>
      scf.yield %add3A_1754, %add3A_1761 : vector<16xf32>, vector<16xf32>
    }
    %scan3A_1177 = arith.constant 32 : i32
    %mul3A_1178 = arith.constant 3.125000e-02 : f32
    %mul3A_1179 = vector.broadcast %mul3A_1178 : f32 to vector<16xf32>
    %mul3A_1180 = arith.mulf %scan3A_1176#0, %mul3A_1179 : vector<16xf32>
    %swap3A_1181 = arith.constant 5 : i32
    %swap3A_1182 = arith.index_cast %swap3A_1181 : i32 to index
    %swap3A_1183 = arith.constant 32 : index
    %swap3A_1184 = tpu.vector_load %arg10[%swap3A_1182, %swap3A_1183] {strides = array<i32>} : memref<8x128xf32, #tpu.memory_space<vmem>>, vector<1x16xf32>,
    %swap3A_1185 = vector.shape_cast %swap3A_1184 : vector<1x16xf32> to vector<16xf32>
    %swap3A_1186 = vector.shape_cast %mul3A_1180 : vector<16xf32> to vector<1x16xf32>
    tpu.vector_store %arg10[%swap3A_1182, %swap3A_1183], %swap3A_1186 {strides = array<i32>} : memref<8x128xf32, #tpu.memory_space<vmem>>, vector<1x16xf32>,
    %mul3A_1187 = arith.constant 3.125000e-02 : f32
    %mul3A_1188 = vector.broadcast %mul3A_1187 : f32 to vector<16xf32>
    %mul3A_1189 = arith.mulf %scan3A_1176#1, %mul3A_1188 : vector<16xf32>
    %swap3A_1190 = arith.constant 5 : i32
    %swap3A_1191 = arith.index_cast %swap3A_1190 : i32 to index
    %swap3A_1192 = arith.constant 32 : index
    %swap3A_1193 = tpu.vector_load %arg11[%swap3A_1191, %swap3A_1192] {strides = array<i32>} : memref<8x128xf32, #tpu.memory_space<vmem>>, vector<1x16xf32>,
    %swap3A_1194 = vector.shape_cast %swap3A_1193 : vector<1x16xf32> to vector<16xf32>
    %swap3A_1195 = vector.shape_cast %mul3A_1189 : vector<16xf32> to vector<1x16xf32>
    tpu.vector_store %arg11[%swap3A_1191, %swap3A_1192], %swap3A_1195 {strides = array<i32>} : memref<8x128xf32, #tpu.memory_space<vmem>>, vector<1x16xf32>,
    %broadcast_in_dim3A_1196 = arith.constant 0.000000e+00 : f32
    %broadcast_in_dim3A_1197 = vector.broadcast %broadcast_in_dim3A_1196 : f32 to vector<16xf32>
    %scan3A_1198 = arith.constant 0 : i32
    %scan3A_1199 = arith.constant 32 : i32
    %scan3A_1200 = arith.addi %scan3A_1198, %scan3A_1199 : i32
    %scan3A_1201 = arith.constant 1 : i32
    %scan3A_1202:2 = scf.for %scan3A_1746 = %scan3A_1198 to %scan3A_1200 step %scan3A_1201 iter_args(%scan3A_1747 = %broadcast_in_dim3A_1197, %scan3A_1748 = %broadcast_in_dim3A_1197) -> (vector<16xf32>, vector<16xf32>)  : i32 {
      %add3A_1749 = arith.constant 160 : i32
      %add3A_1750 = arith.addi %add3A_1749, %scan3A_1746 : i32
      %get3A = arith.index_cast %add3A_1750 : i32 to index
      %get3A_1751 = arith.constant 48 : index
      %get3A_1752 = tpu.vector_load %arg8[%get3A, %get3A_1751] {strides = array<i32>} : memref<256x128xf32, #tpu.memory_space<vmem>>, vector<1x16xf32>,
      %get3A_1753 = vector.shape_cast %get3A_1752 : vector<1x16xf32> to vector<16xf32>
      %add3A_1754 = arith.addf %scan3A_1747, %get3A_1753 : vector<16xf32>
      %add3A_1755 = arith.constant 160 : i32
      %add3A_1756 = arith.addi %add3A_1755, %scan3A_1746 : i32
      %get3A_1757 = arith.index_cast %add3A_1756 : i32 to index
      %get3A_1758 = arith.constant 48 : index
      %get3A_1759 = tpu.vector_load %arg9[%get3A_1757, %get3A_1758] {strides = array<i32>} : memref<256x128xf32, #tpu.memory_space<vmem>>, vector<1x16xf32>,
      %get3A_1760 = vector.shape_cast %get3A_1759 : vector<1x16xf32> to vector<16xf32>
      %add3A_1761 = arith.addf %scan3A_1748, %get3A_1760 : vector<16xf32>
      scf.yield %add3A_1754, %add3A_1761 : vector<16xf32>, vector<16xf32>
    }
    %scan3A_1203 = arith.constant 32 : i32
    %mul3A_1204 = arith.constant 3.125000e-02 : f32
    %mul3A_1205 = vector.broadcast %mul3A_1204 : f32 to vector<16xf32>
    %mul3A_1206 = arith.mulf %scan3A_1202#0, %mul3A_1205 : vector<16xf32>
    %swap3A_1207 = arith.constant 5 : i32
    %swap3A_1208 = arith.index_cast %swap3A_1207 : i32 to index
    %swap3A_1209 = arith.constant 48 : index
    %swap3A_1210 = tpu.vector_load %arg10[%swap3A_1208, %swap3A_1209] {strides = array<i32>} : memref<8x128xf32, #tpu.memory_space<vmem>>, vector<1x16xf32>,
    %swap3A_1211 = vector.shape_cast %swap3A_1210 : vector<1x16xf32> to vector<16xf32>
    %swap3A_1212 = vector.shape_cast %mul3A_1206 : vector<16xf32> to vector<1x16xf32>
    tpu.vector_store %arg10[%swap3A_1208, %swap3A_1209], %swap3A_1212 {strides = array<i32>} : memref<8x128xf32, #tpu.memory_space<vmem>>, vector<1x16xf32>,
    %mul3A_1213 = arith.constant 3.125000e-02 : f32
    %mul3A_1214 = vector.broadcast %mul3A_1213 : f32 to vector<16xf32>
    %mul3A_1215 = arith.mulf %scan3A_1202#1, %mul3A_1214 : vector<16xf32>
    %swap3A_1216 = arith.constant 5 : i32
    %swap3A_1217 = arith.index_cast %swap3A_1216 : i32 to index
    %swap3A_1218 = arith.constant 48 : index
    %swap3A_1219 = tpu.vector_load %arg11[%swap3A_1217, %swap3A_1218] {strides = array<i32>} : memref<8x128xf32, #tpu.memory_space<vmem>>, vector<1x16xf32>,
    %swap3A_1220 = vector.shape_cast %swap3A_1219 : vector<1x16xf32> to vector<16xf32>
    %swap3A_1221 = vector.shape_cast %mul3A_1215 : vector<16xf32> to vector<1x16xf32>
    tpu.vector_store %arg11[%swap3A_1217, %swap3A_1218], %swap3A_1221 {strides = array<i32>} : memref<8x128xf32, #tpu.memory_space<vmem>>, vector<1x16xf32>,
    %broadcast_in_dim3A_1222 = arith.constant 0.000000e+00 : f32
    %broadcast_in_dim3A_1223 = vector.broadcast %broadcast_in_dim3A_1222 : f32 to vector<16xf32>
    %scan3A_1224 = arith.constant 0 : i32
    %scan3A_1225 = arith.constant 32 : i32
    %scan3A_1226 = arith.addi %scan3A_1224, %scan3A_1225 : i32
    %scan3A_1227 = arith.constant 1 : i32
    %scan3A_1228:2 = scf.for %scan3A_1746 = %scan3A_1224 to %scan3A_1226 step %scan3A_1227 iter_args(%scan3A_1747 = %broadcast_in_dim3A_1223, %scan3A_1748 = %broadcast_in_dim3A_1223) -> (vector<16xf32>, vector<16xf32>)  : i32 {
      %add3A_1749 = arith.constant 160 : i32
      %add3A_1750 = arith.addi %add3A_1749, %scan3A_1746 : i32
      %get3A = arith.index_cast %add3A_1750 : i32 to index
      %get3A_1751 = arith.constant 64 : index
      %get3A_1752 = tpu.vector_load %arg8[%get3A, %get3A_1751] {strides = array<i32>} : memref<256x128xf32, #tpu.memory_space<vmem>>, vector<1x16xf32>,
      %get3A_1753 = vector.shape_cast %get3A_1752 : vector<1x16xf32> to vector<16xf32>
      %add3A_1754 = arith.addf %scan3A_1747, %get3A_1753 : vector<16xf32>
      %add3A_1755 = arith.constant 160 : i32
      %add3A_1756 = arith.addi %add3A_1755, %scan3A_1746 : i32
      %get3A_1757 = arith.index_cast %add3A_1756 : i32 to index
      %get3A_1758 = arith.constant 64 : index
      %get3A_1759 = tpu.vector_load %arg9[%get3A_1757, %get3A_1758] {strides = array<i32>} : memref<256x128xf32, #tpu.memory_space<vmem>>, vector<1x16xf32>,
      %get3A_1760 = vector.shape_cast %get3A_1759 : vector<1x16xf32> to vector<16xf32>
      %add3A_1761 = arith.addf %scan3A_1748, %get3A_1760 : vector<16xf32>
      scf.yield %add3A_1754, %add3A_1761 : vector<16xf32>, vector<16xf32>
    }
    %scan3A_1229 = arith.constant 32 : i32
    %mul3A_1230 = arith.constant 3.125000e-02 : f32
    %mul3A_1231 = vector.broadcast %mul3A_1230 : f32 to vector<16xf32>
    %mul3A_1232 = arith.mulf %scan3A_1228#0, %mul3A_1231 : vector<16xf32>
    %swap3A_1233 = arith.constant 5 : i32
    %swap3A_1234 = arith.index_cast %swap3A_1233 : i32 to index
    %swap3A_1235 = arith.constant 64 : index
    %swap3A_1236 = tpu.vector_load %arg10[%swap3A_1234, %swap3A_1235] {strides = array<i32>} : memref<8x128xf32, #tpu.memory_space<vmem>>, vector<1x16xf32>,
    %swap3A_1237 = vector.shape_cast %swap3A_1236 : vector<1x16xf32> to vector<16xf32>
    %swap3A_1238 = vector.shape_cast %mul3A_1232 : vector<16xf32> to vector<1x16xf32>
    tpu.vector_store %arg10[%swap3A_1234, %swap3A_1235], %swap3A_1238 {strides = array<i32>} : memref<8x128xf32, #tpu.memory_space<vmem>>, vector<1x16xf32>,
    %mul3A_1239 = arith.constant 3.125000e-02 : f32
    %mul3A_1240 = vector.broadcast %mul3A_1239 : f32 to vector<16xf32>
    %mul3A_1241 = arith.mulf %scan3A_1228#1, %mul3A_1240 : vector<16xf32>
    %swap3A_1242 = arith.constant 5 : i32
    %swap3A_1243 = arith.index_cast %swap3A_1242 : i32 to index
    %swap3A_1244 = arith.constant 64 : index
    %swap3A_1245 = tpu.vector_load %arg11[%swap3A_1243, %swap3A_1244] {strides = array<i32>} : memref<8x128xf32, #tpu.memory_space<vmem>>, vector<1x16xf32>,
    %swap3A_1246 = vector.shape_cast %swap3A_1245 : vector<1x16xf32> to vector<16xf32>
    %swap3A_1247 = vector.shape_cast %mul3A_1241 : vector<16xf32> to vector<1x16xf32>
    tpu.vector_store %arg11[%swap3A_1243, %swap3A_1244], %swap3A_1247 {strides = array<i32>} : memref<8x128xf32, #tpu.memory_space<vmem>>, vector<1x16xf32>,
    %broadcast_in_dim3A_1248 = arith.constant 0.000000e+00 : f32
    %broadcast_in_dim3A_1249 = vector.broadcast %broadcast_in_dim3A_1248 : f32 to vector<16xf32>
    %scan3A_1250 = arith.constant 0 : i32
    %scan3A_1251 = arith.constant 32 : i32
    %scan3A_1252 = arith.addi %scan3A_1250, %scan3A_1251 : i32
    %scan3A_1253 = arith.constant 1 : i32
    %scan3A_1254:2 = scf.for %scan3A_1746 = %scan3A_1250 to %scan3A_1252 step %scan3A_1253 iter_args(%scan3A_1747 = %broadcast_in_dim3A_1249, %scan3A_1748 = %broadcast_in_dim3A_1249) -> (vector<16xf32>, vector<16xf32>)  : i32 {
      %add3A_1749 = arith.constant 160 : i32
      %add3A_1750 = arith.addi %add3A_1749, %scan3A_1746 : i32
      %get3A = arith.index_cast %add3A_1750 : i32 to index
      %get3A_1751 = arith.constant 80 : index
      %get3A_1752 = tpu.vector_load %arg8[%get3A, %get3A_1751] {strides = array<i32>} : memref<256x128xf32, #tpu.memory_space<vmem>>, vector<1x16xf32>,
      %get3A_1753 = vector.shape_cast %get3A_1752 : vector<1x16xf32> to vector<16xf32>
      %add3A_1754 = arith.addf %scan3A_1747, %get3A_1753 : vector<16xf32>
      %add3A_1755 = arith.constant 160 : i32
      %add3A_1756 = arith.addi %add3A_1755, %scan3A_1746 : i32
      %get3A_1757 = arith.index_cast %add3A_1756 : i32 to index
      %get3A_1758 = arith.constant 80 : index
      %get3A_1759 = tpu.vector_load %arg9[%get3A_1757, %get3A_1758] {strides = array<i32>} : memref<256x128xf32, #tpu.memory_space<vmem>>, vector<1x16xf32>,
      %get3A_1760 = vector.shape_cast %get3A_1759 : vector<1x16xf32> to vector<16xf32>
      %add3A_1761 = arith.addf %scan3A_1748, %get3A_1760 : vector<16xf32>
      scf.yield %add3A_1754, %add3A_1761 : vector<16xf32>, vector<16xf32>
    }
    %scan3A_1255 = arith.constant 32 : i32
    %mul3A_1256 = arith.constant 3.125000e-02 : f32
    %mul3A_1257 = vector.broadcast %mul3A_1256 : f32 to vector<16xf32>
    %mul3A_1258 = arith.mulf %scan3A_1254#0, %mul3A_1257 : vector<16xf32>
    %swap3A_1259 = arith.constant 5 : i32
    %swap3A_1260 = arith.index_cast %swap3A_1259 : i32 to index
    %swap3A_1261 = arith.constant 80 : index
    %swap3A_1262 = tpu.vector_load %arg10[%swap3A_1260, %swap3A_1261] {strides = array<i32>} : memref<8x128xf32, #tpu.memory_space<vmem>>, vector<1x16xf32>,
    %swap3A_1263 = vector.shape_cast %swap3A_1262 : vector<1x16xf32> to vector<16xf32>
    %swap3A_1264 = vector.shape_cast %mul3A_1258 : vector<16xf32> to vector<1x16xf32>
    tpu.vector_store %arg10[%swap3A_1260, %swap3A_1261], %swap3A_1264 {strides = array<i32>} : memref<8x128xf32, #tpu.memory_space<vmem>>, vector<1x16xf32>,
    %mul3A_1265 = arith.constant 3.125000e-02 : f32
    %mul3A_1266 = vector.broadcast %mul3A_1265 : f32 to vector<16xf32>
    %mul3A_1267 = arith.mulf %scan3A_1254#1, %mul3A_1266 : vector<16xf32>
    %swap3A_1268 = arith.constant 5 : i32
    %swap3A_1269 = arith.index_cast %swap3A_1268 : i32 to index
    %swap3A_1270 = arith.constant 80 : index
    %swap3A_1271 = tpu.vector_load %arg11[%swap3A_1269, %swap3A_1270] {strides = array<i32>} : memref<8x128xf32, #tpu.memory_space<vmem>>, vector<1x16xf32>,
    %swap3A_1272 = vector.shape_cast %swap3A_1271 : vector<1x16xf32> to vector<16xf32>
    %swap3A_1273 = vector.shape_cast %mul3A_1267 : vector<16xf32> to vector<1x16xf32>
    tpu.vector_store %arg11[%swap3A_1269, %swap3A_1270], %swap3A_1273 {strides = array<i32>} : memref<8x128xf32, #tpu.memory_space<vmem>>, vector<1x16xf32>,
    %broadcast_in_dim3A_1274 = arith.constant 0.000000e+00 : f32
    %broadcast_in_dim3A_1275 = vector.broadcast %broadcast_in_dim3A_1274 : f32 to vector<16xf32>
    %scan3A_1276 = arith.constant 0 : i32
    %scan3A_1277 = arith.constant 32 : i32
    %scan3A_1278 = arith.addi %scan3A_1276, %scan3A_1277 : i32
    %scan3A_1279 = arith.constant 1 : i32
    %scan3A_1280:2 = scf.for %scan3A_1746 = %scan3A_1276 to %scan3A_1278 step %scan3A_1279 iter_args(%scan3A_1747 = %broadcast_in_dim3A_1275, %scan3A_1748 = %broadcast_in_dim3A_1275) -> (vector<16xf32>, vector<16xf32>)  : i32 {
      %add3A_1749 = arith.constant 160 : i32
      %add3A_1750 = arith.addi %add3A_1749, %scan3A_1746 : i32
      %get3A = arith.index_cast %add3A_1750 : i32 to index
      %get3A_1751 = arith.constant 96 : index
      %get3A_1752 = tpu.vector_load %arg8[%get3A, %get3A_1751] {strides = array<i32>} : memref<256x128xf32, #tpu.memory_space<vmem>>, vector<1x16xf32>,
      %get3A_1753 = vector.shape_cast %get3A_1752 : vector<1x16xf32> to vector<16xf32>
      %add3A_1754 = arith.addf %scan3A_1747, %get3A_1753 : vector<16xf32>
      %add3A_1755 = arith.constant 160 : i32
      %add3A_1756 = arith.addi %add3A_1755, %scan3A_1746 : i32
      %get3A_1757 = arith.index_cast %add3A_1756 : i32 to index
      %get3A_1758 = arith.constant 96 : index
      %get3A_1759 = tpu.vector_load %arg9[%get3A_1757, %get3A_1758] {strides = array<i32>} : memref<256x128xf32, #tpu.memory_space<vmem>>, vector<1x16xf32>,
      %get3A_1760 = vector.shape_cast %get3A_1759 : vector<1x16xf32> to vector<16xf32>
      %add3A_1761 = arith.addf %scan3A_1748, %get3A_1760 : vector<16xf32>
      scf.yield %add3A_1754, %add3A_1761 : vector<16xf32>, vector<16xf32>
    }
    %scan3A_1281 = arith.constant 32 : i32
    %mul3A_1282 = arith.constant 3.125000e-02 : f32
    %mul3A_1283 = vector.broadcast %mul3A_1282 : f32 to vector<16xf32>
    %mul3A_1284 = arith.mulf %scan3A_1280#0, %mul3A_1283 : vector<16xf32>
    %swap3A_1285 = arith.constant 5 : i32
    %swap3A_1286 = arith.index_cast %swap3A_1285 : i32 to index
    %swap3A_1287 = arith.constant 96 : index
    %swap3A_1288 = tpu.vector_load %arg10[%swap3A_1286, %swap3A_1287] {strides = array<i32>} : memref<8x128xf32, #tpu.memory_space<vmem>>, vector<1x16xf32>,
    %swap3A_1289 = vector.shape_cast %swap3A_1288 : vector<1x16xf32> to vector<16xf32>
    %swap3A_1290 = vector.shape_cast %mul3A_1284 : vector<16xf32> to vector<1x16xf32>
    tpu.vector_store %arg10[%swap3A_1286, %swap3A_1287], %swap3A_1290 {strides = array<i32>} : memref<8x128xf32, #tpu.memory_space<vmem>>, vector<1x16xf32>,
    %mul3A_1291 = arith.constant 3.125000e-02 : f32
    %mul3A_1292 = vector.broadcast %mul3A_1291 : f32 to vector<16xf32>
    %mul3A_1293 = arith.mulf %scan3A_1280#1, %mul3A_1292 : vector<16xf32>
    %swap3A_1294 = arith.constant 5 : i32
    %swap3A_1295 = arith.index_cast %swap3A_1294 : i32 to index
    %swap3A_1296 = arith.constant 96 : index
    %swap3A_1297 = tpu.vector_load %arg11[%swap3A_1295, %swap3A_1296] {strides = array<i32>} : memref<8x128xf32, #tpu.memory_space<vmem>>, vector<1x16xf32>,
    %swap3A_1298 = vector.shape_cast %swap3A_1297 : vector<1x16xf32> to vector<16xf32>
    %swap3A_1299 = vector.shape_cast %mul3A_1293 : vector<16xf32> to vector<1x16xf32>
    tpu.vector_store %arg11[%swap3A_1295, %swap3A_1296], %swap3A_1299 {strides = array<i32>} : memref<8x128xf32, #tpu.memory_space<vmem>>, vector<1x16xf32>,
    %broadcast_in_dim3A_1300 = arith.constant 0.000000e+00 : f32
    %broadcast_in_dim3A_1301 = vector.broadcast %broadcast_in_dim3A_1300 : f32 to vector<16xf32>
    %scan3A_1302 = arith.constant 0 : i32
    %scan3A_1303 = arith.constant 32 : i32
    %scan3A_1304 = arith.addi %scan3A_1302, %scan3A_1303 : i32
    %scan3A_1305 = arith.constant 1 : i32
    %scan3A_1306:2 = scf.for %scan3A_1746 = %scan3A_1302 to %scan3A_1304 step %scan3A_1305 iter_args(%scan3A_1747 = %broadcast_in_dim3A_1301, %scan3A_1748 = %broadcast_in_dim3A_1301) -> (vector<16xf32>, vector<16xf32>)  : i32 {
      %add3A_1749 = arith.constant 160 : i32
      %add3A_1750 = arith.addi %add3A_1749, %scan3A_1746 : i32
      %get3A = arith.index_cast %add3A_1750 : i32 to index
      %get3A_1751 = arith.constant 112 : index
      %get3A_1752 = tpu.vector_load %arg8[%get3A, %get3A_1751] {strides = array<i32>} : memref<256x128xf32, #tpu.memory_space<vmem>>, vector<1x16xf32>,
      %get3A_1753 = vector.shape_cast %get3A_1752 : vector<1x16xf32> to vector<16xf32>
      %add3A_1754 = arith.addf %scan3A_1747, %get3A_1753 : vector<16xf32>
      %add3A_1755 = arith.constant 160 : i32
      %add3A_1756 = arith.addi %add3A_1755, %scan3A_1746 : i32
      %get3A_1757 = arith.index_cast %add3A_1756 : i32 to index
      %get3A_1758 = arith.constant 112 : index
      %get3A_1759 = tpu.vector_load %arg9[%get3A_1757, %get3A_1758] {strides = array<i32>} : memref<256x128xf32, #tpu.memory_space<vmem>>, vector<1x16xf32>,
      %get3A_1760 = vector.shape_cast %get3A_1759 : vector<1x16xf32> to vector<16xf32>
      %add3A_1761 = arith.addf %scan3A_1748, %get3A_1760 : vector<16xf32>
      scf.yield %add3A_1754, %add3A_1761 : vector<16xf32>, vector<16xf32>
    }
    %scan3A_1307 = arith.constant 32 : i32
    %mul3A_1308 = arith.constant 3.125000e-02 : f32
    %mul3A_1309 = vector.broadcast %mul3A_1308 : f32 to vector<16xf32>
    %mul3A_1310 = arith.mulf %scan3A_1306#0, %mul3A_1309 : vector<16xf32>
    %swap3A_1311 = arith.constant 5 : i32
    %swap3A_1312 = arith.index_cast %swap3A_1311 : i32 to index
    %swap3A_1313 = arith.constant 112 : index
    %swap3A_1314 = tpu.vector_load %arg10[%swap3A_1312, %swap3A_1313] {strides = array<i32>} : memref<8x128xf32, #tpu.memory_space<vmem>>, vector<1x16xf32>,
    %swap3A_1315 = vector.shape_cast %swap3A_1314 : vector<1x16xf32> to vector<16xf32>
    %swap3A_1316 = vector.shape_cast %mul3A_1310 : vector<16xf32> to vector<1x16xf32>
    tpu.vector_store %arg10[%swap3A_1312, %swap3A_1313], %swap3A_1316 {strides = array<i32>} : memref<8x128xf32, #tpu.memory_space<vmem>>, vector<1x16xf32>,
    %mul3A_1317 = arith.constant 3.125000e-02 : f32
    %mul3A_1318 = vector.broadcast %mul3A_1317 : f32 to vector<16xf32>
    %mul3A_1319 = arith.mulf %scan3A_1306#1, %mul3A_1318 : vector<16xf32>
    %swap3A_1320 = arith.constant 5 : i32
    %swap3A_1321 = arith.index_cast %swap3A_1320 : i32 to index
    %swap3A_1322 = arith.constant 112 : index
    %swap3A_1323 = tpu.vector_load %arg11[%swap3A_1321, %swap3A_1322] {strides = array<i32>} : memref<8x128xf32, #tpu.memory_space<vmem>>, vector<1x16xf32>,
    %swap3A_1324 = vector.shape_cast %swap3A_1323 : vector<1x16xf32> to vector<16xf32>
    %swap3A_1325 = vector.shape_cast %mul3A_1319 : vector<16xf32> to vector<1x16xf32>
    tpu.vector_store %arg11[%swap3A_1321, %swap3A_1322], %swap3A_1325 {strides = array<i32>} : memref<8x128xf32, #tpu.memory_space<vmem>>, vector<1x16xf32>,
    %broadcast_in_dim3A_1326 = arith.constant 0.000000e+00 : f32
    %broadcast_in_dim3A_1327 = vector.broadcast %broadcast_in_dim3A_1326 : f32 to vector<16xf32>
    %scan3A_1328 = arith.constant 0 : i32
    %scan3A_1329 = arith.constant 32 : i32
    %scan3A_1330 = arith.addi %scan3A_1328, %scan3A_1329 : i32
    %scan3A_1331 = arith.constant 1 : i32
    %scan3A_1332:2 = scf.for %scan3A_1746 = %scan3A_1328 to %scan3A_1330 step %scan3A_1331 iter_args(%scan3A_1747 = %broadcast_in_dim3A_1327, %scan3A_1748 = %broadcast_in_dim3A_1327) -> (vector<16xf32>, vector<16xf32>)  : i32 {
      %add3A_1749 = arith.constant 192 : i32
      %add3A_1750 = arith.addi %add3A_1749, %scan3A_1746 : i32
      %get3A = arith.index_cast %add3A_1750 : i32 to index
      %get3A_1751 = arith.constant 0 : index
      %get3A_1752 = tpu.vector_load %arg8[%get3A, %get3A_1751] {strides = array<i32>} : memref<256x128xf32, #tpu.memory_space<vmem>>, vector<1x16xf32>,
      %get3A_1753 = vector.shape_cast %get3A_1752 : vector<1x16xf32> to vector<16xf32>
      %add3A_1754 = arith.addf %scan3A_1747, %get3A_1753 : vector<16xf32>
      %add3A_1755 = arith.constant 192 : i32
      %add3A_1756 = arith.addi %add3A_1755, %scan3A_1746 : i32
      %get3A_1757 = arith.index_cast %add3A_1756 : i32 to index
      %get3A_1758 = arith.constant 0 : index
      %get3A_1759 = tpu.vector_load %arg9[%get3A_1757, %get3A_1758] {strides = array<i32>} : memref<256x128xf32, #tpu.memory_space<vmem>>, vector<1x16xf32>,
      %get3A_1760 = vector.shape_cast %get3A_1759 : vector<1x16xf32> to vector<16xf32>
      %add3A_1761 = arith.addf %scan3A_1748, %get3A_1760 : vector<16xf32>
      scf.yield %add3A_1754, %add3A_1761 : vector<16xf32>, vector<16xf32>
    }
    %scan3A_1333 = arith.constant 32 : i32
    %mul3A_1334 = arith.constant 3.125000e-02 : f32
    %mul3A_1335 = vector.broadcast %mul3A_1334 : f32 to vector<16xf32>
    %mul3A_1336 = arith.mulf %scan3A_1332#0, %mul3A_1335 : vector<16xf32>
    %swap3A_1337 = arith.constant 6 : i32
    %swap3A_1338 = arith.index_cast %swap3A_1337 : i32 to index
    %swap3A_1339 = arith.constant 0 : index
    %swap3A_1340 = tpu.vector_load %arg10[%swap3A_1338, %swap3A_1339] {strides = array<i32>} : memref<8x128xf32, #tpu.memory_space<vmem>>, vector<1x16xf32>,
    %swap3A_1341 = vector.shape_cast %swap3A_1340 : vector<1x16xf32> to vector<16xf32>
    %swap3A_1342 = vector.shape_cast %mul3A_1336 : vector<16xf32> to vector<1x16xf32>
    tpu.vector_store %arg10[%swap3A_1338, %swap3A_1339], %swap3A_1342 {strides = array<i32>} : memref<8x128xf32, #tpu.memory_space<vmem>>, vector<1x16xf32>,
    %mul3A_1343 = arith.constant 3.125000e-02 : f32
    %mul3A_1344 = vector.broadcast %mul3A_1343 : f32 to vector<16xf32>
    %mul3A_1345 = arith.mulf %scan3A_1332#1, %mul3A_1344 : vector<16xf32>
    %swap3A_1346 = arith.constant 6 : i32
    %swap3A_1347 = arith.index_cast %swap3A_1346 : i32 to index
    %swap3A_1348 = arith.constant 0 : index
    %swap3A_1349 = tpu.vector_load %arg11[%swap3A_1347, %swap3A_1348] {strides = array<i32>} : memref<8x128xf32, #tpu.memory_space<vmem>>, vector<1x16xf32>,
    %swap3A_1350 = vector.shape_cast %swap3A_1349 : vector<1x16xf32> to vector<16xf32>
    %swap3A_1351 = vector.shape_cast %mul3A_1345 : vector<16xf32> to vector<1x16xf32>
    tpu.vector_store %arg11[%swap3A_1347, %swap3A_1348], %swap3A_1351 {strides = array<i32>} : memref<8x128xf32, #tpu.memory_space<vmem>>, vector<1x16xf32>,
    %broadcast_in_dim3A_1352 = arith.constant 0.000000e+00 : f32
    %broadcast_in_dim3A_1353 = vector.broadcast %broadcast_in_dim3A_1352 : f32 to vector<16xf32>
    %scan3A_1354 = arith.constant 0 : i32
    %scan3A_1355 = arith.constant 32 : i32
    %scan3A_1356 = arith.addi %scan3A_1354, %scan3A_1355 : i32
    %scan3A_1357 = arith.constant 1 : i32
    %scan3A_1358:2 = scf.for %scan3A_1746 = %scan3A_1354 to %scan3A_1356 step %scan3A_1357 iter_args(%scan3A_1747 = %broadcast_in_dim3A_1353, %scan3A_1748 = %broadcast_in_dim3A_1353) -> (vector<16xf32>, vector<16xf32>)  : i32 {
      %add3A_1749 = arith.constant 192 : i32
      %add3A_1750 = arith.addi %add3A_1749, %scan3A_1746 : i32
      %get3A = arith.index_cast %add3A_1750 : i32 to index
      %get3A_1751 = arith.constant 16 : index
      %get3A_1752 = tpu.vector_load %arg8[%get3A, %get3A_1751] {strides = array<i32>} : memref<256x128xf32, #tpu.memory_space<vmem>>, vector<1x16xf32>,
      %get3A_1753 = vector.shape_cast %get3A_1752 : vector<1x16xf32> to vector<16xf32>
      %add3A_1754 = arith.addf %scan3A_1747, %get3A_1753 : vector<16xf32>
      %add3A_1755 = arith.constant 192 : i32
      %add3A_1756 = arith.addi %add3A_1755, %scan3A_1746 : i32
      %get3A_1757 = arith.index_cast %add3A_1756 : i32 to index
      %get3A_1758 = arith.constant 16 : index
      %get3A_1759 = tpu.vector_load %arg9[%get3A_1757, %get3A_1758] {strides = array<i32>} : memref<256x128xf32, #tpu.memory_space<vmem>>, vector<1x16xf32>,
      %get3A_1760 = vector.shape_cast %get3A_1759 : vector<1x16xf32> to vector<16xf32>
      %add3A_1761 = arith.addf %scan3A_1748, %get3A_1760 : vector<16xf32>
      scf.yield %add3A_1754, %add3A_1761 : vector<16xf32>, vector<16xf32>
    }
    %scan3A_1359 = arith.constant 32 : i32
    %mul3A_1360 = arith.constant 3.125000e-02 : f32
    %mul3A_1361 = vector.broadcast %mul3A_1360 : f32 to vector<16xf32>
    %mul3A_1362 = arith.mulf %scan3A_1358#0, %mul3A_1361 : vector<16xf32>
    %swap3A_1363 = arith.constant 6 : i32
    %swap3A_1364 = arith.index_cast %swap3A_1363 : i32 to index
    %swap3A_1365 = arith.constant 16 : index
    %swap3A_1366 = tpu.vector_load %arg10[%swap3A_1364, %swap3A_1365] {strides = array<i32>} : memref<8x128xf32, #tpu.memory_space<vmem>>, vector<1x16xf32>,
    %swap3A_1367 = vector.shape_cast %swap3A_1366 : vector<1x16xf32> to vector<16xf32>
    %swap3A_1368 = vector.shape_cast %mul3A_1362 : vector<16xf32> to vector<1x16xf32>
    tpu.vector_store %arg10[%swap3A_1364, %swap3A_1365], %swap3A_1368 {strides = array<i32>} : memref<8x128xf32, #tpu.memory_space<vmem>>, vector<1x16xf32>,
    %mul3A_1369 = arith.constant 3.125000e-02 : f32
    %mul3A_1370 = vector.broadcast %mul3A_1369 : f32 to vector<16xf32>
    %mul3A_1371 = arith.mulf %scan3A_1358#1, %mul3A_1370 : vector<16xf32>
    %swap3A_1372 = arith.constant 6 : i32
    %swap3A_1373 = arith.index_cast %swap3A_1372 : i32 to index
    %swap3A_1374 = arith.constant 16 : index
    %swap3A_1375 = tpu.vector_load %arg11[%swap3A_1373, %swap3A_1374] {strides = array<i32>} : memref<8x128xf32, #tpu.memory_space<vmem>>, vector<1x16xf32>,
    %swap3A_1376 = vector.shape_cast %swap3A_1375 : vector<1x16xf32> to vector<16xf32>
    %swap3A_1377 = vector.shape_cast %mul3A_1371 : vector<16xf32> to vector<1x16xf32>
    tpu.vector_store %arg11[%swap3A_1373, %swap3A_1374], %swap3A_1377 {strides = array<i32>} : memref<8x128xf32, #tpu.memory_space<vmem>>, vector<1x16xf32>,
    %broadcast_in_dim3A_1378 = arith.constant 0.000000e+00 : f32
    %broadcast_in_dim3A_1379 = vector.broadcast %broadcast_in_dim3A_1378 : f32 to vector<16xf32>
    %scan3A_1380 = arith.constant 0 : i32
    %scan3A_1381 = arith.constant 32 : i32
    %scan3A_1382 = arith.addi %scan3A_1380, %scan3A_1381 : i32
    %scan3A_1383 = arith.constant 1 : i32
    %scan3A_1384:2 = scf.for %scan3A_1746 = %scan3A_1380 to %scan3A_1382 step %scan3A_1383 iter_args(%scan3A_1747 = %broadcast_in_dim3A_1379, %scan3A_1748 = %broadcast_in_dim3A_1379) -> (vector<16xf32>, vector<16xf32>)  : i32 {
      %add3A_1749 = arith.constant 192 : i32
      %add3A_1750 = arith.addi %add3A_1749, %scan3A_1746 : i32
      %get3A = arith.index_cast %add3A_1750 : i32 to index
      %get3A_1751 = arith.constant 32 : index
      %get3A_1752 = tpu.vector_load %arg8[%get3A, %get3A_1751] {strides = array<i32>} : memref<256x128xf32, #tpu.memory_space<vmem>>, vector<1x16xf32>,
      %get3A_1753 = vector.shape_cast %get3A_1752 : vector<1x16xf32> to vector<16xf32>
      %add3A_1754 = arith.addf %scan3A_1747, %get3A_1753 : vector<16xf32>
      %add3A_1755 = arith.constant 192 : i32
      %add3A_1756 = arith.addi %add3A_1755, %scan3A_1746 : i32
      %get3A_1757 = arith.index_cast %add3A_1756 : i32 to index
      %get3A_1758 = arith.constant 32 : index
      %get3A_1759 = tpu.vector_load %arg9[%get3A_1757, %get3A_1758] {strides = array<i32>} : memref<256x128xf32, #tpu.memory_space<vmem>>, vector<1x16xf32>,
      %get3A_1760 = vector.shape_cast %get3A_1759 : vector<1x16xf32> to vector<16xf32>
      %add3A_1761 = arith.addf %scan3A_1748, %get3A_1760 : vector<16xf32>
      scf.yield %add3A_1754, %add3A_1761 : vector<16xf32>, vector<16xf32>
    }
    %scan3A_1385 = arith.constant 32 : i32
    %mul3A_1386 = arith.constant 3.125000e-02 : f32
    %mul3A_1387 = vector.broadcast %mul3A_1386 : f32 to vector<16xf32>
    %mul3A_1388 = arith.mulf %scan3A_1384#0, %mul3A_1387 : vector<16xf32>
    %swap3A_1389 = arith.constant 6 : i32
    %swap3A_1390 = arith.index_cast %swap3A_1389 : i32 to index
    %swap3A_1391 = arith.constant 32 : index
    %swap3A_1392 = tpu.vector_load %arg10[%swap3A_1390, %swap3A_1391] {strides = array<i32>} : memref<8x128xf32, #tpu.memory_space<vmem>>, vector<1x16xf32>,
    %swap3A_1393 = vector.shape_cast %swap3A_1392 : vector<1x16xf32> to vector<16xf32>
    %swap3A_1394 = vector.shape_cast %mul3A_1388 : vector<16xf32> to vector<1x16xf32>
    tpu.vector_store %arg10[%swap3A_1390, %swap3A_1391], %swap3A_1394 {strides = array<i32>} : memref<8x128xf32, #tpu.memory_space<vmem>>, vector<1x16xf32>,
    %mul3A_1395 = arith.constant 3.125000e-02 : f32
    %mul3A_1396 = vector.broadcast %mul3A_1395 : f32 to vector<16xf32>
    %mul3A_1397 = arith.mulf %scan3A_1384#1, %mul3A_1396 : vector<16xf32>
    %swap3A_1398 = arith.constant 6 : i32
    %swap3A_1399 = arith.index_cast %swap3A_1398 : i32 to index
    %swap3A_1400 = arith.constant 32 : index
    %swap3A_1401 = tpu.vector_load %arg11[%swap3A_1399, %swap3A_1400] {strides = array<i32>} : memref<8x128xf32, #tpu.memory_space<vmem>>, vector<1x16xf32>,
    %swap3A_1402 = vector.shape_cast %swap3A_1401 : vector<1x16xf32> to vector<16xf32>
    %swap3A_1403 = vector.shape_cast %mul3A_1397 : vector<16xf32> to vector<1x16xf32>
    tpu.vector_store %arg11[%swap3A_1399, %swap3A_1400], %swap3A_1403 {strides = array<i32>} : memref<8x128xf32, #tpu.memory_space<vmem>>, vector<1x16xf32>,
    %broadcast_in_dim3A_1404 = arith.constant 0.000000e+00 : f32
    %broadcast_in_dim3A_1405 = vector.broadcast %broadcast_in_dim3A_1404 : f32 to vector<16xf32>
    %scan3A_1406 = arith.constant 0 : i32
    %scan3A_1407 = arith.constant 32 : i32
    %scan3A_1408 = arith.addi %scan3A_1406, %scan3A_1407 : i32
    %scan3A_1409 = arith.constant 1 : i32
    %scan3A_1410:2 = scf.for %scan3A_1746 = %scan3A_1406 to %scan3A_1408 step %scan3A_1409 iter_args(%scan3A_1747 = %broadcast_in_dim3A_1405, %scan3A_1748 = %broadcast_in_dim3A_1405) -> (vector<16xf32>, vector<16xf32>)  : i32 {
      %add3A_1749 = arith.constant 192 : i32
      %add3A_1750 = arith.addi %add3A_1749, %scan3A_1746 : i32
      %get3A = arith.index_cast %add3A_1750 : i32 to index
      %get3A_1751 = arith.constant 48 : index
      %get3A_1752 = tpu.vector_load %arg8[%get3A, %get3A_1751] {strides = array<i32>} : memref<256x128xf32, #tpu.memory_space<vmem>>, vector<1x16xf32>,
      %get3A_1753 = vector.shape_cast %get3A_1752 : vector<1x16xf32> to vector<16xf32>
      %add3A_1754 = arith.addf %scan3A_1747, %get3A_1753 : vector<16xf32>
      %add3A_1755 = arith.constant 192 : i32
      %add3A_1756 = arith.addi %add3A_1755, %scan3A_1746 : i32
      %get3A_1757 = arith.index_cast %add3A_1756 : i32 to index
      %get3A_1758 = arith.constant 48 : index
      %get3A_1759 = tpu.vector_load %arg9[%get3A_1757, %get3A_1758] {strides = array<i32>} : memref<256x128xf32, #tpu.memory_space<vmem>>, vector<1x16xf32>,
      %get3A_1760 = vector.shape_cast %get3A_1759 : vector<1x16xf32> to vector<16xf32>
      %add3A_1761 = arith.addf %scan3A_1748, %get3A_1760 : vector<16xf32>
      scf.yield %add3A_1754, %add3A_1761 : vector<16xf32>, vector<16xf32>
    }
    %scan3A_1411 = arith.constant 32 : i32
    %mul3A_1412 = arith.constant 3.125000e-02 : f32
    %mul3A_1413 = vector.broadcast %mul3A_1412 : f32 to vector<16xf32>
    %mul3A_1414 = arith.mulf %scan3A_1410#0, %mul3A_1413 : vector<16xf32>
    %swap3A_1415 = arith.constant 6 : i32
    %swap3A_1416 = arith.index_cast %swap3A_1415 : i32 to index
    %swap3A_1417 = arith.constant 48 : index
    %swap3A_1418 = tpu.vector_load %arg10[%swap3A_1416, %swap3A_1417] {strides = array<i32>} : memref<8x128xf32, #tpu.memory_space<vmem>>, vector<1x16xf32>,
    %swap3A_1419 = vector.shape_cast %swap3A_1418 : vector<1x16xf32> to vector<16xf32>
    %swap3A_1420 = vector.shape_cast %mul3A_1414 : vector<16xf32> to vector<1x16xf32>
    tpu.vector_store %arg10[%swap3A_1416, %swap3A_1417], %swap3A_1420 {strides = array<i32>} : memref<8x128xf32, #tpu.memory_space<vmem>>, vector<1x16xf32>,
    %mul3A_1421 = arith.constant 3.125000e-02 : f32
    %mul3A_1422 = vector.broadcast %mul3A_1421 : f32 to vector<16xf32>
    %mul3A_1423 = arith.mulf %scan3A_1410#1, %mul3A_1422 : vector<16xf32>
    %swap3A_1424 = arith.constant 6 : i32
    %swap3A_1425 = arith.index_cast %swap3A_1424 : i32 to index
    %swap3A_1426 = arith.constant 48 : index
    %swap3A_1427 = tpu.vector_load %arg11[%swap3A_1425, %swap3A_1426] {strides = array<i32>} : memref<8x128xf32, #tpu.memory_space<vmem>>, vector<1x16xf32>,
    %swap3A_1428 = vector.shape_cast %swap3A_1427 : vector<1x16xf32> to vector<16xf32>
    %swap3A_1429 = vector.shape_cast %mul3A_1423 : vector<16xf32> to vector<1x16xf32>
    tpu.vector_store %arg11[%swap3A_1425, %swap3A_1426], %swap3A_1429 {strides = array<i32>} : memref<8x128xf32, #tpu.memory_space<vmem>>, vector<1x16xf32>,
    %broadcast_in_dim3A_1430 = arith.constant 0.000000e+00 : f32
    %broadcast_in_dim3A_1431 = vector.broadcast %broadcast_in_dim3A_1430 : f32 to vector<16xf32>
    %scan3A_1432 = arith.constant 0 : i32
    %scan3A_1433 = arith.constant 32 : i32
    %scan3A_1434 = arith.addi %scan3A_1432, %scan3A_1433 : i32
    %scan3A_1435 = arith.constant 1 : i32
    %scan3A_1436:2 = scf.for %scan3A_1746 = %scan3A_1432 to %scan3A_1434 step %scan3A_1435 iter_args(%scan3A_1747 = %broadcast_in_dim3A_1431, %scan3A_1748 = %broadcast_in_dim3A_1431) -> (vector<16xf32>, vector<16xf32>)  : i32 {
      %add3A_1749 = arith.constant 192 : i32
      %add3A_1750 = arith.addi %add3A_1749, %scan3A_1746 : i32
      %get3A = arith.index_cast %add3A_1750 : i32 to index
      %get3A_1751 = arith.constant 64 : index
      %get3A_1752 = tpu.vector_load %arg8[%get3A, %get3A_1751] {strides = array<i32>} : memref<256x128xf32, #tpu.memory_space<vmem>>, vector<1x16xf32>,
      %get3A_1753 = vector.shape_cast %get3A_1752 : vector<1x16xf32> to vector<16xf32>
      %add3A_1754 = arith.addf %scan3A_1747, %get3A_1753 : vector<16xf32>
      %add3A_1755 = arith.constant 192 : i32
      %add3A_1756 = arith.addi %add3A_1755, %scan3A_1746 : i32
      %get3A_1757 = arith.index_cast %add3A_1756 : i32 to index
      %get3A_1758 = arith.constant 64 : index
      %get3A_1759 = tpu.vector_load %arg9[%get3A_1757, %get3A_1758] {strides = array<i32>} : memref<256x128xf32, #tpu.memory_space<vmem>>, vector<1x16xf32>,
      %get3A_1760 = vector.shape_cast %get3A_1759 : vector<1x16xf32> to vector<16xf32>
      %add3A_1761 = arith.addf %scan3A_1748, %get3A_1760 : vector<16xf32>
      scf.yield %add3A_1754, %add3A_1761 : vector<16xf32>, vector<16xf32>
    }
    %scan3A_1437 = arith.constant 32 : i32
    %mul3A_1438 = arith.constant 3.125000e-02 : f32
    %mul3A_1439 = vector.broadcast %mul3A_1438 : f32 to vector<16xf32>
    %mul3A_1440 = arith.mulf %scan3A_1436#0, %mul3A_1439 : vector<16xf32>
    %swap3A_1441 = arith.constant 6 : i32
    %swap3A_1442 = arith.index_cast %swap3A_1441 : i32 to index
    %swap3A_1443 = arith.constant 64 : index
    %swap3A_1444 = tpu.vector_load %arg10[%swap3A_1442, %swap3A_1443] {strides = array<i32>} : memref<8x128xf32, #tpu.memory_space<vmem>>, vector<1x16xf32>,
    %swap3A_1445 = vector.shape_cast %swap3A_1444 : vector<1x16xf32> to vector<16xf32>
    %swap3A_1446 = vector.shape_cast %mul3A_1440 : vector<16xf32> to vector<1x16xf32>
    tpu.vector_store %arg10[%swap3A_1442, %swap3A_1443], %swap3A_1446 {strides = array<i32>} : memref<8x128xf32, #tpu.memory_space<vmem>>, vector<1x16xf32>,
    %mul3A_1447 = arith.constant 3.125000e-02 : f32
    %mul3A_1448 = vector.broadcast %mul3A_1447 : f32 to vector<16xf32>
    %mul3A_1449 = arith.mulf %scan3A_1436#1, %mul3A_1448 : vector<16xf32>
    %swap3A_1450 = arith.constant 6 : i32
    %swap3A_1451 = arith.index_cast %swap3A_1450 : i32 to index
    %swap3A_1452 = arith.constant 64 : index
    %swap3A_1453 = tpu.vector_load %arg11[%swap3A_1451, %swap3A_1452] {strides = array<i32>} : memref<8x128xf32, #tpu.memory_space<vmem>>, vector<1x16xf32>,
    %swap3A_1454 = vector.shape_cast %swap3A_1453 : vector<1x16xf32> to vector<16xf32>
    %swap3A_1455 = vector.shape_cast %mul3A_1449 : vector<16xf32> to vector<1x16xf32>
    tpu.vector_store %arg11[%swap3A_1451, %swap3A_1452], %swap3A_1455 {strides = array<i32>} : memref<8x128xf32, #tpu.memory_space<vmem>>, vector<1x16xf32>,
    %broadcast_in_dim3A_1456 = arith.constant 0.000000e+00 : f32
    %broadcast_in_dim3A_1457 = vector.broadcast %broadcast_in_dim3A_1456 : f32 to vector<16xf32>
    %scan3A_1458 = arith.constant 0 : i32
    %scan3A_1459 = arith.constant 32 : i32
    %scan3A_1460 = arith.addi %scan3A_1458, %scan3A_1459 : i32
    %scan3A_1461 = arith.constant 1 : i32
    %scan3A_1462:2 = scf.for %scan3A_1746 = %scan3A_1458 to %scan3A_1460 step %scan3A_1461 iter_args(%scan3A_1747 = %broadcast_in_dim3A_1457, %scan3A_1748 = %broadcast_in_dim3A_1457) -> (vector<16xf32>, vector<16xf32>)  : i32 {
      %add3A_1749 = arith.constant 192 : i32
      %add3A_1750 = arith.addi %add3A_1749, %scan3A_1746 : i32
      %get3A = arith.index_cast %add3A_1750 : i32 to index
      %get3A_1751 = arith.constant 80 : index
      %get3A_1752 = tpu.vector_load %arg8[%get3A, %get3A_1751] {strides = array<i32>} : memref<256x128xf32, #tpu.memory_space<vmem>>, vector<1x16xf32>,
      %get3A_1753 = vector.shape_cast %get3A_1752 : vector<1x16xf32> to vector<16xf32>
      %add3A_1754 = arith.addf %scan3A_1747, %get3A_1753 : vector<16xf32>
      %add3A_1755 = arith.constant 192 : i32
      %add3A_1756 = arith.addi %add3A_1755, %scan3A_1746 : i32
      %get3A_1757 = arith.index_cast %add3A_1756 : i32 to index
      %get3A_1758 = arith.constant 80 : index
      %get3A_1759 = tpu.vector_load %arg9[%get3A_1757, %get3A_1758] {strides = array<i32>} : memref<256x128xf32, #tpu.memory_space<vmem>>, vector<1x16xf32>,
      %get3A_1760 = vector.shape_cast %get3A_1759 : vector<1x16xf32> to vector<16xf32>
      %add3A_1761 = arith.addf %scan3A_1748, %get3A_1760 : vector<16xf32>
      scf.yield %add3A_1754, %add3A_1761 : vector<16xf32>, vector<16xf32>
    }
    %scan3A_1463 = arith.constant 32 : i32
    %mul3A_1464 = arith.constant 3.125000e-02 : f32
    %mul3A_1465 = vector.broadcast %mul3A_1464 : f32 to vector<16xf32>
    %mul3A_1466 = arith.mulf %scan3A_1462#0, %mul3A_1465 : vector<16xf32>
    %swap3A_1467 = arith.constant 6 : i32
    %swap3A_1468 = arith.index_cast %swap3A_1467 : i32 to index
    %swap3A_1469 = arith.constant 80 : index
    %swap3A_1470 = tpu.vector_load %arg10[%swap3A_1468, %swap3A_1469] {strides = array<i32>} : memref<8x128xf32, #tpu.memory_space<vmem>>, vector<1x16xf32>,
    %swap3A_1471 = vector.shape_cast %swap3A_1470 : vector<1x16xf32> to vector<16xf32>
    %swap3A_1472 = vector.shape_cast %mul3A_1466 : vector<16xf32> to vector<1x16xf32>
    tpu.vector_store %arg10[%swap3A_1468, %swap3A_1469], %swap3A_1472 {strides = array<i32>} : memref<8x128xf32, #tpu.memory_space<vmem>>, vector<1x16xf32>,
    %mul3A_1473 = arith.constant 3.125000e-02 : f32
    %mul3A_1474 = vector.broadcast %mul3A_1473 : f32 to vector<16xf32>
    %mul3A_1475 = arith.mulf %scan3A_1462#1, %mul3A_1474 : vector<16xf32>
    %swap3A_1476 = arith.constant 6 : i32
    %swap3A_1477 = arith.index_cast %swap3A_1476 : i32 to index
    %swap3A_1478 = arith.constant 80 : index
    %swap3A_1479 = tpu.vector_load %arg11[%swap3A_1477, %swap3A_1478] {strides = array<i32>} : memref<8x128xf32, #tpu.memory_space<vmem>>, vector<1x16xf32>,
    %swap3A_1480 = vector.shape_cast %swap3A_1479 : vector<1x16xf32> to vector<16xf32>
    %swap3A_1481 = vector.shape_cast %mul3A_1475 : vector<16xf32> to vector<1x16xf32>
    tpu.vector_store %arg11[%swap3A_1477, %swap3A_1478], %swap3A_1481 {strides = array<i32>} : memref<8x128xf32, #tpu.memory_space<vmem>>, vector<1x16xf32>,
    %broadcast_in_dim3A_1482 = arith.constant 0.000000e+00 : f32
    %broadcast_in_dim3A_1483 = vector.broadcast %broadcast_in_dim3A_1482 : f32 to vector<16xf32>
    %scan3A_1484 = arith.constant 0 : i32
    %scan3A_1485 = arith.constant 32 : i32
    %scan3A_1486 = arith.addi %scan3A_1484, %scan3A_1485 : i32
    %scan3A_1487 = arith.constant 1 : i32
    %scan3A_1488:2 = scf.for %scan3A_1746 = %scan3A_1484 to %scan3A_1486 step %scan3A_1487 iter_args(%scan3A_1747 = %broadcast_in_dim3A_1483, %scan3A_1748 = %broadcast_in_dim3A_1483) -> (vector<16xf32>, vector<16xf32>)  : i32 {
      %add3A_1749 = arith.constant 192 : i32
      %add3A_1750 = arith.addi %add3A_1749, %scan3A_1746 : i32
      %get3A = arith.index_cast %add3A_1750 : i32 to index
      %get3A_1751 = arith.constant 96 : index
      %get3A_1752 = tpu.vector_load %arg8[%get3A, %get3A_1751] {strides = array<i32>} : memref<256x128xf32, #tpu.memory_space<vmem>>, vector<1x16xf32>,
      %get3A_1753 = vector.shape_cast %get3A_1752 : vector<1x16xf32> to vector<16xf32>
      %add3A_1754 = arith.addf %scan3A_1747, %get3A_1753 : vector<16xf32>
      %add3A_1755 = arith.constant 192 : i32
      %add3A_1756 = arith.addi %add3A_1755, %scan3A_1746 : i32
      %get3A_1757 = arith.index_cast %add3A_1756 : i32 to index
      %get3A_1758 = arith.constant 96 : index
      %get3A_1759 = tpu.vector_load %arg9[%get3A_1757, %get3A_1758] {strides = array<i32>} : memref<256x128xf32, #tpu.memory_space<vmem>>, vector<1x16xf32>,
      %get3A_1760 = vector.shape_cast %get3A_1759 : vector<1x16xf32> to vector<16xf32>
      %add3A_1761 = arith.addf %scan3A_1748, %get3A_1760 : vector<16xf32>
      scf.yield %add3A_1754, %add3A_1761 : vector<16xf32>, vector<16xf32>
    }
    %scan3A_1489 = arith.constant 32 : i32
    %mul3A_1490 = arith.constant 3.125000e-02 : f32
    %mul3A_1491 = vector.broadcast %mul3A_1490 : f32 to vector<16xf32>
    %mul3A_1492 = arith.mulf %scan3A_1488#0, %mul3A_1491 : vector<16xf32>
    %swap3A_1493 = arith.constant 6 : i32
    %swap3A_1494 = arith.index_cast %swap3A_1493 : i32 to index
    %swap3A_1495 = arith.constant 96 : index
    %swap3A_1496 = tpu.vector_load %arg10[%swap3A_1494, %swap3A_1495] {strides = array<i32>} : memref<8x128xf32, #tpu.memory_space<vmem>>, vector<1x16xf32>,
    %swap3A_1497 = vector.shape_cast %swap3A_1496 : vector<1x16xf32> to vector<16xf32>
    %swap3A_1498 = vector.shape_cast %mul3A_1492 : vector<16xf32> to vector<1x16xf32>
    tpu.vector_store %arg10[%swap3A_1494, %swap3A_1495], %swap3A_1498 {strides = array<i32>} : memref<8x128xf32, #tpu.memory_space<vmem>>, vector<1x16xf32>,
    %mul3A_1499 = arith.constant 3.125000e-02 : f32
    %mul3A_1500 = vector.broadcast %mul3A_1499 : f32 to vector<16xf32>
    %mul3A_1501 = arith.mulf %scan3A_1488#1, %mul3A_1500 : vector<16xf32>
    %swap3A_1502 = arith.constant 6 : i32
    %swap3A_1503 = arith.index_cast %swap3A_1502 : i32 to index
    %swap3A_1504 = arith.constant 96 : index
    %swap3A_1505 = tpu.vector_load %arg11[%swap3A_1503, %swap3A_1504] {strides = array<i32>} : memref<8x128xf32, #tpu.memory_space<vmem>>, vector<1x16xf32>,
    %swap3A_1506 = vector.shape_cast %swap3A_1505 : vector<1x16xf32> to vector<16xf32>
    %swap3A_1507 = vector.shape_cast %mul3A_1501 : vector<16xf32> to vector<1x16xf32>
    tpu.vector_store %arg11[%swap3A_1503, %swap3A_1504], %swap3A_1507 {strides = array<i32>} : memref<8x128xf32, #tpu.memory_space<vmem>>, vector<1x16xf32>,
    %broadcast_in_dim3A_1508 = arith.constant 0.000000e+00 : f32
    %broadcast_in_dim3A_1509 = vector.broadcast %broadcast_in_dim3A_1508 : f32 to vector<16xf32>
    %scan3A_1510 = arith.constant 0 : i32
    %scan3A_1511 = arith.constant 32 : i32
    %scan3A_1512 = arith.addi %scan3A_1510, %scan3A_1511 : i32
    %scan3A_1513 = arith.constant 1 : i32
    %scan3A_1514:2 = scf.for %scan3A_1746 = %scan3A_1510 to %scan3A_1512 step %scan3A_1513 iter_args(%scan3A_1747 = %broadcast_in_dim3A_1509, %scan3A_1748 = %broadcast_in_dim3A_1509) -> (vector<16xf32>, vector<16xf32>)  : i32 {
      %add3A_1749 = arith.constant 192 : i32
      %add3A_1750 = arith.addi %add3A_1749, %scan3A_1746 : i32
      %get3A = arith.index_cast %add3A_1750 : i32 to index
      %get3A_1751 = arith.constant 112 : index
      %get3A_1752 = tpu.vector_load %arg8[%get3A, %get3A_1751] {strides = array<i32>} : memref<256x128xf32, #tpu.memory_space<vmem>>, vector<1x16xf32>,
      %get3A_1753 = vector.shape_cast %get3A_1752 : vector<1x16xf32> to vector<16xf32>
      %add3A_1754 = arith.addf %scan3A_1747, %get3A_1753 : vector<16xf32>
      %add3A_1755 = arith.constant 192 : i32
      %add3A_1756 = arith.addi %add3A_1755, %scan3A_1746 : i32
      %get3A_1757 = arith.index_cast %add3A_1756 : i32 to index
      %get3A_1758 = arith.constant 112 : index
      %get3A_1759 = tpu.vector_load %arg9[%get3A_1757, %get3A_1758] {strides = array<i32>} : memref<256x128xf32, #tpu.memory_space<vmem>>, vector<1x16xf32>,
      %get3A_1760 = vector.shape_cast %get3A_1759 : vector<1x16xf32> to vector<16xf32>
      %add3A_1761 = arith.addf %scan3A_1748, %get3A_1760 : vector<16xf32>
      scf.yield %add3A_1754, %add3A_1761 : vector<16xf32>, vector<16xf32>
    }
    %scan3A_1515 = arith.constant 32 : i32
    %mul3A_1516 = arith.constant 3.125000e-02 : f32
    %mul3A_1517 = vector.broadcast %mul3A_1516 : f32 to vector<16xf32>
    %mul3A_1518 = arith.mulf %scan3A_1514#0, %mul3A_1517 : vector<16xf32>
    %swap3A_1519 = arith.constant 6 : i32
    %swap3A_1520 = arith.index_cast %swap3A_1519 : i32 to index
    %swap3A_1521 = arith.constant 112 : index
    %swap3A_1522 = tpu.vector_load %arg10[%swap3A_1520, %swap3A_1521] {strides = array<i32>} : memref<8x128xf32, #tpu.memory_space<vmem>>, vector<1x16xf32>,
    %swap3A_1523 = vector.shape_cast %swap3A_1522 : vector<1x16xf32> to vector<16xf32>
    %swap3A_1524 = vector.shape_cast %mul3A_1518 : vector<16xf32> to vector<1x16xf32>
    tpu.vector_store %arg10[%swap3A_1520, %swap3A_1521], %swap3A_1524 {strides = array<i32>} : memref<8x128xf32, #tpu.memory_space<vmem>>, vector<1x16xf32>,
    %mul3A_1525 = arith.constant 3.125000e-02 : f32
    %mul3A_1526 = vector.broadcast %mul3A_1525 : f32 to vector<16xf32>
    %mul3A_1527 = arith.mulf %scan3A_1514#1, %mul3A_1526 : vector<16xf32>
    %swap3A_1528 = arith.constant 6 : i32
    %swap3A_1529 = arith.index_cast %swap3A_1528 : i32 to index
    %swap3A_1530 = arith.constant 112 : index
    %swap3A_1531 = tpu.vector_load %arg11[%swap3A_1529, %swap3A_1530] {strides = array<i32>} : memref<8x128xf32, #tpu.memory_space<vmem>>, vector<1x16xf32>,
    %swap3A_1532 = vector.shape_cast %swap3A_1531 : vector<1x16xf32> to vector<16xf32>
    %swap3A_1533 = vector.shape_cast %mul3A_1527 : vector<16xf32> to vector<1x16xf32>
    tpu.vector_store %arg11[%swap3A_1529, %swap3A_1530], %swap3A_1533 {strides = array<i32>} : memref<8x128xf32, #tpu.memory_space<vmem>>, vector<1x16xf32>,
    %broadcast_in_dim3A_1534 = arith.constant 0.000000e+00 : f32
    %broadcast_in_dim3A_1535 = vector.broadcast %broadcast_in_dim3A_1534 : f32 to vector<16xf32>
    %scan3A_1536 = arith.constant 0 : i32
    %scan3A_1537 = arith.constant 32 : i32
    %scan3A_1538 = arith.addi %scan3A_1536, %scan3A_1537 : i32
    %scan3A_1539 = arith.constant 1 : i32
    %scan3A_1540:2 = scf.for %scan3A_1746 = %scan3A_1536 to %scan3A_1538 step %scan3A_1539 iter_args(%scan3A_1747 = %broadcast_in_dim3A_1535, %scan3A_1748 = %broadcast_in_dim3A_1535) -> (vector<16xf32>, vector<16xf32>)  : i32 {
      %add3A_1749 = arith.constant 224 : i32
      %add3A_1750 = arith.addi %add3A_1749, %scan3A_1746 : i32
      %get3A = arith.index_cast %add3A_1750 : i32 to index
      %get3A_1751 = arith.constant 0 : index
      %get3A_1752 = tpu.vector_load %arg8[%get3A, %get3A_1751] {strides = array<i32>} : memref<256x128xf32, #tpu.memory_space<vmem>>, vector<1x16xf32>,
      %get3A_1753 = vector.shape_cast %get3A_1752 : vector<1x16xf32> to vector<16xf32>
      %add3A_1754 = arith.addf %scan3A_1747, %get3A_1753 : vector<16xf32>
      %add3A_1755 = arith.constant 224 : i32
      %add3A_1756 = arith.addi %add3A_1755, %scan3A_1746 : i32
      %get3A_1757 = arith.index_cast %add3A_1756 : i32 to index
      %get3A_1758 = arith.constant 0 : index
      %get3A_1759 = tpu.vector_load %arg9[%get3A_1757, %get3A_1758] {strides = array<i32>} : memref<256x128xf32, #tpu.memory_space<vmem>>, vector<1x16xf32>,
      %get3A_1760 = vector.shape_cast %get3A_1759 : vector<1x16xf32> to vector<16xf32>
      %add3A_1761 = arith.addf %scan3A_1748, %get3A_1760 : vector<16xf32>
      scf.yield %add3A_1754, %add3A_1761 : vector<16xf32>, vector<16xf32>
    }
    %scan3A_1541 = arith.constant 32 : i32
    %mul3A_1542 = arith.constant 3.125000e-02 : f32
    %mul3A_1543 = vector.broadcast %mul3A_1542 : f32 to vector<16xf32>
    %mul3A_1544 = arith.mulf %scan3A_1540#0, %mul3A_1543 : vector<16xf32>
    %swap3A_1545 = arith.constant 7 : i32
    %swap3A_1546 = arith.index_cast %swap3A_1545 : i32 to index
    %swap3A_1547 = arith.constant 0 : index
    %swap3A_1548 = tpu.vector_load %arg10[%swap3A_1546, %swap3A_1547] {strides = array<i32>} : memref<8x128xf32, #tpu.memory_space<vmem>>, vector<1x16xf32>,
    %swap3A_1549 = vector.shape_cast %swap3A_1548 : vector<1x16xf32> to vector<16xf32>
    %swap3A_1550 = vector.shape_cast %mul3A_1544 : vector<16xf32> to vector<1x16xf32>
    tpu.vector_store %arg10[%swap3A_1546, %swap3A_1547], %swap3A_1550 {strides = array<i32>} : memref<8x128xf32, #tpu.memory_space<vmem>>, vector<1x16xf32>,
    %mul3A_1551 = arith.constant 3.125000e-02 : f32
    %mul3A_1552 = vector.broadcast %mul3A_1551 : f32 to vector<16xf32>
    %mul3A_1553 = arith.mulf %scan3A_1540#1, %mul3A_1552 : vector<16xf32>
    %swap3A_1554 = arith.constant 7 : i32
    %swap3A_1555 = arith.index_cast %swap3A_1554 : i32 to index
    %swap3A_1556 = arith.constant 0 : index
    %swap3A_1557 = tpu.vector_load %arg11[%swap3A_1555, %swap3A_1556] {strides = array<i32>} : memref<8x128xf32, #tpu.memory_space<vmem>>, vector<1x16xf32>,
    %swap3A_1558 = vector.shape_cast %swap3A_1557 : vector<1x16xf32> to vector<16xf32>
    %swap3A_1559 = vector.shape_cast %mul3A_1553 : vector<16xf32> to vector<1x16xf32>
    tpu.vector_store %arg11[%swap3A_1555, %swap3A_1556], %swap3A_1559 {strides = array<i32>} : memref<8x128xf32, #tpu.memory_space<vmem>>, vector<1x16xf32>,
    %broadcast_in_dim3A_1560 = arith.constant 0.000000e+00 : f32
    %broadcast_in_dim3A_1561 = vector.broadcast %broadcast_in_dim3A_1560 : f32 to vector<16xf32>
    %scan3A_1562 = arith.constant 0 : i32
    %scan3A_1563 = arith.constant 32 : i32
    %scan3A_1564 = arith.addi %scan3A_1562, %scan3A_1563 : i32
    %scan3A_1565 = arith.constant 1 : i32
    %scan3A_1566:2 = scf.for %scan3A_1746 = %scan3A_1562 to %scan3A_1564 step %scan3A_1565 iter_args(%scan3A_1747 = %broadcast_in_dim3A_1561, %scan3A_1748 = %broadcast_in_dim3A_1561) -> (vector<16xf32>, vector<16xf32>)  : i32 {
      %add3A_1749 = arith.constant 224 : i32
      %add3A_1750 = arith.addi %add3A_1749, %scan3A_1746 : i32
      %get3A = arith.index_cast %add3A_1750 : i32 to index
      %get3A_1751 = arith.constant 16 : index
      %get3A_1752 = tpu.vector_load %arg8[%get3A, %get3A_1751] {strides = array<i32>} : memref<256x128xf32, #tpu.memory_space<vmem>>, vector<1x16xf32>,
      %get3A_1753 = vector.shape_cast %get3A_1752 : vector<1x16xf32> to vector<16xf32>
      %add3A_1754 = arith.addf %scan3A_1747, %get3A_1753 : vector<16xf32>
      %add3A_1755 = arith.constant 224 : i32
      %add3A_1756 = arith.addi %add3A_1755, %scan3A_1746 : i32
      %get3A_1757 = arith.index_cast %add3A_1756 : i32 to index
      %get3A_1758 = arith.constant 16 : index
      %get3A_1759 = tpu.vector_load %arg9[%get3A_1757, %get3A_1758] {strides = array<i32>} : memref<256x128xf32, #tpu.memory_space<vmem>>, vector<1x16xf32>,
      %get3A_1760 = vector.shape_cast %get3A_1759 : vector<1x16xf32> to vector<16xf32>
      %add3A_1761 = arith.addf %scan3A_1748, %get3A_1760 : vector<16xf32>
      scf.yield %add3A_1754, %add3A_1761 : vector<16xf32>, vector<16xf32>
    }
    %scan3A_1567 = arith.constant 32 : i32
    %mul3A_1568 = arith.constant 3.125000e-02 : f32
    %mul3A_1569 = vector.broadcast %mul3A_1568 : f32 to vector<16xf32>
    %mul3A_1570 = arith.mulf %scan3A_1566#0, %mul3A_1569 : vector<16xf32>
    %swap3A_1571 = arith.constant 7 : i32
    %swap3A_1572 = arith.index_cast %swap3A_1571 : i32 to index
    %swap3A_1573 = arith.constant 16 : index
    %swap3A_1574 = tpu.vector_load %arg10[%swap3A_1572, %swap3A_1573] {strides = array<i32>} : memref<8x128xf32, #tpu.memory_space<vmem>>, vector<1x16xf32>,
    %swap3A_1575 = vector.shape_cast %swap3A_1574 : vector<1x16xf32> to vector<16xf32>
    %swap3A_1576 = vector.shape_cast %mul3A_1570 : vector<16xf32> to vector<1x16xf32>
    tpu.vector_store %arg10[%swap3A_1572, %swap3A_1573], %swap3A_1576 {strides = array<i32>} : memref<8x128xf32, #tpu.memory_space<vmem>>, vector<1x16xf32>,
    %mul3A_1577 = arith.constant 3.125000e-02 : f32
    %mul3A_1578 = vector.broadcast %mul3A_1577 : f32 to vector<16xf32>
    %mul3A_1579 = arith.mulf %scan3A_1566#1, %mul3A_1578 : vector<16xf32>
    %swap3A_1580 = arith.constant 7 : i32
    %swap3A_1581 = arith.index_cast %swap3A_1580 : i32 to index
    %swap3A_1582 = arith.constant 16 : index
    %swap3A_1583 = tpu.vector_load %arg11[%swap3A_1581, %swap3A_1582] {strides = array<i32>} : memref<8x128xf32, #tpu.memory_space<vmem>>, vector<1x16xf32>,
    %swap3A_1584 = vector.shape_cast %swap3A_1583 : vector<1x16xf32> to vector<16xf32>
    %swap3A_1585 = vector.shape_cast %mul3A_1579 : vector<16xf32> to vector<1x16xf32>
    tpu.vector_store %arg11[%swap3A_1581, %swap3A_1582], %swap3A_1585 {strides = array<i32>} : memref<8x128xf32, #tpu.memory_space<vmem>>, vector<1x16xf32>,
    %broadcast_in_dim3A_1586 = arith.constant 0.000000e+00 : f32
    %broadcast_in_dim3A_1587 = vector.broadcast %broadcast_in_dim3A_1586 : f32 to vector<16xf32>
    %scan3A_1588 = arith.constant 0 : i32
    %scan3A_1589 = arith.constant 32 : i32
    %scan3A_1590 = arith.addi %scan3A_1588, %scan3A_1589 : i32
    %scan3A_1591 = arith.constant 1 : i32
    %scan3A_1592:2 = scf.for %scan3A_1746 = %scan3A_1588 to %scan3A_1590 step %scan3A_1591 iter_args(%scan3A_1747 = %broadcast_in_dim3A_1587, %scan3A_1748 = %broadcast_in_dim3A_1587) -> (vector<16xf32>, vector<16xf32>)  : i32 {
      %add3A_1749 = arith.constant 224 : i32
      %add3A_1750 = arith.addi %add3A_1749, %scan3A_1746 : i32
      %get3A = arith.index_cast %add3A_1750 : i32 to index
      %get3A_1751 = arith.constant 32 : index
      %get3A_1752 = tpu.vector_load %arg8[%get3A, %get3A_1751] {strides = array<i32>} : memref<256x128xf32, #tpu.memory_space<vmem>>, vector<1x16xf32>,
      %get3A_1753 = vector.shape_cast %get3A_1752 : vector<1x16xf32> to vector<16xf32>
      %add3A_1754 = arith.addf %scan3A_1747, %get3A_1753 : vector<16xf32>
      %add3A_1755 = arith.constant 224 : i32
      %add3A_1756 = arith.addi %add3A_1755, %scan3A_1746 : i32
      %get3A_1757 = arith.index_cast %add3A_1756 : i32 to index
      %get3A_1758 = arith.constant 32 : index
      %get3A_1759 = tpu.vector_load %arg9[%get3A_1757, %get3A_1758] {strides = array<i32>} : memref<256x128xf32, #tpu.memory_space<vmem>>, vector<1x16xf32>,
      %get3A_1760 = vector.shape_cast %get3A_1759 : vector<1x16xf32> to vector<16xf32>
      %add3A_1761 = arith.addf %scan3A_1748, %get3A_1760 : vector<16xf32>
      scf.yield %add3A_1754, %add3A_1761 : vector<16xf32>, vector<16xf32>
    }
    %scan3A_1593 = arith.constant 32 : i32
    %mul3A_1594 = arith.constant 3.125000e-02 : f32
    %mul3A_1595 = vector.broadcast %mul3A_1594 : f32 to vector<16xf32>
    %mul3A_1596 = arith.mulf %scan3A_1592#0, %mul3A_1595 : vector<16xf32>
    %swap3A_1597 = arith.constant 7 : i32
    %swap3A_1598 = arith.index_cast %swap3A_1597 : i32 to index
    %swap3A_1599 = arith.constant 32 : index
    %swap3A_1600 = tpu.vector_load %arg10[%swap3A_1598, %swap3A_1599] {strides = array<i32>} : memref<8x128xf32, #tpu.memory_space<vmem>>, vector<1x16xf32>,
    %swap3A_1601 = vector.shape_cast %swap3A_1600 : vector<1x16xf32> to vector<16xf32>
    %swap3A_1602 = vector.shape_cast %mul3A_1596 : vector<16xf32> to vector<1x16xf32>
    tpu.vector_store %arg10[%swap3A_1598, %swap3A_1599], %swap3A_1602 {strides = array<i32>} : memref<8x128xf32, #tpu.memory_space<vmem>>, vector<1x16xf32>,
    %mul3A_1603 = arith.constant 3.125000e-02 : f32
    %mul3A_1604 = vector.broadcast %mul3A_1603 : f32 to vector<16xf32>
    %mul3A_1605 = arith.mulf %scan3A_1592#1, %mul3A_1604 : vector<16xf32>
    %swap3A_1606 = arith.constant 7 : i32
    %swap3A_1607 = arith.index_cast %swap3A_1606 : i32 to index
    %swap3A_1608 = arith.constant 32 : index
    %swap3A_1609 = tpu.vector_load %arg11[%swap3A_1607, %swap3A_1608] {strides = array<i32>} : memref<8x128xf32, #tpu.memory_space<vmem>>, vector<1x16xf32>,
    %swap3A_1610 = vector.shape_cast %swap3A_1609 : vector<1x16xf32> to vector<16xf32>
    %swap3A_1611 = vector.shape_cast %mul3A_1605 : vector<16xf32> to vector<1x16xf32>
    tpu.vector_store %arg11[%swap3A_1607, %swap3A_1608], %swap3A_1611 {strides = array<i32>} : memref<8x128xf32, #tpu.memory_space<vmem>>, vector<1x16xf32>,
    %broadcast_in_dim3A_1612 = arith.constant 0.000000e+00 : f32
    %broadcast_in_dim3A_1613 = vector.broadcast %broadcast_in_dim3A_1612 : f32 to vector<16xf32>
    %scan3A_1614 = arith.constant 0 : i32
    %scan3A_1615 = arith.constant 32 : i32
    %scan3A_1616 = arith.addi %scan3A_1614, %scan3A_1615 : i32
    %scan3A_1617 = arith.constant 1 : i32
    %scan3A_1618:2 = scf.for %scan3A_1746 = %scan3A_1614 to %scan3A_1616 step %scan3A_1617 iter_args(%scan3A_1747 = %broadcast_in_dim3A_1613, %scan3A_1748 = %broadcast_in_dim3A_1613) -> (vector<16xf32>, vector<16xf32>)  : i32 {
      %add3A_1749 = arith.constant 224 : i32
      %add3A_1750 = arith.addi %add3A_1749, %scan3A_1746 : i32
      %get3A = arith.index_cast %add3A_1750 : i32 to index
      %get3A_1751 = arith.constant 48 : index
      %get3A_1752 = tpu.vector_load %arg8[%get3A, %get3A_1751] {strides = array<i32>} : memref<256x128xf32, #tpu.memory_space<vmem>>, vector<1x16xf32>,
      %get3A_1753 = vector.shape_cast %get3A_1752 : vector<1x16xf32> to vector<16xf32>
      %add3A_1754 = arith.addf %scan3A_1747, %get3A_1753 : vector<16xf32>
      %add3A_1755 = arith.constant 224 : i32
      %add3A_1756 = arith.addi %add3A_1755, %scan3A_1746 : i32
      %get3A_1757 = arith.index_cast %add3A_1756 : i32 to index
      %get3A_1758 = arith.constant 48 : index
      %get3A_1759 = tpu.vector_load %arg9[%get3A_1757, %get3A_1758] {strides = array<i32>} : memref<256x128xf32, #tpu.memory_space<vmem>>, vector<1x16xf32>,
      %get3A_1760 = vector.shape_cast %get3A_1759 : vector<1x16xf32> to vector<16xf32>
      %add3A_1761 = arith.addf %scan3A_1748, %get3A_1760 : vector<16xf32>
      scf.yield %add3A_1754, %add3A_1761 : vector<16xf32>, vector<16xf32>
    }
    %scan3A_1619 = arith.constant 32 : i32
    %mul3A_1620 = arith.constant 3.125000e-02 : f32
    %mul3A_1621 = vector.broadcast %mul3A_1620 : f32 to vector<16xf32>
    %mul3A_1622 = arith.mulf %scan3A_1618#0, %mul3A_1621 : vector<16xf32>
    %swap3A_1623 = arith.constant 7 : i32
    %swap3A_1624 = arith.index_cast %swap3A_1623 : i32 to index
    %swap3A_1625 = arith.constant 48 : index
    %swap3A_1626 = tpu.vector_load %arg10[%swap3A_1624, %swap3A_1625] {strides = array<i32>} : memref<8x128xf32, #tpu.memory_space<vmem>>, vector<1x16xf32>,
    %swap3A_1627 = vector.shape_cast %swap3A_1626 : vector<1x16xf32> to vector<16xf32>
    %swap3A_1628 = vector.shape_cast %mul3A_1622 : vector<16xf32> to vector<1x16xf32>
    tpu.vector_store %arg10[%swap3A_1624, %swap3A_1625], %swap3A_1628 {strides = array<i32>} : memref<8x128xf32, #tpu.memory_space<vmem>>, vector<1x16xf32>,
    %mul3A_1629 = arith.constant 3.125000e-02 : f32
    %mul3A_1630 = vector.broadcast %mul3A_1629 : f32 to vector<16xf32>
    %mul3A_1631 = arith.mulf %scan3A_1618#1, %mul3A_1630 : vector<16xf32>
    %swap3A_1632 = arith.constant 7 : i32
    %swap3A_1633 = arith.index_cast %swap3A_1632 : i32 to index
    %swap3A_1634 = arith.constant 48 : index
    %swap3A_1635 = tpu.vector_load %arg11[%swap3A_1633, %swap3A_1634] {strides = array<i32>} : memref<8x128xf32, #tpu.memory_space<vmem>>, vector<1x16xf32>,
    %swap3A_1636 = vector.shape_cast %swap3A_1635 : vector<1x16xf32> to vector<16xf32>
    %swap3A_1637 = vector.shape_cast %mul3A_1631 : vector<16xf32> to vector<1x16xf32>
    tpu.vector_store %arg11[%swap3A_1633, %swap3A_1634], %swap3A_1637 {strides = array<i32>} : memref<8x128xf32, #tpu.memory_space<vmem>>, vector<1x16xf32>,
    %broadcast_in_dim3A_1638 = arith.constant 0.000000e+00 : f32
    %broadcast_in_dim3A_1639 = vector.broadcast %broadcast_in_dim3A_1638 : f32 to vector<16xf32>
    %scan3A_1640 = arith.constant 0 : i32
    %scan3A_1641 = arith.constant 32 : i32
    %scan3A_1642 = arith.addi %scan3A_1640, %scan3A_1641 : i32
    %scan3A_1643 = arith.constant 1 : i32
    %scan3A_1644:2 = scf.for %scan3A_1746 = %scan3A_1640 to %scan3A_1642 step %scan3A_1643 iter_args(%scan3A_1747 = %broadcast_in_dim3A_1639, %scan3A_1748 = %broadcast_in_dim3A_1639) -> (vector<16xf32>, vector<16xf32>)  : i32 {
      %add3A_1749 = arith.constant 224 : i32
      %add3A_1750 = arith.addi %add3A_1749, %scan3A_1746 : i32
      %get3A = arith.index_cast %add3A_1750 : i32 to index
      %get3A_1751 = arith.constant 64 : index
      %get3A_1752 = tpu.vector_load %arg8[%get3A, %get3A_1751] {strides = array<i32>} : memref<256x128xf32, #tpu.memory_space<vmem>>, vector<1x16xf32>,
      %get3A_1753 = vector.shape_cast %get3A_1752 : vector<1x16xf32> to vector<16xf32>
      %add3A_1754 = arith.addf %scan3A_1747, %get3A_1753 : vector<16xf32>
      %add3A_1755 = arith.constant 224 : i32
      %add3A_1756 = arith.addi %add3A_1755, %scan3A_1746 : i32
      %get3A_1757 = arith.index_cast %add3A_1756 : i32 to index
      %get3A_1758 = arith.constant 64 : index
      %get3A_1759 = tpu.vector_load %arg9[%get3A_1757, %get3A_1758] {strides = array<i32>} : memref<256x128xf32, #tpu.memory_space<vmem>>, vector<1x16xf32>,
      %get3A_1760 = vector.shape_cast %get3A_1759 : vector<1x16xf32> to vector<16xf32>
      %add3A_1761 = arith.addf %scan3A_1748, %get3A_1760 : vector<16xf32>
      scf.yield %add3A_1754, %add3A_1761 : vector<16xf32>, vector<16xf32>
    }
    %scan3A_1645 = arith.constant 32 : i32
    %mul3A_1646 = arith.constant 3.125000e-02 : f32
    %mul3A_1647 = vector.broadcast %mul3A_1646 : f32 to vector<16xf32>
    %mul3A_1648 = arith.mulf %scan3A_1644#0, %mul3A_1647 : vector<16xf32>
    %swap3A_1649 = arith.constant 7 : i32
    %swap3A_1650 = arith.index_cast %swap3A_1649 : i32 to index
    %swap3A_1651 = arith.constant 64 : index
    %swap3A_1652 = tpu.vector_load %arg10[%swap3A_1650, %swap3A_1651] {strides = array<i32>} : memref<8x128xf32, #tpu.memory_space<vmem>>, vector<1x16xf32>,
    %swap3A_1653 = vector.shape_cast %swap3A_1652 : vector<1x16xf32> to vector<16xf32>
    %swap3A_1654 = vector.shape_cast %mul3A_1648 : vector<16xf32> to vector<1x16xf32>
    tpu.vector_store %arg10[%swap3A_1650, %swap3A_1651], %swap3A_1654 {strides = array<i32>} : memref<8x128xf32, #tpu.memory_space<vmem>>, vector<1x16xf32>,
    %mul3A_1655 = arith.constant 3.125000e-02 : f32
    %mul3A_1656 = vector.broadcast %mul3A_1655 : f32 to vector<16xf32>
    %mul3A_1657 = arith.mulf %scan3A_1644#1, %mul3A_1656 : vector<16xf32>
    %swap3A_1658 = arith.constant 7 : i32
    %swap3A_1659 = arith.index_cast %swap3A_1658 : i32 to index
    %swap3A_1660 = arith.constant 64 : index
    %swap3A_1661 = tpu.vector_load %arg11[%swap3A_1659, %swap3A_1660] {strides = array<i32>} : memref<8x128xf32, #tpu.memory_space<vmem>>, vector<1x16xf32>,
    %swap3A_1662 = vector.shape_cast %swap3A_1661 : vector<1x16xf32> to vector<16xf32>
    %swap3A_1663 = vector.shape_cast %mul3A_1657 : vector<16xf32> to vector<1x16xf32>
    tpu.vector_store %arg11[%swap3A_1659, %swap3A_1660], %swap3A_1663 {strides = array<i32>} : memref<8x128xf32, #tpu.memory_space<vmem>>, vector<1x16xf32>,
    %broadcast_in_dim3A_1664 = arith.constant 0.000000e+00 : f32
    %broadcast_in_dim3A_1665 = vector.broadcast %broadcast_in_dim3A_1664 : f32 to vector<16xf32>
    %scan3A_1666 = arith.constant 0 : i32
    %scan3A_1667 = arith.constant 32 : i32
    %scan3A_1668 = arith.addi %scan3A_1666, %scan3A_1667 : i32
    %scan3A_1669 = arith.constant 1 : i32
    %scan3A_1670:2 = scf.for %scan3A_1746 = %scan3A_1666 to %scan3A_1668 step %scan3A_1669 iter_args(%scan3A_1747 = %broadcast_in_dim3A_1665, %scan3A_1748 = %broadcast_in_dim3A_1665) -> (vector<16xf32>, vector<16xf32>)  : i32 {
      %add3A_1749 = arith.constant 224 : i32
      %add3A_1750 = arith.addi %add3A_1749, %scan3A_1746 : i32
      %get3A = arith.index_cast %add3A_1750 : i32 to index
      %get3A_1751 = arith.constant 80 : index
      %get3A_1752 = tpu.vector_load %arg8[%get3A, %get3A_1751] {strides = array<i32>} : memref<256x128xf32, #tpu.memory_space<vmem>>, vector<1x16xf32>,
      %get3A_1753 = vector.shape_cast %get3A_1752 : vector<1x16xf32> to vector<16xf32>
      %add3A_1754 = arith.addf %scan3A_1747, %get3A_1753 : vector<16xf32>
      %add3A_1755 = arith.constant 224 : i32
      %add3A_1756 = arith.addi %add3A_1755, %scan3A_1746 : i32
      %get3A_1757 = arith.index_cast %add3A_1756 : i32 to index
      %get3A_1758 = arith.constant 80 : index
      %get3A_1759 = tpu.vector_load %arg9[%get3A_1757, %get3A_1758] {strides = array<i32>} : memref<256x128xf32, #tpu.memory_space<vmem>>, vector<1x16xf32>,
      %get3A_1760 = vector.shape_cast %get3A_1759 : vector<1x16xf32> to vector<16xf32>
      %add3A_1761 = arith.addf %scan3A_1748, %get3A_1760 : vector<16xf32>
      scf.yield %add3A_1754, %add3A_1761 : vector<16xf32>, vector<16xf32>
    }
    %scan3A_1671 = arith.constant 32 : i32
    %mul3A_1672 = arith.constant 3.125000e-02 : f32
    %mul3A_1673 = vector.broadcast %mul3A_1672 : f32 to vector<16xf32>
    %mul3A_1674 = arith.mulf %scan3A_1670#0, %mul3A_1673 : vector<16xf32>
    %swap3A_1675 = arith.constant 7 : i32
    %swap3A_1676 = arith.index_cast %swap3A_1675 : i32 to index
    %swap3A_1677 = arith.constant 80 : index
    %swap3A_1678 = tpu.vector_load %arg10[%swap3A_1676, %swap3A_1677] {strides = array<i32>} : memref<8x128xf32, #tpu.memory_space<vmem>>, vector<1x16xf32>,
    %swap3A_1679 = vector.shape_cast %swap3A_1678 : vector<1x16xf32> to vector<16xf32>
    %swap3A_1680 = vector.shape_cast %mul3A_1674 : vector<16xf32> to vector<1x16xf32>
    tpu.vector_store %arg10[%swap3A_1676, %swap3A_1677], %swap3A_1680 {strides = array<i32>} : memref<8x128xf32, #tpu.memory_space<vmem>>, vector<1x16xf32>,
    %mul3A_1681 = arith.constant 3.125000e-02 : f32
    %mul3A_1682 = vector.broadcast %mul3A_1681 : f32 to vector<16xf32>
    %mul3A_1683 = arith.mulf %scan3A_1670#1, %mul3A_1682 : vector<16xf32>
    %swap3A_1684 = arith.constant 7 : i32
    %swap3A_1685 = arith.index_cast %swap3A_1684 : i32 to index
    %swap3A_1686 = arith.constant 80 : index
    %swap3A_1687 = tpu.vector_load %arg11[%swap3A_1685, %swap3A_1686] {strides = array<i32>} : memref<8x128xf32, #tpu.memory_space<vmem>>, vector<1x16xf32>,
    %swap3A_1688 = vector.shape_cast %swap3A_1687 : vector<1x16xf32> to vector<16xf32>
    %swap3A_1689 = vector.shape_cast %mul3A_1683 : vector<16xf32> to vector<1x16xf32>
    tpu.vector_store %arg11[%swap3A_1685, %swap3A_1686], %swap3A_1689 {strides = array<i32>} : memref<8x128xf32, #tpu.memory_space<vmem>>, vector<1x16xf32>,
    %broadcast_in_dim3A_1690 = arith.constant 0.000000e+00 : f32
    %broadcast_in_dim3A_1691 = vector.broadcast %broadcast_in_dim3A_1690 : f32 to vector<16xf32>
    %scan3A_1692 = arith.constant 0 : i32
    %scan3A_1693 = arith.constant 32 : i32
    %scan3A_1694 = arith.addi %scan3A_1692, %scan3A_1693 : i32
    %scan3A_1695 = arith.constant 1 : i32
    %scan3A_1696:2 = scf.for %scan3A_1746 = %scan3A_1692 to %scan3A_1694 step %scan3A_1695 iter_args(%scan3A_1747 = %broadcast_in_dim3A_1691, %scan3A_1748 = %broadcast_in_dim3A_1691) -> (vector<16xf32>, vector<16xf32>)  : i32 {
      %add3A_1749 = arith.constant 224 : i32
      %add3A_1750 = arith.addi %add3A_1749, %scan3A_1746 : i32
      %get3A = arith.index_cast %add3A_1750 : i32 to index
      %get3A_1751 = arith.constant 96 : index
      %get3A_1752 = tpu.vector_load %arg8[%get3A, %get3A_1751] {strides = array<i32>} : memref<256x128xf32, #tpu.memory_space<vmem>>, vector<1x16xf32>,
      %get3A_1753 = vector.shape_cast %get3A_1752 : vector<1x16xf32> to vector<16xf32>
      %add3A_1754 = arith.addf %scan3A_1747, %get3A_1753 : vector<16xf32>
      %add3A_1755 = arith.constant 224 : i32
      %add3A_1756 = arith.addi %add3A_1755, %scan3A_1746 : i32
      %get3A_1757 = arith.index_cast %add3A_1756 : i32 to index
      %get3A_1758 = arith.constant 96 : index
      %get3A_1759 = tpu.vector_load %arg9[%get3A_1757, %get3A_1758] {strides = array<i32>} : memref<256x128xf32, #tpu.memory_space<vmem>>, vector<1x16xf32>,
      %get3A_1760 = vector.shape_cast %get3A_1759 : vector<1x16xf32> to vector<16xf32>
      %add3A_1761 = arith.addf %scan3A_1748, %get3A_1760 : vector<16xf32>
      scf.yield %add3A_1754, %add3A_1761 : vector<16xf32>, vector<16xf32>
    }
    %scan3A_1697 = arith.constant 32 : i32
    %mul3A_1698 = arith.constant 3.125000e-02 : f32
    %mul3A_1699 = vector.broadcast %mul3A_1698 : f32 to vector<16xf32>
    %mul3A_1700 = arith.mulf %scan3A_1696#0, %mul3A_1699 : vector<16xf32>
    %swap3A_1701 = arith.constant 7 : i32
    %swap3A_1702 = arith.index_cast %swap3A_1701 : i32 to index
    %swap3A_1703 = arith.constant 96 : index
    %swap3A_1704 = tpu.vector_load %arg10[%swap3A_1702, %swap3A_1703] {strides = array<i32>} : memref<8x128xf32, #tpu.memory_space<vmem>>, vector<1x16xf32>,
    %swap3A_1705 = vector.shape_cast %swap3A_1704 : vector<1x16xf32> to vector<16xf32>
    %swap3A_1706 = vector.shape_cast %mul3A_1700 : vector<16xf32> to vector<1x16xf32>
    tpu.vector_store %arg10[%swap3A_1702, %swap3A_1703], %swap3A_1706 {strides = array<i32>} : memref<8x128xf32, #tpu.memory_space<vmem>>, vector<1x16xf32>,
    %mul3A_1707 = arith.constant 3.125000e-02 : f32
    %mul3A_1708 = vector.broadcast %mul3A_1707 : f32 to vector<16xf32>
    %mul3A_1709 = arith.mulf %scan3A_1696#1, %mul3A_1708 : vector<16xf32>
    %swap3A_1710 = arith.constant 7 : i32
    %swap3A_1711 = arith.index_cast %swap3A_1710 : i32 to index
    %swap3A_1712 = arith.constant 96 : index
    %swap3A_1713 = tpu.vector_load %arg11[%swap3A_1711, %swap3A_1712] {strides = array<i32>} : memref<8x128xf32, #tpu.memory_space<vmem>>, vector<1x16xf32>,
    %swap3A_1714 = vector.shape_cast %swap3A_1713 : vector<1x16xf32> to vector<16xf32>
    %swap3A_1715 = vector.shape_cast %mul3A_1709 : vector<16xf32> to vector<1x16xf32>
    tpu.vector_store %arg11[%swap3A_1711, %swap3A_1712], %swap3A_1715 {strides = array<i32>} : memref<8x128xf32, #tpu.memory_space<vmem>>, vector<1x16xf32>,
    %broadcast_in_dim3A_1716 = arith.constant 0.000000e+00 : f32
    %broadcast_in_dim3A_1717 = vector.broadcast %broadcast_in_dim3A_1716 : f32 to vector<16xf32>
    %scan3A_1718 = arith.constant 0 : i32
    %scan3A_1719 = arith.constant 32 : i32
    %scan3A_1720 = arith.addi %scan3A_1718, %scan3A_1719 : i32
    %scan3A_1721 = arith.constant 1 : i32
    %scan3A_1722:2 = scf.for %scan3A_1746 = %scan3A_1718 to %scan3A_1720 step %scan3A_1721 iter_args(%scan3A_1747 = %broadcast_in_dim3A_1717, %scan3A_1748 = %broadcast_in_dim3A_1717) -> (vector<16xf32>, vector<16xf32>)  : i32 {
      %add3A_1749 = arith.constant 224 : i32
      %add3A_1750 = arith.addi %add3A_1749, %scan3A_1746 : i32
      %get3A = arith.index_cast %add3A_1750 : i32 to index
      %get3A_1751 = arith.constant 112 : index
      %get3A_1752 = tpu.vector_load %arg8[%get3A, %get3A_1751] {strides = array<i32>} : memref<256x128xf32, #tpu.memory_space<vmem>>, vector<1x16xf32>,
      %get3A_1753 = vector.shape_cast %get3A_1752 : vector<1x16xf32> to vector<16xf32>
      %add3A_1754 = arith.addf %scan3A_1747, %get3A_1753 : vector<16xf32>
      %add3A_1755 = arith.constant 224 : i32
      %add3A_1756 = arith.addi %add3A_1755, %scan3A_1746 : i32
      %get3A_1757 = arith.index_cast %add3A_1756 : i32 to index
      %get3A_1758 = arith.constant 112 : index
      %get3A_1759 = tpu.vector_load %arg9[%get3A_1757, %get3A_1758] {strides = array<i32>} : memref<256x128xf32, #tpu.memory_space<vmem>>, vector<1x16xf32>,
      %get3A_1760 = vector.shape_cast %get3A_1759 : vector<1x16xf32> to vector<16xf32>
      %add3A_1761 = arith.addf %scan3A_1748, %get3A_1760 : vector<16xf32>
      scf.yield %add3A_1754, %add3A_1761 : vector<16xf32>, vector<16xf32>
    }
    %scan3A_1723 = arith.constant 32 : i32
    %mul3A_1724 = arith.constant 3.125000e-02 : f32
    %mul3A_1725 = vector.broadcast %mul3A_1724 : f32 to vector<16xf32>
    %mul3A_1726 = arith.mulf %scan3A_1722#0, %mul3A_1725 : vector<16xf32>
    %swap3A_1727 = arith.constant 7 : i32
    %swap3A_1728 = arith.index_cast %swap3A_1727 : i32 to index
    %swap3A_1729 = arith.constant 112 : index
    %swap3A_1730 = tpu.vector_load %arg10[%swap3A_1728, %swap3A_1729] {strides = array<i32>} : memref<8x128xf32, #tpu.memory_space<vmem>>, vector<1x16xf32>,
    %swap3A_1731 = vector.shape_cast %swap3A_1730 : vector<1x16xf32> to vector<16xf32>
    %swap3A_1732 = vector.shape_cast %mul3A_1726 : vector<16xf32> to vector<1x16xf32>
    tpu.vector_store %arg10[%swap3A_1728, %swap3A_1729], %swap3A_1732 {strides = array<i32>} : memref<8x128xf32, #tpu.memory_space<vmem>>, vector<1x16xf32>,
    %mul3A_1733 = arith.constant 3.125000e-02 : f32
    %mul3A_1734 = vector.broadcast %mul3A_1733 : f32 to vector<16xf32>
    %mul3A_1735 = arith.mulf %scan3A_1722#1, %mul3A_1734 : vector<16xf32>
    %swap3A_1736 = arith.constant 7 : i32
    %swap3A_1737 = arith.index_cast %swap3A_1736 : i32 to index
    %swap3A_1738 = arith.constant 112 : index
    %swap3A_1739 = tpu.vector_load %arg11[%swap3A_1737, %swap3A_1738] {strides = array<i32>} : memref<8x128xf32, #tpu.memory_space<vmem>>, vector<1x16xf32>,
    %swap3A_1740 = vector.shape_cast %swap3A_1739 : vector<1x16xf32> to vector<16xf32>
    %swap3A_1741 = vector.shape_cast %mul3A_1735 : vector<16xf32> to vector<1x16xf32>
    tpu.vector_store %arg11[%swap3A_1737, %swap3A_1738], %swap3A_1741 {strides = array<i32>} : memref<8x128xf32, #tpu.memory_space<vmem>>, vector<1x16xf32>,
    %mul3A_1742 = arith.constant 8 : i32
    %mul3A_1743 = arith.muli %add3A, %mul3A_1742 : i32
    "tpu.region"() ({
      %run_scoped3A = tpu.sem_alloc : memref<!tpu.dma_semaphore, #tpu.memory_space<semaphore_mem>>
      %dma_start3A_1746 = arith.constant 0 : i32
      %dma_start3A_1747 = tpu.memref_slice %arg5[%mul3A_1743, %dma_start3A_1746] : memref<256x128xf32, #tpu.memory_space<hbm>> -> memref<8x128xf32, #tpu.memory_space<hbm>>
      %dma_start3A_1748 = arith.constant 0 : i32
      %dma_start3A_1749 = tpu.memref_slice %arg5[%mul3A_1743, %dma_start3A_1748] : memref<256x128xf32, #tpu.memory_space<hbm>> -> memref<8x128xf32, #tpu.memory_space<hbm>>
      tpu.enqueue_dma source(%arg10 : memref<8x128xf32, #tpu.memory_space<vmem>>) target(%dma_start3A_1749 : memref<8x128xf32, #tpu.memory_space<hbm>>) target_semaphore(%run_scoped3A : memref<!tpu.dma_semaphore, #tpu.memory_space<semaphore_mem>>)
      %dma_wait3A_1750 = arith.constant 0 : i32
      %dma_wait3A_1751 = tpu.memref_slice %arg5[%mul3A_1743, %dma_wait3A_1750] : memref<256x128xf32, #tpu.memory_space<hbm>> -> memref<8x128xf32, #tpu.memory_space<hbm>>
      %dma_wait3A_1752 = arith.constant 0 : i32
      %dma_wait3A_1753 = tpu.memref_slice %arg5[%mul3A_1743, %dma_wait3A_1752] : memref<256x128xf32, #tpu.memory_space<hbm>> -> memref<8x128xf32, #tpu.memory_space<hbm>>
      tpu.wait_dma2 semaphore(%run_scoped3A : memref<!tpu.dma_semaphore, #tpu.memory_space<semaphore_mem>>) src(%arg10 : memref<8x128xf32, #tpu.memory_space<vmem>>) dst(%dma_wait3A_1753 : memref<8x128xf32, #tpu.memory_space<hbm>>)
      tpu.yield
    }) : () -> ()
    %mul3A_1744 = arith.constant 8 : i32
    %mul3A_1745 = arith.muli %add3A, %mul3A_1744 : i32
    "tpu.region"() ({
      %run_scoped3A = tpu.sem_alloc : memref<!tpu.dma_semaphore, #tpu.memory_space<semaphore_mem>>
      %dma_start3A_1746 = arith.constant 0 : i32
      %dma_start3A_1747 = tpu.memref_slice %arg6[%mul3A_1745, %dma_start3A_1746] : memref<256x128xf32, #tpu.memory_space<hbm>> -> memref<8x128xf32, #tpu.memory_space<hbm>>
      %dma_start3A_1748 = arith.constant 0 : i32
      %dma_start3A_1749 = tpu.memref_slice %arg6[%mul3A_1745, %dma_start3A_1748] : memref<256x128xf32, #tpu.memory_space<hbm>> -> memref<8x128xf32, #tpu.memory_space<hbm>>
      tpu.enqueue_dma source(%arg11 : memref<8x128xf32, #tpu.memory_space<vmem>>) target(%dma_start3A_1749 : memref<8x128xf32, #tpu.memory_space<hbm>>) target_semaphore(%run_scoped3A : memref<!tpu.dma_semaphore, #tpu.memory_space<semaphore_mem>>)
      %dma_wait3A_1750 = arith.constant 0 : i32
      %dma_wait3A_1751 = tpu.memref_slice %arg6[%mul3A_1745, %dma_wait3A_1750] : memref<256x128xf32, #tpu.memory_space<hbm>> -> memref<8x128xf32, #tpu.memory_space<hbm>>
      %dma_wait3A_1752 = arith.constant 0 : i32
      %dma_wait3A_1753 = tpu.memref_slice %arg6[%mul3A_1745, %dma_wait3A_1752] : memref<256x128xf32, #tpu.memory_space<hbm>> -> memref<8x128xf32, #tpu.memory_space<hbm>>
      tpu.wait_dma2 semaphore(%run_scoped3A : memref<!tpu.dma_semaphore, #tpu.memory_space<semaphore_mem>>) src(%arg11 : memref<8x128xf32, #tpu.memory_space<vmem>>) dst(%dma_wait3A_1753 : memref<8x128xf32, #tpu.memory_space<hbm>>)
      tpu.yield
    }) : () -> ()
    return
  }
}

module attributes {stable_mosaic.version = 14 : i64} {
  func.func @_topk_body(%arg0: i32, %arg1: memref<256x128xf32, #tpu.memory_space<vmem>>, %arg2: memref<1024x128xf32, #tpu.memory_space<vmem>>, %arg3: memref<256x32xf32, #tpu.memory_space<vmem>>, %arg4: memref<256x32xi32, #tpu.memory_space<vmem>>) attributes {dimension_semantics = [#tpu.dimension_semantics<arbitrary>], iteration_bounds = array<i64: 98>, scalar_prefetch = 0 : i64, scratch_operands = 0 : i64, tpu.core_type = #tpu.core_type<tc>, window_params = [{pipeline_mode = #tpu.pipeline_mode<synchronous>, transform_indices = @transform_0, window_bounds = array<i64: 256, 128>}, {transform_indices = @transform_1, window_bounds = array<i64: 1024, 128>}, {pipeline_mode = #tpu.pipeline_mode<synchronous>, transform_indices = @transform_2, window_bounds = array<i64: 256, 32>}, {pipeline_mode = #tpu.pipeline_mode<synchronous>, transform_indices = @transform_3, window_bounds = array<i64: 256, 32>}]} {
    %eq3A = arith.constant 0 : i32
    %eq3A_0 = arith.cmpi eq, %arg0, %eq3A : i32
    %convert_element_type3A = arith.extui %eq3A_0 : i1 to i32
    %cond3A = arith.constant 0 : i32
    %cond3A_1 = arith.cmpi ne, %convert_element_type3A, %cond3A : i32
    scf.if %cond3A_1 {
      %broadcast_in_dim3A_27 = arith.constant 0xFF800000 : f32
      %broadcast_in_dim3A_28 = vector.broadcast %broadcast_in_dim3A_27 : f32 to vector<256x32xf32>
      %swap3A_29 = arith.constant 0 : index
      %swap3A_30 = arith.constant 0 : index
      %swap3A_31 = vector.load %arg3[%swap3A_29, %swap3A_30] : memref<256x32xf32, #tpu.memory_space<vmem>>, vector<256x32xf32>
      tpu.vector_store %arg3[%swap3A_29, %swap3A_30], %broadcast_in_dim3A_28 {strides = array<i32>} : memref<256x32xf32, #tpu.memory_space<vmem>>, vector<256x32xf32>,
      %broadcast_in_dim3A_32 = arith.constant 0 : i32
      %broadcast_in_dim3A_33 = vector.broadcast %broadcast_in_dim3A_32 : i32 to vector<256x32xi32>
      %swap3A_34 = arith.constant 0 : index
      %swap3A_35 = arith.constant 0 : index
      %swap3A_36 = vector.load %arg4[%swap3A_34, %swap3A_35] : memref<256x32xi32, #tpu.memory_space<vmem>>, vector<256x32xi32>
      tpu.vector_store %arg4[%swap3A_34, %swap3A_35], %broadcast_in_dim3A_33 {strides = array<i32>} : memref<256x32xi32, #tpu.memory_space<vmem>>, vector<256x32xi32>,
    } else {
    }
    %get3A = arith.constant 0 : index
    %get3A_2 = arith.constant 0 : index
    %get3A_3 = vector.load %arg1[%get3A, %get3A_2] : memref<256x128xf32, #tpu.memory_space<vmem>>, vector<256x128xf32>
    %get3A_4 = arith.constant 0 : index
    %get3A_5 = arith.constant 0 : index
    %get3A_6 = vector.load %arg2[%get3A_4, %get3A_5] : memref<1024x128xf32, #tpu.memory_space<vmem>>, vector<1024x128xf32>
    %dot_general3A = arith.constant dense<0.000000e+00> : vector<256x1024xf32>
    %dot_general3A_7 = tpu.matmul %get3A_3, %get3A_6, %dot_general3A {dimension_numbers = #tpu.dot_dimension_numbers<[1], [1], [0], [0], [0, 0, 1, 0], [], []>, transpose_lhs_hint = false} : vector<256x128xf32>, vector<1024x128xf32>, vector<256x1024xf32> -> vector<256x1024xf32>
    %mul3A = arith.constant 1024 : i32
    %mul3A_8 = arith.muli %arg0, %mul3A : i32
    %iota3A = tpu.iota {dimensions = array<i32: 1>} : vector<256x1024xi32>
    %add3A = vector.broadcast %mul3A_8 : i32 to vector<256x1024xi32>
    %add3A_9 = arith.addi %add3A, %iota3A : vector<256x1024xi32>
    %lt3A = arith.constant 100000 : i32
    %lt3A_10 = vector.broadcast %lt3A : i32 to vector<256x1024xi32>
    %lt3A_11 = arith.cmpi slt, %add3A_9, %lt3A_10 : vector<256x1024xi32>
    %jit3A = arith.constant 0xFF800000 : f32
    %broadcast_in_dim3A = vector.broadcast %jit3A : f32 to vector<256x1024xf32>
    %select_n3A = arith.select %lt3A_11, %dot_general3A_7, %broadcast_in_dim3A : vector<256x1024xi1>, vector<256x1024xf32>
    %iota3A_12 = tpu.iota {dimensions = array<i32: 1>} : vector<256x1024xi32>
    %iota3A_13 = tpu.iota {dimensions = array<i32: 1>} : vector<256x32xi32>
    %reduce_max3A = arith.constant dense<0xFF800000> : vector<256xf32>
    %reduce_max3A_14 = vector.multi_reduction <maximumf>, %select_n3A, %reduce_max3A [1] : vector<256x1024xf32> to vector<256xf32>
    %broadcast_in_dim3A_15 = vector.shape_cast %reduce_max3A_14 : vector<256xf32> to vector<256x1xf32>
    %get3A_16 = arith.constant 0 : index
    %get3A_17 = arith.constant 0 : index
    %get3A_18 = vector.load %arg3[%get3A_16, %get3A_17] : memref<256x32xf32, #tpu.memory_space<vmem>>, vector<256x32xf32>
    %get3A_19 = arith.constant 0 : index
    %get3A_20 = arith.constant 0 : index
    %get3A_21 = vector.load %arg4[%get3A_19, %get3A_20] : memref<256x32xi32, #tpu.memory_space<vmem>>, vector<256x32xi32>
    %while3A:4 = scf.while (%while3A_27 = %select_n3A, %while3A_28 = %broadcast_in_dim3A_15, %while3A_29 = %get3A_18, %while3A_30 = %get3A_21) : (vector<256x1024xf32>, vector<256x1xf32>, vector<256x32xf32>, vector<256x32xi32>) -> (vector<256x1024xf32>, vector<256x1xf32>, vector<256x32xf32>, vector<256x32xi32>) {
      %slice3A = vector.extract_strided_slice %while3A_29 {offsets = [0, 31], sizes = [256, 1], strides = [1, 1]} : vector<256x32xf32> to vector<256x1xf32>
      %gt3A = arith.cmpf ogt, %while3A_28, %slice3A : vector<256x1xf32>
      %reduce_or3A = arith.constant 1.000000e+00 : f32
      %reduce_or3A_31 = arith.constant 0.000000e+00 : f32
      %reduce_or3A_32 = vector.broadcast %reduce_or3A : f32 to vector<256x1xf32>
      %reduce_or3A_33 = vector.broadcast %reduce_or3A_31 : f32 to vector<256x1xf32>
      %reduce_or3A_34 = arith.select %gt3A, %reduce_or3A_32, %reduce_or3A_33 : vector<256x1xi1>, vector<256x1xf32>
      %reduce_or3A_35 = vector.shape_cast %reduce_or3A_34 : vector<256x1xf32> to vector<1x256x1xf32>
      %reduce_or3A_36 = arith.constant dense<0xFF800000> : vector<1xf32>
      %reduce_or3A_37 = vector.multi_reduction <maximumf>, %reduce_or3A_35, %reduce_or3A_36 [1, 2] : vector<1x256x1xf32> to vector<1xf32>
      %reduce_or3A_38 = vector.shape_cast %reduce_or3A_37 : vector<1xf32> to vector<1x1x1xf32>
      %reduce_or3A_39 = vector.extract %reduce_or3A_38[0, 0, 0] : f32 from vector<1x1x1xf32>
      %reduce_or3A_40 = arith.constant 0.000000e+00 : f32
      %reduce_or3A_41 = arith.cmpf ogt, %reduce_or3A_39, %reduce_or3A_40 : f32
      scf.condition(%reduce_or3A_41) %while3A_27, %while3A_28, %while3A_29, %while3A_30 : vector<256x1024xf32>, vector<256x1xf32>, vector<256x32xf32>, vector<256x32xi32>
    } do {
    ^bb0(%while3A_27: vector<256x1024xf32>, %while3A_28: vector<256x1xf32>, %while3A_29: vector<256x32xf32>, %while3A_30: vector<256x32xi32>):
      %eq3A_31 = vector.broadcast %while3A_28 : vector<256x1xf32> to vector<256x1024xf32>
      %eq3A_32 = arith.cmpf oeq, %while3A_27, %eq3A_31 : vector<256x1024xf32>
      %jit3A_33 = arith.constant 1073741824 : i32
      %broadcast_in_dim3A_34 = vector.broadcast %jit3A_33 : i32 to vector<256x1024xi32>
      %select_n3A_35 = arith.select %eq3A_32, %iota3A_12, %broadcast_in_dim3A_34 : vector<256x1024xi1>, vector<256x1024xi32>
      %reduce_min3A = arith.constant dense<2147483647> : vector<256xi32>
      %reduce_min3A_36 = vector.multi_reduction <minsi>, %select_n3A_35, %reduce_min3A [1] : vector<256x1024xi32> to vector<256xi32>
      %broadcast_in_dim3A_37 = vector.shape_cast %reduce_min3A_36 : vector<256xi32> to vector<256x1xi32>
      %eq3A_38 = vector.broadcast %broadcast_in_dim3A_37 : vector<256x1xi32> to vector<256x1024xi32>
      %eq3A_39 = arith.cmpi eq, %iota3A_12, %eq3A_38 : vector<256x1024xi32>
      %jit3A_40 = arith.constant -1 : i32
      %broadcast_in_dim3A_41 = vector.broadcast %jit3A_40 : i32 to vector<256x1024xi32>
      %select_n3A_42 = arith.select %eq3A_39, %add3A_9, %broadcast_in_dim3A_41 : vector<256x1024xi1>, vector<256x1024xi32>
      %reduce_max3A_43 = arith.constant dense<-2147483648> : vector<256xi32>
      %reduce_max3A_44 = vector.multi_reduction <maxsi>, %select_n3A_42, %reduce_max3A_43 [1] : vector<256x1024xi32> to vector<256xi32>
      %broadcast_in_dim3A_45 = vector.shape_cast %reduce_max3A_44 : vector<256xi32> to vector<256x1xi32>
      %slice3A = vector.extract_strided_slice %while3A_29 {offsets = [0, 31], sizes = [256, 1], strides = [1, 1]} : vector<256x32xf32> to vector<256x1xf32>
      %gt3A = arith.cmpf ogt, %while3A_28, %slice3A : vector<256x1xf32>
      %gt3A_46 = vector.broadcast %while3A_28 : vector<256x1xf32> to vector<256x32xf32>
      %gt3A_47 = arith.cmpf ogt, %while3A_29, %gt3A_46 : vector<256x32xf32>
      %convert_element_type3A_48 = arith.extui %gt3A_47 : vector<256x32xi1> to vector<256x32xi32>
      %reduce_sum3A = arith.constant dense<0> : vector<256xi32>
      %reduce_sum3A_49 = vector.multi_reduction <add>, %convert_element_type3A_48, %reduce_sum3A [1] : vector<256x32xi32> to vector<256xi32>
      %broadcast_in_dim3A_50 = vector.shape_cast %reduce_sum3A_49 : vector<256xi32> to vector<256x1xi32>
      %jit3A_51 = arith.constant 32 : i32
      %broadcast_in_dim3A_52 = vector.broadcast %jit3A_51 : i32 to vector<256x1xi32>
      %select_n3A_53 = arith.select %gt3A, %broadcast_in_dim3A_50, %broadcast_in_dim3A_52 : vector<256x1xi1>, vector<256x1xi32>
      %slice3A_54 = vector.extract_strided_slice %while3A_29 {offsets = [0, 0], sizes = [256, 1], strides = [1, 1]} : vector<256x32xf32> to vector<256x1xf32>
      %slice3A_55 = vector.extract_strided_slice %while3A_29 {offsets = [0, 0], sizes = [256, 31], strides = [1, 1]} : vector<256x32xf32> to vector<256x31xf32>
      %concatenate3A = tpu.concatenate %slice3A_54, %slice3A_55 in 1 : vector<256x1xf32>, vector<256x31xf32> -> vector<256x32xf32>
      %slice3A_56 = vector.extract_strided_slice %while3A_30 {offsets = [0, 0], sizes = [256, 1], strides = [1, 1]} : vector<256x32xi32> to vector<256x1xi32>
      %slice3A_57 = vector.extract_strided_slice %while3A_30 {offsets = [0, 0], sizes = [256, 31], strides = [1, 1]} : vector<256x32xi32> to vector<256x31xi32>
      %concatenate3A_58 = tpu.concatenate %slice3A_56, %slice3A_57 in 1 : vector<256x1xi32>, vector<256x31xi32> -> vector<256x32xi32>
      %lt3A_59 = vector.broadcast %select_n3A_53 : vector<256x1xi32> to vector<256x32xi32>
      %lt3A_60 = arith.cmpi slt, %iota3A_13, %lt3A_59 : vector<256x32xi32>
      %eq3A_61 = vector.broadcast %select_n3A_53 : vector<256x1xi32> to vector<256x32xi32>
      %eq3A_62 = arith.cmpi eq, %iota3A_13, %eq3A_61 : vector<256x32xi32>
      %broadcast_in_dim3A_63 = vector.shape_cast %while3A_28 : vector<256x1xf32> to vector<256x1xf32>
      %broadcast_in_dim3A_64 = vector.broadcast %broadcast_in_dim3A_63 : vector<256x1xf32> to vector<256x32xf32>
      %select_n3A_65 = arith.select %eq3A_62, %broadcast_in_dim3A_64, %concatenate3A : vector<256x32xi1>, vector<256x32xf32>
      %select_n3A_66 = arith.select %lt3A_60, %while3A_29, %select_n3A_65 : vector<256x32xi1>, vector<256x32xf32>
      %lt3A_67 = vector.broadcast %select_n3A_53 : vector<256x1xi32> to vector<256x32xi32>
      %lt3A_68 = arith.cmpi slt, %iota3A_13, %lt3A_67 : vector<256x32xi32>
      %eq3A_69 = vector.broadcast %select_n3A_53 : vector<256x1xi32> to vector<256x32xi32>
      %eq3A_70 = arith.cmpi eq, %iota3A_13, %eq3A_69 : vector<256x32xi32>
      %broadcast_in_dim3A_71 = vector.shape_cast %broadcast_in_dim3A_45 : vector<256x1xi32> to vector<256x1xi32>
      %broadcast_in_dim3A_72 = vector.broadcast %broadcast_in_dim3A_71 : vector<256x1xi32> to vector<256x32xi32>
      %select_n3A_73 = arith.select %eq3A_70, %broadcast_in_dim3A_72, %concatenate3A_58 : vector<256x32xi1>, vector<256x32xi32>
      %select_n3A_74 = arith.select %lt3A_68, %while3A_30, %select_n3A_73 : vector<256x32xi1>, vector<256x32xi32>
      %jit3A_75 = arith.constant 0xFF800000 : f32
      %broadcast_in_dim3A_76 = vector.broadcast %jit3A_75 : f32 to vector<256x1024xf32>
      %select_n3A_77 = arith.select %eq3A_39, %broadcast_in_dim3A_76, %while3A_27 : vector<256x1024xi1>, vector<256x1024xf32>
      %reduce_max3A_78 = arith.constant dense<0xFF800000> : vector<256xf32>
      %reduce_max3A_79 = vector.multi_reduction <maximumf>, %select_n3A_77, %reduce_max3A_78 [1] : vector<256x1024xf32> to vector<256xf32>
      %broadcast_in_dim3A_80 = vector.shape_cast %reduce_max3A_79 : vector<256xf32> to vector<256x1xf32>
      scf.yield %select_n3A_77, %broadcast_in_dim3A_80, %select_n3A_66, %select_n3A_74 : vector<256x1024xf32>, vector<256x1xf32>, vector<256x32xf32>, vector<256x32xi32>
    }
    %swap3A = arith.constant 0 : index
    %swap3A_22 = arith.constant 0 : index
    %swap3A_23 = vector.load %arg3[%swap3A, %swap3A_22] : memref<256x32xf32, #tpu.memory_space<vmem>>, vector<256x32xf32>
    tpu.vector_store %arg3[%swap3A, %swap3A_22], %while3A#2 {strides = array<i32>} : memref<256x32xf32, #tpu.memory_space<vmem>>, vector<256x32xf32>,
    %swap3A_24 = arith.constant 0 : index
    %swap3A_25 = arith.constant 0 : index
    %swap3A_26 = vector.load %arg4[%swap3A_24, %swap3A_25] : memref<256x32xi32, #tpu.memory_space<vmem>>, vector<256x32xi32>
    tpu.vector_store %arg4[%swap3A_24, %swap3A_25], %while3A#3 {strides = array<i32>} : memref<256x32xi32, #tpu.memory_space<vmem>>, vector<256x32xi32>,
    return
  }
  func.func @transform_0(%arg0: i32) -> (i32, i32) {
    %c0_i32 = arith.constant 0 : i32
    %c0_i32_0 = arith.constant 0 : i32
    %c0_i32_1 = arith.constant 0 : i32
    return %c0_i32, %c0_i32_0 : i32, i32
  }
  func.func @transform_1(%arg0: i32) -> (i32, i32) {
    %c0_i32 = arith.constant 0 : i32
    %c0_i32_0 = arith.constant 0 : i32
    return %arg0, %c0_i32 : i32, i32
  }
  func.func @transform_2(%arg0: i32) -> (i32, i32) {
    %c0_i32 = arith.constant 0 : i32
    %c0_i32_0 = arith.constant 0 : i32
    %c0_i32_1 = arith.constant 0 : i32
    return %c0_i32, %c0_i32_0 : i32, i32
  }
  func.func @transform_3(%arg0: i32) -> (i32, i32) {
    %c0_i32 = arith.constant 0 : i32
    %c0_i32_0 = arith.constant 0 : i32
    %c0_i32_1 = arith.constant 0 : i32
    return %c0_i32, %c0_i32_0 : i32, i32
  }
}

</mosaic_0001>

<sc_bundles>
// kernel: kernel.4.cloned.1.call-start
scs
__scs_entry_jumppad:
0x0: {  	(pc) =	sbr.rel $0x88, $3  }
0x1: {  	(tag) =	ssettag $0x0;
	lr =	simm.s32 $0x1  }
0x2: {  	[smem:$0x3F9E] =	sst lr;
	_ =	strace $0xD0000000  }
0x3: {  	_ = 	snop  }
0x4: {  	_ = 	snop  }
0x5: {  	_ = 	snop  }
0x6: {  	_ = 	snop  }
0x7: {  	_ = 	snop  }
__scs_overlays_trampoline_lowered:
0x8: {  	[smem:$0x3FAD] =	sst s0  }
0x9: {  	[smem:$0x3FAE] =	sst s1  }
0xa: {  	[smem:$0x3FAF] =	sst s2  }
0xb: {  	[smem:$0x3FB0] =	sst s3  }
0xc: {  	[smem:$0x3FB1] =	sst s4  }
0xd: {  	[smem:$0x3FB2] =	sst s5  }
0xe: {  	[smem:$0x3FB3] =	sst s6  }
0xf: {  	[smem:$0x3FB4] =	sst s7  }
0x10: {  	[smem:$0x3FB5] =	sst s8  }
0x11: {  	[smem:$0x3FB6] =	sst s9;
	s0 =	simm.s32 @!p0 $0x0  }
0x12: {  	s1 =	sld [smem:$0x3F9C];
	s0 =	simm.s32 @p0 $0x1  }
0x13: {  	[smem:$0x3FB7] =	sst s0;
	s0 =	simm.s32 @!p1 $0x0  }
0x14: {  	s2 =	sld [smem:$0x3F9B];
	s0 =	simm.s32 @p1 $0x1  }
0x15: {  	[smem:$0x3FB8] =	sst s0;
	s0 =	simm.s32 @!p2 $0x0  }
0x16: {  	s3 =	sld [smem:$0x3FDB];
	s0 =	simm.s32 @p2 $0x1  }
0x17: {  	s4 =	simm.s32 $0x1BF5;
	[smem:$0x3FBA] =	sst s0  }
0x18: {  	s0 =	sld [smem:$0x3F9D];
	_ =	swait.ge [sflag:s4], $0x0  }
0x19: {  	s7 =	sld [smem:$0x3F9E]  }
0x1a: {  	s8 =	sadd.s32 $0xFFFFE003, lr  }
0x1b: {  	s9 =	sadd.s32 $0xFFFFFEF7, lr;
	s5 =	simm.s32 $0xFFFFFFFF;
	p2 =	slt.u32 s8, $0xFFFFF086  }
0x1c: {  	p1 =	slt.u32 s9, $0xF7A;
	s5 =	simm.s32 @!p2 $0x0  }
0x1d: {  	s5 =	simm.s32 @p1 $0x1;
	p0 =	seq.s32 s7, s2  }
0x1e: {  	s7 =	smul.u32 @!p0 $0xF7A, s2;
	p2 =	seq.s32 @!p0 s5, $0x0  }
0x1f: {  	s9 =	smul.u32 $0xF7A, s1;
	s8 =	simm.s32 @!p0 $0x1BF5;
	p2 =	por !p2, p0  }
0x20: {  	[sflag:s8] =	ssyncset.s32 @!p0 $0xFFFFF086;
	s6 =	sadd.s32 @!p0 s3, s7;
	s7 =	simm.s32 @!p0 $0x108  }
0x21: {  	s3 =	sadd.s32 s3, s9;
	s6 =	sadd.s32 @!p0 $0x88, s6;
	s7 =	simm.s32 @p2 $0x1082  }
0x22: {  	[simem:s7], [sflag:s8] =	dma.local @!p0 [hbm:s6], $0xF7A  }
0x23: {  	s9 =	sor.u32 $0xD0000000, s2;
	s6 =	simm.s32 $0x108;
	_ =	swait.ge @!p0 [sflag:s8], $0x0  }
0x24: {  	s3 =	sadd.s32 $0x88, s3;
	s6 =	simm.s32 @!p1 $0x1082;
	[sflag:s4] =	ssyncset.s32 $0xFFFFF086  }
0x25: {  	[simem:s6], [sflag:s4] =	dma.local [hbm:s3], $0xF7A  }
0x26: {  	[smem:$0x3F9E] =	sst s1;
	(tag) =	ssettag s2;
	_ =	strace s9  }
0x27: {  	s1 =	sld [smem:$0x3FAE]  }
0x28: {  	s2 =	sld [smem:$0x3FAF]  }
0x29: {  	s4 =	sld [smem:$0x3FB1]  }
0x2a: {  	p0 =	seq.s32 s5, $0x0;
	s5 =	sld [smem:$0x3FB2]  }
0x2b: {  	s6 =	sld [smem:$0x3FB3]  }
0x2c: {  	s7 =	sld [smem:$0x3FB4]  }
0x2d: {  	s3 =	simm.s32 $0x108;
	s8 =	sld [smem:$0x3FB5]  }
0x2e: {  	s3 =	simm.s32 @!p0 $0x1082;
	s9 =	sld [smem:$0x3FB6]  }
0x2f: {  	lr =	sadd.s32 s0, s3;
	s0 =	sld [smem:$0x3FAD]  }
0x30: {  	s3 =	sld [smem:$0x3FB0]  }
0x31: {  	[smem:$0x3FB9] =	sst s10  }
0x32: {  	s10 =	sld [smem:$0x3FB7];
	_ =	sdelay $0x3  }
0x33: {  	p0 =	seq.s32 s10, $0x1;
	s10 =	sld [smem:$0x3FB9];
	_ =	sdelay $0x3  }
0x34: {  	[smem:$0x3FB9] =	sst s10  }
0x35: {  	s10 =	sld [smem:$0x3FB8];
	_ =	sdelay $0x3  }
0x36: {  	p1 =	seq.s32 s10, $0x1;
	s10 =	sld [smem:$0x3FB9];
	_ =	sdelay $0x3  }
0x37: {  	[smem:$0x3FB9] =	sst s10  }
0x38: {  	s10 =	sld [smem:$0x3FBA]  }
0x39: {  	_ = 	snop;
	(pc) =	sbr.ind lr, $3  }
0x3a: {  	_ = 	snop  }
0x3b: {  	_ = 	snop  }
0x3c: {  	p2 =	seq.s32 s10, $0x1;
	s10 =	sld [smem:$0x3FB9]  }
0x3d: {  	_ =	shalt  }
0x3e: {  	_ =	shalt  }
0x3f: {  	_ =	shalt  }
0x40: {  	_ =	shalt  }
0x41: {  	_ =	shalt  }
0x42: {  	_ =	shalt  }
0x43: {  	_ =	shalt  }
0x44: {  	_ =	shalt  }
0x45: {  	_ =	shalt  }
0x46: {  	_ =	shalt  }
0x47: {  	_ =	shalt  }
0x48: {  	_ =	shalt  }
0x49: {  	_ =	shalt  }
0x4a: {  	_ =	shalt  }
0x4b: {  	_ =	shalt  }
0x4c: {  	_ =	shalt  }
0x4d: {  	_ =	shalt  }
0x4e: {  	_ =	shalt  }
0x4f: {  	_ =	shalt  }
0x50: {  	_ =	shalt  }
0x51: {  	_ =	shalt  }
0x52: {  	_ =	shalt  }
0x53: {  	_ =	shalt  }
0x54: {  	_ =	shalt  }
0x55: {  	_ =	shalt  }
0x56: {  	_ =	shalt  }
0x57: {  	_ =	shalt  }
0x58: {  	_ =	shalt  }
0x59: {  	_ =	shalt  }
0x5a: {  	_ =	shalt  }
0x5b: {  	_ =	shalt  }
0x5c: {  	_ =	shalt  }
0x5d: {  	_ =	shalt  }
0x5e: {  	_ =	shalt  }
0x5f: {  	_ =	shalt  }
0x60: {  	_ =	shalt  }
0x61: {  	_ =	shalt  }
0x62: {  	_ =	shalt  }
0x63: {  	_ =	shalt  }
0x64: {  	_ =	shalt  }
0x65: {  	_ =	shalt  }
0x66: {  	_ =	shalt  }
0x67: {  	_ =	shalt  }
0x68: {  	_ =	shalt  }
0x69: {  	_ =	shalt  }
0x6a: {  	_ =	shalt  }
0x6b: {  	_ =	shalt  }
0x6c: {  	_ =	shalt  }
0x6d: {  	_ =	shalt  }
0x6e: {  	_ =	shalt  }
0x6f: {  	_ =	shalt  }
0x70: {  	_ =	shalt  }
0x71: {  	_ =	shalt  }
0x72: {  	_ =	shalt  }
0x73: {  	_ =	shalt  }
0x74: {  	_ =	shalt  }
0x75: {  	_ =	shalt  }
0x76: {  	_ =	shalt  }
0x77: {  	_ =	shalt  }
0x78: {  	_ =	shalt  }
0x79: {  	_ =	shalt  }
0x7a: {  	_ =	shalt  }
0x7b: {  	_ =	shalt  }
0x7c: {  	_ =	shalt  }
0x7d: {  	_ =	shalt  }
0x7e: {  	_ =	shalt  }
0x7f: {  	_ =	shalt  }
0x80: {  	_ =	shalt  }
0x81: {  	_ =	shalt  }
0x82: {  	_ =	shalt  }
0x83: {  	_ =	shalt  }
0x84: {  	_ =	shalt  }
0x85: {  	_ =	shalt  }
0x86: {  	_ =	shalt  }
0x87: {  	_ =	shalt  }
.Lfunc_end0:
.L_simem_size_0:
called_computation_lowered:
.L_overlay_start_0:
0x88: {  	s2 =	sld [smem:$0x3FD9]  }
0x89: {  	s3 =	sld [smem:$0x3FFE];
	_ =	sdelay $0x1  }
0x8a: {  	s1 =	srdreg.scid  }
0x8b: {  	s0 =	sand.u32 $0x1, s1  }
0x8c: {  	s14 =	sshll.u32 s0, $0xA;
	s2 =	sadd.s32 s3, s2  }
0x8d: {  	s2 =	sadd.s32 s2, s14  }
0x8e: {  	[smem:$0x3FC5] =	sst s2  }
0x8f: {  	_ = 	snop  }
0x90: {  	s2 =	sld [smem:$0x3FD0];
	_ =	sdelay $0x1  }
0x91: {  	s15 =	sld [smem:$0x3FC8]  }
0x92: {  	s5 =	simm.s32 $0xA;
	s6 =	simm.s32 $0x10;
	s4 =	sld [smem:$0x3FC7]  }
0x93: {  	[smem:s6], [sflag:s5] =	dma.local [hbm:s2], $0x1  }
0x94: {  	_ =	swait.eq [sflag:s5], $0x1  }
0x95: {  	[sflag:s5] =	ssyncset.done $0x0  }
0x96: {  	s16 =	sld [smem:$0x10];
	[sflag:s5] =	ssyncadd.s32 $0xFFFFFFFF  }
0x97: {  	s17 =	sld [smem:$0x11];
	(tm) =	ssettm $0x1  }
0x98: {  	s18 =	sld [smem:$0x3FFB];
	_ =	sdelay $0x3  }
0x99: {  	_ =	strace s18  }
0x9a: {  	s6 =	sld [smem:$0x3FFC];
	_ =	sdelay $0x3  }
0x9b: {  	_ =	strace s6  }
0x9c: {  	s6 =	sld [smem:$0x3FFD];
	_ =	sdelay $0x3  }
0x9d: {  	_ =	strace s6  }
0x9e: {  	_ =	strace $0x8FFFFFFF  }
0x9f: {  	s19 =	sld [smem:$0x3FDB];
	_ =	sdelay $0x1  }
0xa0: {  	s7 =	simm.s32 $_scs_section_size  }
0xa1: {  	s8 =	simm.s32 $_size__tile_overlayer_lowered;
	s9 =	simm.s32 $_tile_overlayer_lowered  }
0xa2: {  	s22 =	simm.s32 $0x1BFF;
	s21 =	sshll.u32 s9, $0x1;
	s6 =	sadd.s32 s7, s19  }
0xa3: {  	s10 =	simm.s32 $0x0;
	s20 =	sshll.u32 s8, $0x1;
	s8 =	sadd.s32 s21, s6  }
0xa4: {  	[timem:s10], [sflag:s22] =	dma.local [hbm:s8], s20  }
0xa5: {  	_ =	swait.ge [sflag:s22], s20  }
0xa6: {  	s7 =	ssub.s32 $0x0, s20;
	[sflag:s22] =	ssyncset.done $0x0  }
0xa7: {  	[sflag:s22] =	ssyncadd.s32 s7;
	_ =	sdelay $0x1  }
0xa8: {  	s23 =	simm.s32 $0x1B8B  }
0xa9: {  	_ =	swait.ge [sflag:s23], $0x1  }
0xaa: {  	[sflag:s23] =	ssyncset.done $0x0  }
0xab: {  	s25 =	simm.s32 $0x1B8E;
	s24 =	sld [smem:$0x3FFE];
	[sflag:s23] =	ssyncadd.s32 $0xFFFFFFFF  }
0xac: {  	s26 =	simm.s32 $execute0_lowered;
	[smem:$0x3FD2] =	sst s25  }
0xad: {  	s8 =	sshll.u32 s26, $0x1;
	_ =	strace $0x80000046;
	[dreg:$0x1] =	wrdreg $0xFFFFFFFF  }
0xae: {  	s28 =	simm.s32 $_size_execute0_lowered;
	s6 =	sadd.s32 s6, s8;
	[dreg:$0x0] =	wrdreg $0x0  }
0xaf: {  	s8 =	sshll.u32 s28, $0x1;
	[dreg:$0x2] =	wrdreg s6  }
0xb0: {  	[dreg:$0x3] =	wrdreg s8  }
0xb1: {  	[dreg:$0x4] =	wrdreg $0xC0  }
0xb2: {  	_ =	task [dreg:s10], $0x5FFFF  }
0xb3: {  	[dreg:$0x1] =	wrdreg $0xFFFFFFFF  }
0xb4: {  	[dreg:$0x0] =	wrdreg $0x60  }
0xb5: {  	[dreg:$0x2] =	wrdreg s24  }
0xb6: {  	[dreg:$0x3] =	wrdreg s15  }
0xb7: {  	[dreg:$0x4] =	wrdreg s4  }
0xb8: {  	[dreg:$0x5] =	wrdreg s16  }
0xb9: {  	[dreg:$0x6] =	wrdreg s17  }
0xba: {  	[dreg:$0x7] =	wrdreg $0x9  }
0xbb: {  	_ =	task.clear_ibuf [dreg:s10], $0x8FFFF;
	_ =	strace $0x90000046  }
0xbc: {  	s29 =	simm.s32 $0x9;
	_ =	strace $0x80000048  }
0xbd: {  	_ =	swait.ge [sflag:s29], $0x1  }
0xbe: {  	[sflag:s29] =	ssyncadd.s32 $0xFFFFFFFF  }
0xbf: {  	_ =	strace $0x90000048  }
0xc0: {  	_ =	sfence  }
0xc1: {  	s30 =	sld [smem:$0x0];
	_ =	sdelay $0x2  }
0xc2: {  	s31 =	sshll.u32 s1, $0xD;
	s1 =	sshrl.u32 s1, $0x2  }
0xc3: {  	s3 =	sand.u32 $0x4000, s31;
	s1 =	sadd.s32 s1, s30  }
0xc4: {  	s0 =	sor.u32 s3, s0;
	s1 =	sshll.u32 s1, $0x11  }
0xc5: {  	s0 =	sor.u32 s1, s0  }
0xc6: {  	s0 =	sadd.s32 $0x8F2B, s0  }
0xc7: {  	[sflag:s0] =	ssyncadd.remote.s32 $0x1  }
0xc8: {  	_ =	sfence.sel $0xFFFF  }
0xc9: {  	[dreg:$0x0] =	wrdreg $0xFFFFFFFF;
	(pc) =	sbr.abs _section_cstart, $3  }
0xca: {  	[dreg:$0x1] =	wrdreg $0xFFFFFFFF  }
0xcb: {  	_ =	task.clear_ibuf [dreg:s10], $0x2FFFF;
	_ =	strace $0x9FFFFFFF  }
0xcc: {  	(tm) =	ssettm $0x7FFFFFFF  }
0xcd: {  	_ =	shalt  }
tec
execute0_lowered:
.L_overlay_start_1:
0x0: {  	(tag) =	ssettag $0x1  }
0x1: {  	s5 =	rddreg [dreg:$0x0]  }
0x2: {  	s1 =	rddreg [dreg:$0x1]  }
0x3: {  	s2 =	rddreg [dreg:$0x2]  }
0x4: {  	s6 =	rddreg [dreg:$0x3]  }
0x5: {  	s7 =	rddreg [dreg:$0x4]  }
0x6: {  	s0 =	rddreg [dreg:$0x5];
	s8 =	srdreg.scid  }
0x7: {  	s3 =	stileid.u32;
	s4 =	simm.s32 $0x0;
	s11 =	simm.s32 $0x100  }
0x8: {  	s12 =	simm.s32 $0x8100;
	s13 =	simm.s32 $0x4100;
	s14 =	simm.s32 $0xC100  }
0x9: {  	s15 =	simm.s32 $0x1;
	s16 =	simm.s32 $0x10100;
	s17 =	simm.s32 $0x10500  }
0xa: {  	s18 =	simm.s32 $0x0;
	s8 =	sand.u32 $0x1, s8;
	s9 =	sshll.u32 s3, $0x1  }
0xb: {  	[smem:$0x7FF] =	sst s4;
	s9 =	sor.u32 s8, s9;
	s8 =	ssub.s32 $0x2, s8  }
0xc: {  	_ =	strace $0x80000047;
	s10 =	sshll.u32 s9, $0x5;
	s31 =	sshrl.u32 s8, $0x1  }
0xd: {  	s9 =	sshll.u32 s9, $0x7;
	s5 =	sadd.s32 s10, s5;
	s8 =	ssub.s32 s8, s31  }
0xe: {  	s6 =	sadd.s32 s6, s9;
	s7 =	sadd.s32 s7, s9;
	s9 =	simm.s32 $0x2  }
0xf: {  	s10 =	simm.s32 $0x80;
	s5 =	sadd.s32 $0xC00, s5;
	s8 =	smax.u32 s8, $0x1  }
.LBB2_1:
0x10: {  	[tilespmem:s4], [sflag:$0x2] =	stream.linear.gather [hbm4b:s5+s4], $0x100, $0x38;
	[tilespmem:$0x10900] =	vst v63  }
0x11: {  	_ =	swait.ge [sflag:s9], $0x100  }
0x12: {  	[sflag:s9] =	ssyncset.done $0x0  }
0x13: {  	[sflag:s9] =	ssyncadd.s32 $0xFFFFFF00  }
0x14: {  	[tilespmem:s11], [sflag:$0x1] =	stream.indirect.gather [hbm4b:s1+s10], $0x80, s4, s10, $0xb8;
	[tilespmem:$0x10900] =	vst v63  }
0x15: {  	_ = 	snop  }
0x16: {  	[tilespmem:s12], [sflag:$0x1] =	stream.indirect.gather [hbm4b:s2+s10], $0x80, s4, s10, $0xb8;
	[tilespmem:$0x10900] =	vst v63  }
0x17: {  	_ = 	snop  }
0x18: {  	[tilespmem:s13], [sflag:$0x1] =	stream.indirect.gather [hbm4b:s1+s10], $0x80, s10, s10, $0xb8;
	[tilespmem:$0x10900] =	vst v63  }
0x19: {  	_ = 	snop  }
0x1a: {  	[tilespmem:s14], [sflag:$0x1] =	stream.indirect.gather [hbm4b:s2+s10], $0x80, s10, s10, $0xb8;
	[tilespmem:$0x10900] =	vst v63  }
0x1b: {  	_ =	swait.ge [sflag:s15], $0x4000  }
0x1c: {  	[sflag:s15] =	ssyncset.done $0x0  }
0x1d: {  	[sflag:s15] =	ssyncadd.s32 $0xFFFFC000  }
0x1e: {  	_ =	swait.ge [sflag:s15], $0x4000  }
0x1f: {  	[sflag:s15] =	ssyncset.done $0x0  }
0x20: {  	[sflag:s15] =	ssyncadd.s32 $0xFFFFC000  }
0x21: {  	_ =	swait.ge [sflag:s15], $0x4000  }
0x22: {  	[sflag:s15] =	ssyncset.done $0x0  }
0x23: {  	[sflag:s15] =	ssyncadd.s32 $0xFFFFC000  }
0x24: {  	_ =	swait.ge [sflag:s15], $0x4000  }
0x25: {  	[sflag:s15] =	ssyncset.done $0x0  }
0x26: {  	s20 =	simm.s32 $0x0;
	[sflag:s15] =	ssyncadd.s32 $0xFFFFC000  }
0x27: {  	v1 =	vld [tilespmem:s20+$0x8100]  }
0x28: {  	v0 =	vimm.f32 $0.0e+00;
	s19 =	simm.s32 $0x200;
	v2 =	vimm.f32 $0.0e+00;
	v3 =	vld [tilespmem:s20+$0x100]  }
.LBB2_2:
0x29: {  	p0 =	sne.s32 s19, $0x3E00  }
.Ltmp0:
0x2a: {  	_ = 	snop;
	(pc) =	sbr.rel @p0 .LBB2_2-.Ltmp0, $4  }
0x2b: {  	_ = 	snop  }
0x2c: {  	s20 =	sshra.s32 s19, $0x2;
	s19 =	sadd.s32 $0x200, s19;
	v0 =	vadd.f32 v1, v0  }
0x2d: {  	v1 =	vld [tilespmem:s20+$0x8100];
	v2 =	vadd.f32 v3, v2  }
0x2e: {  	v3 =	vld [tilespmem:s20+$0x100]  }
0x2f: {  	_ =	sdelay $0x2  }
0x30: {  	v0 =	vadd.f32 v1, v0  }
0x31: {  	v2 =	vadd.f32 v3, v2  }
0x32: {  	v0 =	vmul.f32 $3.125000000e-02, v0  }
0x33: {  	v1 =	vmul.f32 $3.125000000e-02, v2  }
0x34: {  	[tilespmem:$0x10500] =	vst v0  }
0x35: {  	s20 =	simm.s32 $0x0;
	[tilespmem:$0x10100] =	vst v1  }
0x36: {  	v1 =	vld [tilespmem:s20+$0x8110]  }
0x37: {  	s19 =	simm.s32 $0x200;
	v2 =	vimm.f32 $0.0e+00;
	v0 =	vimm.f32 $0.0e+00;
	v3 =	vld [tilespmem:s20+$0x110]  }
.LBB2_4:
0x38: {  	p0 =	sne.s32 s19, $0x3E00  }
.Ltmp1:
0x39: {  	_ = 	snop;
	(pc) =	sbr.rel @p0 .LBB2_4-.Ltmp1, $4  }
0x3a: {  	_ = 	snop  }
0x3b: {  	s20 =	sshra.s32 s19, $0x2;
	s19 =	sadd.s32 $0x200, s19;
	v0 =	vadd.f32 v1, v0  }
0x3c: {  	v1 =	vld [tilespmem:s20+$0x8110];
	v2 =	vadd.f32 v3, v2  }
0x3d: {  	v3 =	vld [tilespmem:s20+$0x110]  }
0x3e: {  	_ =	sdelay $0x2  }
0x3f: {  	v0 =	vadd.f32 v1, v0  }
0x40: {  	v2 =	vadd.f32 v3, v2  }
0x41: {  	v0 =	vmul.f32 $3.125000000e-02, v0  }
0x42: {  	v1 =	vmul.f32 $3.125000000e-02, v2  }
0x43: {  	[tilespmem:$0x10510] =	vst v0  }
0x44: {  	s20 =	simm.s32 $0x0;
	[tilespmem:$0x10110] =	vst v1  }
0x45: {  	v1 =	vld [tilespmem:s20+$0x8120]  }
0x46: {  	s19 =	simm.s32 $0x200;
	v2 =	vimm.f32 $0.0e+00;
	v0 =	vimm.f32 $0.0e+00;
	v3 =	vld [tilespmem:s20+$0x120]  }
.LBB2_6:
0x47: {  	p0 =	sne.s32 s19, $0x3E00  }
.Ltmp2:
0x48: {  	_ = 	snop;
	(pc) =	sbr.rel @p0 .LBB2_6-.Ltmp2, $4  }
0x49: {  	_ = 	snop  }
0x4a: {  	s20 =	sshra.s32 s19, $0x2;
	s19 =	sadd.s32 $0x200, s19;
	v0 =	vadd.f32 v1, v0  }
0x4b: {  	v1 =	vld [tilespmem:s20+$0x8120];
	v2 =	vadd.f32 v3, v2  }
0x4c: {  	v3 =	vld [tilespmem:s20+$0x120]  }
0x4d: {  	_ =	sdelay $0x2  }
0x4e: {  	v0 =	vadd.f32 v1, v0  }
0x4f: {  	v2 =	vadd.f32 v3, v2  }
0x50: {  	v0 =	vmul.f32 $3.125000000e-02, v0  }
0x51: {  	v1 =	vmul.f32 $3.125000000e-02, v2  }
0x52: {  	[tilespmem:$0x10520] =	vst v0  }
0x53: {  	s20 =	simm.s32 $0x0;
	[tilespmem:$0x10120] =	vst v1  }
0x54: {  	v1 =	vld [tilespmem:s20+$0x8130]  }
0x55: {  	s19 =	simm.s32 $0x200;
	v2 =	vimm.f32 $0.0e+00;
	v0 =	vimm.f32 $0.0e+00;
	v3 =	vld [tilespmem:s20+$0x130]  }
.LBB2_8:
0x56: {  	p0 =	sne.s32 s19, $0x3E00  }
.Ltmp3:
0x57: {  	_ = 	snop;
	(pc) =	sbr.rel @p0 .LBB2_8-.Ltmp3, $4  }
0x58: {  	_ = 	snop  }
0x59: {  	s20 =	sshra.s32 s19, $0x2;
	s19 =	sadd.s32 $0x200, s19;
	v0 =	vadd.f32 v1, v0  }
0x5a: {  	v1 =	vld [tilespmem:s20+$0x8130];
	v2 =	vadd.f32 v3, v2  }
0x5b: {  	v3 =	vld [tilespmem:s20+$0x130]  }
0x5c: {  	_ =	sdelay $0x2  }
0x5d: {  	v0 =	vadd.f32 v1, v0  }
0x5e: {  	v2 =	vadd.f32 v3, v2  }
0x5f: {  	v0 =	vmul.f32 $3.125000000e-02, v0  }
0x60: {  	v1 =	vmul.f32 $3.125000000e-02, v2  }
0x61: {  	[tilespmem:$0x10530] =	vst v0  }
0x62: {  	s20 =	simm.s32 $0x0;
	[tilespmem:$0x10130] =	vst v1  }
0x63: {  	v1 =	vld [tilespmem:s20+$0x8140]  }
0x64: {  	s19 =	simm.s32 $0x200;
	v2 =	vimm.f32 $0.0e+00;
	v0 =	vimm.f32 $0.0e+00;
	v3 =	vld [tilespmem:s20+$0x140]  }
.LBB2_10:
0x65: {  	p0 =	sne.s32 s19, $0x3E00  }
.Ltmp4:
0x66: {  	_ = 	snop;
	(pc) =	sbr.rel @p0 .LBB2_10-.Ltmp4, $4  }
0x67: {  	_ = 	snop  }
0x68: {  	s20 =	sshra.s32 s19, $0x2;
	s19 =	sadd.s32 $0x200, s19;
	v0 =	vadd.f32 v1, v0  }
0x69: {  	v1 =	vld [tilespmem:s20+$0x8140];
	v2 =	vadd.f32 v3, v2  }
0x6a: {  	v3 =	vld [tilespmem:s20+$0x140]  }
0x6b: {  	_ =	sdelay $0x2  }
0x6c: {  	v0 =	vadd.f32 v1, v0  }
0x6d: {  	v2 =	vadd.f32 v3, v2  }
0x6e: {  	v0 =	vmul.f32 $3.125000000e-02, v0  }
0x6f: {  	v1 =	vmul.f32 $3.125000000e-02, v2  }
0x70: {  	[tilespmem:$0x10540] =	vst v0  }
0x71: {  	s20 =	simm.s32 $0x0;
	[tilespmem:$0x10140] =	vst v1  }
0x72: {  	v1 =	vld [tilespmem:s20+$0x8150]  }
0x73: {  	s19 =	simm.s32 $0x200;
	v2 =	vimm.f32 $0.0e+00;
	v0 =	vimm.f32 $0.0e+00;
	v3 =	vld [tilespmem:s20+$0x150]  }
.LBB2_12:
0x74: {  	p0 =	sne.s32 s19, $0x3E00  }
.Ltmp5:
0x75: {  	_ = 	snop;
	(pc) =	sbr.rel @p0 .LBB2_12-.Ltmp5, $4  }
0x76: {  	_ = 	snop  }
0x77: {  	s20 =	sshra.s32 s19, $0x2;
	s19 =	sadd.s32 $0x200, s19;
	v0 =	vadd.f32 v1, v0  }
0x78: {  	v1 =	vld [tilespmem:s20+$0x8150];
	v2 =	vadd.f32 v3, v2  }
0x79: {  	v3 =	vld [tilespmem:s20+$0x150]  }
0x7a: {  	_ =	sdelay $0x2  }
0x7b: {  	v0 =	vadd.f32 v1, v0  }
0x7c: {  	v2 =	vadd.f32 v3, v2  }
0x7d: {  	v0 =	vmul.f32 $3.125000000e-02, v0  }
0x7e: {  	v1 =	vmul.f32 $3.125000000e-02, v2  }
0x7f: {  	[tilespmem:$0x10550] =	vst v0  }
0x80: {  	s20 =	simm.s32 $0x0;
	[tilespmem:$0x10150] =	vst v1  }
0x81: {  	v1 =	vld [tilespmem:s20+$0x8160]  }
0x82: {  	s19 =	simm.s32 $0x200;
	v2 =	vimm.f32 $0.0e+00;
	v0 =	vimm.f32 $0.0e+00;
	v3 =	vld [tilespmem:s20+$0x160]  }
.LBB2_14:
0x83: {  	p0 =	sne.s32 s19, $0x3E00  }
.Ltmp6:
0x84: {  	_ = 	snop;
	(pc) =	sbr.rel @p0 .LBB2_14-.Ltmp6, $4  }
0x85: {  	_ = 	snop  }
0x86: {  	s20 =	sshra.s32 s19, $0x2;
	s19 =	sadd.s32 $0x200, s19;
	v0 =	vadd.f32 v1, v0  }
0x87: {  	v1 =	vld [tilespmem:s20+$0x8160];
	v2 =	vadd.f32 v3, v2  }
0x88: {  	v3 =	vld [tilespmem:s20+$0x160]  }
0x89: {  	_ =	sdelay $0x2  }
0x8a: {  	v0 =	vadd.f32 v1, v0  }
0x8b: {  	v2 =	vadd.f32 v3, v2  }
0x8c: {  	v0 =	vmul.f32 $3.125000000e-02, v0  }
0x8d: {  	v1 =	vmul.f32 $3.125000000e-02, v2  }
0x8e: {  	[tilespmem:$0x10560] =	vst v0  }
0x8f: {  	s20 =	simm.s32 $0x0;
	[tilespmem:$0x10160] =	vst v1  }
0x90: {  	v1 =	vld [tilespmem:s20+$0x8170]  }
0x91: {  	s19 =	simm.s32 $0x200;
	v2 =	vimm.f32 $0.0e+00;
	v0 =	vimm.f32 $0.0e+00;
	v3 =	vld [tilespmem:s20+$0x170]  }
.LBB2_16:
0x92: {  	p0 =	sne.s32 s19, $0x3E00  }
.Ltmp7:
0x93: {  	_ = 	snop;
	(pc) =	sbr.rel @p0 .LBB2_16-.Ltmp7, $4  }
0x94: {  	_ = 	snop  }
0x95: {  	s20 =	sshra.s32 s19, $0x2;
	s19 =	sadd.s32 $0x200, s19;
	v0 =	vadd.f32 v1, v0  }
0x96: {  	v1 =	vld [tilespmem:s20+$0x8170];
	v2 =	vadd.f32 v3, v2  }
0x97: {  	v3 =	vld [tilespmem:s20+$0x170]  }
0x98: {  	_ =	sdelay $0x2  }
0x99: {  	v0 =	vadd.f32 v1, v0  }
0x9a: {  	v2 =	vadd.f32 v3, v2  }
0x9b: {  	v0 =	vmul.f32 $3.125000000e-02, v0  }
0x9c: {  	v1 =	vmul.f32 $3.125000000e-02, v2  }
0x9d: {  	[tilespmem:$0x10570] =	vst v0  }
0x9e: {  	s20 =	simm.s32 $0x0;
	[tilespmem:$0x10170] =	vst v1  }
0x9f: {  	v1 =	vld [tilespmem:s20+$0x9100]  }
0xa0: {  	s19 =	simm.s32 $0x200;
	v2 =	vimm.f32 $0.0e+00;
	v0 =	vimm.f32 $0.0e+00;
	v3 =	vld [tilespmem:s20+$0x1100]  }
.LBB2_18:
0xa1: {  	p0 =	sne.s32 s19, $0x3E00  }
.Ltmp8:
0xa2: {  	_ = 	snop;
	(pc) =	sbr.rel @p0 .LBB2_18-.Ltmp8, $4  }
0xa3: {  	_ = 	snop  }
0xa4: {  	s20 =	sshra.s32 s19, $0x2;
	s19 =	sadd.s32 $0x200, s19;
	v0 =	vadd.f32 v1, v0  }
0xa5: {  	v1 =	vld [tilespmem:s20+$0x9100];
	v2 =	vadd.f32 v3, v2  }
0xa6: {  	v3 =	vld [tilespmem:s20+$0x1100]  }
0xa7: {  	_ =	sdelay $0x2  }
0xa8: {  	v0 =	vadd.f32 v1, v0  }
0xa9: {  	v2 =	vadd.f32 v3, v2  }
0xaa: {  	v0 =	vmul.f32 $3.125000000e-02, v0  }
0xab: {  	v1 =	vmul.f32 $3.125000000e-02, v2  }
0xac: {  	[tilespmem:$0x10580] =	vst v0  }
0xad: {  	s20 =	simm.s32 $0x0;
	[tilespmem:$0x10180] =	vst v1  }
0xae: {  	v1 =	vld [tilespmem:s20+$0x9110]  }
0xaf: {  	s19 =	simm.s32 $0x200;
	v2 =	vimm.f32 $0.0e+00;
	v0 =	vimm.f32 $0.0e+00;
	v3 =	vld [tilespmem:s20+$0x1110]  }
.LBB2_20:
0xb0: {  	p0 =	sne.s32 s19, $0x3E00  }
.Ltmp9:
0xb1: {  	_ = 	snop;
	(pc) =	sbr.rel @p0 .LBB2_20-.Ltmp9, $4  }
0xb2: {  	_ = 	snop  }
0xb3: {  	s20 =	sshra.s32 s19, $0x2;
	s19 =	sadd.s32 $0x200, s19;
	v0 =	vadd.f32 v1, v0  }
0xb4: {  	v1 =	vld [tilespmem:s20+$0x9110];
	v2 =	vadd.f32 v3, v2  }
0xb5: {  	v3 =	vld [tilespmem:s20+$0x1110]  }
0xb6: {  	_ =	sdelay $0x2  }
0xb7: {  	v0 =	vadd.f32 v1, v0  }
0xb8: {  	v2 =	vadd.f32 v3, v2  }
0xb9: {  	v0 =	vmul.f32 $3.125000000e-02, v0  }
0xba: {  	v1 =	vmul.f32 $3.125000000e-02, v2  }
0xbb: {  	[tilespmem:$0x10590] =	vst v0  }
0xbc: {  	s20 =	simm.s32 $0x0;
	[tilespmem:$0x10190] =	vst v1  }
0xbd: {  	v1 =	vld [tilespmem:s20+$0x9120]  }
0xbe: {  	s19 =	simm.s32 $0x200;
	v2 =	vimm.f32 $0.0e+00;
	v0 =	vimm.f32 $0.0e+00;
	v3 =	vld [tilespmem:s20+$0x1120]  }
.LBB2_22:
0xbf: {  	p0 =	sne.s32 s19, $0x3E00  }
.Ltmp10:
0xc0: {  	_ = 	snop;
	(pc) =	sbr.rel @p0 .LBB2_22-.Ltmp10, $4  }
0xc1: {  	_ = 	snop  }
0xc2: {  	s20 =	sshra.s32 s19, $0x2;
	s19 =	sadd.s32 $0x200, s19;
	v0 =	vadd.f32 v1, v0  }
0xc3: {  	v1 =	vld [tilespmem:s20+$0x9120];
	v2 =	vadd.f32 v3, v2  }
0xc4: {  	v3 =	vld [tilespmem:s20+$0x1120]  }
0xc5: {  	_ =	sdelay $0x2  }
0xc6: {  	v0 =	vadd.f32 v1, v0  }
0xc7: {  	v2 =	vadd.f32 v3, v2  }
0xc8: {  	v0 =	vmul.f32 $3.125000000e-02, v0  }
0xc9: {  	v1 =	vmul.f32 $3.125000000e-02, v2  }
0xca: {  	[tilespmem:$0x105A0] =	vst v0  }
0xcb: {  	s20 =	simm.s32 $0x0;
	[tilespmem:$0x101A0] =	vst v1  }
0xcc: {  	v1 =	vld [tilespmem:s20+$0x9130]  }
0xcd: {  	s19 =	simm.s32 $0x200;
	v2 =	vimm.f32 $0.0e+00;
	v0 =	vimm.f32 $0.0e+00;
	v3 =	vld [tilespmem:s20+$0x1130]  }
.LBB2_24:
0xce: {  	p0 =	sne.s32 s19, $0x3E00  }
.Ltmp11:
0xcf: {  	_ = 	snop;
	(pc) =	sbr.rel @p0 .LBB2_24-.Ltmp11, $4  }
0xd0: {  	_ = 	snop  }
0xd1: {  	s20 =	sshra.s32 s19, $0x2;
	s19 =	sadd.s32 $0x200, s19;
	v0 =	vadd.f32 v1, v0  }
0xd2: {  	v1 =	vld [tilespmem:s20+$0x9130];
	v2 =	vadd.f32 v3, v2  }
0xd3: {  	v3 =	vld [tilespmem:s20+$0x1130]  }
0xd4: {  	_ =	sdelay $0x2  }
0xd5: {  	v0 =	vadd.f32 v1, v0  }
0xd6: {  	v2 =	vadd.f32 v3, v2  }
0xd7: {  	v0 =	vmul.f32 $3.125000000e-02, v0  }
0xd8: {  	v1 =	vmul.f32 $3.125000000e-02, v2  }
0xd9: {  	[tilespmem:$0x105B0] =	vst v0  }
0xda: {  	s20 =	simm.s32 $0x0;
	[tilespmem:$0x101B0] =	vst v1  }
0xdb: {  	v1 =	vld [tilespmem:s20+$0x9140]  }
0xdc: {  	s19 =	simm.s32 $0x200;
	v2 =	vimm.f32 $0.0e+00;
	v0 =	vimm.f32 $0.0e+00;
	v3 =	vld [tilespmem:s20+$0x1140]  }
.LBB2_26:
0xdd: {  	p0 =	sne.s32 s19, $0x3E00  }
.Ltmp12:
0xde: {  	_ = 	snop;
	(pc) =	sbr.rel @p0 .LBB2_26-.Ltmp12, $4  }
0xdf: {  	_ = 	snop  }
0xe0: {  	s20 =	sshra.s32 s19, $0x2;
	s19 =	sadd.s32 $0x200, s19;
	v0 =	vadd.f32 v1, v0  }
0xe1: {  	v1 =	vld [tilespmem:s20+$0x9140];
	v2 =	vadd.f32 v3, v2  }
0xe2: {  	v3 =	vld [tilespmem:s20+$0x1140]  }
0xe3: {  	_ =	sdelay $0x2  }
0xe4: {  	v0 =	vadd.f32 v1, v0  }
0xe5: {  	v2 =	vadd.f32 v3, v2  }
0xe6: {  	v0 =	vmul.f32 $3.125000000e-02, v0  }
0xe7: {  	v1 =	vmul.f32 $3.125000000e-02, v2  }
0xe8: {  	[tilespmem:$0x105C0] =	vst v0  }
0xe9: {  	s20 =	simm.s32 $0x0;
	[tilespmem:$0x101C0] =	vst v1  }
0xea: {  	v1 =	vld [tilespmem:s20+$0x9150]  }
0xeb: {  	s19 =	simm.s32 $0x200;
	v2 =	vimm.f32 $0.0e+00;
	v0 =	vimm.f32 $0.0e+00;
	v3 =	vld [tilespmem:s20+$0x1150]  }
.LBB2_28:
0xec: {  	p0 =	sne.s32 s19, $0x3E00  }
.Ltmp13:
0xed: {  	_ = 	snop;
	(pc) =	sbr.rel @p0 .LBB2_28-.Ltmp13, $4  }
0xee: {  	_ = 	snop  }
0xef: {  	s20 =	sshra.s32 s19, $0x2;
	s19 =	sadd.s32 $0x200, s19;
	v0 =	vadd.f32 v1, v0  }
0xf0: {  	v1 =	vld [tilespmem:s20+$0x9150];
	v2 =	vadd.f32 v3, v2  }
0xf1: {  	v3 =	vld [tilespmem:s20+$0x1150]  }
0xf2: {  	_ =	sdelay $0x2  }
0xf3: {  	v0 =	vadd.f32 v1, v0  }
0xf4: {  	v2 =	vadd.f32 v3, v2  }
0xf5: {  	v0 =	vmul.f32 $3.125000000e-02, v0  }
0xf6: {  	v1 =	vmul.f32 $3.125000000e-02, v2  }
0xf7: {  	[tilespmem:$0x105D0] =	vst v0  }
0xf8: {  	s20 =	simm.s32 $0x0;
	[tilespmem:$0x101D0] =	vst v1  }
0xf9: {  	v1 =	vld [tilespmem:s20+$0x9160]  }
0xfa: {  	s19 =	simm.s32 $0x200;
	v2 =	vimm.f32 $0.0e+00;
	v0 =	vimm.f32 $0.0e+00;
	v3 =	vld [tilespmem:s20+$0x1160]  }
.LBB2_30:
0xfb: {  	p0 =	sne.s32 s19, $0x3E00  }
.Ltmp14:
0xfc: {  	_ = 	snop;
	(pc) =	sbr.rel @p0 .LBB2_30-.Ltmp14, $4  }
0xfd: {  	_ = 	snop  }
0xfe: {  	s20 =	sshra.s32 s19, $0x2;
	s19 =	sadd.s32 $0x200, s19;
	v0 =	vadd.f32 v1, v0  }
0xff: {  	v1 =	vld [tilespmem:s20+$0x9160];
	v2 =	vadd.f32 v3, v2  }
0x100: {  	v3 =	vld [tilespmem:s20+$0x1160]  }
0x101: {  	_ =	sdelay $0x2  }
0x102: {  	v0 =	vadd.f32 v1, v0  }
0x103: {  	v2 =	vadd.f32 v3, v2  }
0x104: {  	v0 =	vmul.f32 $3.125000000e-02, v0  }
0x105: {  	v1 =	vmul.f32 $3.125000000e-02, v2  }
0x106: {  	[tilespmem:$0x105E0] =	vst v0  }
0x107: {  	s20 =	simm.s32 $0x0;
	[tilespmem:$0x101E0] =	vst v1  }
0x108: {  	v1 =	vld [tilespmem:s20+$0x9170]  }
0x109: {  	s19 =	simm.s32 $0x200;
	v2 =	vimm.f32 $0.0e+00;
	v0 =	vimm.f32 $0.0e+00;
	v3 =	vld [tilespmem:s20+$0x1170]  }
.LBB2_32:
0x10a: {  	p0 =	sne.s32 s19, $0x3E00  }
.Ltmp15:
0x10b: {  	_ = 	snop;
	(pc) =	sbr.rel @p0 .LBB2_32-.Ltmp15, $4  }
0x10c: {  	_ = 	snop  }
0x10d: {  	s20 =	sshra.s32 s19, $0x2;
	s19 =	sadd.s32 $0x200, s19;
	v0 =	vadd.f32 v1, v0  }
0x10e: {  	v1 =	vld [tilespmem:s20+$0x9170];
	v2 =	vadd.f32 v3, v2  }
0x10f: {  	v3 =	vld [tilespmem:s20+$0x1170]  }
0x110: {  	_ =	sdelay $0x2  }
0x111: {  	v0 =	vadd.f32 v1, v0  }
0x112: {  	v2 =	vadd.f32 v3, v2  }
0x113: {  	v0 =	vmul.f32 $3.125000000e-02, v0  }
0x114: {  	v1 =	vmul.f32 $3.125000000e-02, v2  }
0x115: {  	[tilespmem:$0x105F0] =	vst v0  }
0x116: {  	s20 =	simm.s32 $0x0;
	[tilespmem:$0x101F0] =	vst v1  }
0x117: {  	v1 =	vld [tilespmem:s20+$0xA100]  }
0x118: {  	s19 =	simm.s32 $0x200;
	v2 =	vimm.f32 $0.0e+00;
	v0 =	vimm.f32 $0.0e+00;
	v3 =	vld [tilespmem:s20+$0x2100]  }
.LBB2_34:
0x119: {  	p0 =	sne.s32 s19, $0x3E00  }
.Ltmp16:
0x11a: {  	_ = 	snop;
	(pc) =	sbr.rel @p0 .LBB2_34-.Ltmp16, $4  }
0x11b: {  	_ = 	snop  }
0x11c: {  	s20 =	sshra.s32 s19, $0x2;
	s19 =	sadd.s32 $0x200, s19;
	v0 =	vadd.f32 v1, v0  }
0x11d: {  	v1 =	vld [tilespmem:s20+$0xA100];
	v2 =	vadd.f32 v3, v2  }
0x11e: {  	v3 =	vld [tilespmem:s20+$0x2100]  }
0x11f: {  	_ =	sdelay $0x2  }
0x120: {  	v0 =	vadd.f32 v1, v0  }
0x121: {  	v2 =	vadd.f32 v3, v2  }
0x122: {  	v0 =	vmul.f32 $3.125000000e-02, v0  }
0x123: {  	v1 =	vmul.f32 $3.125000000e-02, v2  }
0x124: {  	[tilespmem:$0x10600] =	vst v0  }
0x125: {  	s20 =	simm.s32 $0x0;
	[tilespmem:$0x10200] =	vst v1  }
0x126: {  	v1 =	vld [tilespmem:s20+$0xA110]  }
0x127: {  	s19 =	simm.s32 $0x200;
	v2 =	vimm.f32 $0.0e+00;
	v0 =	vimm.f32 $0.0e+00;
	v3 =	vld [tilespmem:s20+$0x2110]  }
.LBB2_36:
0x128: {  	p0 =	sne.s32 s19, $0x3E00  }
.Ltmp17:
0x129: {  	_ = 	snop;
	(pc) =	sbr.rel @p0 .LBB2_36-.Ltmp17, $4  }
0x12a: {  	_ = 	snop  }
0x12b: {  	s20 =	sshra.s32 s19, $0x2;
	s19 =	sadd.s32 $0x200, s19;
	v0 =	vadd.f32 v1, v0  }
0x12c: {  	v1 =	vld [tilespmem:s20+$0xA110];
	v2 =	vadd.f32 v3, v2  }
0x12d: {  	v3 =	vld [tilespmem:s20+$0x2110]  }
0x12e: {  	_ =	sdelay $0x2  }
0x12f: {  	v0 =	vadd.f32 v1, v0  }
0x130: {  	v2 =	vadd.f32 v3, v2  }
0x131: {  	v0 =	vmul.f32 $3.125000000e-02, v0  }
0x132: {  	v1 =	vmul.f32 $3.125000000e-02, v2  }
0x133: {  	[tilespmem:$0x10610] =	vst v0  }
0x134: {  	s20 =	simm.s32 $0x0;
	[tilespmem:$0x10210] =	vst v1  }
0x135: {  	v1 =	vld [tilespmem:s20+$0xA120]  }
0x136: {  	s19 =	simm.s32 $0x200;
	v2 =	vimm.f32 $0.0e+00;
	v0 =	vimm.f32 $0.0e+00;
	v3 =	vld [tilespmem:s20+$0x2120]  }
.LBB2_38:
0x137: {  	p0 =	sne.s32 s19, $0x3E00  }
.Ltmp18:
0x138: {  	_ = 	snop;
	(pc) =	sbr.rel @p0 .LBB2_38-.Ltmp18, $4  }
0x139: {  	_ = 	snop  }
0x13a: {  	s20 =	sshra.s32 s19, $0x2;
	s19 =	sadd.s32 $0x200, s19;
	v0 =	vadd.f32 v1, v0  }
0x13b: {  	v1 =	vld [tilespmem:s20+$0xA120];
	v2 =	vadd.f32 v3, v2  }
0x13c: {  	v3 =	vld [tilespmem:s20+$0x2120]  }
0x13d: {  	_ =	sdelay $0x2  }
0x13e: {  	v0 =	vadd.f32 v1, v0  }
0x13f: {  	v2 =	vadd.f32 v3, v2  }
0x140: {  	v0 =	vmul.f32 $3.125000000e-02, v0  }
0x141: {  	v1 =	vmul.f32 $3.125000000e-02, v2  }
0x142: {  	[tilespmem:$0x10620] =	vst v0  }
0x143: {  	s20 =	simm.s32 $0x0;
	[tilespmem:$0x10220] =	vst v1  }
0x144: {  	v1 =	vld [tilespmem:s20+$0xA130]  }
0x145: {  	s19 =	simm.s32 $0x200;
	v2 =	vimm.f32 $0.0e+00;
	v0 =	vimm.f32 $0.0e+00;
	v3 =	vld [tilespmem:s20+$0x2130]  }
.LBB2_40:
0x146: {  	p0 =	sne.s32 s19, $0x3E00  }
.Ltmp19:
0x147: {  	_ = 	snop;
	(pc) =	sbr.rel @p0 .LBB2_40-.Ltmp19, $4  }
0x148: {  	_ = 	snop  }
0x149: {  	s20 =	sshra.s32 s19, $0x2;
	s19 =	sadd.s32 $0x200, s19;
	v0 =	vadd.f32 v1, v0  }
0x14a: {  	v1 =	vld [tilespmem:s20+$0xA130];
	v2 =	vadd.f32 v3, v2  }
0x14b: {  	v3 =	vld [tilespmem:s20+$0x2130]  }
0x14c: {  	_ =	sdelay $0x2  }
0x14d: {  	v0 =	vadd.f32 v1, v0  }
0x14e: {  	v2 =	vadd.f32 v3, v2  }
0x14f: {  	v0 =	vmul.f32 $3.125000000e-02, v0  }
0x150: {  	v1 =	vmul.f32 $3.125000000e-02, v2  }
0x151: {  	[tilespmem:$0x10630] =	vst v0  }
0x152: {  	s20 =	simm.s32 $0x0;
	[tilespmem:$0x10230] =	vst v1  }
0x153: {  	v1 =	vld [tilespmem:s20+$0xA140]  }
0x154: {  	s19 =	simm.s32 $0x200;
	v2 =	vimm.f32 $0.0e+00;
	v0 =	vimm.f32 $0.0e+00;
	v3 =	vld [tilespmem:s20+$0x2140]  }
.LBB2_42:
0x155: {  	p0 =	sne.s32 s19, $0x3E00  }
.Ltmp20:
0x156: {  	_ = 	snop;
	(pc) =	sbr.rel @p0 .LBB2_42-.Ltmp20, $4  }
0x157: {  	_ = 	snop  }
0x158: {  	s20 =	sshra.s32 s19, $0x2;
	s19 =	sadd.s32 $0x200, s19;
	v0 =	vadd.f32 v1, v0  }
0x159: {  	v1 =	vld [tilespmem:s20+$0xA140];
	v2 =	vadd.f32 v3, v2  }
0x15a: {  	v3 =	vld [tilespmem:s20+$0x2140]  }
0x15b: {  	_ =	sdelay $0x2  }
0x15c: {  	v0 =	vadd.f32 v1, v0  }
0x15d: {  	v2 =	vadd.f32 v3, v2  }
0x15e: {  	v0 =	vmul.f32 $3.125000000e-02, v0  }
0x15f: {  	v1 =	vmul.f32 $3.125000000e-02, v2  }
0x160: {  	[tilespmem:$0x10640] =	vst v0  }
0x161: {  	s20 =	simm.s32 $0x0;
	[tilespmem:$0x10240] =	vst v1  }
0x162: {  	v1 =	vld [tilespmem:s20+$0xA150]  }
0x163: {  	s19 =	simm.s32 $0x200;
	v2 =	vimm.f32 $0.0e+00;
	v0 =	vimm.f32 $0.0e+00;
	v3 =	vld [tilespmem:s20+$0x2150]  }
.LBB2_44:
0x164: {  	p0 =	sne.s32 s19, $0x3E00  }
.Ltmp21:
0x165: {  	_ = 	snop;
	(pc) =	sbr.rel @p0 .LBB2_44-.Ltmp21, $4  }
0x166: {  	_ = 	snop  }
0x167: {  	s20 =	sshra.s32 s19, $0x2;
	s19 =	sadd.s32 $0x200, s19;
	v0 =	vadd.f32 v1, v0  }
0x168: {  	v1 =	vld [tilespmem:s20+$0xA150];
	v2 =	vadd.f32 v3, v2  }
0x169: {  	v3 =	vld [tilespmem:s20+$0x2150]  }
0x16a: {  	_ =	sdelay $0x2  }
0x16b: {  	v0 =	vadd.f32 v1, v0  }
0x16c: {  	v2 =	vadd.f32 v3, v2  }
0x16d: {  	v0 =	vmul.f32 $3.125000000e-02, v0  }
0x16e: {  	v1 =	vmul.f32 $3.125000000e-02, v2  }
0x16f: {  	[tilespmem:$0x10650] =	vst v0  }
0x170: {  	s20 =	simm.s32 $0x0;
	[tilespmem:$0x10250] =	vst v1  }
0x171: {  	v1 =	vld [tilespmem:s20+$0xA160]  }
0x172: {  	s19 =	simm.s32 $0x200;
	v2 =	vimm.f32 $0.0e+00;
	v0 =	vimm.f32 $0.0e+00;
	v3 =	vld [tilespmem:s20+$0x2160]  }
.LBB2_46:
0x173: {  	p0 =	sne.s32 s19, $0x3E00  }
.Ltmp22:
0x174: {  	_ = 	snop;
	(pc) =	sbr.rel @p0 .LBB2_46-.Ltmp22, $4  }
0x175: {  	_ = 	snop  }
0x176: {  	s20 =	sshra.s32 s19, $0x2;
	s19 =	sadd.s32 $0x200, s19;
	v0 =	vadd.f32 v1, v0  }
0x177: {  	v1 =	vld [tilespmem:s20+$0xA160];
	v2 =	vadd.f32 v3, v2  }
0x178: {  	v3 =	vld [tilespmem:s20+$0x2160]  }
0x179: {  	_ =	sdelay $0x2  }
0x17a: {  	v0 =	vadd.f32 v1, v0  }
0x17b: {  	v2 =	vadd.f32 v3, v2  }
0x17c: {  	v0 =	vmul.f32 $3.125000000e-02, v0  }
0x17d: {  	v1 =	vmul.f32 $3.125000000e-02, v2  }
0x17e: {  	[tilespmem:$0x10660] =	vst v0  }
0x17f: {  	s20 =	simm.s32 $0x0;
	[tilespmem:$0x10260] =	vst v1  }
0x180: {  	v1 =	vld [tilespmem:s20+$0xA170]  }
0x181: {  	s19 =	simm.s32 $0x200;
	v2 =	vimm.f32 $0.0e+00;
	v0 =	vimm.f32 $0.0e+00;
	v3 =	vld [tilespmem:s20+$0x2170]  }
.LBB2_48:
0x182: {  	p0 =	sne.s32 s19, $0x3E00  }
.Ltmp23:
0x183: {  	_ = 	snop;
	(pc) =	sbr.rel @p0 .LBB2_48-.Ltmp23, $4  }
0x184: {  	_ = 	snop  }
0x185: {  	s20 =	sshra.s32 s19, $0x2;
	s19 =	sadd.s32 $0x200, s19;
	v0 =	vadd.f32 v1, v0  }
0x186: {  	v1 =	vld [tilespmem:s20+$0xA170];
	v2 =	vadd.f32 v3, v2  }
0x187: {  	v3 =	vld [tilespmem:s20+$0x2170]  }
0x188: {  	_ =	sdelay $0x2  }
0x189: {  	v0 =	vadd.f32 v1, v0  }
0x18a: {  	v2 =	vadd.f32 v3, v2  }
0x18b: {  	v0 =	vmul.f32 $3.125000000e-02, v0  }
0x18c: {  	v1 =	vmul.f32 $3.125000000e-02, v2  }
0x18d: {  	[tilespmem:$0x10670] =	vst v0  }
0x18e: {  	s20 =	simm.s32 $0x0;
	[tilespmem:$0x10270] =	vst v1  }
0x18f: {  	v1 =	vld [tilespmem:s20+$0xB100]  }
0x190: {  	s19 =	simm.s32 $0x200;
	v2 =	vimm.f32 $0.0e+00;
	v0 =	vimm.f32 $0.0e+00;
	v3 =	vld [tilespmem:s20+$0x3100]  }
.LBB2_50:
0x191: {  	p0 =	sne.s32 s19, $0x3E00  }
.Ltmp24:
0x192: {  	_ = 	snop;
	(pc) =	sbr.rel @p0 .LBB2_50-.Ltmp24, $4  }
0x193: {  	_ = 	snop  }
0x194: {  	s20 =	sshra.s32 s19, $0x2;
	s19 =	sadd.s32 $0x200, s19;
	v0 =	vadd.f32 v1, v0  }
0x195: {  	v1 =	vld [tilespmem:s20+$0xB100];
	v2 =	vadd.f32 v3, v2  }
0x196: {  	v3 =	vld [tilespmem:s20+$0x3100]  }
0x197: {  	_ =	sdelay $0x2  }
0x198: {  	v0 =	vadd.f32 v1, v0  }
0x199: {  	v2 =	vadd.f32 v3, v2  }
0x19a: {  	v0 =	vmul.f32 $3.125000000e-02, v0  }
0x19b: {  	v1 =	vmul.f32 $3.125000000e-02, v2  }
0x19c: {  	[tilespmem:$0x10680] =	vst v0  }
0x19d: {  	s20 =	simm.s32 $0x0;
	[tilespmem:$0x10280] =	vst v1  }
0x19e: {  	v1 =	vld [tilespmem:s20+$0xB110]  }
0x19f: {  	s19 =	simm.s32 $0x200;
	v2 =	vimm.f32 $0.0e+00;
	v0 =	vimm.f32 $0.0e+00;
	v3 =	vld [tilespmem:s20+$0x3110]  }
.LBB2_52:
0x1a0: {  	p0 =	sne.s32 s19, $0x3E00  }
.Ltmp25:
0x1a1: {  	_ = 	snop;
	(pc) =	sbr.rel @p0 .LBB2_52-.Ltmp25, $4  }
0x1a2: {  	_ = 	snop  }
0x1a3: {  	s20 =	sshra.s32 s19, $0x2;
	s19 =	sadd.s32 $0x200, s19;
	v0 =	vadd.f32 v1, v0  }
0x1a4: {  	v1 =	vld [tilespmem:s20+$0xB110];
	v2 =	vadd.f32 v3, v2  }
0x1a5: {  	v3 =	vld [tilespmem:s20+$0x3110]  }
0x1a6: {  	_ =	sdelay $0x2  }
0x1a7: {  	v0 =	vadd.f32 v1, v0  }
0x1a8: {  	v2 =	vadd.f32 v3, v2  }
0x1a9: {  	v0 =	vmul.f32 $3.125000000e-02, v0  }
0x1aa: {  	v1 =	vmul.f32 $3.125000000e-02, v2  }
0x1ab: {  	[tilespmem:$0x10690] =	vst v0  }
0x1ac: {  	s20 =	simm.s32 $0x0;
	[tilespmem:$0x10290] =	vst v1  }
0x1ad: {  	v1 =	vld [tilespmem:s20+$0xB120]  }
0x1ae: {  	s19 =	simm.s32 $0x200;
	v2 =	vimm.f32 $0.0e+00;
	v0 =	vimm.f32 $0.0e+00;
	v3 =	vld [tilespmem:s20+$0x3120]  }
.LBB2_54:
0x1af: {  	p0 =	sne.s32 s19, $0x3E00  }
.Ltmp26:
0x1b0: {  	_ = 	snop;
	(pc) =	sbr.rel @p0 .LBB2_54-.Ltmp26, $4  }
0x1b1: {  	_ = 	snop  }
0x1b2: {  	s20 =	sshra.s32 s19, $0x2;
	s19 =	sadd.s32 $0x200, s19;
	v0 =	vadd.f32 v1, v0  }
0x1b3: {  	v1 =	vld [tilespmem:s20+$0xB120];
	v2 =	vadd.f32 v3, v2  }
0x1b4: {  	v3 =	vld [tilespmem:s20+$0x3120]  }
0x1b5: {  	_ =	sdelay $0x2  }
0x1b6: {  	v0 =	vadd.f32 v1, v0  }
0x1b7: {  	v2 =	vadd.f32 v3, v2  }
0x1b8: {  	v0 =	vmul.f32 $3.125000000e-02, v0  }
0x1b9: {  	v1 =	vmul.f32 $3.125000000e-02, v2  }
0x1ba: {  	[tilespmem:$0x106A0] =	vst v0  }
0x1bb: {  	s20 =	simm.s32 $0x0;
	[tilespmem:$0x102A0] =	vst v1  }
0x1bc: {  	v1 =	vld [tilespmem:s20+$0xB130]  }
0x1bd: {  	s19 =	simm.s32 $0x200;
	v2 =	vimm.f32 $0.0e+00;
	v0 =	vimm.f32 $0.0e+00;
	v3 =	vld [tilespmem:s20+$0x3130]  }
.LBB2_56:
0x1be: {  	p0 =	sne.s32 s19, $0x3E00  }
.Ltmp27:
0x1bf: {  	_ = 	snop;
	(pc) =	sbr.rel @p0 .LBB2_56-.Ltmp27, $4  }
0x1c0: {  	_ = 	snop  }
0x1c1: {  	s20 =	sshra.s32 s19, $0x2;
	s19 =	sadd.s32 $0x200, s19;
	v0 =	vadd.f32 v1, v0  }
0x1c2: {  	v1 =	vld [tilespmem:s20+$0xB130];
	v2 =	vadd.f32 v3, v2  }
0x1c3: {  	v3 =	vld [tilespmem:s20+$0x3130]  }
0x1c4: {  	_ =	sdelay $0x2  }
0x1c5: {  	v0 =	vadd.f32 v1, v0  }
0x1c6: {  	v2 =	vadd.f32 v3, v2  }
0x1c7: {  	v0 =	vmul.f32 $3.125000000e-02, v0  }
0x1c8: {  	v1 =	vmul.f32 $3.125000000e-02, v2  }
0x1c9: {  	[tilespmem:$0x106B0] =	vst v0  }
0x1ca: {  	s20 =	simm.s32 $0x0;
	[tilespmem:$0x102B0] =	vst v1  }
0x1cb: {  	v1 =	vld [tilespmem:s20+$0xB140]  }
0x1cc: {  	s19 =	simm.s32 $0x200;
	v2 =	vimm.f32 $0.0e+00;
	v0 =	vimm.f32 $0.0e+00;
	v3 =	vld [tilespmem:s20+$0x3140]  }
.LBB2_58:
0x1cd: {  	p0 =	sne.s32 s19, $0x3E00  }
.Ltmp28:
0x1ce: {  	_ = 	snop;
	(pc) =	sbr.rel @p0 .LBB2_58-.Ltmp28, $4  }
0x1cf: {  	_ = 	snop  }
0x1d0: {  	s20 =	sshra.s32 s19, $0x2;
	s19 =	sadd.s32 $0x200, s19;
	v0 =	vadd.f32 v1, v0  }
0x1d1: {  	v1 =	vld [tilespmem:s20+$0xB140];
	v2 =	vadd.f32 v3, v2  }
0x1d2: {  	v3 =	vld [tilespmem:s20+$0x3140]  }
0x1d3: {  	_ =	sdelay $0x2  }
0x1d4: {  	v0 =	vadd.f32 v1, v0  }
0x1d5: {  	v2 =	vadd.f32 v3, v2  }
0x1d6: {  	v0 =	vmul.f32 $3.125000000e-02, v0  }
0x1d7: {  	v1 =	vmul.f32 $3.125000000e-02, v2  }
0x1d8: {  	[tilespmem:$0x106C0] =	vst v0  }
0x1d9: {  	s20 =	simm.s32 $0x0;
	[tilespmem:$0x102C0] =	vst v1  }
0x1da: {  	v1 =	vld [tilespmem:s20+$0xB150]  }
0x1db: {  	s19 =	simm.s32 $0x200;
	v2 =	vimm.f32 $0.0e+00;
	v0 =	vimm.f32 $0.0e+00;
	v3 =	vld [tilespmem:s20+$0x3150]  }
.LBB2_60:
0x1dc: {  	p0 =	sne.s32 s19, $0x3E00  }
.Ltmp29:
0x1dd: {  	_ = 	snop;
	(pc) =	sbr.rel @p0 .LBB2_60-.Ltmp29, $4  }
0x1de: {  	_ = 	snop  }
0x1df: {  	s20 =	sshra.s32 s19, $0x2;
	s19 =	sadd.s32 $0x200, s19;
	v0 =	vadd.f32 v1, v0  }
0x1e0: {  	v1 =	vld [tilespmem:s20+$0xB150];
	v2 =	vadd.f32 v3, v2  }
0x1e1: {  	v3 =	vld [tilespmem:s20+$0x3150]  }
0x1e2: {  	_ =	sdelay $0x2  }
0x1e3: {  	v0 =	vadd.f32 v1, v0  }
0x1e4: {  	v2 =	vadd.f32 v3, v2  }
0x1e5: {  	v0 =	vmul.f32 $3.125000000e-02, v0  }
0x1e6: {  	v1 =	vmul.f32 $3.125000000e-02, v2  }
0x1e7: {  	[tilespmem:$0x106D0] =	vst v0  }
0x1e8: {  	s20 =	simm.s32 $0x0;
	[tilespmem:$0x102D0] =	vst v1  }
0x1e9: {  	v1 =	vld [tilespmem:s20+$0xB160]  }
0x1ea: {  	s19 =	simm.s32 $0x200;
	v2 =	vimm.f32 $0.0e+00;
	v0 =	vimm.f32 $0.0e+00;
	v3 =	vld [tilespmem:s20+$0x3160]  }
.LBB2_62:
0x1eb: {  	p0 =	sne.s32 s19, $0x3E00  }
.Ltmp30:
0x1ec: {  	_ = 	snop;
	(pc) =	sbr.rel @p0 .LBB2_62-.Ltmp30, $4  }
0x1ed: {  	_ = 	snop  }
0x1ee: {  	s20 =	sshra.s32 s19, $0x2;
	s19 =	sadd.s32 $0x200, s19;
	v0 =	vadd.f32 v1, v0  }
0x1ef: {  	v1 =	vld [tilespmem:s20+$0xB160];
	v2 =	vadd.f32 v3, v2  }
0x1f0: {  	v3 =	vld [tilespmem:s20+$0x3160]  }
0x1f1: {  	_ =	sdelay $0x2  }
0x1f2: {  	v0 =	vadd.f32 v1, v0  }
0x1f3: {  	v2 =	vadd.f32 v3, v2  }
0x1f4: {  	v0 =	vmul.f32 $3.125000000e-02, v0  }
0x1f5: {  	v1 =	vmul.f32 $3.125000000e-02, v2  }
0x1f6: {  	[tilespmem:$0x106E0] =	vst v0  }
0x1f7: {  	s20 =	simm.s32 $0x0;
	[tilespmem:$0x102E0] =	vst v1  }
0x1f8: {  	v1 =	vld [tilespmem:s20+$0xB170]  }
0x1f9: {  	s19 =	simm.s32 $0x200;
	v2 =	vimm.f32 $0.0e+00;
	v0 =	vimm.f32 $0.0e+00;
	v3 =	vld [tilespmem:s20+$0x3170]  }
.LBB2_64:
0x1fa: {  	p0 =	sne.s32 s19, $0x3E00  }
.Ltmp31:
0x1fb: {  	_ = 	snop;
	(pc) =	sbr.rel @p0 .LBB2_64-.Ltmp31, $4  }
0x1fc: {  	_ = 	snop  }
0x1fd: {  	s20 =	sshra.s32 s19, $0x2;
	s19 =	sadd.s32 $0x200, s19;
	v0 =	vadd.f32 v1, v0  }
0x1fe: {  	v1 =	vld [tilespmem:s20+$0xB170];
	v2 =	vadd.f32 v3, v2  }
0x1ff: {  	v3 =	vld [tilespmem:s20+$0x3170]  }
0x200: {  	_ =	sdelay $0x2  }
0x201: {  	v0 =	vadd.f32 v1, v0  }
0x202: {  	v2 =	vadd.f32 v3, v2  }
0x203: {  	v0 =	vmul.f32 $3.125000000e-02, v0  }
0x204: {  	v1 =	vmul.f32 $3.125000000e-02, v2  }
0x205: {  	[tilespmem:$0x106F0] =	vst v0  }
0x206: {  	s20 =	simm.s32 $0x0;
	[tilespmem:$0x102F0] =	vst v1  }
0x207: {  	v1 =	vld [tilespmem:s20+$0xC100]  }
0x208: {  	s19 =	simm.s32 $0x200;
	v2 =	vimm.f32 $0.0e+00;
	v0 =	vimm.f32 $0.0e+00;
	v3 =	vld [tilespmem:s20+$0x4100]  }
.LBB2_66:
0x209: {  	p0 =	sne.s32 s19, $0x3E00  }
.Ltmp32:
0x20a: {  	_ = 	snop;
	(pc) =	sbr.rel @p0 .LBB2_66-.Ltmp32, $4  }
0x20b: {  	_ = 	snop  }
0x20c: {  	s20 =	sshra.s32 s19, $0x2;
	s19 =	sadd.s32 $0x200, s19;
	v0 =	vadd.f32 v1, v0  }
0x20d: {  	v1 =	vld [tilespmem:s20+$0xC100];
	v2 =	vadd.f32 v3, v2  }
0x20e: {  	v3 =	vld [tilespmem:s20+$0x4100]  }
0x20f: {  	_ =	sdelay $0x2  }
0x210: {  	v0 =	vadd.f32 v1, v0  }
0x211: {  	v2 =	vadd.f32 v3, v2  }
0x212: {  	v0 =	vmul.f32 $3.125000000e-02, v0  }
0x213: {  	v1 =	vmul.f32 $3.125000000e-02, v2  }
0x214: {  	[tilespmem:$0x10700] =	vst v0  }
0x215: {  	s20 =	simm.s32 $0x0;
	[tilespmem:$0x10300] =	vst v1  }
0x216: {  	v1 =	vld [tilespmem:s20+$0xC110]  }
0x217: {  	s19 =	simm.s32 $0x200;
	v2 =	vimm.f32 $0.0e+00;
	v0 =	vimm.f32 $0.0e+00;
	v3 =	vld [tilespmem:s20+$0x4110]  }
.LBB2_68:
0x218: {  	p0 =	sne.s32 s19, $0x3E00  }
.Ltmp33:
0x219: {  	_ = 	snop;
	(pc) =	sbr.rel @p0 .LBB2_68-.Ltmp33, $4  }
0x21a: {  	_ = 	snop  }
0x21b: {  	s20 =	sshra.s32 s19, $0x2;
	s19 =	sadd.s32 $0x200, s19;
	v0 =	vadd.f32 v1, v0  }
0x21c: {  	v1 =	vld [tilespmem:s20+$0xC110];
	v2 =	vadd.f32 v3, v2  }
0x21d: {  	v3 =	vld [tilespmem:s20+$0x4110]  }
0x21e: {  	_ =	sdelay $0x2  }
0x21f: {  	v0 =	vadd.f32 v1, v0  }
0x220: {  	v2 =	vadd.f32 v3, v2  }
0x221: {  	v0 =	vmul.f32 $3.125000000e-02, v0  }
0x222: {  	v1 =	vmul.f32 $3.125000000e-02, v2  }
0x223: {  	[tilespmem:$0x10710] =	vst v0  }
0x224: {  	s20 =	simm.s32 $0x0;
	[tilespmem:$0x10310] =	vst v1  }
0x225: {  	v1 =	vld [tilespmem:s20+$0xC120]  }
0x226: {  	s19 =	simm.s32 $0x200;
	v2 =	vimm.f32 $0.0e+00;
	v0 =	vimm.f32 $0.0e+00;
	v3 =	vld [tilespmem:s20+$0x4120]  }
.LBB2_70:
0x227: {  	p0 =	sne.s32 s19, $0x3E00  }
.Ltmp34:
0x228: {  	_ = 	snop;
	(pc) =	sbr.rel @p0 .LBB2_70-.Ltmp34, $4  }
0x229: {  	_ = 	snop  }
0x22a: {  	s20 =	sshra.s32 s19, $0x2;
	s19 =	sadd.s32 $0x200, s19;
	v0 =	vadd.f32 v1, v0  }
0x22b: {  	v1 =	vld [tilespmem:s20+$0xC120];
	v2 =	vadd.f32 v3, v2  }
0x22c: {  	v3 =	vld [tilespmem:s20+$0x4120]  }
0x22d: {  	_ =	sdelay $0x2  }
0x22e: {  	v0 =	vadd.f32 v1, v0  }
0x22f: {  	v2 =	vadd.f32 v3, v2  }
0x230: {  	v0 =	vmul.f32 $3.125000000e-02, v0  }
0x231: {  	v1 =	vmul.f32 $3.125000000e-02, v2  }
0x232: {  	[tilespmem:$0x10720] =	vst v0  }
0x233: {  	s20 =	simm.s32 $0x0;
	[tilespmem:$0x10320] =	vst v1  }
0x234: {  	v1 =	vld [tilespmem:s20+$0xC130]  }
0x235: {  	s19 =	simm.s32 $0x200;
	v2 =	vimm.f32 $0.0e+00;
	v0 =	vimm.f32 $0.0e+00;
	v3 =	vld [tilespmem:s20+$0x4130]  }
.LBB2_72:
0x236: {  	p0 =	sne.s32 s19, $0x3E00  }
.Ltmp35:
0x237: {  	_ = 	snop;
	(pc) =	sbr.rel @p0 .LBB2_72-.Ltmp35, $4  }
0x238: {  	_ = 	snop  }
0x239: {  	s20 =	sshra.s32 s19, $0x2;
	s19 =	sadd.s32 $0x200, s19;
	v0 =	vadd.f32 v1, v0  }
0x23a: {  	v1 =	vld [tilespmem:s20+$0xC130];
	v2 =	vadd.f32 v3, v2  }
0x23b: {  	v3 =	vld [tilespmem:s20+$0x4130]  }
0x23c: {  	_ =	sdelay $0x2  }
0x23d: {  	v0 =	vadd.f32 v1, v0  }
0x23e: {  	v2 =	vadd.f32 v3, v2  }
0x23f: {  	v0 =	vmul.f32 $3.125000000e-02, v0  }
0x240: {  	v1 =	vmul.f32 $3.125000000e-02, v2  }
0x241: {  	[tilespmem:$0x10730] =	vst v0  }
0x242: {  	s20 =	simm.s32 $0x0;
	[tilespmem:$0x10330] =	vst v1  }
0x243: {  	v1 =	vld [tilespmem:s20+$0xC140]  }
0x244: {  	s19 =	simm.s32 $0x200;
	v2 =	vimm.f32 $0.0e+00;
	v0 =	vimm.f32 $0.0e+00;
	v3 =	vld [tilespmem:s20+$0x4140]  }
.LBB2_74:
0x245: {  	p0 =	sne.s32 s19, $0x3E00  }
.Ltmp36:
0x246: {  	_ = 	snop;
	(pc) =	sbr.rel @p0 .LBB2_74-.Ltmp36, $4  }
0x247: {  	_ = 	snop  }
0x248: {  	s20 =	sshra.s32 s19, $0x2;
	s19 =	sadd.s32 $0x200, s19;
	v0 =	vadd.f32 v1, v0  }
0x249: {  	v1 =	vld [tilespmem:s20+$0xC140];
	v2 =	vadd.f32 v3, v2  }
0x24a: {  	v3 =	vld [tilespmem:s20+$0x4140]  }
0x24b: {  	_ =	sdelay $0x2  }
0x24c: {  	v0 =	vadd.f32 v1, v0  }
0x24d: {  	v2 =	vadd.f32 v3, v2  }
0x24e: {  	v0 =	vmul.f32 $3.125000000e-02, v0  }
0x24f: {  	v1 =	vmul.f32 $3.125000000e-02, v2  }
0x250: {  	[tilespmem:$0x10740] =	vst v0  }
0x251: {  	s20 =	simm.s32 $0x0;
	[tilespmem:$0x10340] =	vst v1  }
0x252: {  	v1 =	vld [tilespmem:s20+$0xC150]  }
0x253: {  	s19 =	simm.s32 $0x200;
	v2 =	vimm.f32 $0.0e+00;
	v0 =	vimm.f32 $0.0e+00;
	v3 =	vld [tilespmem:s20+$0x4150]  }
.LBB2_76:
0x254: {  	p0 =	sne.s32 s19, $0x3E00  }
.Ltmp37:
0x255: {  	_ = 	snop;
	(pc) =	sbr.rel @p0 .LBB2_76-.Ltmp37, $4  }
0x256: {  	_ = 	snop  }
0x257: {  	s20 =	sshra.s32 s19, $0x2;
	s19 =	sadd.s32 $0x200, s19;
	v0 =	vadd.f32 v1, v0  }
0x258: {  	v1 =	vld [tilespmem:s20+$0xC150];
	v2 =	vadd.f32 v3, v2  }
0x259: {  	v3 =	vld [tilespmem:s20+$0x4150]  }
0x25a: {  	_ =	sdelay $0x2  }
0x25b: {  	v0 =	vadd.f32 v1, v0  }
0x25c: {  	v2 =	vadd.f32 v3, v2  }
0x25d: {  	v0 =	vmul.f32 $3.125000000e-02, v0  }
0x25e: {  	v1 =	vmul.f32 $3.125000000e-02, v2  }
0x25f: {  	[tilespmem:$0x10750] =	vst v0  }
0x260: {  	s20 =	simm.s32 $0x0;
	[tilespmem:$0x10350] =	vst v1  }
0x261: {  	v1 =	vld [tilespmem:s20+$0xC160]  }
0x262: {  	s19 =	simm.s32 $0x200;
	v2 =	vimm.f32 $0.0e+00;
	v0 =	vimm.f32 $0.0e+00;
	v3 =	vld [tilespmem:s20+$0x4160]  }
.LBB2_78:
0x263: {  	p0 =	sne.s32 s19, $0x3E00  }
.Ltmp38:
0x264: {  	_ = 	snop;
	(pc) =	sbr.rel @p0 .LBB2_78-.Ltmp38, $4  }
0x265: {  	_ = 	snop  }
0x266: {  	s20 =	sshra.s32 s19, $0x2;
	s19 =	sadd.s32 $0x200, s19;
	v0 =	vadd.f32 v1, v0  }
0x267: {  	v1 =	vld [tilespmem:s20+$0xC160];
	v2 =	vadd.f32 v3, v2  }
0x268: {  	v3 =	vld [tilespmem:s20+$0x4160]  }
0x269: {  	_ =	sdelay $0x2  }
0x26a: {  	v0 =	vadd.f32 v1, v0  }
0x26b: {  	v2 =	vadd.f32 v3, v2  }
0x26c: {  	v0 =	vmul.f32 $3.125000000e-02, v0  }
0x26d: {  	v1 =	vmul.f32 $3.125000000e-02, v2  }
0x26e: {  	[tilespmem:$0x10760] =	vst v0  }
0x26f: {  	s20 =	simm.s32 $0x0;
	[tilespmem:$0x10360] =	vst v1  }
0x270: {  	v1 =	vld [tilespmem:s20+$0xC170]  }
0x271: {  	s19 =	simm.s32 $0x200;
	v2 =	vimm.f32 $0.0e+00;
	v0 =	vimm.f32 $0.0e+00;
	v3 =	vld [tilespmem:s20+$0x4170]  }
.LBB2_80:
0x272: {  	p0 =	sne.s32 s19, $0x3E00  }
.Ltmp39:
0x273: {  	_ = 	snop;
	(pc) =	sbr.rel @p0 .LBB2_80-.Ltmp39, $4  }
0x274: {  	_ = 	snop  }
0x275: {  	s20 =	sshra.s32 s19, $0x2;
	s19 =	sadd.s32 $0x200, s19;
	v0 =	vadd.f32 v1, v0  }
0x276: {  	v1 =	vld [tilespmem:s20+$0xC170];
	v2 =	vadd.f32 v3, v2  }
0x277: {  	v3 =	vld [tilespmem:s20+$0x4170]  }
0x278: {  	_ =	sdelay $0x2  }
0x279: {  	v0 =	vadd.f32 v1, v0  }
0x27a: {  	v2 =	vadd.f32 v3, v2  }
0x27b: {  	v0 =	vmul.f32 $3.125000000e-02, v0  }
0x27c: {  	v1 =	vmul.f32 $3.125000000e-02, v2  }
0x27d: {  	[tilespmem:$0x10770] =	vst v0  }
0x27e: {  	s20 =	simm.s32 $0x0;
	[tilespmem:$0x10370] =	vst v1  }
0x27f: {  	v1 =	vld [tilespmem:s20+$0xD100]  }
0x280: {  	s19 =	simm.s32 $0x200;
	v2 =	vimm.f32 $0.0e+00;
	v0 =	vimm.f32 $0.0e+00;
	v3 =	vld [tilespmem:s20+$0x5100]  }
.LBB2_82:
0x281: {  	p0 =	sne.s32 s19, $0x3E00  }
.Ltmp40:
0x282: {  	_ = 	snop;
	(pc) =	sbr.rel @p0 .LBB2_82-.Ltmp40, $4  }
0x283: {  	_ = 	snop  }
0x284: {  	s20 =	sshra.s32 s19, $0x2;
	s19 =	sadd.s32 $0x200, s19;
	v0 =	vadd.f32 v1, v0  }
0x285: {  	v1 =	vld [tilespmem:s20+$0xD100];
	v2 =	vadd.f32 v3, v2  }
0x286: {  	v3 =	vld [tilespmem:s20+$0x5100]  }
0x287: {  	_ =	sdelay $0x2  }
0x288: {  	v0 =	vadd.f32 v1, v0  }
0x289: {  	v2 =	vadd.f32 v3, v2  }
0x28a: {  	v0 =	vmul.f32 $3.125000000e-02, v0  }
0x28b: {  	v1 =	vmul.f32 $3.125000000e-02, v2  }
0x28c: {  	[tilespmem:$0x10780] =	vst v0  }
0x28d: {  	s20 =	simm.s32 $0x0;
	[tilespmem:$0x10380] =	vst v1  }
0x28e: {  	v1 =	vld [tilespmem:s20+$0xD110]  }
0x28f: {  	s19 =	simm.s32 $0x200;
	v2 =	vimm.f32 $0.0e+00;
	v0 =	vimm.f32 $0.0e+00;
	v3 =	vld [tilespmem:s20+$0x5110]  }
.LBB2_84:
0x290: {  	p0 =	sne.s32 s19, $0x3E00  }
.Ltmp41:
0x291: {  	_ = 	snop;
	(pc) =	sbr.rel @p0 .LBB2_84-.Ltmp41, $4  }
0x292: {  	_ = 	snop  }
0x293: {  	s20 =	sshra.s32 s19, $0x2;
	s19 =	sadd.s32 $0x200, s19;
	v0 =	vadd.f32 v1, v0  }
0x294: {  	v1 =	vld [tilespmem:s20+$0xD110];
	v2 =	vadd.f32 v3, v2  }
0x295: {  	v3 =	vld [tilespmem:s20+$0x5110]  }
0x296: {  	_ =	sdelay $0x2  }
0x297: {  	v0 =	vadd.f32 v1, v0  }
0x298: {  	v2 =	vadd.f32 v3, v2  }
0x299: {  	v0 =	vmul.f32 $3.125000000e-02, v0  }
0x29a: {  	v1 =	vmul.f32 $3.125000000e-02, v2  }
0x29b: {  	[tilespmem:$0x10790] =	vst v0  }
0x29c: {  	s20 =	simm.s32 $0x0;
	[tilespmem:$0x10390] =	vst v1  }
0x29d: {  	v1 =	vld [tilespmem:s20+$0xD120]  }
0x29e: {  	s19 =	simm.s32 $0x200;
	v2 =	vimm.f32 $0.0e+00;
	v0 =	vimm.f32 $0.0e+00;
	v3 =	vld [tilespmem:s20+$0x5120]  }
.LBB2_86:
0x29f: {  	p0 =	sne.s32 s19, $0x3E00  }
.Ltmp42:
0x2a0: {  	_ = 	snop;
	(pc) =	sbr.rel @p0 .LBB2_86-.Ltmp42, $4  }
0x2a1: {  	_ = 	snop  }
0x2a2: {  	s20 =	sshra.s32 s19, $0x2;
	s19 =	sadd.s32 $0x200, s19;
	v0 =	vadd.f32 v1, v0  }
0x2a3: {  	v1 =	vld [tilespmem:s20+$0xD120];
	v2 =	vadd.f32 v3, v2  }
0x2a4: {  	v3 =	vld [tilespmem:s20+$0x5120]  }
0x2a5: {  	_ =	sdelay $0x2  }
0x2a6: {  	v0 =	vadd.f32 v1, v0  }
0x2a7: {  	v2 =	vadd.f32 v3, v2  }
0x2a8: {  	v0 =	vmul.f32 $3.125000000e-02, v0  }
0x2a9: {  	v1 =	vmul.f32 $3.125000000e-02, v2  }
0x2aa: {  	[tilespmem:$0x107A0] =	vst v0  }
0x2ab: {  	s20 =	simm.s32 $0x0;
	[tilespmem:$0x103A0] =	vst v1  }
0x2ac: {  	v1 =	vld [tilespmem:s20+$0xD130]  }
0x2ad: {  	s19 =	simm.s32 $0x200;
	v2 =	vimm.f32 $0.0e+00;
	v0 =	vimm.f32 $0.0e+00;
	v3 =	vld [tilespmem:s20+$0x5130]  }
.LBB2_88:
0x2ae: {  	p0 =	sne.s32 s19, $0x3E00  }
.Ltmp43:
0x2af: {  	_ = 	snop;
	(pc) =	sbr.rel @p0 .LBB2_88-.Ltmp43, $4  }
0x2b0: {  	_ = 	snop  }
0x2b1: {  	s20 =	sshra.s32 s19, $0x2;
	s19 =	sadd.s32 $0x200, s19;
	v0 =	vadd.f32 v1, v0  }
0x2b2: {  	v1 =	vld [tilespmem:s20+$0xD130];
	v2 =	vadd.f32 v3, v2  }
0x2b3: {  	v3 =	vld [tilespmem:s20+$0x5130]  }
0x2b4: {  	_ =	sdelay $0x2  }
0x2b5: {  	v0 =	vadd.f32 v1, v0  }
0x2b6: {  	v2 =	vadd.f32 v3, v2  }
0x2b7: {  	v0 =	vmul.f32 $3.125000000e-02, v0  }
0x2b8: {  	v1 =	vmul.f32 $3.125000000e-02, v2  }
0x2b9: {  	[tilespmem:$0x107B0] =	vst v0  }
0x2ba: {  	s20 =	simm.s32 $0x0;
	[tilespmem:$0x103B0] =	vst v1  }
0x2bb: {  	v1 =	vld [tilespmem:s20+$0xD140]  }
0x2bc: {  	s19 =	simm.s32 $0x200;
	v2 =	vimm.f32 $0.0e+00;
	v0 =	vimm.f32 $0.0e+00;
	v3 =	vld [tilespmem:s20+$0x5140]  }
.LBB2_90:
0x2bd: {  	p0 =	sne.s32 s19, $0x3E00  }
.Ltmp44:
0x2be: {  	_ = 	snop;
	(pc) =	sbr.rel @p0 .LBB2_90-.Ltmp44, $4  }
0x2bf: {  	_ = 	snop  }
0x2c0: {  	s20 =	sshra.s32 s19, $0x2;
	s19 =	sadd.s32 $0x200, s19;
	v0 =	vadd.f32 v1, v0  }
0x2c1: {  	v1 =	vld [tilespmem:s20+$0xD140];
	v2 =	vadd.f32 v3, v2  }
0x2c2: {  	v3 =	vld [tilespmem:s20+$0x5140]  }
0x2c3: {  	_ =	sdelay $0x2  }
0x2c4: {  	v0 =	vadd.f32 v1, v0  }
0x2c5: {  	v2 =	vadd.f32 v3, v2  }
0x2c6: {  	v0 =	vmul.f32 $3.125000000e-02, v0  }
0x2c7: {  	v1 =	vmul.f32 $3.125000000e-02, v2  }
0x2c8: {  	[tilespmem:$0x107C0] =	vst v0  }
0x2c9: {  	s20 =	simm.s32 $0x0;
	[tilespmem:$0x103C0] =	vst v1  }
0x2ca: {  	v1 =	vld [tilespmem:s20+$0xD150]  }
0x2cb: {  	s19 =	simm.s32 $0x200;
	v2 =	vimm.f32 $0.0e+00;
	v0 =	vimm.f32 $0.0e+00;
	v3 =	vld [tilespmem:s20+$0x5150]  }
.LBB2_92:
0x2cc: {  	p0 =	sne.s32 s19, $0x3E00  }
.Ltmp45:
0x2cd: {  	_ = 	snop;
	(pc) =	sbr.rel @p0 .LBB2_92-.Ltmp45, $4  }
0x2ce: {  	_ = 	snop  }
0x2cf: {  	s20 =	sshra.s32 s19, $0x2;
	s19 =	sadd.s32 $0x200, s19;
	v0 =	vadd.f32 v1, v0  }
0x2d0: {  	v1 =	vld [tilespmem:s20+$0xD150];
	v2 =	vadd.f32 v3, v2  }
0x2d1: {  	v3 =	vld [tilespmem:s20+$0x5150]  }
0x2d2: {  	_ =	sdelay $0x2  }
0x2d3: {  	v0 =	vadd.f32 v1, v0  }
0x2d4: {  	v2 =	vadd.f32 v3, v2  }
0x2d5: {  	v0 =	vmul.f32 $3.125000000e-02, v0  }
0x2d6: {  	v1 =	vmul.f32 $3.125000000e-02, v2  }
0x2d7: {  	[tilespmem:$0x107D0] =	vst v0  }
0x2d8: {  	s20 =	simm.s32 $0x0;
	[tilespmem:$0x103D0] =	vst v1  }
0x2d9: {  	v1 =	vld [tilespmem:s20+$0xD160]  }
0x2da: {  	s19 =	simm.s32 $0x200;
	v2 =	vimm.f32 $0.0e+00;
	v0 =	vimm.f32 $0.0e+00;
	v3 =	vld [tilespmem:s20+$0x5160]  }
.LBB2_94:
0x2db: {  	p0 =	sne.s32 s19, $0x3E00  }
.Ltmp46:
0x2dc: {  	_ = 	snop;
	(pc) =	sbr.rel @p0 .LBB2_94-.Ltmp46, $4  }
0x2dd: {  	_ = 	snop  }
0x2de: {  	s20 =	sshra.s32 s19, $0x2;
	s19 =	sadd.s32 $0x200, s19;
	v0 =	vadd.f32 v1, v0  }
0x2df: {  	v1 =	vld [tilespmem:s20+$0xD160];
	v2 =	vadd.f32 v3, v2  }
0x2e0: {  	v3 =	vld [tilespmem:s20+$0x5160]  }
0x2e1: {  	_ =	sdelay $0x2  }
0x2e2: {  	v0 =	vadd.f32 v1, v0  }
0x2e3: {  	v2 =	vadd.f32 v3, v2  }
0x2e4: {  	v0 =	vmul.f32 $3.125000000e-02, v0  }
0x2e5: {  	v1 =	vmul.f32 $3.125000000e-02, v2  }
0x2e6: {  	[tilespmem:$0x107E0] =	vst v0  }
0x2e7: {  	s20 =	simm.s32 $0x0;
	[tilespmem:$0x103E0] =	vst v1  }
0x2e8: {  	v1 =	vld [tilespmem:s20+$0xD170]  }
0x2e9: {  	s19 =	simm.s32 $0x200;
	v2 =	vimm.f32 $0.0e+00;
	v0 =	vimm.f32 $0.0e+00;
	v3 =	vld [tilespmem:s20+$0x5170]  }
.LBB2_96:
0x2ea: {  	p0 =	sne.s32 s19, $0x3E00  }
.Ltmp47:
0x2eb: {  	_ = 	snop;
	(pc) =	sbr.rel @p0 .LBB2_96-.Ltmp47, $4  }
0x2ec: {  	_ = 	snop  }
0x2ed: {  	s20 =	sshra.s32 s19, $0x2;
	s19 =	sadd.s32 $0x200, s19;
	v0 =	vadd.f32 v1, v0  }
0x2ee: {  	v1 =	vld [tilespmem:s20+$0xD170];
	v2 =	vadd.f32 v3, v2  }
0x2ef: {  	v3 =	vld [tilespmem:s20+$0x5170]  }
0x2f0: {  	_ =	sdelay $0x2  }
0x2f1: {  	v0 =	vadd.f32 v1, v0  }
0x2f2: {  	v2 =	vadd.f32 v3, v2  }
0x2f3: {  	v0 =	vmul.f32 $3.125000000e-02, v0  }
0x2f4: {  	v1 =	vmul.f32 $3.125000000e-02, v2  }
0x2f5: {  	[tilespmem:$0x107F0] =	vst v0  }
0x2f6: {  	s20 =	simm.s32 $0x0;
	[tilespmem:$0x103F0] =	vst v1  }
0x2f7: {  	v1 =	vld [tilespmem:s20+$0xE100]  }
0x2f8: {  	s19 =	simm.s32 $0x200;
	v2 =	vimm.f32 $0.0e+00;
	v0 =	vimm.f32 $0.0e+00;
	v3 =	vld [tilespmem:s20+$0x6100]  }
.LBB2_98:
0x2f9: {  	p0 =	sne.s32 s19, $0x3E00  }
.Ltmp48:
0x2fa: {  	_ = 	snop;
	(pc) =	sbr.rel @p0 .LBB2_98-.Ltmp48, $4  }
0x2fb: {  	_ = 	snop  }
0x2fc: {  	s20 =	sshra.s32 s19, $0x2;
	s19 =	sadd.s32 $0x200, s19;
	v0 =	vadd.f32 v1, v0  }
0x2fd: {  	v1 =	vld [tilespmem:s20+$0xE100];
	v2 =	vadd.f32 v3, v2  }
0x2fe: {  	v3 =	vld [tilespmem:s20+$0x6100]  }
0x2ff: {  	_ =	sdelay $0x2  }
0x300: {  	v0 =	vadd.f32 v1, v0  }
0x301: {  	v2 =	vadd.f32 v3, v2  }
0x302: {  	v0 =	vmul.f32 $3.125000000e-02, v0  }
0x303: {  	v1 =	vmul.f32 $3.125000000e-02, v2  }
0x304: {  	[tilespmem:$0x10800] =	vst v0  }
0x305: {  	s20 =	simm.s32 $0x0;
	[tilespmem:$0x10400] =	vst v1  }
0x306: {  	v1 =	vld [tilespmem:s20+$0xE110]  }
0x307: {  	s19 =	simm.s32 $0x200;
	v2 =	vimm.f32 $0.0e+00;
	v0 =	vimm.f32 $0.0e+00;
	v3 =	vld [tilespmem:s20+$0x6110]  }
.LBB2_100:
0x308: {  	p0 =	sne.s32 s19, $0x3E00  }
.Ltmp49:
0x309: {  	_ = 	snop;
	(pc) =	sbr.rel @p0 .LBB2_100-.Ltmp49, $4  }
0x30a: {  	_ = 	snop  }
0x30b: {  	s20 =	sshra.s32 s19, $0x2;
	s19 =	sadd.s32 $0x200, s19;
	v0 =	vadd.f32 v1, v0  }
0x30c: {  	v1 =	vld [tilespmem:s20+$0xE110];
	v2 =	vadd.f32 v3, v2  }
0x30d: {  	v3 =	vld [tilespmem:s20+$0x6110]  }
0x30e: {  	_ =	sdelay $0x2  }
0x30f: {  	v0 =	vadd.f32 v1, v0  }
0x310: {  	v2 =	vadd.f32 v3, v2  }
0x311: {  	v0 =	vmul.f32 $3.125000000e-02, v0  }
0x312: {  	v1 =	vmul.f32 $3.125000000e-02, v2  }
0x313: {  	[tilespmem:$0x10810] =	vst v0  }
0x314: {  	s20 =	simm.s32 $0x0;
	[tilespmem:$0x10410] =	vst v1  }
0x315: {  	v1 =	vld [tilespmem:s20+$0xE120]  }
0x316: {  	s19 =	simm.s32 $0x200;
	v2 =	vimm.f32 $0.0e+00;
	v0 =	vimm.f32 $0.0e+00;
	v3 =	vld [tilespmem:s20+$0x6120]  }
.LBB2_102:
0x317: {  	p0 =	sne.s32 s19, $0x3E00  }
.Ltmp50:
0x318: {  	_ = 	snop;
	(pc) =	sbr.rel @p0 .LBB2_102-.Ltmp50, $4  }
0x319: {  	_ = 	snop  }
0x31a: {  	s20 =	sshra.s32 s19, $0x2;
	s19 =	sadd.s32 $0x200, s19;
	v0 =	vadd.f32 v1, v0  }
0x31b: {  	v1 =	vld [tilespmem:s20+$0xE120];
	v2 =	vadd.f32 v3, v2  }
0x31c: {  	v3 =	vld [tilespmem:s20+$0x6120]  }
0x31d: {  	_ =	sdelay $0x2  }
0x31e: {  	v0 =	vadd.f32 v1, v0  }
0x31f: {  	v2 =	vadd.f32 v3, v2  }
0x320: {  	v0 =	vmul.f32 $3.125000000e-02, v0  }
0x321: {  	v1 =	vmul.f32 $3.125000000e-02, v2  }
0x322: {  	[tilespmem:$0x10820] =	vst v0  }
0x323: {  	s20 =	simm.s32 $0x0;
	[tilespmem:$0x10420] =	vst v1  }
0x324: {  	v1 =	vld [tilespmem:s20+$0xE130]  }
0x325: {  	s19 =	simm.s32 $0x200;
	v2 =	vimm.f32 $0.0e+00;
	v0 =	vimm.f32 $0.0e+00;
	v3 =	vld [tilespmem:s20+$0x6130]  }
.LBB2_104:
0x326: {  	p0 =	sne.s32 s19, $0x3E00  }
.Ltmp51:
0x327: {  	_ = 	snop;
	(pc) =	sbr.rel @p0 .LBB2_104-.Ltmp51, $4  }
0x328: {  	_ = 	snop  }
0x329: {  	s20 =	sshra.s32 s19, $0x2;
	s19 =	sadd.s32 $0x200, s19;
	v0 =	vadd.f32 v1, v0  }
0x32a: {  	v1 =	vld [tilespmem:s20+$0xE130];
	v2 =	vadd.f32 v3, v2  }
0x32b: {  	v3 =	vld [tilespmem:s20+$0x6130]  }
0x32c: {  	_ =	sdelay $0x2  }
0x32d: {  	v0 =	vadd.f32 v1, v0  }
0x32e: {  	v2 =	vadd.f32 v3, v2  }
0x32f: {  	v0 =	vmul.f32 $3.125000000e-02, v0  }
0x330: {  	v1 =	vmul.f32 $3.125000000e-02, v2  }
0x331: {  	[tilespmem:$0x10830] =	vst v0  }
0x332: {  	s20 =	simm.s32 $0x0;
	[tilespmem:$0x10430] =	vst v1  }
0x333: {  	v1 =	vld [tilespmem:s20+$0xE140]  }
0x334: {  	s19 =	simm.s32 $0x200;
	v2 =	vimm.f32 $0.0e+00;
	v0 =	vimm.f32 $0.0e+00;
	v3 =	vld [tilespmem:s20+$0x6140]  }
.LBB2_106:
0x335: {  	p0 =	sne.s32 s19, $0x3E00  }
.Ltmp52:
0x336: {  	_ = 	snop;
	(pc) =	sbr.rel @p0 .LBB2_106-.Ltmp52, $4  }
0x337: {  	_ = 	snop  }
0x338: {  	s20 =	sshra.s32 s19, $0x2;
	s19 =	sadd.s32 $0x200, s19;
	v0 =	vadd.f32 v1, v0  }
0x339: {  	v1 =	vld [tilespmem:s20+$0xE140];
	v2 =	vadd.f32 v3, v2  }
0x33a: {  	v3 =	vld [tilespmem:s20+$0x6140]  }
0x33b: {  	_ =	sdelay $0x2  }
0x33c: {  	v0 =	vadd.f32 v1, v0  }
0x33d: {  	v2 =	vadd.f32 v3, v2  }
0x33e: {  	v0 =	vmul.f32 $3.125000000e-02, v0  }
0x33f: {  	v1 =	vmul.f32 $3.125000000e-02, v2  }
0x340: {  	[tilespmem:$0x10840] =	vst v0  }
0x341: {  	s20 =	simm.s32 $0x0;
	[tilespmem:$0x10440] =	vst v1  }
0x342: {  	v1 =	vld [tilespmem:s20+$0xE150]  }
0x343: {  	s19 =	simm.s32 $0x200;
	v2 =	vimm.f32 $0.0e+00;
	v0 =	vimm.f32 $0.0e+00;
	v3 =	vld [tilespmem:s20+$0x6150]  }
.LBB2_108:
0x344: {  	p0 =	sne.s32 s19, $0x3E00  }
.Ltmp53:
0x345: {  	_ = 	snop;
	(pc) =	sbr.rel @p0 .LBB2_108-.Ltmp53, $4  }
0x346: {  	_ = 	snop  }
0x347: {  	s20 =	sshra.s32 s19, $0x2;
	s19 =	sadd.s32 $0x200, s19;
	v0 =	vadd.f32 v1, v0  }
0x348: {  	v1 =	vld [tilespmem:s20+$0xE150];
	v2 =	vadd.f32 v3, v2  }
0x349: {  	v3 =	vld [tilespmem:s20+$0x6150]  }
0x34a: {  	_ =	sdelay $0x2  }
0x34b: {  	v0 =	vadd.f32 v1, v0  }
0x34c: {  	v2 =	vadd.f32 v3, v2  }
0x34d: {  	v0 =	vmul.f32 $3.125000000e-02, v0  }
0x34e: {  	v1 =	vmul.f32 $3.125000000e-02, v2  }
0x34f: {  	[tilespmem:$0x10850] =	vst v0  }
0x350: {  	s20 =	simm.s32 $0x0;
	[tilespmem:$0x10450] =	vst v1  }
0x351: {  	v1 =	vld [tilespmem:s20+$0xE160]  }
0x352: {  	s19 =	simm.s32 $0x200;
	v2 =	vimm.f32 $0.0e+00;
	v0 =	vimm.f32 $0.0e+00;
	v3 =	vld [tilespmem:s20+$0x6160]  }
.LBB2_110:
0x353: {  	p0 =	sne.s32 s19, $0x3E00  }
.Ltmp54:
0x354: {  	_ = 	snop;
	(pc) =	sbr.rel @p0 .LBB2_110-.Ltmp54, $4  }
0x355: {  	_ = 	snop  }
0x356: {  	s20 =	sshra.s32 s19, $0x2;
	s19 =	sadd.s32 $0x200, s19;
	v0 =	vadd.f32 v1, v0  }
0x357: {  	v1 =	vld [tilespmem:s20+$0xE160];
	v2 =	vadd.f32 v3, v2  }
0x358: {  	v3 =	vld [tilespmem:s20+$0x6160]  }
0x359: {  	_ =	sdelay $0x2  }
0x35a: {  	v0 =	vadd.f32 v1, v0  }
0x35b: {  	v2 =	vadd.f32 v3, v2  }
0x35c: {  	v0 =	vmul.f32 $3.125000000e-02, v0  }
0x35d: {  	v1 =	vmul.f32 $3.125000000e-02, v2  }
0x35e: {  	[tilespmem:$0x10860] =	vst v0  }
0x35f: {  	s20 =	simm.s32 $0x0;
	[tilespmem:$0x10460] =	vst v1  }
0x360: {  	v1 =	vld [tilespmem:s20+$0xE170]  }
0x361: {  	s19 =	simm.s32 $0x200;
	v2 =	vimm.f32 $0.0e+00;
	v0 =	vimm.f32 $0.0e+00;
	v3 =	vld [tilespmem:s20+$0x6170]  }
.LBB2_112:
0x362: {  	p0 =	sne.s32 s19, $0x3E00  }
.Ltmp55:
0x363: {  	_ = 	snop;
	(pc) =	sbr.rel @p0 .LBB2_112-.Ltmp55, $4  }
0x364: {  	_ = 	snop  }
0x365: {  	s20 =	sshra.s32 s19, $0x2;
	s19 =	sadd.s32 $0x200, s19;
	v0 =	vadd.f32 v1, v0  }
0x366: {  	v1 =	vld [tilespmem:s20+$0xE170];
	v2 =	vadd.f32 v3, v2  }
0x367: {  	v3 =	vld [tilespmem:s20+$0x6170]  }
0x368: {  	_ =	sdelay $0x2  }
0x369: {  	v0 =	vadd.f32 v1, v0  }
0x36a: {  	v2 =	vadd.f32 v3, v2  }
0x36b: {  	v0 =	vmul.f32 $3.125000000e-02, v0  }
0x36c: {  	v1 =	vmul.f32 $3.125000000e-02, v2  }
0x36d: {  	[tilespmem:$0x10870] =	vst v0  }
0x36e: {  	s20 =	simm.s32 $0x0;
	[tilespmem:$0x10470] =	vst v1  }
0x36f: {  	v1 =	vld [tilespmem:s20+$0xF100]  }
0x370: {  	s19 =	simm.s32 $0x200;
	v2 =	vimm.f32 $0.0e+00;
	v0 =	vimm.f32 $0.0e+00;
	v3 =	vld [tilespmem:s20+$0x7100]  }
.LBB2_114:
0x371: {  	p0 =	sne.s32 s19, $0x3E00  }
.Ltmp56:
0x372: {  	_ = 	snop;
	(pc) =	sbr.rel @p0 .LBB2_114-.Ltmp56, $4  }
0x373: {  	_ = 	snop  }
0x374: {  	s20 =	sshra.s32 s19, $0x2;
	s19 =	sadd.s32 $0x200, s19;
	v0 =	vadd.f32 v1, v0  }
0x375: {  	v1 =	vld [tilespmem:s20+$0xF100];
	v2 =	vadd.f32 v3, v2  }
0x376: {  	v3 =	vld [tilespmem:s20+$0x7100]  }
0x377: {  	_ =	sdelay $0x2  }
0x378: {  	v0 =	vadd.f32 v1, v0  }
0x379: {  	v2 =	vadd.f32 v3, v2  }
0x37a: {  	v0 =	vmul.f32 $3.125000000e-02, v0  }
0x37b: {  	v1 =	vmul.f32 $3.125000000e-02, v2  }
0x37c: {  	[tilespmem:$0x10880] =	vst v0  }
0x37d: {  	s20 =	simm.s32 $0x0;
	[tilespmem:$0x10480] =	vst v1  }
0x37e: {  	v1 =	vld [tilespmem:s20+$0xF110]  }
0x37f: {  	s19 =	simm.s32 $0x200;
	v2 =	vimm.f32 $0.0e+00;
	v0 =	vimm.f32 $0.0e+00;
	v3 =	vld [tilespmem:s20+$0x7110]  }
.LBB2_116:
0x380: {  	p0 =	sne.s32 s19, $0x3E00  }
.Ltmp57:
0x381: {  	_ = 	snop;
	(pc) =	sbr.rel @p0 .LBB2_116-.Ltmp57, $4  }
0x382: {  	_ = 	snop  }
0x383: {  	s20 =	sshra.s32 s19, $0x2;
	s19 =	sadd.s32 $0x200, s19;
	v0 =	vadd.f32 v1, v0  }
0x384: {  	v1 =	vld [tilespmem:s20+$0xF110];
	v2 =	vadd.f32 v3, v2  }
0x385: {  	v3 =	vld [tilespmem:s20+$0x7110]  }
0x386: {  	_ =	sdelay $0x2  }
0x387: {  	v0 =	vadd.f32 v1, v0  }
0x388: {  	v2 =	vadd.f32 v3, v2  }
0x389: {  	v0 =	vmul.f32 $3.125000000e-02, v0  }
0x38a: {  	v1 =	vmul.f32 $3.125000000e-02, v2  }
0x38b: {  	[tilespmem:$0x10890] =	vst v0  }
0x38c: {  	s20 =	simm.s32 $0x0;
	[tilespmem:$0x10490] =	vst v1  }
0x38d: {  	v1 =	vld [tilespmem:s20+$0xF120]  }
0x38e: {  	s19 =	simm.s32 $0x200;
	v2 =	vimm.f32 $0.0e+00;
	v0 =	vimm.f32 $0.0e+00;
	v3 =	vld [tilespmem:s20+$0x7120]  }
.LBB2_118:
0x38f: {  	p0 =	sne.s32 s19, $0x3E00  }
.Ltmp58:
0x390: {  	_ = 	snop;
	(pc) =	sbr.rel @p0 .LBB2_118-.Ltmp58, $4  }
0x391: {  	_ = 	snop  }
0x392: {  	s20 =	sshra.s32 s19, $0x2;
	s19 =	sadd.s32 $0x200, s19;
	v0 =	vadd.f32 v1, v0  }
0x393: {  	v1 =	vld [tilespmem:s20+$0xF120];
	v2 =	vadd.f32 v3, v2  }
0x394: {  	v3 =	vld [tilespmem:s20+$0x7120]  }
0x395: {  	_ =	sdelay $0x2  }
0x396: {  	v0 =	vadd.f32 v1, v0  }
0x397: {  	v2 =	vadd.f32 v3, v2  }
0x398: {  	v0 =	vmul.f32 $3.125000000e-02, v0  }
0x399: {  	v1 =	vmul.f32 $3.125000000e-02, v2  }
0x39a: {  	[tilespmem:$0x108A0] =	vst v0  }
0x39b: {  	s20 =	simm.s32 $0x0;
	[tilespmem:$0x104A0] =	vst v1  }
0x39c: {  	v1 =	vld [tilespmem:s20+$0xF130]  }
0x39d: {  	s19 =	simm.s32 $0x200;
	v2 =	vimm.f32 $0.0e+00;
	v0 =	vimm.f32 $0.0e+00;
	v3 =	vld [tilespmem:s20+$0x7130]  }
.LBB2_120:
0x39e: {  	p0 =	sne.s32 s19, $0x3E00  }
.Ltmp59:
0x39f: {  	_ = 	snop;
	(pc) =	sbr.rel @p0 .LBB2_120-.Ltmp59, $4  }
0x3a0: {  	_ = 	snop  }
0x3a1: {  	s20 =	sshra.s32 s19, $0x2;
	s19 =	sadd.s32 $0x200, s19;
	v0 =	vadd.f32 v1, v0  }
0x3a2: {  	v1 =	vld [tilespmem:s20+$0xF130];
	v2 =	vadd.f32 v3, v2  }
0x3a3: {  	v3 =	vld [tilespmem:s20+$0x7130]  }
0x3a4: {  	_ =	sdelay $0x2  }
0x3a5: {  	v0 =	vadd.f32 v1, v0  }
0x3a6: {  	v2 =	vadd.f32 v3, v2  }
0x3a7: {  	v0 =	vmul.f32 $3.125000000e-02, v0  }
0x3a8: {  	v1 =	vmul.f32 $3.125000000e-02, v2  }
0x3a9: {  	[tilespmem:$0x108B0] =	vst v0  }
0x3aa: {  	s20 =	simm.s32 $0x0;
	[tilespmem:$0x104B0] =	vst v1  }
0x3ab: {  	v1 =	vld [tilespmem:s20+$0xF140]  }
0x3ac: {  	s19 =	simm.s32 $0x200;
	v2 =	vimm.f32 $0.0e+00;
	v0 =	vimm.f32 $0.0e+00;
	v3 =	vld [tilespmem:s20+$0x7140]  }
.LBB2_122:
0x3ad: {  	p0 =	sne.s32 s19, $0x3E00  }
.Ltmp60:
0x3ae: {  	_ = 	snop;
	(pc) =	sbr.rel @p0 .LBB2_122-.Ltmp60, $4  }
0x3af: {  	_ = 	snop  }
0x3b0: {  	s20 =	sshra.s32 s19, $0x2;
	s19 =	sadd.s32 $0x200, s19;
	v0 =	vadd.f32 v1, v0  }
0x3b1: {  	v1 =	vld [tilespmem:s20+$0xF140];
	v2 =	vadd.f32 v3, v2  }
0x3b2: {  	v3 =	vld [tilespmem:s20+$0x7140]  }
0x3b3: {  	_ =	sdelay $0x2  }
0x3b4: {  	v0 =	vadd.f32 v1, v0  }
0x3b5: {  	v2 =	vadd.f32 v3, v2  }
0x3b6: {  	v0 =	vmul.f32 $3.125000000e-02, v0  }
0x3b7: {  	v1 =	vmul.f32 $3.125000000e-02, v2  }
0x3b8: {  	[tilespmem:$0x108C0] =	vst v0  }
0x3b9: {  	s20 =	simm.s32 $0x0;
	[tilespmem:$0x104C0] =	vst v1  }
0x3ba: {  	v1 =	vld [tilespmem:s20+$0xF150]  }
0x3bb: {  	s19 =	simm.s32 $0x200;
	v2 =	vimm.f32 $0.0e+00;
	v0 =	vimm.f32 $0.0e+00;
	v3 =	vld [tilespmem:s20+$0x7150]  }
.LBB2_124:
0x3bc: {  	p0 =	sne.s32 s19, $0x3E00  }
.Ltmp61:
0x3bd: {  	_ = 	snop;
	(pc) =	sbr.rel @p0 .LBB2_124-.Ltmp61, $4  }
0x3be: {  	_ = 	snop  }
0x3bf: {  	s20 =	sshra.s32 s19, $0x2;
	s19 =	sadd.s32 $0x200, s19;
	v0 =	vadd.f32 v1, v0  }
0x3c0: {  	v1 =	vld [tilespmem:s20+$0xF150];
	v2 =	vadd.f32 v3, v2  }
0x3c1: {  	v3 =	vld [tilespmem:s20+$0x7150]  }
0x3c2: {  	_ =	sdelay $0x2  }
0x3c3: {  	v0 =	vadd.f32 v1, v0  }
0x3c4: {  	v2 =	vadd.f32 v3, v2  }
0x3c5: {  	v0 =	vmul.f32 $3.125000000e-02, v0  }
0x3c6: {  	v1 =	vmul.f32 $3.125000000e-02, v2  }
0x3c7: {  	[tilespmem:$0x108D0] =	vst v0  }
0x3c8: {  	s20 =	simm.s32 $0x0;
	[tilespmem:$0x104D0] =	vst v1  }
0x3c9: {  	v1 =	vld [tilespmem:s20+$0xF160]  }
0x3ca: {  	s19 =	simm.s32 $0x200;
	v2 =	vimm.f32 $0.0e+00;
	v0 =	vimm.f32 $0.0e+00;
	v3 =	vld [tilespmem:s20+$0x7160]  }
.LBB2_126:
0x3cb: {  	p0 =	sne.s32 s19, $0x3E00  }
.Ltmp62:
0x3cc: {  	_ = 	snop;
	(pc) =	sbr.rel @p0 .LBB2_126-.Ltmp62, $4  }
0x3cd: {  	_ = 	snop  }
0x3ce: {  	s20 =	sshra.s32 s19, $0x2;
	s19 =	sadd.s32 $0x200, s19;
	v0 =	vadd.f32 v1, v0  }
0x3cf: {  	v1 =	vld [tilespmem:s20+$0xF160];
	v2 =	vadd.f32 v3, v2  }
0x3d0: {  	v3 =	vld [tilespmem:s20+$0x7160]  }
0x3d1: {  	_ =	sdelay $0x2  }
0x3d2: {  	v0 =	vadd.f32 v1, v0  }
0x3d3: {  	v2 =	vadd.f32 v3, v2  }
0x3d4: {  	v0 =	vmul.f32 $3.125000000e-02, v0  }
0x3d5: {  	v1 =	vmul.f32 $3.125000000e-02, v2  }
0x3d6: {  	[tilespmem:$0x108E0] =	vst v0  }
0x3d7: {  	s20 =	simm.s32 $0x0;
	[tilespmem:$0x104E0] =	vst v1  }
0x3d8: {  	v1 =	vld [tilespmem:s20+$0xF170]  }
0x3d9: {  	s19 =	simm.s32 $0x200;
	v2 =	vimm.f32 $0.0e+00;
	v0 =	vimm.f32 $0.0e+00;
	v3 =	vld [tilespmem:s20+$0x7170]  }
.LBB2_128:
0x3da: {  	p0 =	sne.s32 s19, $0x3E00  }
.Ltmp63:
0x3db: {  	_ = 	snop;
	(pc) =	sbr.rel @p0 .LBB2_128-.Ltmp63, $4  }
0x3dc: {  	_ = 	snop  }
0x3dd: {  	s20 =	sshra.s32 s19, $0x2;
	s19 =	sadd.s32 $0x200, s19;
	v0 =	vadd.f32 v1, v0  }
0x3de: {  	v1 =	vld [tilespmem:s20+$0xF170];
	v2 =	vadd.f32 v3, v2  }
0x3df: {  	v3 =	vld [tilespmem:s20+$0x7170]  }
0x3e0: {  	_ =	sdelay $0x2  }
0x3e1: {  	v0 =	vadd.f32 v1, v0  }
0x3e2: {  	v2 =	vadd.f32 v3, v2  }
0x3e3: {  	v0 =	vmul.f32 $3.125000000e-02, v0  }
0x3e4: {  	v63 =	vmul.f32 $3.125000000e-02, v2  }
0x3e5: {  	[tilespmem:$0x108F0] =	vst v0  }
0x3e6: {  	[tilespmem:$0x104F0] =	vst v63  }
0x3e7: {  	[hbm4b:s6+s4] =	stream.linear.scatter [tilespmem:s16], [sflag:$0x2], $0x400, $0x38;
	[tilespmem:$0x10900] =	vst v63  }
0x3e8: {  	s18 =	sadd.s32 $0x1, s18;
	_ =	swait.ge [sflag:s9], $0x400  }
0x3e9: {  	p0 =	sne.s32 s18, s8;
	[sflag:s9] =	ssyncset.done $0x0  }
.Ltmp64:
0x3ea: {  	[sflag:s9] =	ssyncadd.s32 $0xFFFFFC00;
	(pc) =	sbr.rel @p0 .LBB2_1-.Ltmp64, $4  }
0x3eb: {  	[hbm4b:s7+s4] =	stream.linear.scatter [tilespmem:s17], [sflag:$0x2], $0x400, $0x38;
	[tilespmem:$0x10900] =	vst v63  }
0x3ec: {  	_ =	swait.ge [sflag:s9], $0x400  }
0x3ed: {  	[sflag:s9] =	ssyncset.done $0x0  }
0x3ee: {  	[sflag:s9] =	ssyncadd.s32 $0xFFFFFC00  }
0x3ef: {  	_ =	sfence.sel $0x180000  }
0x3f0: {  	[bflag:$0x0] =	sbarrier.arrive $0xFFFF  }
0x3f1: {  	p0 =	sne.s32 s3, $0x0;
	_ =	strace $0x90000047  }
0x3f2: {  	s0 =	sadd.s32 @!p0 $0x100000, s0;
	[bflag:$0x2] =	sbarrier.arrive $0xFFFF  }
0x3f3: {  	[sflag:s0] =	ssyncadd.tile.s32 @!p0 $0x1;
	_ =	shalt  }
.Lfunc_end2:
_tile_overlayer_lowered:
.L_overlay_start_2:
0x3f4: {  	(tag) =	ssettag $0x2  }
0x3f5: {  	s0 =	rddreg [dreg:$0x0];
	s2 =	stileid.u32  }
0x3f6: {  	s1 =	rddreg [dreg:$0x1];
	p0 =	sne.s32 s2, $0x0  }
0x3f7: {  	s3 =	rddreg [dreg:$0x2];
	[bflag:$0x3] =	sbarrier.arrive $0xFFFF;
	s2 =	simm.s32 @!p0 $0x1C02  }
0x3f8: {  	[timem:s3], [sflag:s2] =	dma.local @!p0 [hbm:s0], s1  }
0x3f9: {  	s0 =	simm.s32 @!p0 $0x2  }
0x3fa: {  	_ =	swait.ge @!p0 [sflag:s0], s1  }
0x3fb: {  	s1 =	ssub.s32 @!p0 $0x0, s1;
	[sflag:s0] =	ssyncset.done @!p0 $0x0  }
0x3fc: {  	[sflag:s0] =	ssyncadd.s32 @!p0 s1  }
0x3fd: {  	[bflag:$0x3] =	sbarrier.arrive $0xFFFF  }
0x3fe: {  	_ =	shalt  }

</sc_bundles>
